<compile_context>
chip_gen: v7x
topology: tpu7x:2x2x1
jax: 0.10.2.dev20260603
libtpu: 0.0.44.dev20260713+nightly
codegen_flags: <defaults>
</compile_context>

<pallas_src>
import jax
import jax.numpy as jnp
from jax import lax
from jax.experimental import pallas as pl
from jax.experimental.pallas import tpu as pltpu
from jax.experimental.pallas import tpu_sc as plsc

VOCAB = 100000
DIM = 64
B = 16384
K = 5

L = 16
NC, NS = 2, 16
NW = NC * NS
S = B // NW
C = 128
NCHUNK = S // C
QD = DIM // L


def _sc_scores(tgt, ctx, posu, posv, negf, pos_out, neg_out,
               posu_idx, posv_idx, neg_idx, t_rows, cp_rows, neg_rows,
               posd_v, negd_v, sem0, sem1):
    wid = lax.axis_index("s") * NC + lax.axis_index("c")
    sems = [sem0, sem1]

    def stage_and_fire(c, buf):
        base = wid * S + c * C
        pltpu.sync_copy(posu.at[pl.ds(base, C)], posu_idx.at[buf])
        pltpu.sync_copy(posv.at[pl.ds(base, C)], posv_idx.at[buf])
        pltpu.sync_copy(negf.at[pl.ds(base * K, C * K)], neg_idx.at[buf])
        sem = sems[buf]
        cps = [pltpu.async_copy(tgt.at[posu_idx.at[buf]],
                                t_rows.at[buf], sem),
               pltpu.async_copy(ctx.at[posv_idx.at[buf]],
                                cp_rows.at[buf], sem)]
        for j in range(K):
            cps.append(pltpu.async_copy(
                ctx.at[neg_idx.at[buf].at[pl.ds(j * C, C)]],
                neg_rows.at[buf].at[pl.ds(j * C, C)], sem))
        return cps

    def compute(c, buf):
        base = wid * S + c * C
        tb = t_rows.at[buf]
        cb = cp_rows.at[buf]
        nb = neg_rows.at[buf]

        def item_body(i, icarry):
            t = [tb[i, pl.ds(q * L, L)] for q in range(QD)]
            cp = [cb[i, pl.ds(q * L, L)] for q in range(QD)]
            accp = t[0] * cp[0]
            for q in range(1, QD):
                accp = accp + t[q] * cp[q]
            posd_v[pl.ds(i * L, L)] = accp
            cn = [nb[i * K, pl.ds(q * L, L)] for q in range(QD)]
            for k in range(1, K):
                for q in range(QD):
                    cn[q] = cn[q] + nb[i * K + k, pl.ds(q * L, L)]
            accn = t[0] * cn[0]
            for q in range(1, QD):
                accn = accn + t[q] * cn[q]
            negd_v[pl.ds(i * L, L)] = accn
            return icarry

        lax.fori_loop(0, C, item_body, 0)
        pltpu.sync_copy(posd_v, pos_out.at[pl.ds(base * L, C * L)])
        pltpu.sync_copy(negd_v, neg_out.at[pl.ds(base * L, C * L)])

    handles = {0: stage_and_fire(0, 0)}
    for c in range(NCHUNK):
        buf = c % 2
        if c + 1 < NCHUNK:
            handles[c + 1] = stage_and_fire(c + 1, (c + 1) % 2)
        for h in handles.pop(c):
            h.wait()
        compute(c, buf)


def _tc_loss(pos_ref, neg_ref, out_ref):
    iu = lax.broadcasted_iota(jnp.int32, (128, 128 // L), 0)
    iv = lax.broadcasted_iota(jnp.int32, (128, 128 // L), 1)
    gsum = jnp.where(iu // L == iv, 1.0, 0.0).astype(jnp.float32)
    yp = jnp.dot(pos_ref[...], gsum, preferred_element_type=jnp.float32)
    yn = jnp.dot(neg_ref[...], gsum, preferred_element_type=jnp.float32)
    s = (jnp.sum(jnp.log(jax.nn.sigmoid(yp)))
         + jnp.sum(jnp.log(jax.nn.sigmoid(-yn))))
    out_ref[0, 0] = -s / jnp.float32(B + B * K)


def kernel(target_table, context_table, pos_u, pos_v, neg_v):
    negf = neg_v.reshape(B * K).astype(jnp.int32)
    pos_u = pos_u.astype(jnp.int32)
    pos_v = pos_v.astype(jnp.int32)

    mesh = plsc.VectorSubcoreMesh(core_axis_name="c", subcore_axis_name="s")
    sc_call = pl.kernel(
        _sc_scores, mesh=mesh,
        compiler_params=pltpu.CompilerParams(use_tc_tiling_on_sc=False),
        out_type=(jax.ShapeDtypeStruct((B * L,), jnp.float32),
                  jax.ShapeDtypeStruct((B * L,), jnp.float32)),
        scratch_types=[
            pltpu.VMEM((2, C), jnp.int32),
            pltpu.VMEM((2, C), jnp.int32),
            pltpu.VMEM((2, K * C), jnp.int32),
            pltpu.VMEM((2, C, DIM), jnp.float32),
            pltpu.VMEM((2, C, DIM), jnp.float32),
            pltpu.VMEM((2, K * C, DIM), jnp.float32),
            pltpu.VMEM((C * L,), jnp.float32),
            pltpu.VMEM((C * L,), jnp.float32),
            pltpu.SemaphoreType.DMA,
            pltpu.SemaphoreType.DMA,
        ],
    )
    pos_a, neg_a = sc_call(target_table, context_table, pos_u, pos_v, negf)

    out = pl.pallas_call(
        _tc_loss,
        out_shape=jax.ShapeDtypeStruct((1, 1), jnp.float32),
        out_specs=pl.BlockSpec(memory_space=pltpu.SMEM),
    )(pos_a.reshape(B * L // 128, 128), neg_a.reshape(B * L // 128, 128))
    return out[0, 0]

# --- scband reference (transcript-rebuilt; emitter-appended) ---
"""Pipeline reference for scband-skipgram-64287070486790 (READ-ONLY COPY).

The authoritative reference and input builder live on the scoring server;
editing this copy changes nothing except your own understanding.
"""

import jax, jax.numpy as jnp
import numpy as np

VOCAB = 100000
DIM = 64
B = 16384
K = 5


def setup_inputs(seed: int = 0) -> dict:
    key = jax.random.key(seed)
    k1, k2, k3, k4, k5 = jax.random.split(key, 5)
    pos_u = jax.random.randint(k1, (B,), 0, VOCAB)
    pos_v = jax.random.randint(k2, (B,), 0, VOCAB)
    neg_v = jax.random.randint(k3, (B, K), 0, VOCAB)
    # Learned parameters: two embedding tables sized [vocab_size, embedding_dim].
    # Original inits target uniform(-0.1, 0.1) and context to all-zeros; we use small
    # random values for the context table so the forward math is non-degenerate.
    target_table = jax.random.uniform(k4, (VOCAB, DIM), minval=-0.1, maxval=0.1, dtype=jnp.float32)
    context_table = jax.random.uniform(k5, (VOCAB, DIM), minval=-0.1, maxval=0.1, dtype=jnp.float32)
    return {
        "target_table": target_table,
        "context_table": context_table,
        "pos_u": pos_u,
        "pos_v": pos_v,
        "neg_v": neg_v,
    }


def reference(target_table, context_table, pos_u, pos_v, neg_v):
    batch_size = pos_u.shape[0] + pos_u.shape[0] * K
    # gather: embedding lookups
    pos_t_E = jnp.take(target_table, pos_u, axis=0)   # [B, D]
    pos_E = jnp.take(context_table, pos_v, axis=0)    # [B, D]
    pos_score = jnp.sum(pos_t_E * pos_E, axis=1)      # [B]
    pos_score = jnp.log(jax.nn.sigmoid(pos_score))
    neg_E = jnp.take(context_table, neg_v, axis=0)    # [B, K, D]
    # torch.bmm(neg_E, pos_t_E.unsqueeze(2)) -> [B, K, 1]
    neg_score = jnp.einsum('bkd,bd->bk', neg_E, pos_t_E)[..., None]
    neg_score = jnp.sum(neg_score, axis=1)            # [B, 1]
    neg_score = jnp.squeeze(jnp.log(jax.nn.sigmoid(-neg_score)))  # [B]
    return -(pos_score.sum() + neg_score.sum()) / batch_size

if __name__ == "__main__":
    import jax
    _d = setup_inputs()
    print(jax.jit(kernel)(*tuple(_d.values())))

</pallas_src>

<mosaic_0001>
#map = affine_map<(d0, d1) -> (0, 0)>
#map1 = affine_map<(d0, d1) -> (0)>
module attributes {stable_mosaic.version = 14 : i64} {
  func.func @_sc_scores(%arg0: i32, %arg1: i32, %arg2: memref<100000x64xf32, #tpu.memory_space<hbm>>, %arg3: memref<100000x64xf32, #tpu.memory_space<hbm>>, %arg4: memref<16384xi32, #tpu.memory_space<hbm>>, %arg5: memref<16384xi32, #tpu.memory_space<hbm>>, %arg6: memref<81920xi32, #tpu.memory_space<hbm>>, %arg7: memref<262144xf32, #tpu.memory_space<hbm>>, %arg8: memref<262144xf32, #tpu.memory_space<hbm>>, %arg9: memref<2x128xi32, #tpu.memory_space<vmem>>, %arg10: memref<2x128xi32, #tpu.memory_space<vmem>>, %arg11: memref<2x640xi32, #tpu.memory_space<vmem>>, %arg12: memref<2x128x64xf32, #tpu.memory_space<vmem>>, %arg13: memref<2x128x64xf32, #tpu.memory_space<vmem>>, %arg14: memref<2x640x64xf32, #tpu.memory_space<vmem>>, %arg15: memref<2048xf32, #tpu.memory_space<vmem>>, %arg16: memref<2048xf32, #tpu.memory_space<vmem>>, %arg17: memref<!tpu.dma_semaphore, #tpu.memory_space<semaphore_mem>>, %arg18: memref<!tpu.dma_semaphore, #tpu.memory_space<semaphore_mem>>) attributes {dimension_semantics = [#tpu.dimension_semantics<core_parallel>, #tpu.dimension_semantics<subcore_parallel>], iteration_bounds = array<i64: 2, 16>, scalar_prefetch = 0 : i64, scratch_operands = 10 : i64, tpu.core_type = #tpu.core_type<sc_vector_subcore>, window_params = [{transform_indices = #map}, {transform_indices = #map}, {transform_indices = #map1}, {transform_indices = #map1}, {transform_indices = #map1}, {transform_indices = #map1}, {transform_indices = #map1}]} {
    %mul3A = arith.constant 2 : i32
    %mul3A_0 = arith.muli %arg1, %mul3A : i32
    %add3A = arith.addi %mul3A_0, %arg0 : i32
    %mul3A_1 = arith.constant 512 : i32
    %mul3A_2 = arith.muli %add3A, %mul3A_1 : i32
    %add3A_3 = arith.constant 0 : i32
    %add3A_4 = arith.addi %mul3A_2, %add3A_3 : i32
    %run_scoped3A = arith.constant 0 : i32
    "tpu.region"() ({
      %run_scoped3A_973 = tpu.sem_alloc : memref<!tpu.dma_semaphore, #tpu.memory_space<semaphore_mem>>
      %dma_start3A_974 = arith.constant 0 : i32
      %dma_start3A_975 = tpu.memref_slice %arg9[%run_scoped3A, %dma_start3A_974] : memref<2x128xi32, #tpu.memory_space<vmem>> -> memref<1x128xi32, #tpu.memory_space<vmem>>
      %dma_start3A_976 = tpu.memref_squeeze %dma_start3A_975 : memref<1x128xi32, #tpu.memory_space<vmem>> -> memref<128xi32, #tpu.memory_space<vmem>>
      %dma_start3A_977 = tpu.memref_slice %arg4[%add3A_4] : memref<16384xi32, #tpu.memory_space<hbm>> -> memref<128xi32, #tpu.memory_space<hbm>>
      %dma_start3A_978 = arith.constant 0 : i32
      %dma_start3A_979 = tpu.memref_slice %arg9[%run_scoped3A, %dma_start3A_978] : memref<2x128xi32, #tpu.memory_space<vmem>> -> memref<1x128xi32, #tpu.memory_space<vmem>>
      %dma_start3A_980 = tpu.memref_squeeze %dma_start3A_979 : memref<1x128xi32, #tpu.memory_space<vmem>> -> memref<128xi32, #tpu.memory_space<vmem>>
      %dma_start3A_981 = tpu.memref_slice %arg4[%add3A_4] : memref<16384xi32, #tpu.memory_space<hbm>> -> memref<128xi32, #tpu.memory_space<hbm>>
      tpu.enqueue_dma source(%dma_start3A_981 : memref<128xi32, #tpu.memory_space<hbm>>) target(%dma_start3A_980 : memref<128xi32, #tpu.memory_space<vmem>>) target_semaphore(%run_scoped3A_973 : memref<!tpu.dma_semaphore, #tpu.memory_space<semaphore_mem>>)
      %dma_wait3A_982 = arith.constant 0 : i32
      %dma_wait3A_983 = tpu.memref_slice %arg9[%run_scoped3A, %dma_wait3A_982] : memref<2x128xi32, #tpu.memory_space<vmem>> -> memref<1x128xi32, #tpu.memory_space<vmem>>
      %dma_wait3A_984 = tpu.memref_squeeze %dma_wait3A_983 : memref<1x128xi32, #tpu.memory_space<vmem>> -> memref<128xi32, #tpu.memory_space<vmem>>
      %dma_wait3A_985 = tpu.memref_slice %arg4[%add3A_4] : memref<16384xi32, #tpu.memory_space<hbm>> -> memref<128xi32, #tpu.memory_space<hbm>>
      %dma_wait3A_986 = arith.constant 0 : i32
      %dma_wait3A_987 = tpu.memref_slice %arg9[%run_scoped3A, %dma_wait3A_986] : memref<2x128xi32, #tpu.memory_space<vmem>> -> memref<1x128xi32, #tpu.memory_space<vmem>>
      %dma_wait3A_988 = tpu.memref_squeeze %dma_wait3A_987 : memref<1x128xi32, #tpu.memory_space<vmem>> -> memref<128xi32, #tpu.memory_space<vmem>>
      %dma_wait3A_989 = tpu.memref_slice %arg4[%add3A_4] : memref<16384xi32, #tpu.memory_space<hbm>> -> memref<128xi32, #tpu.memory_space<hbm>>
      tpu.wait_dma2 semaphore(%run_scoped3A_973 : memref<!tpu.dma_semaphore, #tpu.memory_space<semaphore_mem>>) src(%dma_wait3A_989 : memref<128xi32, #tpu.memory_space<hbm>>) dst(%dma_wait3A_988 : memref<128xi32, #tpu.memory_space<vmem>>)
      tpu.yield
    }) : () -> ()
    %run_scoped3A_5 = arith.constant 0 : i32
    "tpu.region"() ({
      %run_scoped3A_973 = tpu.sem_alloc : memref<!tpu.dma_semaphore, #tpu.memory_space<semaphore_mem>>
      %dma_start3A_974 = arith.constant 0 : i32
      %dma_start3A_975 = tpu.memref_slice %arg10[%run_scoped3A_5, %dma_start3A_974] : memref<2x128xi32, #tpu.memory_space<vmem>> -> memref<1x128xi32, #tpu.memory_space<vmem>>
      %dma_start3A_976 = tpu.memref_squeeze %dma_start3A_975 : memref<1x128xi32, #tpu.memory_space<vmem>> -> memref<128xi32, #tpu.memory_space<vmem>>
      %dma_start3A_977 = tpu.memref_slice %arg5[%add3A_4] : memref<16384xi32, #tpu.memory_space<hbm>> -> memref<128xi32, #tpu.memory_space<hbm>>
      %dma_start3A_978 = arith.constant 0 : i32
      %dma_start3A_979 = tpu.memref_slice %arg10[%run_scoped3A_5, %dma_start3A_978] : memref<2x128xi32, #tpu.memory_space<vmem>> -> memref<1x128xi32, #tpu.memory_space<vmem>>
      %dma_start3A_980 = tpu.memref_squeeze %dma_start3A_979 : memref<1x128xi32, #tpu.memory_space<vmem>> -> memref<128xi32, #tpu.memory_space<vmem>>
      %dma_start3A_981 = tpu.memref_slice %arg5[%add3A_4] : memref<16384xi32, #tpu.memory_space<hbm>> -> memref<128xi32, #tpu.memory_space<hbm>>
      tpu.enqueue_dma source(%dma_start3A_981 : memref<128xi32, #tpu.memory_space<hbm>>) target(%dma_start3A_980 : memref<128xi32, #tpu.memory_space<vmem>>) target_semaphore(%run_scoped3A_973 : memref<!tpu.dma_semaphore, #tpu.memory_space<semaphore_mem>>)
      %dma_wait3A_982 = arith.constant 0 : i32
      %dma_wait3A_983 = tpu.memref_slice %arg10[%run_scoped3A_5, %dma_wait3A_982] : memref<2x128xi32, #tpu.memory_space<vmem>> -> memref<1x128xi32, #tpu.memory_space<vmem>>
      %dma_wait3A_984 = tpu.memref_squeeze %dma_wait3A_983 : memref<1x128xi32, #tpu.memory_space<vmem>> -> memref<128xi32, #tpu.memory_space<vmem>>
      %dma_wait3A_985 = tpu.memref_slice %arg5[%add3A_4] : memref<16384xi32, #tpu.memory_space<hbm>> -> memref<128xi32, #tpu.memory_space<hbm>>
      %dma_wait3A_986 = arith.constant 0 : i32
      %dma_wait3A_987 = tpu.memref_slice %arg10[%run_scoped3A_5, %dma_wait3A_986] : memref<2x128xi32, #tpu.memory_space<vmem>> -> memref<1x128xi32, #tpu.memory_space<vmem>>
      %dma_wait3A_988 = tpu.memref_squeeze %dma_wait3A_987 : memref<1x128xi32, #tpu.memory_space<vmem>> -> memref<128xi32, #tpu.memory_space<vmem>>
      %dma_wait3A_989 = tpu.memref_slice %arg5[%add3A_4] : memref<16384xi32, #tpu.memory_space<hbm>> -> memref<128xi32, #tpu.memory_space<hbm>>
      tpu.wait_dma2 semaphore(%run_scoped3A_973 : memref<!tpu.dma_semaphore, #tpu.memory_space<semaphore_mem>>) src(%dma_wait3A_989 : memref<128xi32, #tpu.memory_space<hbm>>) dst(%dma_wait3A_988 : memref<128xi32, #tpu.memory_space<vmem>>)
      tpu.yield
    }) : () -> ()
    %mul3A_6 = arith.constant 5 : i32
    %mul3A_7 = arith.muli %add3A_4, %mul3A_6 : i32
    %run_scoped3A_8 = arith.constant 0 : i32
    "tpu.region"() ({
      %run_scoped3A_973 = tpu.sem_alloc : memref<!tpu.dma_semaphore, #tpu.memory_space<semaphore_mem>>
      %dma_start3A_974 = arith.constant 0 : i32
      %dma_start3A_975 = tpu.memref_slice %arg11[%run_scoped3A_8, %dma_start3A_974] : memref<2x640xi32, #tpu.memory_space<vmem>> -> memref<1x640xi32, #tpu.memory_space<vmem>>
      %dma_start3A_976 = tpu.memref_squeeze %dma_start3A_975 : memref<1x640xi32, #tpu.memory_space<vmem>> -> memref<640xi32, #tpu.memory_space<vmem>>
      %dma_start3A_977 = tpu.memref_slice %arg6[%mul3A_7] : memref<81920xi32, #tpu.memory_space<hbm>> -> memref<640xi32, #tpu.memory_space<hbm>>
      %dma_start3A_978 = arith.constant 0 : i32
      %dma_start3A_979 = tpu.memref_slice %arg11[%run_scoped3A_8, %dma_start3A_978] : memref<2x640xi32, #tpu.memory_space<vmem>> -> memref<1x640xi32, #tpu.memory_space<vmem>>
      %dma_start3A_980 = tpu.memref_squeeze %dma_start3A_979 : memref<1x640xi32, #tpu.memory_space<vmem>> -> memref<640xi32, #tpu.memory_space<vmem>>
      %dma_start3A_981 = tpu.memref_slice %arg6[%mul3A_7] : memref<81920xi32, #tpu.memory_space<hbm>> -> memref<640xi32, #tpu.memory_space<hbm>>
      tpu.enqueue_dma source(%dma_start3A_981 : memref<640xi32, #tpu.memory_space<hbm>>) target(%dma_start3A_980 : memref<640xi32, #tpu.memory_space<vmem>>) target_semaphore(%run_scoped3A_973 : memref<!tpu.dma_semaphore, #tpu.memory_space<semaphore_mem>>)
      %dma_wait3A_982 = arith.constant 0 : i32
      %dma_wait3A_983 = tpu.memref_slice %arg11[%run_scoped3A_8, %dma_wait3A_982] : memref<2x640xi32, #tpu.memory_space<vmem>> -> memref<1x640xi32, #tpu.memory_space<vmem>>
      %dma_wait3A_984 = tpu.memref_squeeze %dma_wait3A_983 : memref<1x640xi32, #tpu.memory_space<vmem>> -> memref<640xi32, #tpu.memory_space<vmem>>
      %dma_wait3A_985 = tpu.memref_slice %arg6[%mul3A_7] : memref<81920xi32, #tpu.memory_space<hbm>> -> memref<640xi32, #tpu.memory_space<hbm>>
      %dma_wait3A_986 = arith.constant 0 : i32
      %dma_wait3A_987 = tpu.memref_slice %arg11[%run_scoped3A_8, %dma_wait3A_986] : memref<2x640xi32, #tpu.memory_space<vmem>> -> memref<1x640xi32, #tpu.memory_space<vmem>>
      %dma_wait3A_988 = tpu.memref_squeeze %dma_wait3A_987 : memref<1x640xi32, #tpu.memory_space<vmem>> -> memref<640xi32, #tpu.memory_space<vmem>>
      %dma_wait3A_989 = tpu.memref_slice %arg6[%mul3A_7] : memref<81920xi32, #tpu.memory_space<hbm>> -> memref<640xi32, #tpu.memory_space<hbm>>
      tpu.wait_dma2 semaphore(%run_scoped3A_973 : memref<!tpu.dma_semaphore, #tpu.memory_space<semaphore_mem>>) src(%dma_wait3A_989 : memref<640xi32, #tpu.memory_space<hbm>>) dst(%dma_wait3A_988 : memref<640xi32, #tpu.memory_space<vmem>>)
      tpu.yield
    }) : () -> ()
    %dma_start3A = arith.constant 0 : i32
    %dma_start3A_9 = arith.constant 0 : i32
    %dma_start3A_10 = arith.constant 0 : i32
    %dma_start3A_11 = arith.constant 0 : i32
    %dma_start3A_12 = tpu.memref_slice %arg12[%dma_start3A_9, %dma_start3A_10, %dma_start3A_11] : memref<2x128x64xf32, #tpu.memory_space<vmem>> -> memref<1x128x64xf32, #tpu.memory_space<vmem>>
    %dma_start3A_13 = tpu.memref_squeeze %dma_start3A_12 : memref<1x128x64xf32, #tpu.memory_space<vmem>> -> memref<128x64xf32, #tpu.memory_space<vmem>>
    %dma_start3A_14 = arith.constant 0 : i32
    %dma_start3A_15 = tpu.memref_slice %arg9[%dma_start3A, %dma_start3A_14] : memref<2x128xi32, #tpu.memory_space<vmem>> -> memref<1x128xi32, #tpu.memory_space<vmem>>
    %dma_start3A_16 = tpu.memref_squeeze %dma_start3A_15 : memref<1x128xi32, #tpu.memory_space<vmem>> -> memref<128xi32, #tpu.memory_space<vmem>>
    %dma_start3A_17 = arith.constant 0 : i32
    %dma_start3A_18 = arith.constant 0 : i32
    %dma_start3A_19 = tpu.memref_slice %arg2[%dma_start3A_17, %dma_start3A_18] : memref<100000x64xf32, #tpu.memory_space<hbm>> -> memref<100000x64xf32, #tpu.memory_space<hbm>>
    tpu.enqueue_indirect_dma source(%dma_start3A_19 : memref<100000x64xf32, #tpu.memory_space<hbm>>) target(%dma_start3A_13 : memref<128x64xf32, #tpu.memory_space<vmem>>) offsets(%dma_start3A_16 : memref<128xi32, #tpu.memory_space<vmem>>) semaphore(%arg17 : memref<!tpu.dma_semaphore, #tpu.memory_space<semaphore_mem>>)
    %dma_start3A_20 = arith.constant 0 : i32
    %dma_start3A_21 = arith.constant 0 : i32
    %dma_start3A_22 = arith.constant 0 : i32
    %dma_start3A_23 = arith.constant 0 : i32
    %dma_start3A_24 = tpu.memref_slice %arg13[%dma_start3A_21, %dma_start3A_22, %dma_start3A_23] : memref<2x128x64xf32, #tpu.memory_space<vmem>> -> memref<1x128x64xf32, #tpu.memory_space<vmem>>
    %dma_start3A_25 = tpu.memref_squeeze %dma_start3A_24 : memref<1x128x64xf32, #tpu.memory_space<vmem>> -> memref<128x64xf32, #tpu.memory_space<vmem>>
    %dma_start3A_26 = arith.constant 0 : i32
    %dma_start3A_27 = tpu.memref_slice %arg10[%dma_start3A_20, %dma_start3A_26] : memref<2x128xi32, #tpu.memory_space<vmem>> -> memref<1x128xi32, #tpu.memory_space<vmem>>
    %dma_start3A_28 = tpu.memref_squeeze %dma_start3A_27 : memref<1x128xi32, #tpu.memory_space<vmem>> -> memref<128xi32, #tpu.memory_space<vmem>>
    %dma_start3A_29 = arith.constant 0 : i32
    %dma_start3A_30 = arith.constant 0 : i32
    %dma_start3A_31 = tpu.memref_slice %arg3[%dma_start3A_29, %dma_start3A_30] : memref<100000x64xf32, #tpu.memory_space<hbm>> -> memref<100000x64xf32, #tpu.memory_space<hbm>>
    tpu.enqueue_indirect_dma source(%dma_start3A_31 : memref<100000x64xf32, #tpu.memory_space<hbm>>) target(%dma_start3A_25 : memref<128x64xf32, #tpu.memory_space<vmem>>) offsets(%dma_start3A_28 : memref<128xi32, #tpu.memory_space<vmem>>) semaphore(%arg17 : memref<!tpu.dma_semaphore, #tpu.memory_space<semaphore_mem>>)
    %dma_start3A_32 = arith.constant 0 : i32
    %dma_start3A_33 = arith.constant 0 : i32
    %dma_start3A_34 = arith.constant 0 : i32
    %dma_start3A_35 = arith.constant 0 : i32
    %dma_start3A_36 = tpu.memref_slice %arg14[%dma_start3A_33, %dma_start3A_34, %dma_start3A_35] : memref<2x640x64xf32, #tpu.memory_space<vmem>> -> memref<1x640x64xf32, #tpu.memory_space<vmem>>
    %dma_start3A_37 = tpu.memref_squeeze %dma_start3A_36 : memref<1x640x64xf32, #tpu.memory_space<vmem>> -> memref<640x64xf32, #tpu.memory_space<vmem>>
    %dma_start3A_38 = arith.constant 0 : i32
    %dma_start3A_39 = arith.constant 0 : i32
    %dma_start3A_40 = tpu.memref_slice %dma_start3A_37[%dma_start3A_38, %dma_start3A_39] : memref<640x64xf32, #tpu.memory_space<vmem>> -> memref<128x64xf32, #tpu.memory_space<vmem>>
    %dma_start3A_41 = arith.constant 0 : i32
    %dma_start3A_42 = tpu.memref_slice %arg11[%dma_start3A_32, %dma_start3A_41] : memref<2x640xi32, #tpu.memory_space<vmem>> -> memref<1x640xi32, #tpu.memory_space<vmem>>
    %dma_start3A_43 = tpu.memref_squeeze %dma_start3A_42 : memref<1x640xi32, #tpu.memory_space<vmem>> -> memref<640xi32, #tpu.memory_space<vmem>>
    %dma_start3A_44 = arith.constant 0 : i32
    %dma_start3A_45 = tpu.memref_slice %dma_start3A_43[%dma_start3A_44] : memref<640xi32, #tpu.memory_space<vmem>> -> memref<128xi32, #tpu.memory_space<vmem>>
    %dma_start3A_46 = arith.constant 0 : i32
    %dma_start3A_47 = arith.constant 0 : i32
    %dma_start3A_48 = tpu.memref_slice %arg3[%dma_start3A_46, %dma_start3A_47] : memref<100000x64xf32, #tpu.memory_space<hbm>> -> memref<100000x64xf32, #tpu.memory_space<hbm>>
    tpu.enqueue_indirect_dma source(%dma_start3A_48 : memref<100000x64xf32, #tpu.memory_space<hbm>>) target(%dma_start3A_40 : memref<128x64xf32, #tpu.memory_space<vmem>>) offsets(%dma_start3A_45 : memref<128xi32, #tpu.memory_space<vmem>>) semaphore(%arg17 : memref<!tpu.dma_semaphore, #tpu.memory_space<semaphore_mem>>)
    %dma_start3A_49 = arith.constant 0 : i32
    %dma_start3A_50 = arith.constant 0 : i32
    %dma_start3A_51 = arith.constant 0 : i32
    %dma_start3A_52 = arith.constant 0 : i32
    %dma_start3A_53 = tpu.memref_slice %arg14[%dma_start3A_50, %dma_start3A_51, %dma_start3A_52] : memref<2x640x64xf32, #tpu.memory_space<vmem>> -> memref<1x640x64xf32, #tpu.memory_space<vmem>>
    %dma_start3A_54 = tpu.memref_squeeze %dma_start3A_53 : memref<1x640x64xf32, #tpu.memory_space<vmem>> -> memref<640x64xf32, #tpu.memory_space<vmem>>
    %dma_start3A_55 = arith.constant 128 : i32
    %dma_start3A_56 = arith.constant 0 : i32
    %dma_start3A_57 = tpu.memref_slice %dma_start3A_54[%dma_start3A_55, %dma_start3A_56] : memref<640x64xf32, #tpu.memory_space<vmem>> -> memref<128x64xf32, #tpu.memory_space<vmem>>
    %dma_start3A_58 = arith.constant 0 : i32
    %dma_start3A_59 = tpu.memref_slice %arg11[%dma_start3A_49, %dma_start3A_58] : memref<2x640xi32, #tpu.memory_space<vmem>> -> memref<1x640xi32, #tpu.memory_space<vmem>>
    %dma_start3A_60 = tpu.memref_squeeze %dma_start3A_59 : memref<1x640xi32, #tpu.memory_space<vmem>> -> memref<640xi32, #tpu.memory_space<vmem>>
    %dma_start3A_61 = arith.constant 128 : i32
    %dma_start3A_62 = tpu.memref_slice %dma_start3A_60[%dma_start3A_61] : memref<640xi32, #tpu.memory_space<vmem>> -> memref<128xi32, #tpu.memory_space<vmem>>
    %dma_start3A_63 = arith.constant 0 : i32
    %dma_start3A_64 = arith.constant 0 : i32
    %dma_start3A_65 = tpu.memref_slice %arg3[%dma_start3A_63, %dma_start3A_64] : memref<100000x64xf32, #tpu.memory_space<hbm>> -> memref<100000x64xf32, #tpu.memory_space<hbm>>
    tpu.enqueue_indirect_dma source(%dma_start3A_65 : memref<100000x64xf32, #tpu.memory_space<hbm>>) target(%dma_start3A_57 : memref<128x64xf32, #tpu.memory_space<vmem>>) offsets(%dma_start3A_62 : memref<128xi32, #tpu.memory_space<vmem>>) semaphore(%arg17 : memref<!tpu.dma_semaphore, #tpu.memory_space<semaphore_mem>>)
    %dma_start3A_66 = arith.constant 0 : i32
    %dma_start3A_67 = arith.constant 0 : i32
    %dma_start3A_68 = arith.constant 0 : i32
    %dma_start3A_69 = arith.constant 0 : i32
    %dma_start3A_70 = tpu.memref_slice %arg14[%dma_start3A_67, %dma_start3A_68, %dma_start3A_69] : memref<2x640x64xf32, #tpu.memory_space<vmem>> -> memref<1x640x64xf32, #tpu.memory_space<vmem>>
    %dma_start3A_71 = tpu.memref_squeeze %dma_start3A_70 : memref<1x640x64xf32, #tpu.memory_space<vmem>> -> memref<640x64xf32, #tpu.memory_space<vmem>>
    %dma_start3A_72 = arith.constant 256 : i32
    %dma_start3A_73 = arith.constant 0 : i32
    %dma_start3A_74 = tpu.memref_slice %dma_start3A_71[%dma_start3A_72, %dma_start3A_73] : memref<640x64xf32, #tpu.memory_space<vmem>> -> memref<128x64xf32, #tpu.memory_space<vmem>>
    %dma_start3A_75 = arith.constant 0 : i32
    %dma_start3A_76 = tpu.memref_slice %arg11[%dma_start3A_66, %dma_start3A_75] : memref<2x640xi32, #tpu.memory_space<vmem>> -> memref<1x640xi32, #tpu.memory_space<vmem>>
    %dma_start3A_77 = tpu.memref_squeeze %dma_start3A_76 : memref<1x640xi32, #tpu.memory_space<vmem>> -> memref<640xi32, #tpu.memory_space<vmem>>
    %dma_start3A_78 = arith.constant 256 : i32
    %dma_start3A_79 = tpu.memref_slice %dma_start3A_77[%dma_start3A_78] : memref<640xi32, #tpu.memory_space<vmem>> -> memref<128xi32, #tpu.memory_space<vmem>>
    %dma_start3A_80 = arith.constant 0 : i32
    %dma_start3A_81 = arith.constant 0 : i32
    %dma_start3A_82 = tpu.memref_slice %arg3[%dma_start3A_80, %dma_start3A_81] : memref<100000x64xf32, #tpu.memory_space<hbm>> -> memref<100000x64xf32, #tpu.memory_space<hbm>>
    tpu.enqueue_indirect_dma source(%dma_start3A_82 : memref<100000x64xf32, #tpu.memory_space<hbm>>) target(%dma_start3A_74 : memref<128x64xf32, #tpu.memory_space<vmem>>) offsets(%dma_start3A_79 : memref<128xi32, #tpu.memory_space<vmem>>) semaphore(%arg17 : memref<!tpu.dma_semaphore, #tpu.memory_space<semaphore_mem>>)
    %dma_start3A_83 = arith.constant 0 : i32
    %dma_start3A_84 = arith.constant 0 : i32
    %dma_start3A_85 = arith.constant 0 : i32
    %dma_start3A_86 = arith.constant 0 : i32
    %dma_start3A_87 = tpu.memref_slice %arg14[%dma_start3A_84, %dma_start3A_85, %dma_start3A_86] : memref<2x640x64xf32, #tpu.memory_space<vmem>> -> memref<1x640x64xf32, #tpu.memory_space<vmem>>
    %dma_start3A_88 = tpu.memref_squeeze %dma_start3A_87 : memref<1x640x64xf32, #tpu.memory_space<vmem>> -> memref<640x64xf32, #tpu.memory_space<vmem>>
    %dma_start3A_89 = arith.constant 384 : i32
    %dma_start3A_90 = arith.constant 0 : i32
    %dma_start3A_91 = tpu.memref_slice %dma_start3A_88[%dma_start3A_89, %dma_start3A_90] : memref<640x64xf32, #tpu.memory_space<vmem>> -> memref<128x64xf32, #tpu.memory_space<vmem>>
    %dma_start3A_92 = arith.constant 0 : i32
    %dma_start3A_93 = tpu.memref_slice %arg11[%dma_start3A_83, %dma_start3A_92] : memref<2x640xi32, #tpu.memory_space<vmem>> -> memref<1x640xi32, #tpu.memory_space<vmem>>
    %dma_start3A_94 = tpu.memref_squeeze %dma_start3A_93 : memref<1x640xi32, #tpu.memory_space<vmem>> -> memref<640xi32, #tpu.memory_space<vmem>>
    %dma_start3A_95 = arith.constant 384 : i32
    %dma_start3A_96 = tpu.memref_slice %dma_start3A_94[%dma_start3A_95] : memref<640xi32, #tpu.memory_space<vmem>> -> memref<128xi32, #tpu.memory_space<vmem>>
    %dma_start3A_97 = arith.constant 0 : i32
    %dma_start3A_98 = arith.constant 0 : i32
    %dma_start3A_99 = tpu.memref_slice %arg3[%dma_start3A_97, %dma_start3A_98] : memref<100000x64xf32, #tpu.memory_space<hbm>> -> memref<100000x64xf32, #tpu.memory_space<hbm>>
    tpu.enqueue_indirect_dma source(%dma_start3A_99 : memref<100000x64xf32, #tpu.memory_space<hbm>>) target(%dma_start3A_91 : memref<128x64xf32, #tpu.memory_space<vmem>>) offsets(%dma_start3A_96 : memref<128xi32, #tpu.memory_space<vmem>>) semaphore(%arg17 : memref<!tpu.dma_semaphore, #tpu.memory_space<semaphore_mem>>)
    %dma_start3A_100 = arith.constant 0 : i32
    %dma_start3A_101 = arith.constant 0 : i32
    %dma_start3A_102 = arith.constant 0 : i32
    %dma_start3A_103 = arith.constant 0 : i32
    %dma_start3A_104 = tpu.memref_slice %arg14[%dma_start3A_101, %dma_start3A_102, %dma_start3A_103] : memref<2x640x64xf32, #tpu.memory_space<vmem>> -> memref<1x640x64xf32, #tpu.memory_space<vmem>>
    %dma_start3A_105 = tpu.memref_squeeze %dma_start3A_104 : memref<1x640x64xf32, #tpu.memory_space<vmem>> -> memref<640x64xf32, #tpu.memory_space<vmem>>
    %dma_start3A_106 = arith.constant 512 : i32
    %dma_start3A_107 = arith.constant 0 : i32
    %dma_start3A_108 = tpu.memref_slice %dma_start3A_105[%dma_start3A_106, %dma_start3A_107] : memref<640x64xf32, #tpu.memory_space<vmem>> -> memref<128x64xf32, #tpu.memory_space<vmem>>
    %dma_start3A_109 = arith.constant 0 : i32
    %dma_start3A_110 = tpu.memref_slice %arg11[%dma_start3A_100, %dma_start3A_109] : memref<2x640xi32, #tpu.memory_space<vmem>> -> memref<1x640xi32, #tpu.memory_space<vmem>>
    %dma_start3A_111 = tpu.memref_squeeze %dma_start3A_110 : memref<1x640xi32, #tpu.memory_space<vmem>> -> memref<640xi32, #tpu.memory_space<vmem>>
    %dma_start3A_112 = arith.constant 512 : i32
    %dma_start3A_113 = tpu.memref_slice %dma_start3A_111[%dma_start3A_112] : memref<640xi32, #tpu.memory_space<vmem>> -> memref<128xi32, #tpu.memory_space<vmem>>
    %dma_start3A_114 = arith.constant 0 : i32
    %dma_start3A_115 = arith.constant 0 : i32
    %dma_start3A_116 = tpu.memref_slice %arg3[%dma_start3A_114, %dma_start3A_115] : memref<100000x64xf32, #tpu.memory_space<hbm>> -> memref<100000x64xf32, #tpu.memory_space<hbm>>
    tpu.enqueue_indirect_dma source(%dma_start3A_116 : memref<100000x64xf32, #tpu.memory_space<hbm>>) target(%dma_start3A_108 : memref<128x64xf32, #tpu.memory_space<vmem>>) offsets(%dma_start3A_113 : memref<128xi32, #tpu.memory_space<vmem>>) semaphore(%arg17 : memref<!tpu.dma_semaphore, #tpu.memory_space<semaphore_mem>>)
    %mul3A_117 = arith.constant 512 : i32
    %mul3A_118 = arith.muli %add3A, %mul3A_117 : i32
    %add3A_119 = arith.constant 128 : i32
    %add3A_120 = arith.addi %mul3A_118, %add3A_119 : i32
    %run_scoped3A_121 = arith.constant 1 : i32
    "tpu.region"() ({
      %run_scoped3A_973 = tpu.sem_alloc : memref<!tpu.dma_semaphore, #tpu.memory_space<semaphore_mem>>
      %dma_start3A_974 = arith.constant 0 : i32
      %dma_start3A_975 = tpu.memref_slice %arg9[%run_scoped3A_121, %dma_start3A_974] : memref<2x128xi32, #tpu.memory_space<vmem>> -> memref<1x128xi32, #tpu.memory_space<vmem>>
      %dma_start3A_976 = tpu.memref_squeeze %dma_start3A_975 : memref<1x128xi32, #tpu.memory_space<vmem>> -> memref<128xi32, #tpu.memory_space<vmem>>
      %dma_start3A_977 = tpu.memref_slice %arg4[%add3A_120] : memref<16384xi32, #tpu.memory_space<hbm>> -> memref<128xi32, #tpu.memory_space<hbm>>
      %dma_start3A_978 = arith.constant 0 : i32
      %dma_start3A_979 = tpu.memref_slice %arg9[%run_scoped3A_121, %dma_start3A_978] : memref<2x128xi32, #tpu.memory_space<vmem>> -> memref<1x128xi32, #tpu.memory_space<vmem>>
      %dma_start3A_980 = tpu.memref_squeeze %dma_start3A_979 : memref<1x128xi32, #tpu.memory_space<vmem>> -> memref<128xi32, #tpu.memory_space<vmem>>
      %dma_start3A_981 = tpu.memref_slice %arg4[%add3A_120] : memref<16384xi32, #tpu.memory_space<hbm>> -> memref<128xi32, #tpu.memory_space<hbm>>
      tpu.enqueue_dma source(%dma_start3A_981 : memref<128xi32, #tpu.memory_space<hbm>>) target(%dma_start3A_980 : memref<128xi32, #tpu.memory_space<vmem>>) target_semaphore(%run_scoped3A_973 : memref<!tpu.dma_semaphore, #tpu.memory_space<semaphore_mem>>)
      %dma_wait3A_982 = arith.constant 0 : i32
      %dma_wait3A_983 = tpu.memref_slice %arg9[%run_scoped3A_121, %dma_wait3A_982] : memref<2x128xi32, #tpu.memory_space<vmem>> -> memref<1x128xi32, #tpu.memory_space<vmem>>
      %dma_wait3A_984 = tpu.memref_squeeze %dma_wait3A_983 : memref<1x128xi32, #tpu.memory_space<vmem>> -> memref<128xi32, #tpu.memory_space<vmem>>
      %dma_wait3A_985 = tpu.memref_slice %arg4[%add3A_120] : memref<16384xi32, #tpu.memory_space<hbm>> -> memref<128xi32, #tpu.memory_space<hbm>>
      %dma_wait3A_986 = arith.constant 0 : i32
      %dma_wait3A_987 = tpu.memref_slice %arg9[%run_scoped3A_121, %dma_wait3A_986] : memref<2x128xi32, #tpu.memory_space<vmem>> -> memref<1x128xi32, #tpu.memory_space<vmem>>
      %dma_wait3A_988 = tpu.memref_squeeze %dma_wait3A_987 : memref<1x128xi32, #tpu.memory_space<vmem>> -> memref<128xi32, #tpu.memory_space<vmem>>
      %dma_wait3A_989 = tpu.memref_slice %arg4[%add3A_120] : memref<16384xi32, #tpu.memory_space<hbm>> -> memref<128xi32, #tpu.memory_space<hbm>>
      tpu.wait_dma2 semaphore(%run_scoped3A_973 : memref<!tpu.dma_semaphore, #tpu.memory_space<semaphore_mem>>) src(%dma_wait3A_989 : memref<128xi32, #tpu.memory_space<hbm>>) dst(%dma_wait3A_988 : memref<128xi32, #tpu.memory_space<vmem>>)
      tpu.yield
    }) : () -> ()
    %run_scoped3A_122 = arith.constant 1 : i32
    "tpu.region"() ({
      %run_scoped3A_973 = tpu.sem_alloc : memref<!tpu.dma_semaphore, #tpu.memory_space<semaphore_mem>>
      %dma_start3A_974 = arith.constant 0 : i32
      %dma_start3A_975 = tpu.memref_slice %arg10[%run_scoped3A_122, %dma_start3A_974] : memref<2x128xi32, #tpu.memory_space<vmem>> -> memref<1x128xi32, #tpu.memory_space<vmem>>
      %dma_start3A_976 = tpu.memref_squeeze %dma_start3A_975 : memref<1x128xi32, #tpu.memory_space<vmem>> -> memref<128xi32, #tpu.memory_space<vmem>>
      %dma_start3A_977 = tpu.memref_slice %arg5[%add3A_120] : memref<16384xi32, #tpu.memory_space<hbm>> -> memref<128xi32, #tpu.memory_space<hbm>>
      %dma_start3A_978 = arith.constant 0 : i32
      %dma_start3A_979 = tpu.memref_slice %arg10[%run_scoped3A_122, %dma_start3A_978] : memref<2x128xi32, #tpu.memory_space<vmem>> -> memref<1x128xi32, #tpu.memory_space<vmem>>
      %dma_start3A_980 = tpu.memref_squeeze %dma_start3A_979 : memref<1x128xi32, #tpu.memory_space<vmem>> -> memref<128xi32, #tpu.memory_space<vmem>>
      %dma_start3A_981 = tpu.memref_slice %arg5[%add3A_120] : memref<16384xi32, #tpu.memory_space<hbm>> -> memref<128xi32, #tpu.memory_space<hbm>>
      tpu.enqueue_dma source(%dma_start3A_981 : memref<128xi32, #tpu.memory_space<hbm>>) target(%dma_start3A_980 : memref<128xi32, #tpu.memory_space<vmem>>) target_semaphore(%run_scoped3A_973 : memref<!tpu.dma_semaphore, #tpu.memory_space<semaphore_mem>>)
      %dma_wait3A_982 = arith.constant 0 : i32
      %dma_wait3A_983 = tpu.memref_slice %arg10[%run_scoped3A_122, %dma_wait3A_982] : memref<2x128xi32, #tpu.memory_space<vmem>> -> memref<1x128xi32, #tpu.memory_space<vmem>>
      %dma_wait3A_984 = tpu.memref_squeeze %dma_wait3A_983 : memref<1x128xi32, #tpu.memory_space<vmem>> -> memref<128xi32, #tpu.memory_space<vmem>>
      %dma_wait3A_985 = tpu.memref_slice %arg5[%add3A_120] : memref<16384xi32, #tpu.memory_space<hbm>> -> memref<128xi32, #tpu.memory_space<hbm>>
      %dma_wait3A_986 = arith.constant 0 : i32
      %dma_wait3A_987 = tpu.memref_slice %arg10[%run_scoped3A_122, %dma_wait3A_986] : memref<2x128xi32, #tpu.memory_space<vmem>> -> memref<1x128xi32, #tpu.memory_space<vmem>>
      %dma_wait3A_988 = tpu.memref_squeeze %dma_wait3A_987 : memref<1x128xi32, #tpu.memory_space<vmem>> -> memref<128xi32, #tpu.memory_space<vmem>>
      %dma_wait3A_989 = tpu.memref_slice %arg5[%add3A_120] : memref<16384xi32, #tpu.memory_space<hbm>> -> memref<128xi32, #tpu.memory_space<hbm>>
      tpu.wait_dma2 semaphore(%run_scoped3A_973 : memref<!tpu.dma_semaphore, #tpu.memory_space<semaphore_mem>>) src(%dma_wait3A_989 : memref<128xi32, #tpu.memory_space<hbm>>) dst(%dma_wait3A_988 : memref<128xi32, #tpu.memory_space<vmem>>)
      tpu.yield
    }) : () -> ()
    %mul3A_123 = arith.constant 5 : i32
    %mul3A_124 = arith.muli %add3A_120, %mul3A_123 : i32
    %run_scoped3A_125 = arith.constant 1 : i32
    "tpu.region"() ({
      %run_scoped3A_973 = tpu.sem_alloc : memref<!tpu.dma_semaphore, #tpu.memory_space<semaphore_mem>>
      %dma_start3A_974 = arith.constant 0 : i32
      %dma_start3A_975 = tpu.memref_slice %arg11[%run_scoped3A_125, %dma_start3A_974] : memref<2x640xi32, #tpu.memory_space<vmem>> -> memref<1x640xi32, #tpu.memory_space<vmem>>
      %dma_start3A_976 = tpu.memref_squeeze %dma_start3A_975 : memref<1x640xi32, #tpu.memory_space<vmem>> -> memref<640xi32, #tpu.memory_space<vmem>>
      %dma_start3A_977 = tpu.memref_slice %arg6[%mul3A_124] : memref<81920xi32, #tpu.memory_space<hbm>> -> memref<640xi32, #tpu.memory_space<hbm>>
      %dma_start3A_978 = arith.constant 0 : i32
      %dma_start3A_979 = tpu.memref_slice %arg11[%run_scoped3A_125, %dma_start3A_978] : memref<2x640xi32, #tpu.memory_space<vmem>> -> memref<1x640xi32, #tpu.memory_space<vmem>>
      %dma_start3A_980 = tpu.memref_squeeze %dma_start3A_979 : memref<1x640xi32, #tpu.memory_space<vmem>> -> memref<640xi32, #tpu.memory_space<vmem>>
      %dma_start3A_981 = tpu.memref_slice %arg6[%mul3A_124] : memref<81920xi32, #tpu.memory_space<hbm>> -> memref<640xi32, #tpu.memory_space<hbm>>
      tpu.enqueue_dma source(%dma_start3A_981 : memref<640xi32, #tpu.memory_space<hbm>>) target(%dma_start3A_980 : memref<640xi32, #tpu.memory_space<vmem>>) target_semaphore(%run_scoped3A_973 : memref<!tpu.dma_semaphore, #tpu.memory_space<semaphore_mem>>)
      %dma_wait3A_982 = arith.constant 0 : i32
      %dma_wait3A_983 = tpu.memref_slice %arg11[%run_scoped3A_125, %dma_wait3A_982] : memref<2x640xi32, #tpu.memory_space<vmem>> -> memref<1x640xi32, #tpu.memory_space<vmem>>
      %dma_wait3A_984 = tpu.memref_squeeze %dma_wait3A_983 : memref<1x640xi32, #tpu.memory_space<vmem>> -> memref<640xi32, #tpu.memory_space<vmem>>
      %dma_wait3A_985 = tpu.memref_slice %arg6[%mul3A_124] : memref<81920xi32, #tpu.memory_space<hbm>> -> memref<640xi32, #tpu.memory_space<hbm>>
      %dma_wait3A_986 = arith.constant 0 : i32
      %dma_wait3A_987 = tpu.memref_slice %arg11[%run_scoped3A_125, %dma_wait3A_986] : memref<2x640xi32, #tpu.memory_space<vmem>> -> memref<1x640xi32, #tpu.memory_space<vmem>>
      %dma_wait3A_988 = tpu.memref_squeeze %dma_wait3A_987 : memref<1x640xi32, #tpu.memory_space<vmem>> -> memref<640xi32, #tpu.memory_space<vmem>>
      %dma_wait3A_989 = tpu.memref_slice %arg6[%mul3A_124] : memref<81920xi32, #tpu.memory_space<hbm>> -> memref<640xi32, #tpu.memory_space<hbm>>
      tpu.wait_dma2 semaphore(%run_scoped3A_973 : memref<!tpu.dma_semaphore, #tpu.memory_space<semaphore_mem>>) src(%dma_wait3A_989 : memref<640xi32, #tpu.memory_space<hbm>>) dst(%dma_wait3A_988 : memref<640xi32, #tpu.memory_space<vmem>>)
      tpu.yield
    }) : () -> ()
    %dma_start3A_126 = arith.constant 1 : i32
    %dma_start3A_127 = arith.constant 1 : i32
    %dma_start3A_128 = arith.constant 0 : i32
    %dma_start3A_129 = arith.constant 0 : i32
    %dma_start3A_130 = tpu.memref_slice %arg12[%dma_start3A_127, %dma_start3A_128, %dma_start3A_129] : memref<2x128x64xf32, #tpu.memory_space<vmem>> -> memref<1x128x64xf32, #tpu.memory_space<vmem>>
    %dma_start3A_131 = tpu.memref_squeeze %dma_start3A_130 : memref<1x128x64xf32, #tpu.memory_space<vmem>> -> memref<128x64xf32, #tpu.memory_space<vmem>>
    %dma_start3A_132 = arith.constant 0 : i32
    %dma_start3A_133 = tpu.memref_slice %arg9[%dma_start3A_126, %dma_start3A_132] : memref<2x128xi32, #tpu.memory_space<vmem>> -> memref<1x128xi32, #tpu.memory_space<vmem>>
    %dma_start3A_134 = tpu.memref_squeeze %dma_start3A_133 : memref<1x128xi32, #tpu.memory_space<vmem>> -> memref<128xi32, #tpu.memory_space<vmem>>
    %dma_start3A_135 = arith.constant 0 : i32
    %dma_start3A_136 = arith.constant 0 : i32
    %dma_start3A_137 = tpu.memref_slice %arg2[%dma_start3A_135, %dma_start3A_136] : memref<100000x64xf32, #tpu.memory_space<hbm>> -> memref<100000x64xf32, #tpu.memory_space<hbm>>
    tpu.enqueue_indirect_dma source(%dma_start3A_137 : memref<100000x64xf32, #tpu.memory_space<hbm>>) target(%dma_start3A_131 : memref<128x64xf32, #tpu.memory_space<vmem>>) offsets(%dma_start3A_134 : memref<128xi32, #tpu.memory_space<vmem>>) semaphore(%arg18 : memref<!tpu.dma_semaphore, #tpu.memory_space<semaphore_mem>>)
    %dma_start3A_138 = arith.constant 1 : i32
    %dma_start3A_139 = arith.constant 1 : i32
    %dma_start3A_140 = arith.constant 0 : i32
    %dma_start3A_141 = arith.constant 0 : i32
    %dma_start3A_142 = tpu.memref_slice %arg13[%dma_start3A_139, %dma_start3A_140, %dma_start3A_141] : memref<2x128x64xf32, #tpu.memory_space<vmem>> -> memref<1x128x64xf32, #tpu.memory_space<vmem>>
    %dma_start3A_143 = tpu.memref_squeeze %dma_start3A_142 : memref<1x128x64xf32, #tpu.memory_space<vmem>> -> memref<128x64xf32, #tpu.memory_space<vmem>>
    %dma_start3A_144 = arith.constant 0 : i32
    %dma_start3A_145 = tpu.memref_slice %arg10[%dma_start3A_138, %dma_start3A_144] : memref<2x128xi32, #tpu.memory_space<vmem>> -> memref<1x128xi32, #tpu.memory_space<vmem>>
    %dma_start3A_146 = tpu.memref_squeeze %dma_start3A_145 : memref<1x128xi32, #tpu.memory_space<vmem>> -> memref<128xi32, #tpu.memory_space<vmem>>
    %dma_start3A_147 = arith.constant 0 : i32
    %dma_start3A_148 = arith.constant 0 : i32
    %dma_start3A_149 = tpu.memref_slice %arg3[%dma_start3A_147, %dma_start3A_148] : memref<100000x64xf32, #tpu.memory_space<hbm>> -> memref<100000x64xf32, #tpu.memory_space<hbm>>
    tpu.enqueue_indirect_dma source(%dma_start3A_149 : memref<100000x64xf32, #tpu.memory_space<hbm>>) target(%dma_start3A_143 : memref<128x64xf32, #tpu.memory_space<vmem>>) offsets(%dma_start3A_146 : memref<128xi32, #tpu.memory_space<vmem>>) semaphore(%arg18 : memref<!tpu.dma_semaphore, #tpu.memory_space<semaphore_mem>>)
    %dma_start3A_150 = arith.constant 1 : i32
    %dma_start3A_151 = arith.constant 1 : i32
    %dma_start3A_152 = arith.constant 0 : i32
    %dma_start3A_153 = arith.constant 0 : i32
    %dma_start3A_154 = tpu.memref_slice %arg14[%dma_start3A_151, %dma_start3A_152, %dma_start3A_153] : memref<2x640x64xf32, #tpu.memory_space<vmem>> -> memref<1x640x64xf32, #tpu.memory_space<vmem>>
    %dma_start3A_155 = tpu.memref_squeeze %dma_start3A_154 : memref<1x640x64xf32, #tpu.memory_space<vmem>> -> memref<640x64xf32, #tpu.memory_space<vmem>>
    %dma_start3A_156 = arith.constant 0 : i32
    %dma_start3A_157 = arith.constant 0 : i32
    %dma_start3A_158 = tpu.memref_slice %dma_start3A_155[%dma_start3A_156, %dma_start3A_157] : memref<640x64xf32, #tpu.memory_space<vmem>> -> memref<128x64xf32, #tpu.memory_space<vmem>>
    %dma_start3A_159 = arith.constant 0 : i32
    %dma_start3A_160 = tpu.memref_slice %arg11[%dma_start3A_150, %dma_start3A_159] : memref<2x640xi32, #tpu.memory_space<vmem>> -> memref<1x640xi32, #tpu.memory_space<vmem>>
    %dma_start3A_161 = tpu.memref_squeeze %dma_start3A_160 : memref<1x640xi32, #tpu.memory_space<vmem>> -> memref<640xi32, #tpu.memory_space<vmem>>
    %dma_start3A_162 = arith.constant 0 : i32
    %dma_start3A_163 = tpu.memref_slice %dma_start3A_161[%dma_start3A_162] : memref<640xi32, #tpu.memory_space<vmem>> -> memref<128xi32, #tpu.memory_space<vmem>>
    %dma_start3A_164 = arith.constant 0 : i32
    %dma_start3A_165 = arith.constant 0 : i32
    %dma_start3A_166 = tpu.memref_slice %arg3[%dma_start3A_164, %dma_start3A_165] : memref<100000x64xf32, #tpu.memory_space<hbm>> -> memref<100000x64xf32, #tpu.memory_space<hbm>>
    tpu.enqueue_indirect_dma source(%dma_start3A_166 : memref<100000x64xf32, #tpu.memory_space<hbm>>) target(%dma_start3A_158 : memref<128x64xf32, #tpu.memory_space<vmem>>) offsets(%dma_start3A_163 : memref<128xi32, #tpu.memory_space<vmem>>) semaphore(%arg18 : memref<!tpu.dma_semaphore, #tpu.memory_space<semaphore_mem>>)
    %dma_start3A_167 = arith.constant 1 : i32
    %dma_start3A_168 = arith.constant 1 : i32
    %dma_start3A_169 = arith.constant 0 : i32
    %dma_start3A_170 = arith.constant 0 : i32
    %dma_start3A_171 = tpu.memref_slice %arg14[%dma_start3A_168, %dma_start3A_169, %dma_start3A_170] : memref<2x640x64xf32, #tpu.memory_space<vmem>> -> memref<1x640x64xf32, #tpu.memory_space<vmem>>
    %dma_start3A_172 = tpu.memref_squeeze %dma_start3A_171 : memref<1x640x64xf32, #tpu.memory_space<vmem>> -> memref<640x64xf32, #tpu.memory_space<vmem>>
    %dma_start3A_173 = arith.constant 128 : i32
    %dma_start3A_174 = arith.constant 0 : i32
    %dma_start3A_175 = tpu.memref_slice %dma_start3A_172[%dma_start3A_173, %dma_start3A_174] : memref<640x64xf32, #tpu.memory_space<vmem>> -> memref<128x64xf32, #tpu.memory_space<vmem>>
    %dma_start3A_176 = arith.constant 0 : i32
    %dma_start3A_177 = tpu.memref_slice %arg11[%dma_start3A_167, %dma_start3A_176] : memref<2x640xi32, #tpu.memory_space<vmem>> -> memref<1x640xi32, #tpu.memory_space<vmem>>
    %dma_start3A_178 = tpu.memref_squeeze %dma_start3A_177 : memref<1x640xi32, #tpu.memory_space<vmem>> -> memref<640xi32, #tpu.memory_space<vmem>>
    %dma_start3A_179 = arith.constant 128 : i32
    %dma_start3A_180 = tpu.memref_slice %dma_start3A_178[%dma_start3A_179] : memref<640xi32, #tpu.memory_space<vmem>> -> memref<128xi32, #tpu.memory_space<vmem>>
    %dma_start3A_181 = arith.constant 0 : i32
    %dma_start3A_182 = arith.constant 0 : i32
    %dma_start3A_183 = tpu.memref_slice %arg3[%dma_start3A_181, %dma_start3A_182] : memref<100000x64xf32, #tpu.memory_space<hbm>> -> memref<100000x64xf32, #tpu.memory_space<hbm>>
    tpu.enqueue_indirect_dma source(%dma_start3A_183 : memref<100000x64xf32, #tpu.memory_space<hbm>>) target(%dma_start3A_175 : memref<128x64xf32, #tpu.memory_space<vmem>>) offsets(%dma_start3A_180 : memref<128xi32, #tpu.memory_space<vmem>>) semaphore(%arg18 : memref<!tpu.dma_semaphore, #tpu.memory_space<semaphore_mem>>)
    %dma_start3A_184 = arith.constant 1 : i32
    %dma_start3A_185 = arith.constant 1 : i32
    %dma_start3A_186 = arith.constant 0 : i32
    %dma_start3A_187 = arith.constant 0 : i32
    %dma_start3A_188 = tpu.memref_slice %arg14[%dma_start3A_185, %dma_start3A_186, %dma_start3A_187] : memref<2x640x64xf32, #tpu.memory_space<vmem>> -> memref<1x640x64xf32, #tpu.memory_space<vmem>>
    %dma_start3A_189 = tpu.memref_squeeze %dma_start3A_188 : memref<1x640x64xf32, #tpu.memory_space<vmem>> -> memref<640x64xf32, #tpu.memory_space<vmem>>
    %dma_start3A_190 = arith.constant 256 : i32
    %dma_start3A_191 = arith.constant 0 : i32
    %dma_start3A_192 = tpu.memref_slice %dma_start3A_189[%dma_start3A_190, %dma_start3A_191] : memref<640x64xf32, #tpu.memory_space<vmem>> -> memref<128x64xf32, #tpu.memory_space<vmem>>
    %dma_start3A_193 = arith.constant 0 : i32
    %dma_start3A_194 = tpu.memref_slice %arg11[%dma_start3A_184, %dma_start3A_193] : memref<2x640xi32, #tpu.memory_space<vmem>> -> memref<1x640xi32, #tpu.memory_space<vmem>>
    %dma_start3A_195 = tpu.memref_squeeze %dma_start3A_194 : memref<1x640xi32, #tpu.memory_space<vmem>> -> memref<640xi32, #tpu.memory_space<vmem>>
    %dma_start3A_196 = arith.constant 256 : i32
    %dma_start3A_197 = tpu.memref_slice %dma_start3A_195[%dma_start3A_196] : memref<640xi32, #tpu.memory_space<vmem>> -> memref<128xi32, #tpu.memory_space<vmem>>
    %dma_start3A_198 = arith.constant 0 : i32
    %dma_start3A_199 = arith.constant 0 : i32
    %dma_start3A_200 = tpu.memref_slice %arg3[%dma_start3A_198, %dma_start3A_199] : memref<100000x64xf32, #tpu.memory_space<hbm>> -> memref<100000x64xf32, #tpu.memory_space<hbm>>
    tpu.enqueue_indirect_dma source(%dma_start3A_200 : memref<100000x64xf32, #tpu.memory_space<hbm>>) target(%dma_start3A_192 : memref<128x64xf32, #tpu.memory_space<vmem>>) offsets(%dma_start3A_197 : memref<128xi32, #tpu.memory_space<vmem>>) semaphore(%arg18 : memref<!tpu.dma_semaphore, #tpu.memory_space<semaphore_mem>>)
    %dma_start3A_201 = arith.constant 1 : i32
    %dma_start3A_202 = arith.constant 1 : i32
    %dma_start3A_203 = arith.constant 0 : i32
    %dma_start3A_204 = arith.constant 0 : i32
    %dma_start3A_205 = tpu.memref_slice %arg14[%dma_start3A_202, %dma_start3A_203, %dma_start3A_204] : memref<2x640x64xf32, #tpu.memory_space<vmem>> -> memref<1x640x64xf32, #tpu.memory_space<vmem>>
    %dma_start3A_206 = tpu.memref_squeeze %dma_start3A_205 : memref<1x640x64xf32, #tpu.memory_space<vmem>> -> memref<640x64xf32, #tpu.memory_space<vmem>>
    %dma_start3A_207 = arith.constant 384 : i32
    %dma_start3A_208 = arith.constant 0 : i32
    %dma_start3A_209 = tpu.memref_slice %dma_start3A_206[%dma_start3A_207, %dma_start3A_208] : memref<640x64xf32, #tpu.memory_space<vmem>> -> memref<128x64xf32, #tpu.memory_space<vmem>>
    %dma_start3A_210 = arith.constant 0 : i32
    %dma_start3A_211 = tpu.memref_slice %arg11[%dma_start3A_201, %dma_start3A_210] : memref<2x640xi32, #tpu.memory_space<vmem>> -> memref<1x640xi32, #tpu.memory_space<vmem>>
    %dma_start3A_212 = tpu.memref_squeeze %dma_start3A_211 : memref<1x640xi32, #tpu.memory_space<vmem>> -> memref<640xi32, #tpu.memory_space<vmem>>
    %dma_start3A_213 = arith.constant 384 : i32
    %dma_start3A_214 = tpu.memref_slice %dma_start3A_212[%dma_start3A_213] : memref<640xi32, #tpu.memory_space<vmem>> -> memref<128xi32, #tpu.memory_space<vmem>>
    %dma_start3A_215 = arith.constant 0 : i32
    %dma_start3A_216 = arith.constant 0 : i32
    %dma_start3A_217 = tpu.memref_slice %arg3[%dma_start3A_215, %dma_start3A_216] : memref<100000x64xf32, #tpu.memory_space<hbm>> -> memref<100000x64xf32, #tpu.memory_space<hbm>>
    tpu.enqueue_indirect_dma source(%dma_start3A_217 : memref<100000x64xf32, #tpu.memory_space<hbm>>) target(%dma_start3A_209 : memref<128x64xf32, #tpu.memory_space<vmem>>) offsets(%dma_start3A_214 : memref<128xi32, #tpu.memory_space<vmem>>) semaphore(%arg18 : memref<!tpu.dma_semaphore, #tpu.memory_space<semaphore_mem>>)
    %dma_start3A_218 = arith.constant 1 : i32
    %dma_start3A_219 = arith.constant 1 : i32
    %dma_start3A_220 = arith.constant 0 : i32
    %dma_start3A_221 = arith.constant 0 : i32
    %dma_start3A_222 = tpu.memref_slice %arg14[%dma_start3A_219, %dma_start3A_220, %dma_start3A_221] : memref<2x640x64xf32, #tpu.memory_space<vmem>> -> memref<1x640x64xf32, #tpu.memory_space<vmem>>
    %dma_start3A_223 = tpu.memref_squeeze %dma_start3A_222 : memref<1x640x64xf32, #tpu.memory_space<vmem>> -> memref<640x64xf32, #tpu.memory_space<vmem>>
    %dma_start3A_224 = arith.constant 512 : i32
    %dma_start3A_225 = arith.constant 0 : i32
    %dma_start3A_226 = tpu.memref_slice %dma_start3A_223[%dma_start3A_224, %dma_start3A_225] : memref<640x64xf32, #tpu.memory_space<vmem>> -> memref<128x64xf32, #tpu.memory_space<vmem>>
    %dma_start3A_227 = arith.constant 0 : i32
    %dma_start3A_228 = tpu.memref_slice %arg11[%dma_start3A_218, %dma_start3A_227] : memref<2x640xi32, #tpu.memory_space<vmem>> -> memref<1x640xi32, #tpu.memory_space<vmem>>
    %dma_start3A_229 = tpu.memref_squeeze %dma_start3A_228 : memref<1x640xi32, #tpu.memory_space<vmem>> -> memref<640xi32, #tpu.memory_space<vmem>>
    %dma_start3A_230 = arith.constant 512 : i32
    %dma_start3A_231 = tpu.memref_slice %dma_start3A_229[%dma_start3A_230] : memref<640xi32, #tpu.memory_space<vmem>> -> memref<128xi32, #tpu.memory_space<vmem>>
    %dma_start3A_232 = arith.constant 0 : i32
    %dma_start3A_233 = arith.constant 0 : i32
    %dma_start3A_234 = tpu.memref_slice %arg3[%dma_start3A_232, %dma_start3A_233] : memref<100000x64xf32, #tpu.memory_space<hbm>> -> memref<100000x64xf32, #tpu.memory_space<hbm>>
    tpu.enqueue_indirect_dma source(%dma_start3A_234 : memref<100000x64xf32, #tpu.memory_space<hbm>>) target(%dma_start3A_226 : memref<128x64xf32, #tpu.memory_space<vmem>>) offsets(%dma_start3A_231 : memref<128xi32, #tpu.memory_space<vmem>>) semaphore(%arg18 : memref<!tpu.dma_semaphore, #tpu.memory_space<semaphore_mem>>)
    %dma_wait3A = arith.constant 0 : i32
    %dma_wait3A_235 = arith.constant 0 : i32
    %dma_wait3A_236 = arith.constant 0 : i32
    %dma_wait3A_237 = arith.constant 0 : i32
    %dma_wait3A_238 = tpu.memref_slice %arg12[%dma_wait3A_235, %dma_wait3A_236, %dma_wait3A_237] : memref<2x128x64xf32, #tpu.memory_space<vmem>> -> memref<1x128x64xf32, #tpu.memory_space<vmem>>
    %dma_wait3A_239 = tpu.memref_squeeze %dma_wait3A_238 : memref<1x128x64xf32, #tpu.memory_space<vmem>> -> memref<128x64xf32, #tpu.memory_space<vmem>>
    %dma_wait3A_240 = arith.constant 0 : i32
    %dma_wait3A_241 = tpu.memref_slice %arg9[%dma_wait3A, %dma_wait3A_240] : memref<2x128xi32, #tpu.memory_space<vmem>> -> memref<1x128xi32, #tpu.memory_space<vmem>>
    %dma_wait3A_242 = tpu.memref_squeeze %dma_wait3A_241 : memref<1x128xi32, #tpu.memory_space<vmem>> -> memref<128xi32, #tpu.memory_space<vmem>>
    %dma_wait3A_243 = arith.constant 0 : i32
    %dma_wait3A_244 = arith.constant 0 : i32
    %dma_wait3A_245 = tpu.memref_slice %arg2[%dma_wait3A_243, %dma_wait3A_244] : memref<100000x64xf32, #tpu.memory_space<hbm>> -> memref<100000x64xf32, #tpu.memory_space<hbm>>
    tpu.wait_indirect_dma semaphore(%arg17 : memref<!tpu.dma_semaphore, #tpu.memory_space<semaphore_mem>>) src(%dma_wait3A_245 : memref<100000x64xf32, #tpu.memory_space<hbm>>) dst(%dma_wait3A_239 : memref<128x64xf32, #tpu.memory_space<vmem>>)
    %dma_wait3A_246 = arith.constant 0 : i32
    %dma_wait3A_247 = arith.constant 0 : i32
    %dma_wait3A_248 = arith.constant 0 : i32
    %dma_wait3A_249 = arith.constant 0 : i32
    %dma_wait3A_250 = tpu.memref_slice %arg13[%dma_wait3A_247, %dma_wait3A_248, %dma_wait3A_249] : memref<2x128x64xf32, #tpu.memory_space<vmem>> -> memref<1x128x64xf32, #tpu.memory_space<vmem>>
    %dma_wait3A_251 = tpu.memref_squeeze %dma_wait3A_250 : memref<1x128x64xf32, #tpu.memory_space<vmem>> -> memref<128x64xf32, #tpu.memory_space<vmem>>
    %dma_wait3A_252 = arith.constant 0 : i32
    %dma_wait3A_253 = tpu.memref_slice %arg10[%dma_wait3A_246, %dma_wait3A_252] : memref<2x128xi32, #tpu.memory_space<vmem>> -> memref<1x128xi32, #tpu.memory_space<vmem>>
    %dma_wait3A_254 = tpu.memref_squeeze %dma_wait3A_253 : memref<1x128xi32, #tpu.memory_space<vmem>> -> memref<128xi32, #tpu.memory_space<vmem>>
    %dma_wait3A_255 = arith.constant 0 : i32
    %dma_wait3A_256 = arith.constant 0 : i32
    %dma_wait3A_257 = tpu.memref_slice %arg3[%dma_wait3A_255, %dma_wait3A_256] : memref<100000x64xf32, #tpu.memory_space<hbm>> -> memref<100000x64xf32, #tpu.memory_space<hbm>>
    tpu.wait_indirect_dma semaphore(%arg17 : memref<!tpu.dma_semaphore, #tpu.memory_space<semaphore_mem>>) src(%dma_wait3A_257 : memref<100000x64xf32, #tpu.memory_space<hbm>>) dst(%dma_wait3A_251 : memref<128x64xf32, #tpu.memory_space<vmem>>)
    %dma_wait3A_258 = arith.constant 0 : i32
    %dma_wait3A_259 = arith.constant 0 : i32
    %dma_wait3A_260 = arith.constant 0 : i32
    %dma_wait3A_261 = arith.constant 0 : i32
    %dma_wait3A_262 = tpu.memref_slice %arg14[%dma_wait3A_259, %dma_wait3A_260, %dma_wait3A_261] : memref<2x640x64xf32, #tpu.memory_space<vmem>> -> memref<1x640x64xf32, #tpu.memory_space<vmem>>
    %dma_wait3A_263 = tpu.memref_squeeze %dma_wait3A_262 : memref<1x640x64xf32, #tpu.memory_space<vmem>> -> memref<640x64xf32, #tpu.memory_space<vmem>>
    %dma_wait3A_264 = arith.constant 0 : i32
    %dma_wait3A_265 = arith.constant 0 : i32
    %dma_wait3A_266 = tpu.memref_slice %dma_wait3A_263[%dma_wait3A_264, %dma_wait3A_265] : memref<640x64xf32, #tpu.memory_space<vmem>> -> memref<128x64xf32, #tpu.memory_space<vmem>>
    %dma_wait3A_267 = arith.constant 0 : i32
    %dma_wait3A_268 = tpu.memref_slice %arg11[%dma_wait3A_258, %dma_wait3A_267] : memref<2x640xi32, #tpu.memory_space<vmem>> -> memref<1x640xi32, #tpu.memory_space<vmem>>
    %dma_wait3A_269 = tpu.memref_squeeze %dma_wait3A_268 : memref<1x640xi32, #tpu.memory_space<vmem>> -> memref<640xi32, #tpu.memory_space<vmem>>
    %dma_wait3A_270 = arith.constant 0 : i32
    %dma_wait3A_271 = tpu.memref_slice %dma_wait3A_269[%dma_wait3A_270] : memref<640xi32, #tpu.memory_space<vmem>> -> memref<128xi32, #tpu.memory_space<vmem>>
    %dma_wait3A_272 = arith.constant 0 : i32
    %dma_wait3A_273 = arith.constant 0 : i32
    %dma_wait3A_274 = tpu.memref_slice %arg3[%dma_wait3A_272, %dma_wait3A_273] : memref<100000x64xf32, #tpu.memory_space<hbm>> -> memref<100000x64xf32, #tpu.memory_space<hbm>>
    tpu.wait_indirect_dma semaphore(%arg17 : memref<!tpu.dma_semaphore, #tpu.memory_space<semaphore_mem>>) src(%dma_wait3A_274 : memref<100000x64xf32, #tpu.memory_space<hbm>>) dst(%dma_wait3A_266 : memref<128x64xf32, #tpu.memory_space<vmem>>)
    %dma_wait3A_275 = arith.constant 0 : i32
    %dma_wait3A_276 = arith.constant 0 : i32
    %dma_wait3A_277 = arith.constant 0 : i32
    %dma_wait3A_278 = arith.constant 0 : i32
    %dma_wait3A_279 = tpu.memref_slice %arg14[%dma_wait3A_276, %dma_wait3A_277, %dma_wait3A_278] : memref<2x640x64xf32, #tpu.memory_space<vmem>> -> memref<1x640x64xf32, #tpu.memory_space<vmem>>
    %dma_wait3A_280 = tpu.memref_squeeze %dma_wait3A_279 : memref<1x640x64xf32, #tpu.memory_space<vmem>> -> memref<640x64xf32, #tpu.memory_space<vmem>>
    %dma_wait3A_281 = arith.constant 128 : i32
    %dma_wait3A_282 = arith.constant 0 : i32
    %dma_wait3A_283 = tpu.memref_slice %dma_wait3A_280[%dma_wait3A_281, %dma_wait3A_282] : memref<640x64xf32, #tpu.memory_space<vmem>> -> memref<128x64xf32, #tpu.memory_space<vmem>>
    %dma_wait3A_284 = arith.constant 0 : i32
    %dma_wait3A_285 = tpu.memref_slice %arg11[%dma_wait3A_275, %dma_wait3A_284] : memref<2x640xi32, #tpu.memory_space<vmem>> -> memref<1x640xi32, #tpu.memory_space<vmem>>
    %dma_wait3A_286 = tpu.memref_squeeze %dma_wait3A_285 : memref<1x640xi32, #tpu.memory_space<vmem>> -> memref<640xi32, #tpu.memory_space<vmem>>
    %dma_wait3A_287 = arith.constant 128 : i32
    %dma_wait3A_288 = tpu.memref_slice %dma_wait3A_286[%dma_wait3A_287] : memref<640xi32, #tpu.memory_space<vmem>> -> memref<128xi32, #tpu.memory_space<vmem>>
    %dma_wait3A_289 = arith.constant 0 : i32
    %dma_wait3A_290 = arith.constant 0 : i32
    %dma_wait3A_291 = tpu.memref_slice %arg3[%dma_wait3A_289, %dma_wait3A_290] : memref<100000x64xf32, #tpu.memory_space<hbm>> -> memref<100000x64xf32, #tpu.memory_space<hbm>>
    tpu.wait_indirect_dma semaphore(%arg17 : memref<!tpu.dma_semaphore, #tpu.memory_space<semaphore_mem>>) src(%dma_wait3A_291 : memref<100000x64xf32, #tpu.memory_space<hbm>>) dst(%dma_wait3A_283 : memref<128x64xf32, #tpu.memory_space<vmem>>)
    %dma_wait3A_292 = arith.constant 0 : i32
    %dma_wait3A_293 = arith.constant 0 : i32
    %dma_wait3A_294 = arith.constant 0 : i32
    %dma_wait3A_295 = arith.constant 0 : i32
    %dma_wait3A_296 = tpu.memref_slice %arg14[%dma_wait3A_293, %dma_wait3A_294, %dma_wait3A_295] : memref<2x640x64xf32, #tpu.memory_space<vmem>> -> memref<1x640x64xf32, #tpu.memory_space<vmem>>
    %dma_wait3A_297 = tpu.memref_squeeze %dma_wait3A_296 : memref<1x640x64xf32, #tpu.memory_space<vmem>> -> memref<640x64xf32, #tpu.memory_space<vmem>>
    %dma_wait3A_298 = arith.constant 256 : i32
    %dma_wait3A_299 = arith.constant 0 : i32
    %dma_wait3A_300 = tpu.memref_slice %dma_wait3A_297[%dma_wait3A_298, %dma_wait3A_299] : memref<640x64xf32, #tpu.memory_space<vmem>> -> memref<128x64xf32, #tpu.memory_space<vmem>>
    %dma_wait3A_301 = arith.constant 0 : i32
    %dma_wait3A_302 = tpu.memref_slice %arg11[%dma_wait3A_292, %dma_wait3A_301] : memref<2x640xi32, #tpu.memory_space<vmem>> -> memref<1x640xi32, #tpu.memory_space<vmem>>
    %dma_wait3A_303 = tpu.memref_squeeze %dma_wait3A_302 : memref<1x640xi32, #tpu.memory_space<vmem>> -> memref<640xi32, #tpu.memory_space<vmem>>
    %dma_wait3A_304 = arith.constant 256 : i32
    %dma_wait3A_305 = tpu.memref_slice %dma_wait3A_303[%dma_wait3A_304] : memref<640xi32, #tpu.memory_space<vmem>> -> memref<128xi32, #tpu.memory_space<vmem>>
    %dma_wait3A_306 = arith.constant 0 : i32
    %dma_wait3A_307 = arith.constant 0 : i32
    %dma_wait3A_308 = tpu.memref_slice %arg3[%dma_wait3A_306, %dma_wait3A_307] : memref<100000x64xf32, #tpu.memory_space<hbm>> -> memref<100000x64xf32, #tpu.memory_space<hbm>>
    tpu.wait_indirect_dma semaphore(%arg17 : memref<!tpu.dma_semaphore, #tpu.memory_space<semaphore_mem>>) src(%dma_wait3A_308 : memref<100000x64xf32, #tpu.memory_space<hbm>>) dst(%dma_wait3A_300 : memref<128x64xf32, #tpu.memory_space<vmem>>)
    %dma_wait3A_309 = arith.constant 0 : i32
    %dma_wait3A_310 = arith.constant 0 : i32
    %dma_wait3A_311 = arith.constant 0 : i32
    %dma_wait3A_312 = arith.constant 0 : i32
    %dma_wait3A_313 = tpu.memref_slice %arg14[%dma_wait3A_310, %dma_wait3A_311, %dma_wait3A_312] : memref<2x640x64xf32, #tpu.memory_space<vmem>> -> memref<1x640x64xf32, #tpu.memory_space<vmem>>
    %dma_wait3A_314 = tpu.memref_squeeze %dma_wait3A_313 : memref<1x640x64xf32, #tpu.memory_space<vmem>> -> memref<640x64xf32, #tpu.memory_space<vmem>>
    %dma_wait3A_315 = arith.constant 384 : i32
    %dma_wait3A_316 = arith.constant 0 : i32
    %dma_wait3A_317 = tpu.memref_slice %dma_wait3A_314[%dma_wait3A_315, %dma_wait3A_316] : memref<640x64xf32, #tpu.memory_space<vmem>> -> memref<128x64xf32, #tpu.memory_space<vmem>>
    %dma_wait3A_318 = arith.constant 0 : i32
    %dma_wait3A_319 = tpu.memref_slice %arg11[%dma_wait3A_309, %dma_wait3A_318] : memref<2x640xi32, #tpu.memory_space<vmem>> -> memref<1x640xi32, #tpu.memory_space<vmem>>
    %dma_wait3A_320 = tpu.memref_squeeze %dma_wait3A_319 : memref<1x640xi32, #tpu.memory_space<vmem>> -> memref<640xi32, #tpu.memory_space<vmem>>
    %dma_wait3A_321 = arith.constant 384 : i32
    %dma_wait3A_322 = tpu.memref_slice %dma_wait3A_320[%dma_wait3A_321] : memref<640xi32, #tpu.memory_space<vmem>> -> memref<128xi32, #tpu.memory_space<vmem>>
    %dma_wait3A_323 = arith.constant 0 : i32
    %dma_wait3A_324 = arith.constant 0 : i32
    %dma_wait3A_325 = tpu.memref_slice %arg3[%dma_wait3A_323, %dma_wait3A_324] : memref<100000x64xf32, #tpu.memory_space<hbm>> -> memref<100000x64xf32, #tpu.memory_space<hbm>>
    tpu.wait_indirect_dma semaphore(%arg17 : memref<!tpu.dma_semaphore, #tpu.memory_space<semaphore_mem>>) src(%dma_wait3A_325 : memref<100000x64xf32, #tpu.memory_space<hbm>>) dst(%dma_wait3A_317 : memref<128x64xf32, #tpu.memory_space<vmem>>)
    %dma_wait3A_326 = arith.constant 0 : i32
    %dma_wait3A_327 = arith.constant 0 : i32
    %dma_wait3A_328 = arith.constant 0 : i32
    %dma_wait3A_329 = arith.constant 0 : i32
    %dma_wait3A_330 = tpu.memref_slice %arg14[%dma_wait3A_327, %dma_wait3A_328, %dma_wait3A_329] : memref<2x640x64xf32, #tpu.memory_space<vmem>> -> memref<1x640x64xf32, #tpu.memory_space<vmem>>
    %dma_wait3A_331 = tpu.memref_squeeze %dma_wait3A_330 : memref<1x640x64xf32, #tpu.memory_space<vmem>> -> memref<640x64xf32, #tpu.memory_space<vmem>>
    %dma_wait3A_332 = arith.constant 512 : i32
    %dma_wait3A_333 = arith.constant 0 : i32
    %dma_wait3A_334 = tpu.memref_slice %dma_wait3A_331[%dma_wait3A_332, %dma_wait3A_333] : memref<640x64xf32, #tpu.memory_space<vmem>> -> memref<128x64xf32, #tpu.memory_space<vmem>>
    %dma_wait3A_335 = arith.constant 0 : i32
    %dma_wait3A_336 = tpu.memref_slice %arg11[%dma_wait3A_326, %dma_wait3A_335] : memref<2x640xi32, #tpu.memory_space<vmem>> -> memref<1x640xi32, #tpu.memory_space<vmem>>
    %dma_wait3A_337 = tpu.memref_squeeze %dma_wait3A_336 : memref<1x640xi32, #tpu.memory_space<vmem>> -> memref<640xi32, #tpu.memory_space<vmem>>
    %dma_wait3A_338 = arith.constant 512 : i32
    %dma_wait3A_339 = tpu.memref_slice %dma_wait3A_337[%dma_wait3A_338] : memref<640xi32, #tpu.memory_space<vmem>> -> memref<128xi32, #tpu.memory_space<vmem>>
    %dma_wait3A_340 = arith.constant 0 : i32
    %dma_wait3A_341 = arith.constant 0 : i32
    %dma_wait3A_342 = tpu.memref_slice %arg3[%dma_wait3A_340, %dma_wait3A_341] : memref<100000x64xf32, #tpu.memory_space<hbm>> -> memref<100000x64xf32, #tpu.memory_space<hbm>>
    tpu.wait_indirect_dma semaphore(%arg17 : memref<!tpu.dma_semaphore, #tpu.memory_space<semaphore_mem>>) src(%dma_wait3A_342 : memref<100000x64xf32, #tpu.memory_space<hbm>>) dst(%dma_wait3A_334 : memref<128x64xf32, #tpu.memory_space<vmem>>)
    %mul3A_343 = arith.constant 512 : i32
    %mul3A_344 = arith.muli %add3A, %mul3A_343 : i32
    %add3A_345 = arith.constant 0 : i32
    %add3A_346 = arith.addi %mul3A_344, %add3A_345 : i32
    %scan3A = arith.constant 0 : i32
    %scan3A_347 = arith.constant 0 : i32
    %scan3A_348 = arith.constant 0 : i32
    %scan3A_349 = arith.constant 0 : i32
    %scan3A_350 = arith.constant 0 : i32
    %scan3A_351 = arith.constant 128 : i32
    %scan3A_352 = arith.addi %scan3A_350, %scan3A_351 : i32
    %scan3A_353 = arith.constant 1 : i32
    scf.for %scan3A_973 = %scan3A_350 to %scan3A_352 step %scan3A_353  : i32 {
      %get3A = arith.constant 0 : i32
      %get3A_974 = arith.constant 0 : i32
      %get3A_975 = tpu.memref_slice %arg12[%scan3A_347, %get3A, %get3A_974] : memref<2x128x64xf32, #tpu.memory_space<vmem>> -> memref<1x128x64xf32, #tpu.memory_space<vmem>>
      %get3A_976 = tpu.memref_squeeze %get3A_975 : memref<1x128x64xf32, #tpu.memory_space<vmem>> -> memref<128x64xf32, #tpu.memory_space<vmem>>
      %get3A_977 = arith.index_cast %scan3A_973 : i32 to index
      %get3A_978 = arith.constant 0 : index
      %get3A_979 = tpu.vector_load %get3A_976[%get3A_977, %get3A_978] {strides = array<i32>} : memref<128x64xf32, #tpu.memory_space<vmem>>, vector<1x16xf32>,
      %get3A_980 = vector.shape_cast %get3A_979 : vector<1x16xf32> to vector<16xf32>
      %get3A_981 = arith.constant 0 : i32
      %get3A_982 = arith.constant 0 : i32
      %get3A_983 = tpu.memref_slice %arg12[%scan3A_347, %get3A_981, %get3A_982] : memref<2x128x64xf32, #tpu.memory_space<vmem>> -> memref<1x128x64xf32, #tpu.memory_space<vmem>>
      %get3A_984 = tpu.memref_squeeze %get3A_983 : memref<1x128x64xf32, #tpu.memory_space<vmem>> -> memref<128x64xf32, #tpu.memory_space<vmem>>
      %get3A_985 = arith.index_cast %scan3A_973 : i32 to index
      %get3A_986 = arith.constant 16 : index
      %get3A_987 = tpu.vector_load %get3A_984[%get3A_985, %get3A_986] {strides = array<i32>} : memref<128x64xf32, #tpu.memory_space<vmem>>, vector<1x16xf32>,
      %get3A_988 = vector.shape_cast %get3A_987 : vector<1x16xf32> to vector<16xf32>
      %get3A_989 = arith.constant 0 : i32
      %get3A_990 = arith.constant 0 : i32
      %get3A_991 = tpu.memref_slice %arg12[%scan3A_347, %get3A_989, %get3A_990] : memref<2x128x64xf32, #tpu.memory_space<vmem>> -> memref<1x128x64xf32, #tpu.memory_space<vmem>>
      %get3A_992 = tpu.memref_squeeze %get3A_991 : memref<1x128x64xf32, #tpu.memory_space<vmem>> -> memref<128x64xf32, #tpu.memory_space<vmem>>
      %get3A_993 = arith.index_cast %scan3A_973 : i32 to index
      %get3A_994 = arith.constant 32 : index
      %get3A_995 = tpu.vector_load %get3A_992[%get3A_993, %get3A_994] {strides = array<i32>} : memref<128x64xf32, #tpu.memory_space<vmem>>, vector<1x16xf32>,
      %get3A_996 = vector.shape_cast %get3A_995 : vector<1x16xf32> to vector<16xf32>
      %get3A_997 = arith.constant 0 : i32
      %get3A_998 = arith.constant 0 : i32
      %get3A_999 = tpu.memref_slice %arg12[%scan3A_347, %get3A_997, %get3A_998] : memref<2x128x64xf32, #tpu.memory_space<vmem>> -> memref<1x128x64xf32, #tpu.memory_space<vmem>>
      %get3A_1000 = tpu.memref_squeeze %get3A_999 : memref<1x128x64xf32, #tpu.memory_space<vmem>> -> memref<128x64xf32, #tpu.memory_space<vmem>>
      %get3A_1001 = arith.index_cast %scan3A_973 : i32 to index
      %get3A_1002 = arith.constant 48 : index
      %get3A_1003 = tpu.vector_load %get3A_1000[%get3A_1001, %get3A_1002] {strides = array<i32>} : memref<128x64xf32, #tpu.memory_space<vmem>>, vector<1x16xf32>,
      %get3A_1004 = vector.shape_cast %get3A_1003 : vector<1x16xf32> to vector<16xf32>
      %get3A_1005 = arith.constant 0 : i32
      %get3A_1006 = arith.constant 0 : i32
      %get3A_1007 = tpu.memref_slice %arg13[%scan3A_348, %get3A_1005, %get3A_1006] : memref<2x128x64xf32, #tpu.memory_space<vmem>> -> memref<1x128x64xf32, #tpu.memory_space<vmem>>
      %get3A_1008 = tpu.memref_squeeze %get3A_1007 : memref<1x128x64xf32, #tpu.memory_space<vmem>> -> memref<128x64xf32, #tpu.memory_space<vmem>>
      %get3A_1009 = arith.index_cast %scan3A_973 : i32 to index
      %get3A_1010 = arith.constant 0 : index
      %get3A_1011 = tpu.vector_load %get3A_1008[%get3A_1009, %get3A_1010] {strides = array<i32>} : memref<128x64xf32, #tpu.memory_space<vmem>>, vector<1x16xf32>,
      %get3A_1012 = vector.shape_cast %get3A_1011 : vector<1x16xf32> to vector<16xf32>
      %get3A_1013 = arith.constant 0 : i32
      %get3A_1014 = arith.constant 0 : i32
      %get3A_1015 = tpu.memref_slice %arg13[%scan3A_348, %get3A_1013, %get3A_1014] : memref<2x128x64xf32, #tpu.memory_space<vmem>> -> memref<1x128x64xf32, #tpu.memory_space<vmem>>
      %get3A_1016 = tpu.memref_squeeze %get3A_1015 : memref<1x128x64xf32, #tpu.memory_space<vmem>> -> memref<128x64xf32, #tpu.memory_space<vmem>>
      %get3A_1017 = arith.index_cast %scan3A_973 : i32 to index
      %get3A_1018 = arith.constant 16 : index
      %get3A_1019 = tpu.vector_load %get3A_1016[%get3A_1017, %get3A_1018] {strides = array<i32>} : memref<128x64xf32, #tpu.memory_space<vmem>>, vector<1x16xf32>,
      %get3A_1020 = vector.shape_cast %get3A_1019 : vector<1x16xf32> to vector<16xf32>
      %get3A_1021 = arith.constant 0 : i32
      %get3A_1022 = arith.constant 0 : i32
      %get3A_1023 = tpu.memref_slice %arg13[%scan3A_348, %get3A_1021, %get3A_1022] : memref<2x128x64xf32, #tpu.memory_space<vmem>> -> memref<1x128x64xf32, #tpu.memory_space<vmem>>
      %get3A_1024 = tpu.memref_squeeze %get3A_1023 : memref<1x128x64xf32, #tpu.memory_space<vmem>> -> memref<128x64xf32, #tpu.memory_space<vmem>>
      %get3A_1025 = arith.index_cast %scan3A_973 : i32 to index
      %get3A_1026 = arith.constant 32 : index
      %get3A_1027 = tpu.vector_load %get3A_1024[%get3A_1025, %get3A_1026] {strides = array<i32>} : memref<128x64xf32, #tpu.memory_space<vmem>>, vector<1x16xf32>,
      %get3A_1028 = vector.shape_cast %get3A_1027 : vector<1x16xf32> to vector<16xf32>
      %get3A_1029 = arith.constant 0 : i32
      %get3A_1030 = arith.constant 0 : i32
      %get3A_1031 = tpu.memref_slice %arg13[%scan3A_348, %get3A_1029, %get3A_1030] : memref<2x128x64xf32, #tpu.memory_space<vmem>> -> memref<1x128x64xf32, #tpu.memory_space<vmem>>
      %get3A_1032 = tpu.memref_squeeze %get3A_1031 : memref<1x128x64xf32, #tpu.memory_space<vmem>> -> memref<128x64xf32, #tpu.memory_space<vmem>>
      %get3A_1033 = arith.index_cast %scan3A_973 : i32 to index
      %get3A_1034 = arith.constant 48 : index
      %get3A_1035 = tpu.vector_load %get3A_1032[%get3A_1033, %get3A_1034] {strides = array<i32>} : memref<128x64xf32, #tpu.memory_space<vmem>>, vector<1x16xf32>,
      %get3A_1036 = vector.shape_cast %get3A_1035 : vector<1x16xf32> to vector<16xf32>
      %mul3A_1037 = arith.mulf %get3A_980, %get3A_1012 : vector<16xf32>
      %mul3A_1038 = arith.mulf %get3A_988, %get3A_1020 : vector<16xf32>
      %add3A_1039 = arith.addf %mul3A_1037, %mul3A_1038 : vector<16xf32>
      %mul3A_1040 = arith.mulf %get3A_996, %get3A_1028 : vector<16xf32>
      %add3A_1041 = arith.addf %add3A_1039, %mul3A_1040 : vector<16xf32>
      %mul3A_1042 = arith.mulf %get3A_1004, %get3A_1036 : vector<16xf32>
      %add3A_1043 = arith.addf %add3A_1041, %mul3A_1042 : vector<16xf32>
      %mul3A_1044 = arith.constant 16 : i32
      %mul3A_1045 = arith.muli %scan3A_973, %mul3A_1044 : i32
      %swap3A = arith.index_cast %mul3A_1045 : i32 to index
      %swap3A_1046 = tpu.vector_load %arg15[%swap3A] {strides = array<i32>} : memref<2048xf32, #tpu.memory_space<vmem>>, vector<16xf32>,
      %swap3A_1047 = vector.shape_cast %swap3A_1046 : vector<16xf32> to vector<16xf32>
      %swap3A_1048 = vector.shape_cast %add3A_1043 : vector<16xf32> to vector<16xf32>
      tpu.vector_store %arg15[%swap3A], %swap3A_1048 {strides = array<i32>} : memref<2048xf32, #tpu.memory_space<vmem>>, vector<16xf32>,
      %mul3A_1049 = arith.constant 5 : i32
      %mul3A_1050 = arith.muli %scan3A_973, %mul3A_1049 : i32
      %get3A_1051 = arith.constant 0 : i32
      %get3A_1052 = arith.constant 0 : i32
      %get3A_1053 = tpu.memref_slice %arg14[%scan3A_349, %get3A_1051, %get3A_1052] : memref<2x640x64xf32, #tpu.memory_space<vmem>> -> memref<1x640x64xf32, #tpu.memory_space<vmem>>
      %get3A_1054 = tpu.memref_squeeze %get3A_1053 : memref<1x640x64xf32, #tpu.memory_space<vmem>> -> memref<640x64xf32, #tpu.memory_space<vmem>>
      %get3A_1055 = arith.index_cast %mul3A_1050 : i32 to index
      %get3A_1056 = arith.constant 0 : index
      %get3A_1057 = tpu.vector_load %get3A_1054[%get3A_1055, %get3A_1056] {strides = array<i32>} : memref<640x64xf32, #tpu.memory_space<vmem>>, vector<1x16xf32>,
      %get3A_1058 = vector.shape_cast %get3A_1057 : vector<1x16xf32> to vector<16xf32>
      %mul3A_1059 = arith.constant 5 : i32
      %mul3A_1060 = arith.muli %scan3A_973, %mul3A_1059 : i32
      %get3A_1061 = arith.constant 0 : i32
      %get3A_1062 = arith.constant 0 : i32
      %get3A_1063 = tpu.memref_slice %arg14[%scan3A_349, %get3A_1061, %get3A_1062] : memref<2x640x64xf32, #tpu.memory_space<vmem>> -> memref<1x640x64xf32, #tpu.memory_space<vmem>>
      %get3A_1064 = tpu.memref_squeeze %get3A_1063 : memref<1x640x64xf32, #tpu.memory_space<vmem>> -> memref<640x64xf32, #tpu.memory_space<vmem>>
      %get3A_1065 = arith.index_cast %mul3A_1060 : i32 to index
      %get3A_1066 = arith.constant 16 : index
      %get3A_1067 = tpu.vector_load %get3A_1064[%get3A_1065, %get3A_1066] {strides = array<i32>} : memref<640x64xf32, #tpu.memory_space<vmem>>, vector<1x16xf32>,
      %get3A_1068 = vector.shape_cast %get3A_1067 : vector<1x16xf32> to vector<16xf32>
      %mul3A_1069 = arith.constant 5 : i32
      %mul3A_1070 = arith.muli %scan3A_973, %mul3A_1069 : i32
      %get3A_1071 = arith.constant 0 : i32
      %get3A_1072 = arith.constant 0 : i32
      %get3A_1073 = tpu.memref_slice %arg14[%scan3A_349, %get3A_1071, %get3A_1072] : memref<2x640x64xf32, #tpu.memory_space<vmem>> -> memref<1x640x64xf32, #tpu.memory_space<vmem>>
      %get3A_1074 = tpu.memref_squeeze %get3A_1073 : memref<1x640x64xf32, #tpu.memory_space<vmem>> -> memref<640x64xf32, #tpu.memory_space<vmem>>
      %get3A_1075 = arith.index_cast %mul3A_1070 : i32 to index
      %get3A_1076 = arith.constant 32 : index
      %get3A_1077 = tpu.vector_load %get3A_1074[%get3A_1075, %get3A_1076] {strides = array<i32>} : memref<640x64xf32, #tpu.memory_space<vmem>>, vector<1x16xf32>,
      %get3A_1078 = vector.shape_cast %get3A_1077 : vector<1x16xf32> to vector<16xf32>
      %mul3A_1079 = arith.constant 5 : i32
      %mul3A_1080 = arith.muli %scan3A_973, %mul3A_1079 : i32
      %get3A_1081 = arith.constant 0 : i32
      %get3A_1082 = arith.constant 0 : i32
      %get3A_1083 = tpu.memref_slice %arg14[%scan3A_349, %get3A_1081, %get3A_1082] : memref<2x640x64xf32, #tpu.memory_space<vmem>> -> memref<1x640x64xf32, #tpu.memory_space<vmem>>
      %get3A_1084 = tpu.memref_squeeze %get3A_1083 : memref<1x640x64xf32, #tpu.memory_space<vmem>> -> memref<640x64xf32, #tpu.memory_space<vmem>>
      %get3A_1085 = arith.index_cast %mul3A_1080 : i32 to index
      %get3A_1086 = arith.constant 48 : index
      %get3A_1087 = tpu.vector_load %get3A_1084[%get3A_1085, %get3A_1086] {strides = array<i32>} : memref<640x64xf32, #tpu.memory_space<vmem>>, vector<1x16xf32>,
      %get3A_1088 = vector.shape_cast %get3A_1087 : vector<1x16xf32> to vector<16xf32>
      %mul3A_1089 = arith.constant 5 : i32
      %mul3A_1090 = arith.muli %scan3A_973, %mul3A_1089 : i32
      %add3A_1091 = arith.constant 1 : i32
      %add3A_1092 = arith.addi %mul3A_1090, %add3A_1091 : i32
      %get3A_1093 = arith.constant 0 : i32
      %get3A_1094 = arith.constant 0 : i32
      %get3A_1095 = tpu.memref_slice %arg14[%scan3A_349, %get3A_1093, %get3A_1094] : memref<2x640x64xf32, #tpu.memory_space<vmem>> -> memref<1x640x64xf32, #tpu.memory_space<vmem>>
      %get3A_1096 = tpu.memref_squeeze %get3A_1095 : memref<1x640x64xf32, #tpu.memory_space<vmem>> -> memref<640x64xf32, #tpu.memory_space<vmem>>
      %get3A_1097 = arith.index_cast %add3A_1092 : i32 to index
      %get3A_1098 = arith.constant 0 : index
      %get3A_1099 = tpu.vector_load %get3A_1096[%get3A_1097, %get3A_1098] {strides = array<i32>} : memref<640x64xf32, #tpu.memory_space<vmem>>, vector<1x16xf32>,
      %get3A_1100 = vector.shape_cast %get3A_1099 : vector<1x16xf32> to vector<16xf32>
      %add3A_1101 = arith.addf %get3A_1058, %get3A_1100 : vector<16xf32>
      %mul3A_1102 = arith.constant 5 : i32
      %mul3A_1103 = arith.muli %scan3A_973, %mul3A_1102 : i32
      %add3A_1104 = arith.constant 1 : i32
      %add3A_1105 = arith.addi %mul3A_1103, %add3A_1104 : i32
      %get3A_1106 = arith.constant 0 : i32
      %get3A_1107 = arith.constant 0 : i32
      %get3A_1108 = tpu.memref_slice %arg14[%scan3A_349, %get3A_1106, %get3A_1107] : memref<2x640x64xf32, #tpu.memory_space<vmem>> -> memref<1x640x64xf32, #tpu.memory_space<vmem>>
      %get3A_1109 = tpu.memref_squeeze %get3A_1108 : memref<1x640x64xf32, #tpu.memory_space<vmem>> -> memref<640x64xf32, #tpu.memory_space<vmem>>
      %get3A_1110 = arith.index_cast %add3A_1105 : i32 to index
      %get3A_1111 = arith.constant 16 : index
      %get3A_1112 = tpu.vector_load %get3A_1109[%get3A_1110, %get3A_1111] {strides = array<i32>} : memref<640x64xf32, #tpu.memory_space<vmem>>, vector<1x16xf32>,
      %get3A_1113 = vector.shape_cast %get3A_1112 : vector<1x16xf32> to vector<16xf32>
      %add3A_1114 = arith.addf %get3A_1068, %get3A_1113 : vector<16xf32>
      %mul3A_1115 = arith.constant 5 : i32
      %mul3A_1116 = arith.muli %scan3A_973, %mul3A_1115 : i32
      %add3A_1117 = arith.constant 1 : i32
      %add3A_1118 = arith.addi %mul3A_1116, %add3A_1117 : i32
      %get3A_1119 = arith.constant 0 : i32
      %get3A_1120 = arith.constant 0 : i32
      %get3A_1121 = tpu.memref_slice %arg14[%scan3A_349, %get3A_1119, %get3A_1120] : memref<2x640x64xf32, #tpu.memory_space<vmem>> -> memref<1x640x64xf32, #tpu.memory_space<vmem>>
      %get3A_1122 = tpu.memref_squeeze %get3A_1121 : memref<1x640x64xf32, #tpu.memory_space<vmem>> -> memref<640x64xf32, #tpu.memory_space<vmem>>
      %get3A_1123 = arith.index_cast %add3A_1118 : i32 to index
      %get3A_1124 = arith.constant 32 : index
      %get3A_1125 = tpu.vector_load %get3A_1122[%get3A_1123, %get3A_1124] {strides = array<i32>} : memref<640x64xf32, #tpu.memory_space<vmem>>, vector<1x16xf32>,
      %get3A_1126 = vector.shape_cast %get3A_1125 : vector<1x16xf32> to vector<16xf32>
      %add3A_1127 = arith.addf %get3A_1078, %get3A_1126 : vector<16xf32>
      %mul3A_1128 = arith.constant 5 : i32
      %mul3A_1129 = arith.muli %scan3A_973, %mul3A_1128 : i32
      %add3A_1130 = arith.constant 1 : i32
      %add3A_1131 = arith.addi %mul3A_1129, %add3A_1130 : i32
      %get3A_1132 = arith.constant 0 : i32
      %get3A_1133 = arith.constant 0 : i32
      %get3A_1134 = tpu.memref_slice %arg14[%scan3A_349, %get3A_1132, %get3A_1133] : memref<2x640x64xf32, #tpu.memory_space<vmem>> -> memref<1x640x64xf32, #tpu.memory_space<vmem>>
      %get3A_1135 = tpu.memref_squeeze %get3A_1134 : memref<1x640x64xf32, #tpu.memory_space<vmem>> -> memref<640x64xf32, #tpu.memory_space<vmem>>
      %get3A_1136 = arith.index_cast %add3A_1131 : i32 to index
      %get3A_1137 = arith.constant 48 : index
      %get3A_1138 = tpu.vector_load %get3A_1135[%get3A_1136, %get3A_1137] {strides = array<i32>} : memref<640x64xf32, #tpu.memory_space<vmem>>, vector<1x16xf32>,
      %get3A_1139 = vector.shape_cast %get3A_1138 : vector<1x16xf32> to vector<16xf32>
      %add3A_1140 = arith.addf %get3A_1088, %get3A_1139 : vector<16xf32>
      %mul3A_1141 = arith.constant 5 : i32
      %mul3A_1142 = arith.muli %scan3A_973, %mul3A_1141 : i32
      %add3A_1143 = arith.constant 2 : i32
      %add3A_1144 = arith.addi %mul3A_1142, %add3A_1143 : i32
      %get3A_1145 = arith.constant 0 : i32
      %get3A_1146 = arith.constant 0 : i32
      %get3A_1147 = tpu.memref_slice %arg14[%scan3A_349, %get3A_1145, %get3A_1146] : memref<2x640x64xf32, #tpu.memory_space<vmem>> -> memref<1x640x64xf32, #tpu.memory_space<vmem>>
      %get3A_1148 = tpu.memref_squeeze %get3A_1147 : memref<1x640x64xf32, #tpu.memory_space<vmem>> -> memref<640x64xf32, #tpu.memory_space<vmem>>
      %get3A_1149 = arith.index_cast %add3A_1144 : i32 to index
      %get3A_1150 = arith.constant 0 : index
      %get3A_1151 = tpu.vector_load %get3A_1148[%get3A_1149, %get3A_1150] {strides = array<i32>} : memref<640x64xf32, #tpu.memory_space<vmem>>, vector<1x16xf32>,
      %get3A_1152 = vector.shape_cast %get3A_1151 : vector<1x16xf32> to vector<16xf32>
      %add3A_1153 = arith.addf %add3A_1101, %get3A_1152 : vector<16xf32>
      %mul3A_1154 = arith.constant 5 : i32
      %mul3A_1155 = arith.muli %scan3A_973, %mul3A_1154 : i32
      %add3A_1156 = arith.constant 2 : i32
      %add3A_1157 = arith.addi %mul3A_1155, %add3A_1156 : i32
      %get3A_1158 = arith.constant 0 : i32
      %get3A_1159 = arith.constant 0 : i32
      %get3A_1160 = tpu.memref_slice %arg14[%scan3A_349, %get3A_1158, %get3A_1159] : memref<2x640x64xf32, #tpu.memory_space<vmem>> -> memref<1x640x64xf32, #tpu.memory_space<vmem>>
      %get3A_1161 = tpu.memref_squeeze %get3A_1160 : memref<1x640x64xf32, #tpu.memory_space<vmem>> -> memref<640x64xf32, #tpu.memory_space<vmem>>
      %get3A_1162 = arith.index_cast %add3A_1157 : i32 to index
      %get3A_1163 = arith.constant 16 : index
      %get3A_1164 = tpu.vector_load %get3A_1161[%get3A_1162, %get3A_1163] {strides = array<i32>} : memref<640x64xf32, #tpu.memory_space<vmem>>, vector<1x16xf32>,
      %get3A_1165 = vector.shape_cast %get3A_1164 : vector<1x16xf32> to vector<16xf32>
      %add3A_1166 = arith.addf %add3A_1114, %get3A_1165 : vector<16xf32>
      %mul3A_1167 = arith.constant 5 : i32
      %mul3A_1168 = arith.muli %scan3A_973, %mul3A_1167 : i32
      %add3A_1169 = arith.constant 2 : i32
      %add3A_1170 = arith.addi %mul3A_1168, %add3A_1169 : i32
      %get3A_1171 = arith.constant 0 : i32
      %get3A_1172 = arith.constant 0 : i32
      %get3A_1173 = tpu.memref_slice %arg14[%scan3A_349, %get3A_1171, %get3A_1172] : memref<2x640x64xf32, #tpu.memory_space<vmem>> -> memref<1x640x64xf32, #tpu.memory_space<vmem>>
      %get3A_1174 = tpu.memref_squeeze %get3A_1173 : memref<1x640x64xf32, #tpu.memory_space<vmem>> -> memref<640x64xf32, #tpu.memory_space<vmem>>
      %get3A_1175 = arith.index_cast %add3A_1170 : i32 to index
      %get3A_1176 = arith.constant 32 : index
      %get3A_1177 = tpu.vector_load %get3A_1174[%get3A_1175, %get3A_1176] {strides = array<i32>} : memref<640x64xf32, #tpu.memory_space<vmem>>, vector<1x16xf32>,
      %get3A_1178 = vector.shape_cast %get3A_1177 : vector<1x16xf32> to vector<16xf32>
      %add3A_1179 = arith.addf %add3A_1127, %get3A_1178 : vector<16xf32>
      %mul3A_1180 = arith.constant 5 : i32
      %mul3A_1181 = arith.muli %scan3A_973, %mul3A_1180 : i32
      %add3A_1182 = arith.constant 2 : i32
      %add3A_1183 = arith.addi %mul3A_1181, %add3A_1182 : i32
      %get3A_1184 = arith.constant 0 : i32
      %get3A_1185 = arith.constant 0 : i32
      %get3A_1186 = tpu.memref_slice %arg14[%scan3A_349, %get3A_1184, %get3A_1185] : memref<2x640x64xf32, #tpu.memory_space<vmem>> -> memref<1x640x64xf32, #tpu.memory_space<vmem>>
      %get3A_1187 = tpu.memref_squeeze %get3A_1186 : memref<1x640x64xf32, #tpu.memory_space<vmem>> -> memref<640x64xf32, #tpu.memory_space<vmem>>
      %get3A_1188 = arith.index_cast %add3A_1183 : i32 to index
      %get3A_1189 = arith.constant 48 : index
      %get3A_1190 = tpu.vector_load %get3A_1187[%get3A_1188, %get3A_1189] {strides = array<i32>} : memref<640x64xf32, #tpu.memory_space<vmem>>, vector<1x16xf32>,
      %get3A_1191 = vector.shape_cast %get3A_1190 : vector<1x16xf32> to vector<16xf32>
      %add3A_1192 = arith.addf %add3A_1140, %get3A_1191 : vector<16xf32>
      %mul3A_1193 = arith.constant 5 : i32
      %mul3A_1194 = arith.muli %scan3A_973, %mul3A_1193 : i32
      %add3A_1195 = arith.constant 3 : i32
      %add3A_1196 = arith.addi %mul3A_1194, %add3A_1195 : i32
      %get3A_1197 = arith.constant 0 : i32
      %get3A_1198 = arith.constant 0 : i32
      %get3A_1199 = tpu.memref_slice %arg14[%scan3A_349, %get3A_1197, %get3A_1198] : memref<2x640x64xf32, #tpu.memory_space<vmem>> -> memref<1x640x64xf32, #tpu.memory_space<vmem>>
      %get3A_1200 = tpu.memref_squeeze %get3A_1199 : memref<1x640x64xf32, #tpu.memory_space<vmem>> -> memref<640x64xf32, #tpu.memory_space<vmem>>
      %get3A_1201 = arith.index_cast %add3A_1196 : i32 to index
      %get3A_1202 = arith.constant 0 : index
      %get3A_1203 = tpu.vector_load %get3A_1200[%get3A_1201, %get3A_1202] {strides = array<i32>} : memref<640x64xf32, #tpu.memory_space<vmem>>, vector<1x16xf32>,
      %get3A_1204 = vector.shape_cast %get3A_1203 : vector<1x16xf32> to vector<16xf32>
      %add3A_1205 = arith.addf %add3A_1153, %get3A_1204 : vector<16xf32>
      %mul3A_1206 = arith.constant 5 : i32
      %mul3A_1207 = arith.muli %scan3A_973, %mul3A_1206 : i32
      %add3A_1208 = arith.constant 3 : i32
      %add3A_1209 = arith.addi %mul3A_1207, %add3A_1208 : i32
      %get3A_1210 = arith.constant 0 : i32
      %get3A_1211 = arith.constant 0 : i32
      %get3A_1212 = tpu.memref_slice %arg14[%scan3A_349, %get3A_1210, %get3A_1211] : memref<2x640x64xf32, #tpu.memory_space<vmem>> -> memref<1x640x64xf32, #tpu.memory_space<vmem>>
      %get3A_1213 = tpu.memref_squeeze %get3A_1212 : memref<1x640x64xf32, #tpu.memory_space<vmem>> -> memref<640x64xf32, #tpu.memory_space<vmem>>
      %get3A_1214 = arith.index_cast %add3A_1209 : i32 to index
      %get3A_1215 = arith.constant 16 : index
      %get3A_1216 = tpu.vector_load %get3A_1213[%get3A_1214, %get3A_1215] {strides = array<i32>} : memref<640x64xf32, #tpu.memory_space<vmem>>, vector<1x16xf32>,
      %get3A_1217 = vector.shape_cast %get3A_1216 : vector<1x16xf32> to vector<16xf32>
      %add3A_1218 = arith.addf %add3A_1166, %get3A_1217 : vector<16xf32>
      %mul3A_1219 = arith.constant 5 : i32
      %mul3A_1220 = arith.muli %scan3A_973, %mul3A_1219 : i32
      %add3A_1221 = arith.constant 3 : i32
      %add3A_1222 = arith.addi %mul3A_1220, %add3A_1221 : i32
      %get3A_1223 = arith.constant 0 : i32
      %get3A_1224 = arith.constant 0 : i32
      %get3A_1225 = tpu.memref_slice %arg14[%scan3A_349, %get3A_1223, %get3A_1224] : memref<2x640x64xf32, #tpu.memory_space<vmem>> -> memref<1x640x64xf32, #tpu.memory_space<vmem>>
      %get3A_1226 = tpu.memref_squeeze %get3A_1225 : memref<1x640x64xf32, #tpu.memory_space<vmem>> -> memref<640x64xf32, #tpu.memory_space<vmem>>
      %get3A_1227 = arith.index_cast %add3A_1222 : i32 to index
      %get3A_1228 = arith.constant 32 : index
      %get3A_1229 = tpu.vector_load %get3A_1226[%get3A_1227, %get3A_1228] {strides = array<i32>} : memref<640x64xf32, #tpu.memory_space<vmem>>, vector<1x16xf32>,
      %get3A_1230 = vector.shape_cast %get3A_1229 : vector<1x16xf32> to vector<16xf32>
      %add3A_1231 = arith.addf %add3A_1179, %get3A_1230 : vector<16xf32>
      %mul3A_1232 = arith.constant 5 : i32
      %mul3A_1233 = arith.muli %scan3A_973, %mul3A_1232 : i32
      %add3A_1234 = arith.constant 3 : i32
      %add3A_1235 = arith.addi %mul3A_1233, %add3A_1234 : i32
      %get3A_1236 = arith.constant 0 : i32
      %get3A_1237 = arith.constant 0 : i32
      %get3A_1238 = tpu.memref_slice %arg14[%scan3A_349, %get3A_1236, %get3A_1237] : memref<2x640x64xf32, #tpu.memory_space<vmem>> -> memref<1x640x64xf32, #tpu.memory_space<vmem>>
      %get3A_1239 = tpu.memref_squeeze %get3A_1238 : memref<1x640x64xf32, #tpu.memory_space<vmem>> -> memref<640x64xf32, #tpu.memory_space<vmem>>
      %get3A_1240 = arith.index_cast %add3A_1235 : i32 to index
      %get3A_1241 = arith.constant 48 : index
      %get3A_1242 = tpu.vector_load %get3A_1239[%get3A_1240, %get3A_1241] {strides = array<i32>} : memref<640x64xf32, #tpu.memory_space<vmem>>, vector<1x16xf32>,
      %get3A_1243 = vector.shape_cast %get3A_1242 : vector<1x16xf32> to vector<16xf32>
      %add3A_1244 = arith.addf %add3A_1192, %get3A_1243 : vector<16xf32>
      %mul3A_1245 = arith.constant 5 : i32
      %mul3A_1246 = arith.muli %scan3A_973, %mul3A_1245 : i32
      %add3A_1247 = arith.constant 4 : i32
      %add3A_1248 = arith.addi %mul3A_1246, %add3A_1247 : i32
      %get3A_1249 = arith.constant 0 : i32
      %get3A_1250 = arith.constant 0 : i32
      %get3A_1251 = tpu.memref_slice %arg14[%scan3A_349, %get3A_1249, %get3A_1250] : memref<2x640x64xf32, #tpu.memory_space<vmem>> -> memref<1x640x64xf32, #tpu.memory_space<vmem>>
      %get3A_1252 = tpu.memref_squeeze %get3A_1251 : memref<1x640x64xf32, #tpu.memory_space<vmem>> -> memref<640x64xf32, #tpu.memory_space<vmem>>
      %get3A_1253 = arith.index_cast %add3A_1248 : i32 to index
      %get3A_1254 = arith.constant 0 : index
      %get3A_1255 = tpu.vector_load %get3A_1252[%get3A_1253, %get3A_1254] {strides = array<i32>} : memref<640x64xf32, #tpu.memory_space<vmem>>, vector<1x16xf32>,
      %get3A_1256 = vector.shape_cast %get3A_1255 : vector<1x16xf32> to vector<16xf32>
      %add3A_1257 = arith.addf %add3A_1205, %get3A_1256 : vector<16xf32>
      %mul3A_1258 = arith.constant 5 : i32
      %mul3A_1259 = arith.muli %scan3A_973, %mul3A_1258 : i32
      %add3A_1260 = arith.constant 4 : i32
      %add3A_1261 = arith.addi %mul3A_1259, %add3A_1260 : i32
      %get3A_1262 = arith.constant 0 : i32
      %get3A_1263 = arith.constant 0 : i32
      %get3A_1264 = tpu.memref_slice %arg14[%scan3A_349, %get3A_1262, %get3A_1263] : memref<2x640x64xf32, #tpu.memory_space<vmem>> -> memref<1x640x64xf32, #tpu.memory_space<vmem>>
      %get3A_1265 = tpu.memref_squeeze %get3A_1264 : memref<1x640x64xf32, #tpu.memory_space<vmem>> -> memref<640x64xf32, #tpu.memory_space<vmem>>
      %get3A_1266 = arith.index_cast %add3A_1261 : i32 to index
      %get3A_1267 = arith.constant 16 : index
      %get3A_1268 = tpu.vector_load %get3A_1265[%get3A_1266, %get3A_1267] {strides = array<i32>} : memref<640x64xf32, #tpu.memory_space<vmem>>, vector<1x16xf32>,
      %get3A_1269 = vector.shape_cast %get3A_1268 : vector<1x16xf32> to vector<16xf32>
      %add3A_1270 = arith.addf %add3A_1218, %get3A_1269 : vector<16xf32>
      %mul3A_1271 = arith.constant 5 : i32
      %mul3A_1272 = arith.muli %scan3A_973, %mul3A_1271 : i32
      %add3A_1273 = arith.constant 4 : i32
      %add3A_1274 = arith.addi %mul3A_1272, %add3A_1273 : i32
      %get3A_1275 = arith.constant 0 : i32
      %get3A_1276 = arith.constant 0 : i32
      %get3A_1277 = tpu.memref_slice %arg14[%scan3A_349, %get3A_1275, %get3A_1276] : memref<2x640x64xf32, #tpu.memory_space<vmem>> -> memref<1x640x64xf32, #tpu.memory_space<vmem>>
      %get3A_1278 = tpu.memref_squeeze %get3A_1277 : memref<1x640x64xf32, #tpu.memory_space<vmem>> -> memref<640x64xf32, #tpu.memory_space<vmem>>
      %get3A_1279 = arith.index_cast %add3A_1274 : i32 to index
      %get3A_1280 = arith.constant 32 : index
      %get3A_1281 = tpu.vector_load %get3A_1278[%get3A_1279, %get3A_1280] {strides = array<i32>} : memref<640x64xf32, #tpu.memory_space<vmem>>, vector<1x16xf32>,
      %get3A_1282 = vector.shape_cast %get3A_1281 : vector<1x16xf32> to vector<16xf32>
      %add3A_1283 = arith.addf %add3A_1231, %get3A_1282 : vector<16xf32>
      %mul3A_1284 = arith.constant 5 : i32
      %mul3A_1285 = arith.muli %scan3A_973, %mul3A_1284 : i32
      %add3A_1286 = arith.constant 4 : i32
      %add3A_1287 = arith.addi %mul3A_1285, %add3A_1286 : i32
      %get3A_1288 = arith.constant 0 : i32
      %get3A_1289 = arith.constant 0 : i32
      %get3A_1290 = tpu.memref_slice %arg14[%scan3A_349, %get3A_1288, %get3A_1289] : memref<2x640x64xf32, #tpu.memory_space<vmem>> -> memref<1x640x64xf32, #tpu.memory_space<vmem>>
      %get3A_1291 = tpu.memref_squeeze %get3A_1290 : memref<1x640x64xf32, #tpu.memory_space<vmem>> -> memref<640x64xf32, #tpu.memory_space<vmem>>
      %get3A_1292 = arith.index_cast %add3A_1287 : i32 to index
      %get3A_1293 = arith.constant 48 : index
      %get3A_1294 = tpu.vector_load %get3A_1291[%get3A_1292, %get3A_1293] {strides = array<i32>} : memref<640x64xf32, #tpu.memory_space<vmem>>, vector<1x16xf32>,
      %get3A_1295 = vector.shape_cast %get3A_1294 : vector<1x16xf32> to vector<16xf32>
      %add3A_1296 = arith.addf %add3A_1244, %get3A_1295 : vector<16xf32>
      %mul3A_1297 = arith.mulf %get3A_980, %add3A_1257 : vector<16xf32>
      %mul3A_1298 = arith.mulf %get3A_988, %add3A_1270 : vector<16xf32>
      %add3A_1299 = arith.addf %mul3A_1297, %mul3A_1298 : vector<16xf32>
      %mul3A_1300 = arith.mulf %get3A_996, %add3A_1283 : vector<16xf32>
      %add3A_1301 = arith.addf %add3A_1299, %mul3A_1300 : vector<16xf32>
      %mul3A_1302 = arith.mulf %get3A_1004, %add3A_1296 : vector<16xf32>
      %add3A_1303 = arith.addf %add3A_1301, %mul3A_1302 : vector<16xf32>
      %mul3A_1304 = arith.constant 16 : i32
      %mul3A_1305 = arith.muli %scan3A_973, %mul3A_1304 : i32
      %swap3A_1306 = arith.index_cast %mul3A_1305 : i32 to index
      %swap3A_1307 = tpu.vector_load %arg16[%swap3A_1306] {strides = array<i32>} : memref<2048xf32, #tpu.memory_space<vmem>>, vector<16xf32>,
      %swap3A_1308 = vector.shape_cast %swap3A_1307 : vector<16xf32> to vector<16xf32>
      %swap3A_1309 = vector.shape_cast %add3A_1303 : vector<16xf32> to vector<16xf32>
      tpu.vector_store %arg16[%swap3A_1306], %swap3A_1309 {strides = array<i32>} : memref<2048xf32, #tpu.memory_space<vmem>>, vector<16xf32>,
    }
    %scan3A_354 = arith.constant 128 : i32
    %mul3A_355 = arith.constant 16 : i32
    %mul3A_356 = arith.muli %add3A_346, %mul3A_355 : i32
    "tpu.region"() ({
      %run_scoped3A_973 = tpu.sem_alloc : memref<!tpu.dma_semaphore, #tpu.memory_space<semaphore_mem>>
      %dma_start3A_974 = tpu.memref_slice %arg7[%mul3A_356] : memref<262144xf32, #tpu.memory_space<hbm>> -> memref<2048xf32, #tpu.memory_space<hbm>>
      %dma_start3A_975 = tpu.memref_slice %arg7[%mul3A_356] : memref<262144xf32, #tpu.memory_space<hbm>> -> memref<2048xf32, #tpu.memory_space<hbm>>
      tpu.enqueue_dma source(%arg15 : memref<2048xf32, #tpu.memory_space<vmem>>) target(%dma_start3A_975 : memref<2048xf32, #tpu.memory_space<hbm>>) target_semaphore(%run_scoped3A_973 : memref<!tpu.dma_semaphore, #tpu.memory_space<semaphore_mem>>)
      %dma_wait3A_976 = tpu.memref_slice %arg7[%mul3A_356] : memref<262144xf32, #tpu.memory_space<hbm>> -> memref<2048xf32, #tpu.memory_space<hbm>>
      %dma_wait3A_977 = tpu.memref_slice %arg7[%mul3A_356] : memref<262144xf32, #tpu.memory_space<hbm>> -> memref<2048xf32, #tpu.memory_space<hbm>>
      tpu.wait_dma2 semaphore(%run_scoped3A_973 : memref<!tpu.dma_semaphore, #tpu.memory_space<semaphore_mem>>) src(%arg15 : memref<2048xf32, #tpu.memory_space<vmem>>) dst(%dma_wait3A_977 : memref<2048xf32, #tpu.memory_space<hbm>>)
      tpu.yield
    }) : () -> ()
    %mul3A_357 = arith.constant 16 : i32
    %mul3A_358 = arith.muli %add3A_346, %mul3A_357 : i32
    "tpu.region"() ({
      %run_scoped3A_973 = tpu.sem_alloc : memref<!tpu.dma_semaphore, #tpu.memory_space<semaphore_mem>>
      %dma_start3A_974 = tpu.memref_slice %arg8[%mul3A_358] : memref<262144xf32, #tpu.memory_space<hbm>> -> memref<2048xf32, #tpu.memory_space<hbm>>
      %dma_start3A_975 = tpu.memref_slice %arg8[%mul3A_358] : memref<262144xf32, #tpu.memory_space<hbm>> -> memref<2048xf32, #tpu.memory_space<hbm>>
      tpu.enqueue_dma source(%arg16 : memref<2048xf32, #tpu.memory_space<vmem>>) target(%dma_start3A_975 : memref<2048xf32, #tpu.memory_space<hbm>>) target_semaphore(%run_scoped3A_973 : memref<!tpu.dma_semaphore, #tpu.memory_space<semaphore_mem>>)
      %dma_wait3A_976 = tpu.memref_slice %arg8[%mul3A_358] : memref<262144xf32, #tpu.memory_space<hbm>> -> memref<2048xf32, #tpu.memory_space<hbm>>
      %dma_wait3A_977 = tpu.memref_slice %arg8[%mul3A_358] : memref<262144xf32, #tpu.memory_space<hbm>> -> memref<2048xf32, #tpu.memory_space<hbm>>
      tpu.wait_dma2 semaphore(%run_scoped3A_973 : memref<!tpu.dma_semaphore, #tpu.memory_space<semaphore_mem>>) src(%arg16 : memref<2048xf32, #tpu.memory_space<vmem>>) dst(%dma_wait3A_977 : memref<2048xf32, #tpu.memory_space<hbm>>)
      tpu.yield
    }) : () -> ()
    %mul3A_359 = arith.constant 512 : i32
    %mul3A_360 = arith.muli %add3A, %mul3A_359 : i32
    %add3A_361 = arith.constant 256 : i32
    %add3A_362 = arith.addi %mul3A_360, %add3A_361 : i32
    %run_scoped3A_363 = arith.constant 0 : i32
    "tpu.region"() ({
      %run_scoped3A_973 = tpu.sem_alloc : memref<!tpu.dma_semaphore, #tpu.memory_space<semaphore_mem>>
      %dma_start3A_974 = arith.constant 0 : i32
      %dma_start3A_975 = tpu.memref_slice %arg9[%run_scoped3A_363, %dma_start3A_974] : memref<2x128xi32, #tpu.memory_space<vmem>> -> memref<1x128xi32, #tpu.memory_space<vmem>>
      %dma_start3A_976 = tpu.memref_squeeze %dma_start3A_975 : memref<1x128xi32, #tpu.memory_space<vmem>> -> memref<128xi32, #tpu.memory_space<vmem>>
      %dma_start3A_977 = tpu.memref_slice %arg4[%add3A_362] : memref<16384xi32, #tpu.memory_space<hbm>> -> memref<128xi32, #tpu.memory_space<hbm>>
      %dma_start3A_978 = arith.constant 0 : i32
      %dma_start3A_979 = tpu.memref_slice %arg9[%run_scoped3A_363, %dma_start3A_978] : memref<2x128xi32, #tpu.memory_space<vmem>> -> memref<1x128xi32, #tpu.memory_space<vmem>>
      %dma_start3A_980 = tpu.memref_squeeze %dma_start3A_979 : memref<1x128xi32, #tpu.memory_space<vmem>> -> memref<128xi32, #tpu.memory_space<vmem>>
      %dma_start3A_981 = tpu.memref_slice %arg4[%add3A_362] : memref<16384xi32, #tpu.memory_space<hbm>> -> memref<128xi32, #tpu.memory_space<hbm>>
      tpu.enqueue_dma source(%dma_start3A_981 : memref<128xi32, #tpu.memory_space<hbm>>) target(%dma_start3A_980 : memref<128xi32, #tpu.memory_space<vmem>>) target_semaphore(%run_scoped3A_973 : memref<!tpu.dma_semaphore, #tpu.memory_space<semaphore_mem>>)
      %dma_wait3A_982 = arith.constant 0 : i32
      %dma_wait3A_983 = tpu.memref_slice %arg9[%run_scoped3A_363, %dma_wait3A_982] : memref<2x128xi32, #tpu.memory_space<vmem>> -> memref<1x128xi32, #tpu.memory_space<vmem>>
      %dma_wait3A_984 = tpu.memref_squeeze %dma_wait3A_983 : memref<1x128xi32, #tpu.memory_space<vmem>> -> memref<128xi32, #tpu.memory_space<vmem>>
      %dma_wait3A_985 = tpu.memref_slice %arg4[%add3A_362] : memref<16384xi32, #tpu.memory_space<hbm>> -> memref<128xi32, #tpu.memory_space<hbm>>
      %dma_wait3A_986 = arith.constant 0 : i32
      %dma_wait3A_987 = tpu.memref_slice %arg9[%run_scoped3A_363, %dma_wait3A_986] : memref<2x128xi32, #tpu.memory_space<vmem>> -> memref<1x128xi32, #tpu.memory_space<vmem>>
      %dma_wait3A_988 = tpu.memref_squeeze %dma_wait3A_987 : memref<1x128xi32, #tpu.memory_space<vmem>> -> memref<128xi32, #tpu.memory_space<vmem>>
      %dma_wait3A_989 = tpu.memref_slice %arg4[%add3A_362] : memref<16384xi32, #tpu.memory_space<hbm>> -> memref<128xi32, #tpu.memory_space<hbm>>
      tpu.wait_dma2 semaphore(%run_scoped3A_973 : memref<!tpu.dma_semaphore, #tpu.memory_space<semaphore_mem>>) src(%dma_wait3A_989 : memref<128xi32, #tpu.memory_space<hbm>>) dst(%dma_wait3A_988 : memref<128xi32, #tpu.memory_space<vmem>>)
      tpu.yield
    }) : () -> ()
    %run_scoped3A_364 = arith.constant 0 : i32
    "tpu.region"() ({
      %run_scoped3A_973 = tpu.sem_alloc : memref<!tpu.dma_semaphore, #tpu.memory_space<semaphore_mem>>
      %dma_start3A_974 = arith.constant 0 : i32
      %dma_start3A_975 = tpu.memref_slice %arg10[%run_scoped3A_364, %dma_start3A_974] : memref<2x128xi32, #tpu.memory_space<vmem>> -> memref<1x128xi32, #tpu.memory_space<vmem>>
      %dma_start3A_976 = tpu.memref_squeeze %dma_start3A_975 : memref<1x128xi32, #tpu.memory_space<vmem>> -> memref<128xi32, #tpu.memory_space<vmem>>
      %dma_start3A_977 = tpu.memref_slice %arg5[%add3A_362] : memref<16384xi32, #tpu.memory_space<hbm>> -> memref<128xi32, #tpu.memory_space<hbm>>
      %dma_start3A_978 = arith.constant 0 : i32
      %dma_start3A_979 = tpu.memref_slice %arg10[%run_scoped3A_364, %dma_start3A_978] : memref<2x128xi32, #tpu.memory_space<vmem>> -> memref<1x128xi32, #tpu.memory_space<vmem>>
      %dma_start3A_980 = tpu.memref_squeeze %dma_start3A_979 : memref<1x128xi32, #tpu.memory_space<vmem>> -> memref<128xi32, #tpu.memory_space<vmem>>
      %dma_start3A_981 = tpu.memref_slice %arg5[%add3A_362] : memref<16384xi32, #tpu.memory_space<hbm>> -> memref<128xi32, #tpu.memory_space<hbm>>
      tpu.enqueue_dma source(%dma_start3A_981 : memref<128xi32, #tpu.memory_space<hbm>>) target(%dma_start3A_980 : memref<128xi32, #tpu.memory_space<vmem>>) target_semaphore(%run_scoped3A_973 : memref<!tpu.dma_semaphore, #tpu.memory_space<semaphore_mem>>)
      %dma_wait3A_982 = arith.constant 0 : i32
      %dma_wait3A_983 = tpu.memref_slice %arg10[%run_scoped3A_364, %dma_wait3A_982] : memref<2x128xi32, #tpu.memory_space<vmem>> -> memref<1x128xi32, #tpu.memory_space<vmem>>
      %dma_wait3A_984 = tpu.memref_squeeze %dma_wait3A_983 : memref<1x128xi32, #tpu.memory_space<vmem>> -> memref<128xi32, #tpu.memory_space<vmem>>
      %dma_wait3A_985 = tpu.memref_slice %arg5[%add3A_362] : memref<16384xi32, #tpu.memory_space<hbm>> -> memref<128xi32, #tpu.memory_space<hbm>>
      %dma_wait3A_986 = arith.constant 0 : i32
      %dma_wait3A_987 = tpu.memref_slice %arg10[%run_scoped3A_364, %dma_wait3A_986] : memref<2x128xi32, #tpu.memory_space<vmem>> -> memref<1x128xi32, #tpu.memory_space<vmem>>
      %dma_wait3A_988 = tpu.memref_squeeze %dma_wait3A_987 : memref<1x128xi32, #tpu.memory_space<vmem>> -> memref<128xi32, #tpu.memory_space<vmem>>
      %dma_wait3A_989 = tpu.memref_slice %arg5[%add3A_362] : memref<16384xi32, #tpu.memory_space<hbm>> -> memref<128xi32, #tpu.memory_space<hbm>>
      tpu.wait_dma2 semaphore(%run_scoped3A_973 : memref<!tpu.dma_semaphore, #tpu.memory_space<semaphore_mem>>) src(%dma_wait3A_989 : memref<128xi32, #tpu.memory_space<hbm>>) dst(%dma_wait3A_988 : memref<128xi32, #tpu.memory_space<vmem>>)
      tpu.yield
    }) : () -> ()
    %mul3A_365 = arith.constant 5 : i32
    %mul3A_366 = arith.muli %add3A_362, %mul3A_365 : i32
    %run_scoped3A_367 = arith.constant 0 : i32
    "tpu.region"() ({
      %run_scoped3A_973 = tpu.sem_alloc : memref<!tpu.dma_semaphore, #tpu.memory_space<semaphore_mem>>
      %dma_start3A_974 = arith.constant 0 : i32
      %dma_start3A_975 = tpu.memref_slice %arg11[%run_scoped3A_367, %dma_start3A_974] : memref<2x640xi32, #tpu.memory_space<vmem>> -> memref<1x640xi32, #tpu.memory_space<vmem>>
      %dma_start3A_976 = tpu.memref_squeeze %dma_start3A_975 : memref<1x640xi32, #tpu.memory_space<vmem>> -> memref<640xi32, #tpu.memory_space<vmem>>
      %dma_start3A_977 = tpu.memref_slice %arg6[%mul3A_366] : memref<81920xi32, #tpu.memory_space<hbm>> -> memref<640xi32, #tpu.memory_space<hbm>>
      %dma_start3A_978 = arith.constant 0 : i32
      %dma_start3A_979 = tpu.memref_slice %arg11[%run_scoped3A_367, %dma_start3A_978] : memref<2x640xi32, #tpu.memory_space<vmem>> -> memref<1x640xi32, #tpu.memory_space<vmem>>
      %dma_start3A_980 = tpu.memref_squeeze %dma_start3A_979 : memref<1x640xi32, #tpu.memory_space<vmem>> -> memref<640xi32, #tpu.memory_space<vmem>>
      %dma_start3A_981 = tpu.memref_slice %arg6[%mul3A_366] : memref<81920xi32, #tpu.memory_space<hbm>> -> memref<640xi32, #tpu.memory_space<hbm>>
      tpu.enqueue_dma source(%dma_start3A_981 : memref<640xi32, #tpu.memory_space<hbm>>) target(%dma_start3A_980 : memref<640xi32, #tpu.memory_space<vmem>>) target_semaphore(%run_scoped3A_973 : memref<!tpu.dma_semaphore, #tpu.memory_space<semaphore_mem>>)
      %dma_wait3A_982 = arith.constant 0 : i32
      %dma_wait3A_983 = tpu.memref_slice %arg11[%run_scoped3A_367, %dma_wait3A_982] : memref<2x640xi32, #tpu.memory_space<vmem>> -> memref<1x640xi32, #tpu.memory_space<vmem>>
      %dma_wait3A_984 = tpu.memref_squeeze %dma_wait3A_983 : memref<1x640xi32, #tpu.memory_space<vmem>> -> memref<640xi32, #tpu.memory_space<vmem>>
      %dma_wait3A_985 = tpu.memref_slice %arg6[%mul3A_366] : memref<81920xi32, #tpu.memory_space<hbm>> -> memref<640xi32, #tpu.memory_space<hbm>>
      %dma_wait3A_986 = arith.constant 0 : i32
      %dma_wait3A_987 = tpu.memref_slice %arg11[%run_scoped3A_367, %dma_wait3A_986] : memref<2x640xi32, #tpu.memory_space<vmem>> -> memref<1x640xi32, #tpu.memory_space<vmem>>
      %dma_wait3A_988 = tpu.memref_squeeze %dma_wait3A_987 : memref<1x640xi32, #tpu.memory_space<vmem>> -> memref<640xi32, #tpu.memory_space<vmem>>
      %dma_wait3A_989 = tpu.memref_slice %arg6[%mul3A_366] : memref<81920xi32, #tpu.memory_space<hbm>> -> memref<640xi32, #tpu.memory_space<hbm>>
      tpu.wait_dma2 semaphore(%run_scoped3A_973 : memref<!tpu.dma_semaphore, #tpu.memory_space<semaphore_mem>>) src(%dma_wait3A_989 : memref<640xi32, #tpu.memory_space<hbm>>) dst(%dma_wait3A_988 : memref<640xi32, #tpu.memory_space<vmem>>)
      tpu.yield
    }) : () -> ()
    %dma_start3A_368 = arith.constant 0 : i32
    %dma_start3A_369 = arith.constant 0 : i32
    %dma_start3A_370 = arith.constant 0 : i32
    %dma_start3A_371 = arith.constant 0 : i32
    %dma_start3A_372 = tpu.memref_slice %arg12[%dma_start3A_369, %dma_start3A_370, %dma_start3A_371] : memref<2x128x64xf32, #tpu.memory_space<vmem>> -> memref<1x128x64xf32, #tpu.memory_space<vmem>>
    %dma_start3A_373 = tpu.memref_squeeze %dma_start3A_372 : memref<1x128x64xf32, #tpu.memory_space<vmem>> -> memref<128x64xf32, #tpu.memory_space<vmem>>
    %dma_start3A_374 = arith.constant 0 : i32
    %dma_start3A_375 = tpu.memref_slice %arg9[%dma_start3A_368, %dma_start3A_374] : memref<2x128xi32, #tpu.memory_space<vmem>> -> memref<1x128xi32, #tpu.memory_space<vmem>>
    %dma_start3A_376 = tpu.memref_squeeze %dma_start3A_375 : memref<1x128xi32, #tpu.memory_space<vmem>> -> memref<128xi32, #tpu.memory_space<vmem>>
    %dma_start3A_377 = arith.constant 0 : i32
    %dma_start3A_378 = arith.constant 0 : i32
    %dma_start3A_379 = tpu.memref_slice %arg2[%dma_start3A_377, %dma_start3A_378] : memref<100000x64xf32, #tpu.memory_space<hbm>> -> memref<100000x64xf32, #tpu.memory_space<hbm>>
    tpu.enqueue_indirect_dma source(%dma_start3A_379 : memref<100000x64xf32, #tpu.memory_space<hbm>>) target(%dma_start3A_373 : memref<128x64xf32, #tpu.memory_space<vmem>>) offsets(%dma_start3A_376 : memref<128xi32, #tpu.memory_space<vmem>>) semaphore(%arg17 : memref<!tpu.dma_semaphore, #tpu.memory_space<semaphore_mem>>)
    %dma_start3A_380 = arith.constant 0 : i32
    %dma_start3A_381 = arith.constant 0 : i32
    %dma_start3A_382 = arith.constant 0 : i32
    %dma_start3A_383 = arith.constant 0 : i32
    %dma_start3A_384 = tpu.memref_slice %arg13[%dma_start3A_381, %dma_start3A_382, %dma_start3A_383] : memref<2x128x64xf32, #tpu.memory_space<vmem>> -> memref<1x128x64xf32, #tpu.memory_space<vmem>>
    %dma_start3A_385 = tpu.memref_squeeze %dma_start3A_384 : memref<1x128x64xf32, #tpu.memory_space<vmem>> -> memref<128x64xf32, #tpu.memory_space<vmem>>
    %dma_start3A_386 = arith.constant 0 : i32
    %dma_start3A_387 = tpu.memref_slice %arg10[%dma_start3A_380, %dma_start3A_386] : memref<2x128xi32, #tpu.memory_space<vmem>> -> memref<1x128xi32, #tpu.memory_space<vmem>>
    %dma_start3A_388 = tpu.memref_squeeze %dma_start3A_387 : memref<1x128xi32, #tpu.memory_space<vmem>> -> memref<128xi32, #tpu.memory_space<vmem>>
    %dma_start3A_389 = arith.constant 0 : i32
    %dma_start3A_390 = arith.constant 0 : i32
    %dma_start3A_391 = tpu.memref_slice %arg3[%dma_start3A_389, %dma_start3A_390] : memref<100000x64xf32, #tpu.memory_space<hbm>> -> memref<100000x64xf32, #tpu.memory_space<hbm>>
    tpu.enqueue_indirect_dma source(%dma_start3A_391 : memref<100000x64xf32, #tpu.memory_space<hbm>>) target(%dma_start3A_385 : memref<128x64xf32, #tpu.memory_space<vmem>>) offsets(%dma_start3A_388 : memref<128xi32, #tpu.memory_space<vmem>>) semaphore(%arg17 : memref<!tpu.dma_semaphore, #tpu.memory_space<semaphore_mem>>)
    %dma_start3A_392 = arith.constant 0 : i32
    %dma_start3A_393 = arith.constant 0 : i32
    %dma_start3A_394 = arith.constant 0 : i32
    %dma_start3A_395 = arith.constant 0 : i32
    %dma_start3A_396 = tpu.memref_slice %arg14[%dma_start3A_393, %dma_start3A_394, %dma_start3A_395] : memref<2x640x64xf32, #tpu.memory_space<vmem>> -> memref<1x640x64xf32, #tpu.memory_space<vmem>>
    %dma_start3A_397 = tpu.memref_squeeze %dma_start3A_396 : memref<1x640x64xf32, #tpu.memory_space<vmem>> -> memref<640x64xf32, #tpu.memory_space<vmem>>
    %dma_start3A_398 = arith.constant 0 : i32
    %dma_start3A_399 = arith.constant 0 : i32
    %dma_start3A_400 = tpu.memref_slice %dma_start3A_397[%dma_start3A_398, %dma_start3A_399] : memref<640x64xf32, #tpu.memory_space<vmem>> -> memref<128x64xf32, #tpu.memory_space<vmem>>
    %dma_start3A_401 = arith.constant 0 : i32
    %dma_start3A_402 = tpu.memref_slice %arg11[%dma_start3A_392, %dma_start3A_401] : memref<2x640xi32, #tpu.memory_space<vmem>> -> memref<1x640xi32, #tpu.memory_space<vmem>>
    %dma_start3A_403 = tpu.memref_squeeze %dma_start3A_402 : memref<1x640xi32, #tpu.memory_space<vmem>> -> memref<640xi32, #tpu.memory_space<vmem>>
    %dma_start3A_404 = arith.constant 0 : i32
    %dma_start3A_405 = tpu.memref_slice %dma_start3A_403[%dma_start3A_404] : memref<640xi32, #tpu.memory_space<vmem>> -> memref<128xi32, #tpu.memory_space<vmem>>
    %dma_start3A_406 = arith.constant 0 : i32
    %dma_start3A_407 = arith.constant 0 : i32
    %dma_start3A_408 = tpu.memref_slice %arg3[%dma_start3A_406, %dma_start3A_407] : memref<100000x64xf32, #tpu.memory_space<hbm>> -> memref<100000x64xf32, #tpu.memory_space<hbm>>
    tpu.enqueue_indirect_dma source(%dma_start3A_408 : memref<100000x64xf32, #tpu.memory_space<hbm>>) target(%dma_start3A_400 : memref<128x64xf32, #tpu.memory_space<vmem>>) offsets(%dma_start3A_405 : memref<128xi32, #tpu.memory_space<vmem>>) semaphore(%arg17 : memref<!tpu.dma_semaphore, #tpu.memory_space<semaphore_mem>>)
    %dma_start3A_409 = arith.constant 0 : i32
    %dma_start3A_410 = arith.constant 0 : i32
    %dma_start3A_411 = arith.constant 0 : i32
    %dma_start3A_412 = arith.constant 0 : i32
    %dma_start3A_413 = tpu.memref_slice %arg14[%dma_start3A_410, %dma_start3A_411, %dma_start3A_412] : memref<2x640x64xf32, #tpu.memory_space<vmem>> -> memref<1x640x64xf32, #tpu.memory_space<vmem>>
    %dma_start3A_414 = tpu.memref_squeeze %dma_start3A_413 : memref<1x640x64xf32, #tpu.memory_space<vmem>> -> memref<640x64xf32, #tpu.memory_space<vmem>>
    %dma_start3A_415 = arith.constant 128 : i32
    %dma_start3A_416 = arith.constant 0 : i32
    %dma_start3A_417 = tpu.memref_slice %dma_start3A_414[%dma_start3A_415, %dma_start3A_416] : memref<640x64xf32, #tpu.memory_space<vmem>> -> memref<128x64xf32, #tpu.memory_space<vmem>>
    %dma_start3A_418 = arith.constant 0 : i32
    %dma_start3A_419 = tpu.memref_slice %arg11[%dma_start3A_409, %dma_start3A_418] : memref<2x640xi32, #tpu.memory_space<vmem>> -> memref<1x640xi32, #tpu.memory_space<vmem>>
    %dma_start3A_420 = tpu.memref_squeeze %dma_start3A_419 : memref<1x640xi32, #tpu.memory_space<vmem>> -> memref<640xi32, #tpu.memory_space<vmem>>
    %dma_start3A_421 = arith.constant 128 : i32
    %dma_start3A_422 = tpu.memref_slice %dma_start3A_420[%dma_start3A_421] : memref<640xi32, #tpu.memory_space<vmem>> -> memref<128xi32, #tpu.memory_space<vmem>>
    %dma_start3A_423 = arith.constant 0 : i32
    %dma_start3A_424 = arith.constant 0 : i32
    %dma_start3A_425 = tpu.memref_slice %arg3[%dma_start3A_423, %dma_start3A_424] : memref<100000x64xf32, #tpu.memory_space<hbm>> -> memref<100000x64xf32, #tpu.memory_space<hbm>>
    tpu.enqueue_indirect_dma source(%dma_start3A_425 : memref<100000x64xf32, #tpu.memory_space<hbm>>) target(%dma_start3A_417 : memref<128x64xf32, #tpu.memory_space<vmem>>) offsets(%dma_start3A_422 : memref<128xi32, #tpu.memory_space<vmem>>) semaphore(%arg17 : memref<!tpu.dma_semaphore, #tpu.memory_space<semaphore_mem>>)
    %dma_start3A_426 = arith.constant 0 : i32
    %dma_start3A_427 = arith.constant 0 : i32
    %dma_start3A_428 = arith.constant 0 : i32
    %dma_start3A_429 = arith.constant 0 : i32
    %dma_start3A_430 = tpu.memref_slice %arg14[%dma_start3A_427, %dma_start3A_428, %dma_start3A_429] : memref<2x640x64xf32, #tpu.memory_space<vmem>> -> memref<1x640x64xf32, #tpu.memory_space<vmem>>
    %dma_start3A_431 = tpu.memref_squeeze %dma_start3A_430 : memref<1x640x64xf32, #tpu.memory_space<vmem>> -> memref<640x64xf32, #tpu.memory_space<vmem>>
    %dma_start3A_432 = arith.constant 256 : i32
    %dma_start3A_433 = arith.constant 0 : i32
    %dma_start3A_434 = tpu.memref_slice %dma_start3A_431[%dma_start3A_432, %dma_start3A_433] : memref<640x64xf32, #tpu.memory_space<vmem>> -> memref<128x64xf32, #tpu.memory_space<vmem>>
    %dma_start3A_435 = arith.constant 0 : i32
    %dma_start3A_436 = tpu.memref_slice %arg11[%dma_start3A_426, %dma_start3A_435] : memref<2x640xi32, #tpu.memory_space<vmem>> -> memref<1x640xi32, #tpu.memory_space<vmem>>
    %dma_start3A_437 = tpu.memref_squeeze %dma_start3A_436 : memref<1x640xi32, #tpu.memory_space<vmem>> -> memref<640xi32, #tpu.memory_space<vmem>>
    %dma_start3A_438 = arith.constant 256 : i32
    %dma_start3A_439 = tpu.memref_slice %dma_start3A_437[%dma_start3A_438] : memref<640xi32, #tpu.memory_space<vmem>> -> memref<128xi32, #tpu.memory_space<vmem>>
    %dma_start3A_440 = arith.constant 0 : i32
    %dma_start3A_441 = arith.constant 0 : i32
    %dma_start3A_442 = tpu.memref_slice %arg3[%dma_start3A_440, %dma_start3A_441] : memref<100000x64xf32, #tpu.memory_space<hbm>> -> memref<100000x64xf32, #tpu.memory_space<hbm>>
    tpu.enqueue_indirect_dma source(%dma_start3A_442 : memref<100000x64xf32, #tpu.memory_space<hbm>>) target(%dma_start3A_434 : memref<128x64xf32, #tpu.memory_space<vmem>>) offsets(%dma_start3A_439 : memref<128xi32, #tpu.memory_space<vmem>>) semaphore(%arg17 : memref<!tpu.dma_semaphore, #tpu.memory_space<semaphore_mem>>)
    %dma_start3A_443 = arith.constant 0 : i32
    %dma_start3A_444 = arith.constant 0 : i32
    %dma_start3A_445 = arith.constant 0 : i32
    %dma_start3A_446 = arith.constant 0 : i32
    %dma_start3A_447 = tpu.memref_slice %arg14[%dma_start3A_444, %dma_start3A_445, %dma_start3A_446] : memref<2x640x64xf32, #tpu.memory_space<vmem>> -> memref<1x640x64xf32, #tpu.memory_space<vmem>>
    %dma_start3A_448 = tpu.memref_squeeze %dma_start3A_447 : memref<1x640x64xf32, #tpu.memory_space<vmem>> -> memref<640x64xf32, #tpu.memory_space<vmem>>
    %dma_start3A_449 = arith.constant 384 : i32
    %dma_start3A_450 = arith.constant 0 : i32
    %dma_start3A_451 = tpu.memref_slice %dma_start3A_448[%dma_start3A_449, %dma_start3A_450] : memref<640x64xf32, #tpu.memory_space<vmem>> -> memref<128x64xf32, #tpu.memory_space<vmem>>
    %dma_start3A_452 = arith.constant 0 : i32
    %dma_start3A_453 = tpu.memref_slice %arg11[%dma_start3A_443, %dma_start3A_452] : memref<2x640xi32, #tpu.memory_space<vmem>> -> memref<1x640xi32, #tpu.memory_space<vmem>>
    %dma_start3A_454 = tpu.memref_squeeze %dma_start3A_453 : memref<1x640xi32, #tpu.memory_space<vmem>> -> memref<640xi32, #tpu.memory_space<vmem>>
    %dma_start3A_455 = arith.constant 384 : i32
    %dma_start3A_456 = tpu.memref_slice %dma_start3A_454[%dma_start3A_455] : memref<640xi32, #tpu.memory_space<vmem>> -> memref<128xi32, #tpu.memory_space<vmem>>
    %dma_start3A_457 = arith.constant 0 : i32
    %dma_start3A_458 = arith.constant 0 : i32
    %dma_start3A_459 = tpu.memref_slice %arg3[%dma_start3A_457, %dma_start3A_458] : memref<100000x64xf32, #tpu.memory_space<hbm>> -> memref<100000x64xf32, #tpu.memory_space<hbm>>
    tpu.enqueue_indirect_dma source(%dma_start3A_459 : memref<100000x64xf32, #tpu.memory_space<hbm>>) target(%dma_start3A_451 : memref<128x64xf32, #tpu.memory_space<vmem>>) offsets(%dma_start3A_456 : memref<128xi32, #tpu.memory_space<vmem>>) semaphore(%arg17 : memref<!tpu.dma_semaphore, #tpu.memory_space<semaphore_mem>>)
    %dma_start3A_460 = arith.constant 0 : i32
    %dma_start3A_461 = arith.constant 0 : i32
    %dma_start3A_462 = arith.constant 0 : i32
    %dma_start3A_463 = arith.constant 0 : i32
    %dma_start3A_464 = tpu.memref_slice %arg14[%dma_start3A_461, %dma_start3A_462, %dma_start3A_463] : memref<2x640x64xf32, #tpu.memory_space<vmem>> -> memref<1x640x64xf32, #tpu.memory_space<vmem>>
    %dma_start3A_465 = tpu.memref_squeeze %dma_start3A_464 : memref<1x640x64xf32, #tpu.memory_space<vmem>> -> memref<640x64xf32, #tpu.memory_space<vmem>>
    %dma_start3A_466 = arith.constant 512 : i32
    %dma_start3A_467 = arith.constant 0 : i32
    %dma_start3A_468 = tpu.memref_slice %dma_start3A_465[%dma_start3A_466, %dma_start3A_467] : memref<640x64xf32, #tpu.memory_space<vmem>> -> memref<128x64xf32, #tpu.memory_space<vmem>>
    %dma_start3A_469 = arith.constant 0 : i32
    %dma_start3A_470 = tpu.memref_slice %arg11[%dma_start3A_460, %dma_start3A_469] : memref<2x640xi32, #tpu.memory_space<vmem>> -> memref<1x640xi32, #tpu.memory_space<vmem>>
    %dma_start3A_471 = tpu.memref_squeeze %dma_start3A_470 : memref<1x640xi32, #tpu.memory_space<vmem>> -> memref<640xi32, #tpu.memory_space<vmem>>
    %dma_start3A_472 = arith.constant 512 : i32
    %dma_start3A_473 = tpu.memref_slice %dma_start3A_471[%dma_start3A_472] : memref<640xi32, #tpu.memory_space<vmem>> -> memref<128xi32, #tpu.memory_space<vmem>>
    %dma_start3A_474 = arith.constant 0 : i32
    %dma_start3A_475 = arith.constant 0 : i32
    %dma_start3A_476 = tpu.memref_slice %arg3[%dma_start3A_474, %dma_start3A_475] : memref<100000x64xf32, #tpu.memory_space<hbm>> -> memref<100000x64xf32, #tpu.memory_space<hbm>>
    tpu.enqueue_indirect_dma source(%dma_start3A_476 : memref<100000x64xf32, #tpu.memory_space<hbm>>) target(%dma_start3A_468 : memref<128x64xf32, #tpu.memory_space<vmem>>) offsets(%dma_start3A_473 : memref<128xi32, #tpu.memory_space<vmem>>) semaphore(%arg17 : memref<!tpu.dma_semaphore, #tpu.memory_space<semaphore_mem>>)
    %dma_wait3A_477 = arith.constant 1 : i32
    %dma_wait3A_478 = arith.constant 1 : i32
    %dma_wait3A_479 = arith.constant 0 : i32
    %dma_wait3A_480 = arith.constant 0 : i32
    %dma_wait3A_481 = tpu.memref_slice %arg12[%dma_wait3A_478, %dma_wait3A_479, %dma_wait3A_480] : memref<2x128x64xf32, #tpu.memory_space<vmem>> -> memref<1x128x64xf32, #tpu.memory_space<vmem>>
    %dma_wait3A_482 = tpu.memref_squeeze %dma_wait3A_481 : memref<1x128x64xf32, #tpu.memory_space<vmem>> -> memref<128x64xf32, #tpu.memory_space<vmem>>
    %dma_wait3A_483 = arith.constant 0 : i32
    %dma_wait3A_484 = tpu.memref_slice %arg9[%dma_wait3A_477, %dma_wait3A_483] : memref<2x128xi32, #tpu.memory_space<vmem>> -> memref<1x128xi32, #tpu.memory_space<vmem>>
    %dma_wait3A_485 = tpu.memref_squeeze %dma_wait3A_484 : memref<1x128xi32, #tpu.memory_space<vmem>> -> memref<128xi32, #tpu.memory_space<vmem>>
    %dma_wait3A_486 = arith.constant 0 : i32
    %dma_wait3A_487 = arith.constant 0 : i32
    %dma_wait3A_488 = tpu.memref_slice %arg2[%dma_wait3A_486, %dma_wait3A_487] : memref<100000x64xf32, #tpu.memory_space<hbm>> -> memref<100000x64xf32, #tpu.memory_space<hbm>>
    tpu.wait_indirect_dma semaphore(%arg18 : memref<!tpu.dma_semaphore, #tpu.memory_space<semaphore_mem>>) src(%dma_wait3A_488 : memref<100000x64xf32, #tpu.memory_space<hbm>>) dst(%dma_wait3A_482 : memref<128x64xf32, #tpu.memory_space<vmem>>)
    %dma_wait3A_489 = arith.constant 1 : i32
    %dma_wait3A_490 = arith.constant 1 : i32
    %dma_wait3A_491 = arith.constant 0 : i32
    %dma_wait3A_492 = arith.constant 0 : i32
    %dma_wait3A_493 = tpu.memref_slice %arg13[%dma_wait3A_490, %dma_wait3A_491, %dma_wait3A_492] : memref<2x128x64xf32, #tpu.memory_space<vmem>> -> memref<1x128x64xf32, #tpu.memory_space<vmem>>
    %dma_wait3A_494 = tpu.memref_squeeze %dma_wait3A_493 : memref<1x128x64xf32, #tpu.memory_space<vmem>> -> memref<128x64xf32, #tpu.memory_space<vmem>>
    %dma_wait3A_495 = arith.constant 0 : i32
    %dma_wait3A_496 = tpu.memref_slice %arg10[%dma_wait3A_489, %dma_wait3A_495] : memref<2x128xi32, #tpu.memory_space<vmem>> -> memref<1x128xi32, #tpu.memory_space<vmem>>
    %dma_wait3A_497 = tpu.memref_squeeze %dma_wait3A_496 : memref<1x128xi32, #tpu.memory_space<vmem>> -> memref<128xi32, #tpu.memory_space<vmem>>
    %dma_wait3A_498 = arith.constant 0 : i32
    %dma_wait3A_499 = arith.constant 0 : i32
    %dma_wait3A_500 = tpu.memref_slice %arg3[%dma_wait3A_498, %dma_wait3A_499] : memref<100000x64xf32, #tpu.memory_space<hbm>> -> memref<100000x64xf32, #tpu.memory_space<hbm>>
    tpu.wait_indirect_dma semaphore(%arg18 : memref<!tpu.dma_semaphore, #tpu.memory_space<semaphore_mem>>) src(%dma_wait3A_500 : memref<100000x64xf32, #tpu.memory_space<hbm>>) dst(%dma_wait3A_494 : memref<128x64xf32, #tpu.memory_space<vmem>>)
    %dma_wait3A_501 = arith.constant 1 : i32
    %dma_wait3A_502 = arith.constant 1 : i32
    %dma_wait3A_503 = arith.constant 0 : i32
    %dma_wait3A_504 = arith.constant 0 : i32
    %dma_wait3A_505 = tpu.memref_slice %arg14[%dma_wait3A_502, %dma_wait3A_503, %dma_wait3A_504] : memref<2x640x64xf32, #tpu.memory_space<vmem>> -> memref<1x640x64xf32, #tpu.memory_space<vmem>>
    %dma_wait3A_506 = tpu.memref_squeeze %dma_wait3A_505 : memref<1x640x64xf32, #tpu.memory_space<vmem>> -> memref<640x64xf32, #tpu.memory_space<vmem>>
    %dma_wait3A_507 = arith.constant 0 : i32
    %dma_wait3A_508 = arith.constant 0 : i32
    %dma_wait3A_509 = tpu.memref_slice %dma_wait3A_506[%dma_wait3A_507, %dma_wait3A_508] : memref<640x64xf32, #tpu.memory_space<vmem>> -> memref<128x64xf32, #tpu.memory_space<vmem>>
    %dma_wait3A_510 = arith.constant 0 : i32
    %dma_wait3A_511 = tpu.memref_slice %arg11[%dma_wait3A_501, %dma_wait3A_510] : memref<2x640xi32, #tpu.memory_space<vmem>> -> memref<1x640xi32, #tpu.memory_space<vmem>>
    %dma_wait3A_512 = tpu.memref_squeeze %dma_wait3A_511 : memref<1x640xi32, #tpu.memory_space<vmem>> -> memref<640xi32, #tpu.memory_space<vmem>>
    %dma_wait3A_513 = arith.constant 0 : i32
    %dma_wait3A_514 = tpu.memref_slice %dma_wait3A_512[%dma_wait3A_513] : memref<640xi32, #tpu.memory_space<vmem>> -> memref<128xi32, #tpu.memory_space<vmem>>
    %dma_wait3A_515 = arith.constant 0 : i32
    %dma_wait3A_516 = arith.constant 0 : i32
    %dma_wait3A_517 = tpu.memref_slice %arg3[%dma_wait3A_515, %dma_wait3A_516] : memref<100000x64xf32, #tpu.memory_space<hbm>> -> memref<100000x64xf32, #tpu.memory_space<hbm>>
    tpu.wait_indirect_dma semaphore(%arg18 : memref<!tpu.dma_semaphore, #tpu.memory_space<semaphore_mem>>) src(%dma_wait3A_517 : memref<100000x64xf32, #tpu.memory_space<hbm>>) dst(%dma_wait3A_509 : memref<128x64xf32, #tpu.memory_space<vmem>>)
    %dma_wait3A_518 = arith.constant 1 : i32
    %dma_wait3A_519 = arith.constant 1 : i32
    %dma_wait3A_520 = arith.constant 0 : i32
    %dma_wait3A_521 = arith.constant 0 : i32
    %dma_wait3A_522 = tpu.memref_slice %arg14[%dma_wait3A_519, %dma_wait3A_520, %dma_wait3A_521] : memref<2x640x64xf32, #tpu.memory_space<vmem>> -> memref<1x640x64xf32, #tpu.memory_space<vmem>>
    %dma_wait3A_523 = tpu.memref_squeeze %dma_wait3A_522 : memref<1x640x64xf32, #tpu.memory_space<vmem>> -> memref<640x64xf32, #tpu.memory_space<vmem>>
    %dma_wait3A_524 = arith.constant 128 : i32
    %dma_wait3A_525 = arith.constant 0 : i32
    %dma_wait3A_526 = tpu.memref_slice %dma_wait3A_523[%dma_wait3A_524, %dma_wait3A_525] : memref<640x64xf32, #tpu.memory_space<vmem>> -> memref<128x64xf32, #tpu.memory_space<vmem>>
    %dma_wait3A_527 = arith.constant 0 : i32
    %dma_wait3A_528 = tpu.memref_slice %arg11[%dma_wait3A_518, %dma_wait3A_527] : memref<2x640xi32, #tpu.memory_space<vmem>> -> memref<1x640xi32, #tpu.memory_space<vmem>>
    %dma_wait3A_529 = tpu.memref_squeeze %dma_wait3A_528 : memref<1x640xi32, #tpu.memory_space<vmem>> -> memref<640xi32, #tpu.memory_space<vmem>>
    %dma_wait3A_530 = arith.constant 128 : i32
    %dma_wait3A_531 = tpu.memref_slice %dma_wait3A_529[%dma_wait3A_530] : memref<640xi32, #tpu.memory_space<vmem>> -> memref<128xi32, #tpu.memory_space<vmem>>
    %dma_wait3A_532 = arith.constant 0 : i32
    %dma_wait3A_533 = arith.constant 0 : i32
    %dma_wait3A_534 = tpu.memref_slice %arg3[%dma_wait3A_532, %dma_wait3A_533] : memref<100000x64xf32, #tpu.memory_space<hbm>> -> memref<100000x64xf32, #tpu.memory_space<hbm>>
    tpu.wait_indirect_dma semaphore(%arg18 : memref<!tpu.dma_semaphore, #tpu.memory_space<semaphore_mem>>) src(%dma_wait3A_534 : memref<100000x64xf32, #tpu.memory_space<hbm>>) dst(%dma_wait3A_526 : memref<128x64xf32, #tpu.memory_space<vmem>>)
    %dma_wait3A_535 = arith.constant 1 : i32
    %dma_wait3A_536 = arith.constant 1 : i32
    %dma_wait3A_537 = arith.constant 0 : i32
    %dma_wait3A_538 = arith.constant 0 : i32
    %dma_wait3A_539 = tpu.memref_slice %arg14[%dma_wait3A_536, %dma_wait3A_537, %dma_wait3A_538] : memref<2x640x64xf32, #tpu.memory_space<vmem>> -> memref<1x640x64xf32, #tpu.memory_space<vmem>>
    %dma_wait3A_540 = tpu.memref_squeeze %dma_wait3A_539 : memref<1x640x64xf32, #tpu.memory_space<vmem>> -> memref<640x64xf32, #tpu.memory_space<vmem>>
    %dma_wait3A_541 = arith.constant 256 : i32
    %dma_wait3A_542 = arith.constant 0 : i32
    %dma_wait3A_543 = tpu.memref_slice %dma_wait3A_540[%dma_wait3A_541, %dma_wait3A_542] : memref<640x64xf32, #tpu.memory_space<vmem>> -> memref<128x64xf32, #tpu.memory_space<vmem>>
    %dma_wait3A_544 = arith.constant 0 : i32
    %dma_wait3A_545 = tpu.memref_slice %arg11[%dma_wait3A_535, %dma_wait3A_544] : memref<2x640xi32, #tpu.memory_space<vmem>> -> memref<1x640xi32, #tpu.memory_space<vmem>>
    %dma_wait3A_546 = tpu.memref_squeeze %dma_wait3A_545 : memref<1x640xi32, #tpu.memory_space<vmem>> -> memref<640xi32, #tpu.memory_space<vmem>>
    %dma_wait3A_547 = arith.constant 256 : i32
    %dma_wait3A_548 = tpu.memref_slice %dma_wait3A_546[%dma_wait3A_547] : memref<640xi32, #tpu.memory_space<vmem>> -> memref<128xi32, #tpu.memory_space<vmem>>
    %dma_wait3A_549 = arith.constant 0 : i32
    %dma_wait3A_550 = arith.constant 0 : i32
    %dma_wait3A_551 = tpu.memref_slice %arg3[%dma_wait3A_549, %dma_wait3A_550] : memref<100000x64xf32, #tpu.memory_space<hbm>> -> memref<100000x64xf32, #tpu.memory_space<hbm>>
    tpu.wait_indirect_dma semaphore(%arg18 : memref<!tpu.dma_semaphore, #tpu.memory_space<semaphore_mem>>) src(%dma_wait3A_551 : memref<100000x64xf32, #tpu.memory_space<hbm>>) dst(%dma_wait3A_543 : memref<128x64xf32, #tpu.memory_space<vmem>>)
    %dma_wait3A_552 = arith.constant 1 : i32
    %dma_wait3A_553 = arith.constant 1 : i32
    %dma_wait3A_554 = arith.constant 0 : i32
    %dma_wait3A_555 = arith.constant 0 : i32
    %dma_wait3A_556 = tpu.memref_slice %arg14[%dma_wait3A_553, %dma_wait3A_554, %dma_wait3A_555] : memref<2x640x64xf32, #tpu.memory_space<vmem>> -> memref<1x640x64xf32, #tpu.memory_space<vmem>>
    %dma_wait3A_557 = tpu.memref_squeeze %dma_wait3A_556 : memref<1x640x64xf32, #tpu.memory_space<vmem>> -> memref<640x64xf32, #tpu.memory_space<vmem>>
    %dma_wait3A_558 = arith.constant 384 : i32
    %dma_wait3A_559 = arith.constant 0 : i32
    %dma_wait3A_560 = tpu.memref_slice %dma_wait3A_557[%dma_wait3A_558, %dma_wait3A_559] : memref<640x64xf32, #tpu.memory_space<vmem>> -> memref<128x64xf32, #tpu.memory_space<vmem>>
    %dma_wait3A_561 = arith.constant 0 : i32
    %dma_wait3A_562 = tpu.memref_slice %arg11[%dma_wait3A_552, %dma_wait3A_561] : memref<2x640xi32, #tpu.memory_space<vmem>> -> memref<1x640xi32, #tpu.memory_space<vmem>>
    %dma_wait3A_563 = tpu.memref_squeeze %dma_wait3A_562 : memref<1x640xi32, #tpu.memory_space<vmem>> -> memref<640xi32, #tpu.memory_space<vmem>>
    %dma_wait3A_564 = arith.constant 384 : i32
    %dma_wait3A_565 = tpu.memref_slice %dma_wait3A_563[%dma_wait3A_564] : memref<640xi32, #tpu.memory_space<vmem>> -> memref<128xi32, #tpu.memory_space<vmem>>
    %dma_wait3A_566 = arith.constant 0 : i32
    %dma_wait3A_567 = arith.constant 0 : i32
    %dma_wait3A_568 = tpu.memref_slice %arg3[%dma_wait3A_566, %dma_wait3A_567] : memref<100000x64xf32, #tpu.memory_space<hbm>> -> memref<100000x64xf32, #tpu.memory_space<hbm>>
    tpu.wait_indirect_dma semaphore(%arg18 : memref<!tpu.dma_semaphore, #tpu.memory_space<semaphore_mem>>) src(%dma_wait3A_568 : memref<100000x64xf32, #tpu.memory_space<hbm>>) dst(%dma_wait3A_560 : memref<128x64xf32, #tpu.memory_space<vmem>>)
    %dma_wait3A_569 = arith.constant 1 : i32
    %dma_wait3A_570 = arith.constant 1 : i32
    %dma_wait3A_571 = arith.constant 0 : i32
    %dma_wait3A_572 = arith.constant 0 : i32
    %dma_wait3A_573 = tpu.memref_slice %arg14[%dma_wait3A_570, %dma_wait3A_571, %dma_wait3A_572] : memref<2x640x64xf32, #tpu.memory_space<vmem>> -> memref<1x640x64xf32, #tpu.memory_space<vmem>>
    %dma_wait3A_574 = tpu.memref_squeeze %dma_wait3A_573 : memref<1x640x64xf32, #tpu.memory_space<vmem>> -> memref<640x64xf32, #tpu.memory_space<vmem>>
    %dma_wait3A_575 = arith.constant 512 : i32
    %dma_wait3A_576 = arith.constant 0 : i32
    %dma_wait3A_577 = tpu.memref_slice %dma_wait3A_574[%dma_wait3A_575, %dma_wait3A_576] : memref<640x64xf32, #tpu.memory_space<vmem>> -> memref<128x64xf32, #tpu.memory_space<vmem>>
    %dma_wait3A_578 = arith.constant 0 : i32
    %dma_wait3A_579 = tpu.memref_slice %arg11[%dma_wait3A_569, %dma_wait3A_578] : memref<2x640xi32, #tpu.memory_space<vmem>> -> memref<1x640xi32, #tpu.memory_space<vmem>>
    %dma_wait3A_580 = tpu.memref_squeeze %dma_wait3A_579 : memref<1x640xi32, #tpu.memory_space<vmem>> -> memref<640xi32, #tpu.memory_space<vmem>>
    %dma_wait3A_581 = arith.constant 512 : i32
    %dma_wait3A_582 = tpu.memref_slice %dma_wait3A_580[%dma_wait3A_581] : memref<640xi32, #tpu.memory_space<vmem>> -> memref<128xi32, #tpu.memory_space<vmem>>
    %dma_wait3A_583 = arith.constant 0 : i32
    %dma_wait3A_584 = arith.constant 0 : i32
    %dma_wait3A_585 = tpu.memref_slice %arg3[%dma_wait3A_583, %dma_wait3A_584] : memref<100000x64xf32, #tpu.memory_space<hbm>> -> memref<100000x64xf32, #tpu.memory_space<hbm>>
    tpu.wait_indirect_dma semaphore(%arg18 : memref<!tpu.dma_semaphore, #tpu.memory_space<semaphore_mem>>) src(%dma_wait3A_585 : memref<100000x64xf32, #tpu.memory_space<hbm>>) dst(%dma_wait3A_577 : memref<128x64xf32, #tpu.memory_space<vmem>>)
    %mul3A_586 = arith.constant 512 : i32
    %mul3A_587 = arith.muli %add3A, %mul3A_586 : i32
    %add3A_588 = arith.constant 128 : i32
    %add3A_589 = arith.addi %mul3A_587, %add3A_588 : i32
    %scan3A_590 = arith.constant 0 : i32
    %scan3A_591 = arith.constant 1 : i32
    %scan3A_592 = arith.constant 1 : i32
    %scan3A_593 = arith.constant 1 : i32
    %scan3A_594 = arith.constant 0 : i32
    %scan3A_595 = arith.constant 128 : i32
    %scan3A_596 = arith.addi %scan3A_594, %scan3A_595 : i32
    %scan3A_597 = arith.constant 1 : i32
    scf.for %scan3A_973 = %scan3A_594 to %scan3A_596 step %scan3A_597  : i32 {
      %get3A = arith.constant 0 : i32
      %get3A_974 = arith.constant 0 : i32
      %get3A_975 = tpu.memref_slice %arg12[%scan3A_591, %get3A, %get3A_974] : memref<2x128x64xf32, #tpu.memory_space<vmem>> -> memref<1x128x64xf32, #tpu.memory_space<vmem>>
      %get3A_976 = tpu.memref_squeeze %get3A_975 : memref<1x128x64xf32, #tpu.memory_space<vmem>> -> memref<128x64xf32, #tpu.memory_space<vmem>>
      %get3A_977 = arith.index_cast %scan3A_973 : i32 to index
      %get3A_978 = arith.constant 0 : index
      %get3A_979 = tpu.vector_load %get3A_976[%get3A_977, %get3A_978] {strides = array<i32>} : memref<128x64xf32, #tpu.memory_space<vmem>>, vector<1x16xf32>,
      %get3A_980 = vector.shape_cast %get3A_979 : vector<1x16xf32> to vector<16xf32>
      %get3A_981 = arith.constant 0 : i32
      %get3A_982 = arith.constant 0 : i32
      %get3A_983 = tpu.memref_slice %arg12[%scan3A_591, %get3A_981, %get3A_982] : memref<2x128x64xf32, #tpu.memory_space<vmem>> -> memref<1x128x64xf32, #tpu.memory_space<vmem>>
      %get3A_984 = tpu.memref_squeeze %get3A_983 : memref<1x128x64xf32, #tpu.memory_space<vmem>> -> memref<128x64xf32, #tpu.memory_space<vmem>>
      %get3A_985 = arith.index_cast %scan3A_973 : i32 to index
      %get3A_986 = arith.constant 16 : index
      %get3A_987 = tpu.vector_load %get3A_984[%get3A_985, %get3A_986] {strides = array<i32>} : memref<128x64xf32, #tpu.memory_space<vmem>>, vector<1x16xf32>,
      %get3A_988 = vector.shape_cast %get3A_987 : vector<1x16xf32> to vector<16xf32>
      %get3A_989 = arith.constant 0 : i32
      %get3A_990 = arith.constant 0 : i32
      %get3A_991 = tpu.memref_slice %arg12[%scan3A_591, %get3A_989, %get3A_990] : memref<2x128x64xf32, #tpu.memory_space<vmem>> -> memref<1x128x64xf32, #tpu.memory_space<vmem>>
      %get3A_992 = tpu.memref_squeeze %get3A_991 : memref<1x128x64xf32, #tpu.memory_space<vmem>> -> memref<128x64xf32, #tpu.memory_space<vmem>>
      %get3A_993 = arith.index_cast %scan3A_973 : i32 to index
      %get3A_994 = arith.constant 32 : index
      %get3A_995 = tpu.vector_load %get3A_992[%get3A_993, %get3A_994] {strides = array<i32>} : memref<128x64xf32, #tpu.memory_space<vmem>>, vector<1x16xf32>,
      %get3A_996 = vector.shape_cast %get3A_995 : vector<1x16xf32> to vector<16xf32>
      %get3A_997 = arith.constant 0 : i32
      %get3A_998 = arith.constant 0 : i32
      %get3A_999 = tpu.memref_slice %arg12[%scan3A_591, %get3A_997, %get3A_998] : memref<2x128x64xf32, #tpu.memory_space<vmem>> -> memref<1x128x64xf32, #tpu.memory_space<vmem>>
      %get3A_1000 = tpu.memref_squeeze %get3A_999 : memref<1x128x64xf32, #tpu.memory_space<vmem>> -> memref<128x64xf32, #tpu.memory_space<vmem>>
      %get3A_1001 = arith.index_cast %scan3A_973 : i32 to index
      %get3A_1002 = arith.constant 48 : index
      %get3A_1003 = tpu.vector_load %get3A_1000[%get3A_1001, %get3A_1002] {strides = array<i32>} : memref<128x64xf32, #tpu.memory_space<vmem>>, vector<1x16xf32>,
      %get3A_1004 = vector.shape_cast %get3A_1003 : vector<1x16xf32> to vector<16xf32>
      %get3A_1005 = arith.constant 0 : i32
      %get3A_1006 = arith.constant 0 : i32
      %get3A_1007 = tpu.memref_slice %arg13[%scan3A_592, %get3A_1005, %get3A_1006] : memref<2x128x64xf32, #tpu.memory_space<vmem>> -> memref<1x128x64xf32, #tpu.memory_space<vmem>>
      %get3A_1008 = tpu.memref_squeeze %get3A_1007 : memref<1x128x64xf32, #tpu.memory_space<vmem>> -> memref<128x64xf32, #tpu.memory_space<vmem>>
      %get3A_1009 = arith.index_cast %scan3A_973 : i32 to index
      %get3A_1010 = arith.constant 0 : index
      %get3A_1011 = tpu.vector_load %get3A_1008[%get3A_1009, %get3A_1010] {strides = array<i32>} : memref<128x64xf32, #tpu.memory_space<vmem>>, vector<1x16xf32>,
      %get3A_1012 = vector.shape_cast %get3A_1011 : vector<1x16xf32> to vector<16xf32>
      %get3A_1013 = arith.constant 0 : i32
      %get3A_1014 = arith.constant 0 : i32
      %get3A_1015 = tpu.memref_slice %arg13[%scan3A_592, %get3A_1013, %get3A_1014] : memref<2x128x64xf32, #tpu.memory_space<vmem>> -> memref<1x128x64xf32, #tpu.memory_space<vmem>>
      %get3A_1016 = tpu.memref_squeeze %get3A_1015 : memref<1x128x64xf32, #tpu.memory_space<vmem>> -> memref<128x64xf32, #tpu.memory_space<vmem>>
      %get3A_1017 = arith.index_cast %scan3A_973 : i32 to index
      %get3A_1018 = arith.constant 16 : index
      %get3A_1019 = tpu.vector_load %get3A_1016[%get3A_1017, %get3A_1018] {strides = array<i32>} : memref<128x64xf32, #tpu.memory_space<vmem>>, vector<1x16xf32>,
      %get3A_1020 = vector.shape_cast %get3A_1019 : vector<1x16xf32> to vector<16xf32>
      %get3A_1021 = arith.constant 0 : i32
      %get3A_1022 = arith.constant 0 : i32
      %get3A_1023 = tpu.memref_slice %arg13[%scan3A_592, %get3A_1021, %get3A_1022] : memref<2x128x64xf32, #tpu.memory_space<vmem>> -> memref<1x128x64xf32, #tpu.memory_space<vmem>>
      %get3A_1024 = tpu.memref_squeeze %get3A_1023 : memref<1x128x64xf32, #tpu.memory_space<vmem>> -> memref<128x64xf32, #tpu.memory_space<vmem>>
      %get3A_1025 = arith.index_cast %scan3A_973 : i32 to index
      %get3A_1026 = arith.constant 32 : index
      %get3A_1027 = tpu.vector_load %get3A_1024[%get3A_1025, %get3A_1026] {strides = array<i32>} : memref<128x64xf32, #tpu.memory_space<vmem>>, vector<1x16xf32>,
      %get3A_1028 = vector.shape_cast %get3A_1027 : vector<1x16xf32> to vector<16xf32>
      %get3A_1029 = arith.constant 0 : i32
      %get3A_1030 = arith.constant 0 : i32
      %get3A_1031 = tpu.memref_slice %arg13[%scan3A_592, %get3A_1029, %get3A_1030] : memref<2x128x64xf32, #tpu.memory_space<vmem>> -> memref<1x128x64xf32, #tpu.memory_space<vmem>>
      %get3A_1032 = tpu.memref_squeeze %get3A_1031 : memref<1x128x64xf32, #tpu.memory_space<vmem>> -> memref<128x64xf32, #tpu.memory_space<vmem>>
      %get3A_1033 = arith.index_cast %scan3A_973 : i32 to index
      %get3A_1034 = arith.constant 48 : index
      %get3A_1035 = tpu.vector_load %get3A_1032[%get3A_1033, %get3A_1034] {strides = array<i32>} : memref<128x64xf32, #tpu.memory_space<vmem>>, vector<1x16xf32>,
      %get3A_1036 = vector.shape_cast %get3A_1035 : vector<1x16xf32> to vector<16xf32>
      %mul3A_1037 = arith.mulf %get3A_980, %get3A_1012 : vector<16xf32>
      %mul3A_1038 = arith.mulf %get3A_988, %get3A_1020 : vector<16xf32>
      %add3A_1039 = arith.addf %mul3A_1037, %mul3A_1038 : vector<16xf32>
      %mul3A_1040 = arith.mulf %get3A_996, %get3A_1028 : vector<16xf32>
      %add3A_1041 = arith.addf %add3A_1039, %mul3A_1040 : vector<16xf32>
      %mul3A_1042 = arith.mulf %get3A_1004, %get3A_1036 : vector<16xf32>
      %add3A_1043 = arith.addf %add3A_1041, %mul3A_1042 : vector<16xf32>
      %mul3A_1044 = arith.constant 16 : i32
      %mul3A_1045 = arith.muli %scan3A_973, %mul3A_1044 : i32
      %swap3A = arith.index_cast %mul3A_1045 : i32 to index
      %swap3A_1046 = tpu.vector_load %arg15[%swap3A] {strides = array<i32>} : memref<2048xf32, #tpu.memory_space<vmem>>, vector<16xf32>,
      %swap3A_1047 = vector.shape_cast %swap3A_1046 : vector<16xf32> to vector<16xf32>
      %swap3A_1048 = vector.shape_cast %add3A_1043 : vector<16xf32> to vector<16xf32>
      tpu.vector_store %arg15[%swap3A], %swap3A_1048 {strides = array<i32>} : memref<2048xf32, #tpu.memory_space<vmem>>, vector<16xf32>,
      %mul3A_1049 = arith.constant 5 : i32
      %mul3A_1050 = arith.muli %scan3A_973, %mul3A_1049 : i32
      %get3A_1051 = arith.constant 0 : i32
      %get3A_1052 = arith.constant 0 : i32
      %get3A_1053 = tpu.memref_slice %arg14[%scan3A_593, %get3A_1051, %get3A_1052] : memref<2x640x64xf32, #tpu.memory_space<vmem>> -> memref<1x640x64xf32, #tpu.memory_space<vmem>>
      %get3A_1054 = tpu.memref_squeeze %get3A_1053 : memref<1x640x64xf32, #tpu.memory_space<vmem>> -> memref<640x64xf32, #tpu.memory_space<vmem>>
      %get3A_1055 = arith.index_cast %mul3A_1050 : i32 to index
      %get3A_1056 = arith.constant 0 : index
      %get3A_1057 = tpu.vector_load %get3A_1054[%get3A_1055, %get3A_1056] {strides = array<i32>} : memref<640x64xf32, #tpu.memory_space<vmem>>, vector<1x16xf32>,
      %get3A_1058 = vector.shape_cast %get3A_1057 : vector<1x16xf32> to vector<16xf32>
      %mul3A_1059 = arith.constant 5 : i32
      %mul3A_1060 = arith.muli %scan3A_973, %mul3A_1059 : i32
      %get3A_1061 = arith.constant 0 : i32
      %get3A_1062 = arith.constant 0 : i32
      %get3A_1063 = tpu.memref_slice %arg14[%scan3A_593, %get3A_1061, %get3A_1062] : memref<2x640x64xf32, #tpu.memory_space<vmem>> -> memref<1x640x64xf32, #tpu.memory_space<vmem>>
      %get3A_1064 = tpu.memref_squeeze %get3A_1063 : memref<1x640x64xf32, #tpu.memory_space<vmem>> -> memref<640x64xf32, #tpu.memory_space<vmem>>
      %get3A_1065 = arith.index_cast %mul3A_1060 : i32 to index
      %get3A_1066 = arith.constant 16 : index
      %get3A_1067 = tpu.vector_load %get3A_1064[%get3A_1065, %get3A_1066] {strides = array<i32>} : memref<640x64xf32, #tpu.memory_space<vmem>>, vector<1x16xf32>,
      %get3A_1068 = vector.shape_cast %get3A_1067 : vector<1x16xf32> to vector<16xf32>
      %mul3A_1069 = arith.constant 5 : i32
      %mul3A_1070 = arith.muli %scan3A_973, %mul3A_1069 : i32
      %get3A_1071 = arith.constant 0 : i32
      %get3A_1072 = arith.constant 0 : i32
      %get3A_1073 = tpu.memref_slice %arg14[%scan3A_593, %get3A_1071, %get3A_1072] : memref<2x640x64xf32, #tpu.memory_space<vmem>> -> memref<1x640x64xf32, #tpu.memory_space<vmem>>
      %get3A_1074 = tpu.memref_squeeze %get3A_1073 : memref<1x640x64xf32, #tpu.memory_space<vmem>> -> memref<640x64xf32, #tpu.memory_space<vmem>>
      %get3A_1075 = arith.index_cast %mul3A_1070 : i32 to index
      %get3A_1076 = arith.constant 32 : index
      %get3A_1077 = tpu.vector_load %get3A_1074[%get3A_1075, %get3A_1076] {strides = array<i32>} : memref<640x64xf32, #tpu.memory_space<vmem>>, vector<1x16xf32>,
      %get3A_1078 = vector.shape_cast %get3A_1077 : vector<1x16xf32> to vector<16xf32>
      %mul3A_1079 = arith.constant 5 : i32
      %mul3A_1080 = arith.muli %scan3A_973, %mul3A_1079 : i32
      %get3A_1081 = arith.constant 0 : i32
      %get3A_1082 = arith.constant 0 : i32
      %get3A_1083 = tpu.memref_slice %arg14[%scan3A_593, %get3A_1081, %get3A_1082] : memref<2x640x64xf32, #tpu.memory_space<vmem>> -> memref<1x640x64xf32, #tpu.memory_space<vmem>>
      %get3A_1084 = tpu.memref_squeeze %get3A_1083 : memref<1x640x64xf32, #tpu.memory_space<vmem>> -> memref<640x64xf32, #tpu.memory_space<vmem>>
      %get3A_1085 = arith.index_cast %mul3A_1080 : i32 to index
      %get3A_1086 = arith.constant 48 : index
      %get3A_1087 = tpu.vector_load %get3A_1084[%get3A_1085, %get3A_1086] {strides = array<i32>} : memref<640x64xf32, #tpu.memory_space<vmem>>, vector<1x16xf32>,
      %get3A_1088 = vector.shape_cast %get3A_1087 : vector<1x16xf32> to vector<16xf32>
      %mul3A_1089 = arith.constant 5 : i32
      %mul3A_1090 = arith.muli %scan3A_973, %mul3A_1089 : i32
      %add3A_1091 = arith.constant 1 : i32
      %add3A_1092 = arith.addi %mul3A_1090, %add3A_1091 : i32
      %get3A_1093 = arith.constant 0 : i32
      %get3A_1094 = arith.constant 0 : i32
      %get3A_1095 = tpu.memref_slice %arg14[%scan3A_593, %get3A_1093, %get3A_1094] : memref<2x640x64xf32, #tpu.memory_space<vmem>> -> memref<1x640x64xf32, #tpu.memory_space<vmem>>
      %get3A_1096 = tpu.memref_squeeze %get3A_1095 : memref<1x640x64xf32, #tpu.memory_space<vmem>> -> memref<640x64xf32, #tpu.memory_space<vmem>>
      %get3A_1097 = arith.index_cast %add3A_1092 : i32 to index
      %get3A_1098 = arith.constant 0 : index
      %get3A_1099 = tpu.vector_load %get3A_1096[%get3A_1097, %get3A_1098] {strides = array<i32>} : memref<640x64xf32, #tpu.memory_space<vmem>>, vector<1x16xf32>,
      %get3A_1100 = vector.shape_cast %get3A_1099 : vector<1x16xf32> to vector<16xf32>
      %add3A_1101 = arith.addf %get3A_1058, %get3A_1100 : vector<16xf32>
      %mul3A_1102 = arith.constant 5 : i32
      %mul3A_1103 = arith.muli %scan3A_973, %mul3A_1102 : i32
      %add3A_1104 = arith.constant 1 : i32
      %add3A_1105 = arith.addi %mul3A_1103, %add3A_1104 : i32
      %get3A_1106 = arith.constant 0 : i32
      %get3A_1107 = arith.constant 0 : i32
      %get3A_1108 = tpu.memref_slice %arg14[%scan3A_593, %get3A_1106, %get3A_1107] : memref<2x640x64xf32, #tpu.memory_space<vmem>> -> memref<1x640x64xf32, #tpu.memory_space<vmem>>
      %get3A_1109 = tpu.memref_squeeze %get3A_1108 : memref<1x640x64xf32, #tpu.memory_space<vmem>> -> memref<640x64xf32, #tpu.memory_space<vmem>>
      %get3A_1110 = arith.index_cast %add3A_1105 : i32 to index
      %get3A_1111 = arith.constant 16 : index
      %get3A_1112 = tpu.vector_load %get3A_1109[%get3A_1110, %get3A_1111] {strides = array<i32>} : memref<640x64xf32, #tpu.memory_space<vmem>>, vector<1x16xf32>,
      %get3A_1113 = vector.shape_cast %get3A_1112 : vector<1x16xf32> to vector<16xf32>
      %add3A_1114 = arith.addf %get3A_1068, %get3A_1113 : vector<16xf32>
      %mul3A_1115 = arith.constant 5 : i32
      %mul3A_1116 = arith.muli %scan3A_973, %mul3A_1115 : i32
      %add3A_1117 = arith.constant 1 : i32
      %add3A_1118 = arith.addi %mul3A_1116, %add3A_1117 : i32
      %get3A_1119 = arith.constant 0 : i32
      %get3A_1120 = arith.constant 0 : i32
      %get3A_1121 = tpu.memref_slice %arg14[%scan3A_593, %get3A_1119, %get3A_1120] : memref<2x640x64xf32, #tpu.memory_space<vmem>> -> memref<1x640x64xf32, #tpu.memory_space<vmem>>
      %get3A_1122 = tpu.memref_squeeze %get3A_1121 : memref<1x640x64xf32, #tpu.memory_space<vmem>> -> memref<640x64xf32, #tpu.memory_space<vmem>>
      %get3A_1123 = arith.index_cast %add3A_1118 : i32 to index
      %get3A_1124 = arith.constant 32 : index
      %get3A_1125 = tpu.vector_load %get3A_1122[%get3A_1123, %get3A_1124] {strides = array<i32>} : memref<640x64xf32, #tpu.memory_space<vmem>>, vector<1x16xf32>,
      %get3A_1126 = vector.shape_cast %get3A_1125 : vector<1x16xf32> to vector<16xf32>
      %add3A_1127 = arith.addf %get3A_1078, %get3A_1126 : vector<16xf32>
      %mul3A_1128 = arith.constant 5 : i32
      %mul3A_1129 = arith.muli %scan3A_973, %mul3A_1128 : i32
      %add3A_1130 = arith.constant 1 : i32
      %add3A_1131 = arith.addi %mul3A_1129, %add3A_1130 : i32
      %get3A_1132 = arith.constant 0 : i32
      %get3A_1133 = arith.constant 0 : i32
      %get3A_1134 = tpu.memref_slice %arg14[%scan3A_593, %get3A_1132, %get3A_1133] : memref<2x640x64xf32, #tpu.memory_space<vmem>> -> memref<1x640x64xf32, #tpu.memory_space<vmem>>
      %get3A_1135 = tpu.memref_squeeze %get3A_1134 : memref<1x640x64xf32, #tpu.memory_space<vmem>> -> memref<640x64xf32, #tpu.memory_space<vmem>>
      %get3A_1136 = arith.index_cast %add3A_1131 : i32 to index
      %get3A_1137 = arith.constant 48 : index
      %get3A_1138 = tpu.vector_load %get3A_1135[%get3A_1136, %get3A_1137] {strides = array<i32>} : memref<640x64xf32, #tpu.memory_space<vmem>>, vector<1x16xf32>,
      %get3A_1139 = vector.shape_cast %get3A_1138 : vector<1x16xf32> to vector<16xf32>
      %add3A_1140 = arith.addf %get3A_1088, %get3A_1139 : vector<16xf32>
      %mul3A_1141 = arith.constant 5 : i32
      %mul3A_1142 = arith.muli %scan3A_973, %mul3A_1141 : i32
      %add3A_1143 = arith.constant 2 : i32
      %add3A_1144 = arith.addi %mul3A_1142, %add3A_1143 : i32
      %get3A_1145 = arith.constant 0 : i32
      %get3A_1146 = arith.constant 0 : i32
      %get3A_1147 = tpu.memref_slice %arg14[%scan3A_593, %get3A_1145, %get3A_1146] : memref<2x640x64xf32, #tpu.memory_space<vmem>> -> memref<1x640x64xf32, #tpu.memory_space<vmem>>
      %get3A_1148 = tpu.memref_squeeze %get3A_1147 : memref<1x640x64xf32, #tpu.memory_space<vmem>> -> memref<640x64xf32, #tpu.memory_space<vmem>>
      %get3A_1149 = arith.index_cast %add3A_1144 : i32 to index
      %get3A_1150 = arith.constant 0 : index
      %get3A_1151 = tpu.vector_load %get3A_1148[%get3A_1149, %get3A_1150] {strides = array<i32>} : memref<640x64xf32, #tpu.memory_space<vmem>>, vector<1x16xf32>,
      %get3A_1152 = vector.shape_cast %get3A_1151 : vector<1x16xf32> to vector<16xf32>
      %add3A_1153 = arith.addf %add3A_1101, %get3A_1152 : vector<16xf32>
      %mul3A_1154 = arith.constant 5 : i32
      %mul3A_1155 = arith.muli %scan3A_973, %mul3A_1154 : i32
      %add3A_1156 = arith.constant 2 : i32
      %add3A_1157 = arith.addi %mul3A_1155, %add3A_1156 : i32
      %get3A_1158 = arith.constant 0 : i32
      %get3A_1159 = arith.constant 0 : i32
      %get3A_1160 = tpu.memref_slice %arg14[%scan3A_593, %get3A_1158, %get3A_1159] : memref<2x640x64xf32, #tpu.memory_space<vmem>> -> memref<1x640x64xf32, #tpu.memory_space<vmem>>
      %get3A_1161 = tpu.memref_squeeze %get3A_1160 : memref<1x640x64xf32, #tpu.memory_space<vmem>> -> memref<640x64xf32, #tpu.memory_space<vmem>>
      %get3A_1162 = arith.index_cast %add3A_1157 : i32 to index
      %get3A_1163 = arith.constant 16 : index
      %get3A_1164 = tpu.vector_load %get3A_1161[%get3A_1162, %get3A_1163] {strides = array<i32>} : memref<640x64xf32, #tpu.memory_space<vmem>>, vector<1x16xf32>,
      %get3A_1165 = vector.shape_cast %get3A_1164 : vector<1x16xf32> to vector<16xf32>
      %add3A_1166 = arith.addf %add3A_1114, %get3A_1165 : vector<16xf32>
      %mul3A_1167 = arith.constant 5 : i32
      %mul3A_1168 = arith.muli %scan3A_973, %mul3A_1167 : i32
      %add3A_1169 = arith.constant 2 : i32
      %add3A_1170 = arith.addi %mul3A_1168, %add3A_1169 : i32
      %get3A_1171 = arith.constant 0 : i32
      %get3A_1172 = arith.constant 0 : i32
      %get3A_1173 = tpu.memref_slice %arg14[%scan3A_593, %get3A_1171, %get3A_1172] : memref<2x640x64xf32, #tpu.memory_space<vmem>> -> memref<1x640x64xf32, #tpu.memory_space<vmem>>
      %get3A_1174 = tpu.memref_squeeze %get3A_1173 : memref<1x640x64xf32, #tpu.memory_space<vmem>> -> memref<640x64xf32, #tpu.memory_space<vmem>>
      %get3A_1175 = arith.index_cast %add3A_1170 : i32 to index
      %get3A_1176 = arith.constant 32 : index
      %get3A_1177 = tpu.vector_load %get3A_1174[%get3A_1175, %get3A_1176] {strides = array<i32>} : memref<640x64xf32, #tpu.memory_space<vmem>>, vector<1x16xf32>,
      %get3A_1178 = vector.shape_cast %get3A_1177 : vector<1x16xf32> to vector<16xf32>
      %add3A_1179 = arith.addf %add3A_1127, %get3A_1178 : vector<16xf32>
      %mul3A_1180 = arith.constant 5 : i32
      %mul3A_1181 = arith.muli %scan3A_973, %mul3A_1180 : i32
      %add3A_1182 = arith.constant 2 : i32
      %add3A_1183 = arith.addi %mul3A_1181, %add3A_1182 : i32
      %get3A_1184 = arith.constant 0 : i32
      %get3A_1185 = arith.constant 0 : i32
      %get3A_1186 = tpu.memref_slice %arg14[%scan3A_593, %get3A_1184, %get3A_1185] : memref<2x640x64xf32, #tpu.memory_space<vmem>> -> memref<1x640x64xf32, #tpu.memory_space<vmem>>
      %get3A_1187 = tpu.memref_squeeze %get3A_1186 : memref<1x640x64xf32, #tpu.memory_space<vmem>> -> memref<640x64xf32, #tpu.memory_space<vmem>>
      %get3A_1188 = arith.index_cast %add3A_1183 : i32 to index
      %get3A_1189 = arith.constant 48 : index
      %get3A_1190 = tpu.vector_load %get3A_1187[%get3A_1188, %get3A_1189] {strides = array<i32>} : memref<640x64xf32, #tpu.memory_space<vmem>>, vector<1x16xf32>,
      %get3A_1191 = vector.shape_cast %get3A_1190 : vector<1x16xf32> to vector<16xf32>
      %add3A_1192 = arith.addf %add3A_1140, %get3A_1191 : vector<16xf32>
      %mul3A_1193 = arith.constant 5 : i32
      %mul3A_1194 = arith.muli %scan3A_973, %mul3A_1193 : i32
      %add3A_1195 = arith.constant 3 : i32
      %add3A_1196 = arith.addi %mul3A_1194, %add3A_1195 : i32
      %get3A_1197 = arith.constant 0 : i32
      %get3A_1198 = arith.constant 0 : i32
      %get3A_1199 = tpu.memref_slice %arg14[%scan3A_593, %get3A_1197, %get3A_1198] : memref<2x640x64xf32, #tpu.memory_space<vmem>> -> memref<1x640x64xf32, #tpu.memory_space<vmem>>
      %get3A_1200 = tpu.memref_squeeze %get3A_1199 : memref<1x640x64xf32, #tpu.memory_space<vmem>> -> memref<640x64xf32, #tpu.memory_space<vmem>>
      %get3A_1201 = arith.index_cast %add3A_1196 : i32 to index
      %get3A_1202 = arith.constant 0 : index
      %get3A_1203 = tpu.vector_load %get3A_1200[%get3A_1201, %get3A_1202] {strides = array<i32>} : memref<640x64xf32, #tpu.memory_space<vmem>>, vector<1x16xf32>,
      %get3A_1204 = vector.shape_cast %get3A_1203 : vector<1x16xf32> to vector<16xf32>
      %add3A_1205 = arith.addf %add3A_1153, %get3A_1204 : vector<16xf32>
      %mul3A_1206 = arith.constant 5 : i32
      %mul3A_1207 = arith.muli %scan3A_973, %mul3A_1206 : i32
      %add3A_1208 = arith.constant 3 : i32
      %add3A_1209 = arith.addi %mul3A_1207, %add3A_1208 : i32
      %get3A_1210 = arith.constant 0 : i32
      %get3A_1211 = arith.constant 0 : i32
      %get3A_1212 = tpu.memref_slice %arg14[%scan3A_593, %get3A_1210, %get3A_1211] : memref<2x640x64xf32, #tpu.memory_space<vmem>> -> memref<1x640x64xf32, #tpu.memory_space<vmem>>
      %get3A_1213 = tpu.memref_squeeze %get3A_1212 : memref<1x640x64xf32, #tpu.memory_space<vmem>> -> memref<640x64xf32, #tpu.memory_space<vmem>>
      %get3A_1214 = arith.index_cast %add3A_1209 : i32 to index
      %get3A_1215 = arith.constant 16 : index
      %get3A_1216 = tpu.vector_load %get3A_1213[%get3A_1214, %get3A_1215] {strides = array<i32>} : memref<640x64xf32, #tpu.memory_space<vmem>>, vector<1x16xf32>,
      %get3A_1217 = vector.shape_cast %get3A_1216 : vector<1x16xf32> to vector<16xf32>
      %add3A_1218 = arith.addf %add3A_1166, %get3A_1217 : vector<16xf32>
      %mul3A_1219 = arith.constant 5 : i32
      %mul3A_1220 = arith.muli %scan3A_973, %mul3A_1219 : i32
      %add3A_1221 = arith.constant 3 : i32
      %add3A_1222 = arith.addi %mul3A_1220, %add3A_1221 : i32
      %get3A_1223 = arith.constant 0 : i32
      %get3A_1224 = arith.constant 0 : i32
      %get3A_1225 = tpu.memref_slice %arg14[%scan3A_593, %get3A_1223, %get3A_1224] : memref<2x640x64xf32, #tpu.memory_space<vmem>> -> memref<1x640x64xf32, #tpu.memory_space<vmem>>
      %get3A_1226 = tpu.memref_squeeze %get3A_1225 : memref<1x640x64xf32, #tpu.memory_space<vmem>> -> memref<640x64xf32, #tpu.memory_space<vmem>>
      %get3A_1227 = arith.index_cast %add3A_1222 : i32 to index
      %get3A_1228 = arith.constant 32 : index
      %get3A_1229 = tpu.vector_load %get3A_1226[%get3A_1227, %get3A_1228] {strides = array<i32>} : memref<640x64xf32, #tpu.memory_space<vmem>>, vector<1x16xf32>,
      %get3A_1230 = vector.shape_cast %get3A_1229 : vector<1x16xf32> to vector<16xf32>
      %add3A_1231 = arith.addf %add3A_1179, %get3A_1230 : vector<16xf32>
      %mul3A_1232 = arith.constant 5 : i32
      %mul3A_1233 = arith.muli %scan3A_973, %mul3A_1232 : i32
      %add3A_1234 = arith.constant 3 : i32
      %add3A_1235 = arith.addi %mul3A_1233, %add3A_1234 : i32
      %get3A_1236 = arith.constant 0 : i32
      %get3A_1237 = arith.constant 0 : i32
      %get3A_1238 = tpu.memref_slice %arg14[%scan3A_593, %get3A_1236, %get3A_1237] : memref<2x640x64xf32, #tpu.memory_space<vmem>> -> memref<1x640x64xf32, #tpu.memory_space<vmem>>
      %get3A_1239 = tpu.memref_squeeze %get3A_1238 : memref<1x640x64xf32, #tpu.memory_space<vmem>> -> memref<640x64xf32, #tpu.memory_space<vmem>>
      %get3A_1240 = arith.index_cast %add3A_1235 : i32 to index
      %get3A_1241 = arith.constant 48 : index
      %get3A_1242 = tpu.vector_load %get3A_1239[%get3A_1240, %get3A_1241] {strides = array<i32>} : memref<640x64xf32, #tpu.memory_space<vmem>>, vector<1x16xf32>,
      %get3A_1243 = vector.shape_cast %get3A_1242 : vector<1x16xf32> to vector<16xf32>
      %add3A_1244 = arith.addf %add3A_1192, %get3A_1243 : vector<16xf32>
      %mul3A_1245 = arith.constant 5 : i32
      %mul3A_1246 = arith.muli %scan3A_973, %mul3A_1245 : i32
      %add3A_1247 = arith.constant 4 : i32
      %add3A_1248 = arith.addi %mul3A_1246, %add3A_1247 : i32
      %get3A_1249 = arith.constant 0 : i32
      %get3A_1250 = arith.constant 0 : i32
      %get3A_1251 = tpu.memref_slice %arg14[%scan3A_593, %get3A_1249, %get3A_1250] : memref<2x640x64xf32, #tpu.memory_space<vmem>> -> memref<1x640x64xf32, #tpu.memory_space<vmem>>
      %get3A_1252 = tpu.memref_squeeze %get3A_1251 : memref<1x640x64xf32, #tpu.memory_space<vmem>> -> memref<640x64xf32, #tpu.memory_space<vmem>>
      %get3A_1253 = arith.index_cast %add3A_1248 : i32 to index
      %get3A_1254 = arith.constant 0 : index
      %get3A_1255 = tpu.vector_load %get3A_1252[%get3A_1253, %get3A_1254] {strides = array<i32>} : memref<640x64xf32, #tpu.memory_space<vmem>>, vector<1x16xf32>,
      %get3A_1256 = vector.shape_cast %get3A_1255 : vector<1x16xf32> to vector<16xf32>
      %add3A_1257 = arith.addf %add3A_1205, %get3A_1256 : vector<16xf32>
      %mul3A_1258 = arith.constant 5 : i32
      %mul3A_1259 = arith.muli %scan3A_973, %mul3A_1258 : i32
      %add3A_1260 = arith.constant 4 : i32
      %add3A_1261 = arith.addi %mul3A_1259, %add3A_1260 : i32
      %get3A_1262 = arith.constant 0 : i32
      %get3A_1263 = arith.constant 0 : i32
      %get3A_1264 = tpu.memref_slice %arg14[%scan3A_593, %get3A_1262, %get3A_1263] : memref<2x640x64xf32, #tpu.memory_space<vmem>> -> memref<1x640x64xf32, #tpu.memory_space<vmem>>
      %get3A_1265 = tpu.memref_squeeze %get3A_1264 : memref<1x640x64xf32, #tpu.memory_space<vmem>> -> memref<640x64xf32, #tpu.memory_space<vmem>>
      %get3A_1266 = arith.index_cast %add3A_1261 : i32 to index
      %get3A_1267 = arith.constant 16 : index
      %get3A_1268 = tpu.vector_load %get3A_1265[%get3A_1266, %get3A_1267] {strides = array<i32>} : memref<640x64xf32, #tpu.memory_space<vmem>>, vector<1x16xf32>,
      %get3A_1269 = vector.shape_cast %get3A_1268 : vector<1x16xf32> to vector<16xf32>
      %add3A_1270 = arith.addf %add3A_1218, %get3A_1269 : vector<16xf32>
      %mul3A_1271 = arith.constant 5 : i32
      %mul3A_1272 = arith.muli %scan3A_973, %mul3A_1271 : i32
      %add3A_1273 = arith.constant 4 : i32
      %add3A_1274 = arith.addi %mul3A_1272, %add3A_1273 : i32
      %get3A_1275 = arith.constant 0 : i32
      %get3A_1276 = arith.constant 0 : i32
      %get3A_1277 = tpu.memref_slice %arg14[%scan3A_593, %get3A_1275, %get3A_1276] : memref<2x640x64xf32, #tpu.memory_space<vmem>> -> memref<1x640x64xf32, #tpu.memory_space<vmem>>
      %get3A_1278 = tpu.memref_squeeze %get3A_1277 : memref<1x640x64xf32, #tpu.memory_space<vmem>> -> memref<640x64xf32, #tpu.memory_space<vmem>>
      %get3A_1279 = arith.index_cast %add3A_1274 : i32 to index
      %get3A_1280 = arith.constant 32 : index
      %get3A_1281 = tpu.vector_load %get3A_1278[%get3A_1279, %get3A_1280] {strides = array<i32>} : memref<640x64xf32, #tpu.memory_space<vmem>>, vector<1x16xf32>,
      %get3A_1282 = vector.shape_cast %get3A_1281 : vector<1x16xf32> to vector<16xf32>
      %add3A_1283 = arith.addf %add3A_1231, %get3A_1282 : vector<16xf32>
      %mul3A_1284 = arith.constant 5 : i32
      %mul3A_1285 = arith.muli %scan3A_973, %mul3A_1284 : i32
      %add3A_1286 = arith.constant 4 : i32
      %add3A_1287 = arith.addi %mul3A_1285, %add3A_1286 : i32
      %get3A_1288 = arith.constant 0 : i32
      %get3A_1289 = arith.constant 0 : i32
      %get3A_1290 = tpu.memref_slice %arg14[%scan3A_593, %get3A_1288, %get3A_1289] : memref<2x640x64xf32, #tpu.memory_space<vmem>> -> memref<1x640x64xf32, #tpu.memory_space<vmem>>
      %get3A_1291 = tpu.memref_squeeze %get3A_1290 : memref<1x640x64xf32, #tpu.memory_space<vmem>> -> memref<640x64xf32, #tpu.memory_space<vmem>>
      %get3A_1292 = arith.index_cast %add3A_1287 : i32 to index
      %get3A_1293 = arith.constant 48 : index
      %get3A_1294 = tpu.vector_load %get3A_1291[%get3A_1292, %get3A_1293] {strides = array<i32>} : memref<640x64xf32, #tpu.memory_space<vmem>>, vector<1x16xf32>,
      %get3A_1295 = vector.shape_cast %get3A_1294 : vector<1x16xf32> to vector<16xf32>
      %add3A_1296 = arith.addf %add3A_1244, %get3A_1295 : vector<16xf32>
      %mul3A_1297 = arith.mulf %get3A_980, %add3A_1257 : vector<16xf32>
      %mul3A_1298 = arith.mulf %get3A_988, %add3A_1270 : vector<16xf32>
      %add3A_1299 = arith.addf %mul3A_1297, %mul3A_1298 : vector<16xf32>
      %mul3A_1300 = arith.mulf %get3A_996, %add3A_1283 : vector<16xf32>
      %add3A_1301 = arith.addf %add3A_1299, %mul3A_1300 : vector<16xf32>
      %mul3A_1302 = arith.mulf %get3A_1004, %add3A_1296 : vector<16xf32>
      %add3A_1303 = arith.addf %add3A_1301, %mul3A_1302 : vector<16xf32>
      %mul3A_1304 = arith.constant 16 : i32
      %mul3A_1305 = arith.muli %scan3A_973, %mul3A_1304 : i32
      %swap3A_1306 = arith.index_cast %mul3A_1305 : i32 to index
      %swap3A_1307 = tpu.vector_load %arg16[%swap3A_1306] {strides = array<i32>} : memref<2048xf32, #tpu.memory_space<vmem>>, vector<16xf32>,
      %swap3A_1308 = vector.shape_cast %swap3A_1307 : vector<16xf32> to vector<16xf32>
      %swap3A_1309 = vector.shape_cast %add3A_1303 : vector<16xf32> to vector<16xf32>
      tpu.vector_store %arg16[%swap3A_1306], %swap3A_1309 {strides = array<i32>} : memref<2048xf32, #tpu.memory_space<vmem>>, vector<16xf32>,
    }
    %scan3A_598 = arith.constant 128 : i32
    %mul3A_599 = arith.constant 16 : i32
    %mul3A_600 = arith.muli %add3A_589, %mul3A_599 : i32
    "tpu.region"() ({
      %run_scoped3A_973 = tpu.sem_alloc : memref<!tpu.dma_semaphore, #tpu.memory_space<semaphore_mem>>
      %dma_start3A_974 = tpu.memref_slice %arg7[%mul3A_600] : memref<262144xf32, #tpu.memory_space<hbm>> -> memref<2048xf32, #tpu.memory_space<hbm>>
      %dma_start3A_975 = tpu.memref_slice %arg7[%mul3A_600] : memref<262144xf32, #tpu.memory_space<hbm>> -> memref<2048xf32, #tpu.memory_space<hbm>>
      tpu.enqueue_dma source(%arg15 : memref<2048xf32, #tpu.memory_space<vmem>>) target(%dma_start3A_975 : memref<2048xf32, #tpu.memory_space<hbm>>) target_semaphore(%run_scoped3A_973 : memref<!tpu.dma_semaphore, #tpu.memory_space<semaphore_mem>>)
      %dma_wait3A_976 = tpu.memref_slice %arg7[%mul3A_600] : memref<262144xf32, #tpu.memory_space<hbm>> -> memref<2048xf32, #tpu.memory_space<hbm>>
      %dma_wait3A_977 = tpu.memref_slice %arg7[%mul3A_600] : memref<262144xf32, #tpu.memory_space<hbm>> -> memref<2048xf32, #tpu.memory_space<hbm>>
      tpu.wait_dma2 semaphore(%run_scoped3A_973 : memref<!tpu.dma_semaphore, #tpu.memory_space<semaphore_mem>>) src(%arg15 : memref<2048xf32, #tpu.memory_space<vmem>>) dst(%dma_wait3A_977 : memref<2048xf32, #tpu.memory_space<hbm>>)
      tpu.yield
    }) : () -> ()
    %mul3A_601 = arith.constant 16 : i32
    %mul3A_602 = arith.muli %add3A_589, %mul3A_601 : i32
    "tpu.region"() ({
      %run_scoped3A_973 = tpu.sem_alloc : memref<!tpu.dma_semaphore, #tpu.memory_space<semaphore_mem>>
      %dma_start3A_974 = tpu.memref_slice %arg8[%mul3A_602] : memref<262144xf32, #tpu.memory_space<hbm>> -> memref<2048xf32, #tpu.memory_space<hbm>>
      %dma_start3A_975 = tpu.memref_slice %arg8[%mul3A_602] : memref<262144xf32, #tpu.memory_space<hbm>> -> memref<2048xf32, #tpu.memory_space<hbm>>
      tpu.enqueue_dma source(%arg16 : memref<2048xf32, #tpu.memory_space<vmem>>) target(%dma_start3A_975 : memref<2048xf32, #tpu.memory_space<hbm>>) target_semaphore(%run_scoped3A_973 : memref<!tpu.dma_semaphore, #tpu.memory_space<semaphore_mem>>)
      %dma_wait3A_976 = tpu.memref_slice %arg8[%mul3A_602] : memref<262144xf32, #tpu.memory_space<hbm>> -> memref<2048xf32, #tpu.memory_space<hbm>>
      %dma_wait3A_977 = tpu.memref_slice %arg8[%mul3A_602] : memref<262144xf32, #tpu.memory_space<hbm>> -> memref<2048xf32, #tpu.memory_space<hbm>>
      tpu.wait_dma2 semaphore(%run_scoped3A_973 : memref<!tpu.dma_semaphore, #tpu.memory_space<semaphore_mem>>) src(%arg16 : memref<2048xf32, #tpu.memory_space<vmem>>) dst(%dma_wait3A_977 : memref<2048xf32, #tpu.memory_space<hbm>>)
      tpu.yield
    }) : () -> ()
    %mul3A_603 = arith.constant 512 : i32
    %mul3A_604 = arith.muli %add3A, %mul3A_603 : i32
    %add3A_605 = arith.constant 384 : i32
    %add3A_606 = arith.addi %mul3A_604, %add3A_605 : i32
    %run_scoped3A_607 = arith.constant 1 : i32
    "tpu.region"() ({
      %run_scoped3A_973 = tpu.sem_alloc : memref<!tpu.dma_semaphore, #tpu.memory_space<semaphore_mem>>
      %dma_start3A_974 = arith.constant 0 : i32
      %dma_start3A_975 = tpu.memref_slice %arg9[%run_scoped3A_607, %dma_start3A_974] : memref<2x128xi32, #tpu.memory_space<vmem>> -> memref<1x128xi32, #tpu.memory_space<vmem>>
      %dma_start3A_976 = tpu.memref_squeeze %dma_start3A_975 : memref<1x128xi32, #tpu.memory_space<vmem>> -> memref<128xi32, #tpu.memory_space<vmem>>
      %dma_start3A_977 = tpu.memref_slice %arg4[%add3A_606] : memref<16384xi32, #tpu.memory_space<hbm>> -> memref<128xi32, #tpu.memory_space<hbm>>
      %dma_start3A_978 = arith.constant 0 : i32
      %dma_start3A_979 = tpu.memref_slice %arg9[%run_scoped3A_607, %dma_start3A_978] : memref<2x128xi32, #tpu.memory_space<vmem>> -> memref<1x128xi32, #tpu.memory_space<vmem>>
      %dma_start3A_980 = tpu.memref_squeeze %dma_start3A_979 : memref<1x128xi32, #tpu.memory_space<vmem>> -> memref<128xi32, #tpu.memory_space<vmem>>
      %dma_start3A_981 = tpu.memref_slice %arg4[%add3A_606] : memref<16384xi32, #tpu.memory_space<hbm>> -> memref<128xi32, #tpu.memory_space<hbm>>
      tpu.enqueue_dma source(%dma_start3A_981 : memref<128xi32, #tpu.memory_space<hbm>>) target(%dma_start3A_980 : memref<128xi32, #tpu.memory_space<vmem>>) target_semaphore(%run_scoped3A_973 : memref<!tpu.dma_semaphore, #tpu.memory_space<semaphore_mem>>)
      %dma_wait3A_982 = arith.constant 0 : i32
      %dma_wait3A_983 = tpu.memref_slice %arg9[%run_scoped3A_607, %dma_wait3A_982] : memref<2x128xi32, #tpu.memory_space<vmem>> -> memref<1x128xi32, #tpu.memory_space<vmem>>
      %dma_wait3A_984 = tpu.memref_squeeze %dma_wait3A_983 : memref<1x128xi32, #tpu.memory_space<vmem>> -> memref<128xi32, #tpu.memory_space<vmem>>
      %dma_wait3A_985 = tpu.memref_slice %arg4[%add3A_606] : memref<16384xi32, #tpu.memory_space<hbm>> -> memref<128xi32, #tpu.memory_space<hbm>>
      %dma_wait3A_986 = arith.constant 0 : i32
      %dma_wait3A_987 = tpu.memref_slice %arg9[%run_scoped3A_607, %dma_wait3A_986] : memref<2x128xi32, #tpu.memory_space<vmem>> -> memref<1x128xi32, #tpu.memory_space<vmem>>
      %dma_wait3A_988 = tpu.memref_squeeze %dma_wait3A_987 : memref<1x128xi32, #tpu.memory_space<vmem>> -> memref<128xi32, #tpu.memory_space<vmem>>
      %dma_wait3A_989 = tpu.memref_slice %arg4[%add3A_606] : memref<16384xi32, #tpu.memory_space<hbm>> -> memref<128xi32, #tpu.memory_space<hbm>>
      tpu.wait_dma2 semaphore(%run_scoped3A_973 : memref<!tpu.dma_semaphore, #tpu.memory_space<semaphore_mem>>) src(%dma_wait3A_989 : memref<128xi32, #tpu.memory_space<hbm>>) dst(%dma_wait3A_988 : memref<128xi32, #tpu.memory_space<vmem>>)
      tpu.yield
    }) : () -> ()
    %run_scoped3A_608 = arith.constant 1 : i32
    "tpu.region"() ({
      %run_scoped3A_973 = tpu.sem_alloc : memref<!tpu.dma_semaphore, #tpu.memory_space<semaphore_mem>>
      %dma_start3A_974 = arith.constant 0 : i32
      %dma_start3A_975 = tpu.memref_slice %arg10[%run_scoped3A_608, %dma_start3A_974] : memref<2x128xi32, #tpu.memory_space<vmem>> -> memref<1x128xi32, #tpu.memory_space<vmem>>
      %dma_start3A_976 = tpu.memref_squeeze %dma_start3A_975 : memref<1x128xi32, #tpu.memory_space<vmem>> -> memref<128xi32, #tpu.memory_space<vmem>>
      %dma_start3A_977 = tpu.memref_slice %arg5[%add3A_606] : memref<16384xi32, #tpu.memory_space<hbm>> -> memref<128xi32, #tpu.memory_space<hbm>>
      %dma_start3A_978 = arith.constant 0 : i32
      %dma_start3A_979 = tpu.memref_slice %arg10[%run_scoped3A_608, %dma_start3A_978] : memref<2x128xi32, #tpu.memory_space<vmem>> -> memref<1x128xi32, #tpu.memory_space<vmem>>
      %dma_start3A_980 = tpu.memref_squeeze %dma_start3A_979 : memref<1x128xi32, #tpu.memory_space<vmem>> -> memref<128xi32, #tpu.memory_space<vmem>>
      %dma_start3A_981 = tpu.memref_slice %arg5[%add3A_606] : memref<16384xi32, #tpu.memory_space<hbm>> -> memref<128xi32, #tpu.memory_space<hbm>>
      tpu.enqueue_dma source(%dma_start3A_981 : memref<128xi32, #tpu.memory_space<hbm>>) target(%dma_start3A_980 : memref<128xi32, #tpu.memory_space<vmem>>) target_semaphore(%run_scoped3A_973 : memref<!tpu.dma_semaphore, #tpu.memory_space<semaphore_mem>>)
      %dma_wait3A_982 = arith.constant 0 : i32
      %dma_wait3A_983 = tpu.memref_slice %arg10[%run_scoped3A_608, %dma_wait3A_982] : memref<2x128xi32, #tpu.memory_space<vmem>> -> memref<1x128xi32, #tpu.memory_space<vmem>>
      %dma_wait3A_984 = tpu.memref_squeeze %dma_wait3A_983 : memref<1x128xi32, #tpu.memory_space<vmem>> -> memref<128xi32, #tpu.memory_space<vmem>>
      %dma_wait3A_985 = tpu.memref_slice %arg5[%add3A_606] : memref<16384xi32, #tpu.memory_space<hbm>> -> memref<128xi32, #tpu.memory_space<hbm>>
      %dma_wait3A_986 = arith.constant 0 : i32
      %dma_wait3A_987 = tpu.memref_slice %arg10[%run_scoped3A_608, %dma_wait3A_986] : memref<2x128xi32, #tpu.memory_space<vmem>> -> memref<1x128xi32, #tpu.memory_space<vmem>>
      %dma_wait3A_988 = tpu.memref_squeeze %dma_wait3A_987 : memref<1x128xi32, #tpu.memory_space<vmem>> -> memref<128xi32, #tpu.memory_space<vmem>>
      %dma_wait3A_989 = tpu.memref_slice %arg5[%add3A_606] : memref<16384xi32, #tpu.memory_space<hbm>> -> memref<128xi32, #tpu.memory_space<hbm>>
      tpu.wait_dma2 semaphore(%run_scoped3A_973 : memref<!tpu.dma_semaphore, #tpu.memory_space<semaphore_mem>>) src(%dma_wait3A_989 : memref<128xi32, #tpu.memory_space<hbm>>) dst(%dma_wait3A_988 : memref<128xi32, #tpu.memory_space<vmem>>)
      tpu.yield
    }) : () -> ()
    %mul3A_609 = arith.constant 5 : i32
    %mul3A_610 = arith.muli %add3A_606, %mul3A_609 : i32
    %run_scoped3A_611 = arith.constant 1 : i32
    "tpu.region"() ({
      %run_scoped3A_973 = tpu.sem_alloc : memref<!tpu.dma_semaphore, #tpu.memory_space<semaphore_mem>>
      %dma_start3A_974 = arith.constant 0 : i32
      %dma_start3A_975 = tpu.memref_slice %arg11[%run_scoped3A_611, %dma_start3A_974] : memref<2x640xi32, #tpu.memory_space<vmem>> -> memref<1x640xi32, #tpu.memory_space<vmem>>
      %dma_start3A_976 = tpu.memref_squeeze %dma_start3A_975 : memref<1x640xi32, #tpu.memory_space<vmem>> -> memref<640xi32, #tpu.memory_space<vmem>>
      %dma_start3A_977 = tpu.memref_slice %arg6[%mul3A_610] : memref<81920xi32, #tpu.memory_space<hbm>> -> memref<640xi32, #tpu.memory_space<hbm>>
      %dma_start3A_978 = arith.constant 0 : i32
      %dma_start3A_979 = tpu.memref_slice %arg11[%run_scoped3A_611, %dma_start3A_978] : memref<2x640xi32, #tpu.memory_space<vmem>> -> memref<1x640xi32, #tpu.memory_space<vmem>>
      %dma_start3A_980 = tpu.memref_squeeze %dma_start3A_979 : memref<1x640xi32, #tpu.memory_space<vmem>> -> memref<640xi32, #tpu.memory_space<vmem>>
      %dma_start3A_981 = tpu.memref_slice %arg6[%mul3A_610] : memref<81920xi32, #tpu.memory_space<hbm>> -> memref<640xi32, #tpu.memory_space<hbm>>
      tpu.enqueue_dma source(%dma_start3A_981 : memref<640xi32, #tpu.memory_space<hbm>>) target(%dma_start3A_980 : memref<640xi32, #tpu.memory_space<vmem>>) target_semaphore(%run_scoped3A_973 : memref<!tpu.dma_semaphore, #tpu.memory_space<semaphore_mem>>)
      %dma_wait3A_982 = arith.constant 0 : i32
      %dma_wait3A_983 = tpu.memref_slice %arg11[%run_scoped3A_611, %dma_wait3A_982] : memref<2x640xi32, #tpu.memory_space<vmem>> -> memref<1x640xi32, #tpu.memory_space<vmem>>
      %dma_wait3A_984 = tpu.memref_squeeze %dma_wait3A_983 : memref<1x640xi32, #tpu.memory_space<vmem>> -> memref<640xi32, #tpu.memory_space<vmem>>
      %dma_wait3A_985 = tpu.memref_slice %arg6[%mul3A_610] : memref<81920xi32, #tpu.memory_space<hbm>> -> memref<640xi32, #tpu.memory_space<hbm>>
      %dma_wait3A_986 = arith.constant 0 : i32
      %dma_wait3A_987 = tpu.memref_slice %arg11[%run_scoped3A_611, %dma_wait3A_986] : memref<2x640xi32, #tpu.memory_space<vmem>> -> memref<1x640xi32, #tpu.memory_space<vmem>>
      %dma_wait3A_988 = tpu.memref_squeeze %dma_wait3A_987 : memref<1x640xi32, #tpu.memory_space<vmem>> -> memref<640xi32, #tpu.memory_space<vmem>>
      %dma_wait3A_989 = tpu.memref_slice %arg6[%mul3A_610] : memref<81920xi32, #tpu.memory_space<hbm>> -> memref<640xi32, #tpu.memory_space<hbm>>
      tpu.wait_dma2 semaphore(%run_scoped3A_973 : memref<!tpu.dma_semaphore, #tpu.memory_space<semaphore_mem>>) src(%dma_wait3A_989 : memref<640xi32, #tpu.memory_space<hbm>>) dst(%dma_wait3A_988 : memref<640xi32, #tpu.memory_space<vmem>>)
      tpu.yield
    }) : () -> ()
    %dma_start3A_612 = arith.constant 1 : i32
    %dma_start3A_613 = arith.constant 1 : i32
    %dma_start3A_614 = arith.constant 0 : i32
    %dma_start3A_615 = arith.constant 0 : i32
    %dma_start3A_616 = tpu.memref_slice %arg12[%dma_start3A_613, %dma_start3A_614, %dma_start3A_615] : memref<2x128x64xf32, #tpu.memory_space<vmem>> -> memref<1x128x64xf32, #tpu.memory_space<vmem>>
    %dma_start3A_617 = tpu.memref_squeeze %dma_start3A_616 : memref<1x128x64xf32, #tpu.memory_space<vmem>> -> memref<128x64xf32, #tpu.memory_space<vmem>>
    %dma_start3A_618 = arith.constant 0 : i32
    %dma_start3A_619 = tpu.memref_slice %arg9[%dma_start3A_612, %dma_start3A_618] : memref<2x128xi32, #tpu.memory_space<vmem>> -> memref<1x128xi32, #tpu.memory_space<vmem>>
    %dma_start3A_620 = tpu.memref_squeeze %dma_start3A_619 : memref<1x128xi32, #tpu.memory_space<vmem>> -> memref<128xi32, #tpu.memory_space<vmem>>
    %dma_start3A_621 = arith.constant 0 : i32
    %dma_start3A_622 = arith.constant 0 : i32
    %dma_start3A_623 = tpu.memref_slice %arg2[%dma_start3A_621, %dma_start3A_622] : memref<100000x64xf32, #tpu.memory_space<hbm>> -> memref<100000x64xf32, #tpu.memory_space<hbm>>
    tpu.enqueue_indirect_dma source(%dma_start3A_623 : memref<100000x64xf32, #tpu.memory_space<hbm>>) target(%dma_start3A_617 : memref<128x64xf32, #tpu.memory_space<vmem>>) offsets(%dma_start3A_620 : memref<128xi32, #tpu.memory_space<vmem>>) semaphore(%arg18 : memref<!tpu.dma_semaphore, #tpu.memory_space<semaphore_mem>>)
    %dma_start3A_624 = arith.constant 1 : i32
    %dma_start3A_625 = arith.constant 1 : i32
    %dma_start3A_626 = arith.constant 0 : i32
    %dma_start3A_627 = arith.constant 0 : i32
    %dma_start3A_628 = tpu.memref_slice %arg13[%dma_start3A_625, %dma_start3A_626, %dma_start3A_627] : memref<2x128x64xf32, #tpu.memory_space<vmem>> -> memref<1x128x64xf32, #tpu.memory_space<vmem>>
    %dma_start3A_629 = tpu.memref_squeeze %dma_start3A_628 : memref<1x128x64xf32, #tpu.memory_space<vmem>> -> memref<128x64xf32, #tpu.memory_space<vmem>>
    %dma_start3A_630 = arith.constant 0 : i32
    %dma_start3A_631 = tpu.memref_slice %arg10[%dma_start3A_624, %dma_start3A_630] : memref<2x128xi32, #tpu.memory_space<vmem>> -> memref<1x128xi32, #tpu.memory_space<vmem>>
    %dma_start3A_632 = tpu.memref_squeeze %dma_start3A_631 : memref<1x128xi32, #tpu.memory_space<vmem>> -> memref<128xi32, #tpu.memory_space<vmem>>
    %dma_start3A_633 = arith.constant 0 : i32
    %dma_start3A_634 = arith.constant 0 : i32
    %dma_start3A_635 = tpu.memref_slice %arg3[%dma_start3A_633, %dma_start3A_634] : memref<100000x64xf32, #tpu.memory_space<hbm>> -> memref<100000x64xf32, #tpu.memory_space<hbm>>
    tpu.enqueue_indirect_dma source(%dma_start3A_635 : memref<100000x64xf32, #tpu.memory_space<hbm>>) target(%dma_start3A_629 : memref<128x64xf32, #tpu.memory_space<vmem>>) offsets(%dma_start3A_632 : memref<128xi32, #tpu.memory_space<vmem>>) semaphore(%arg18 : memref<!tpu.dma_semaphore, #tpu.memory_space<semaphore_mem>>)
    %dma_start3A_636 = arith.constant 1 : i32
    %dma_start3A_637 = arith.constant 1 : i32
    %dma_start3A_638 = arith.constant 0 : i32
    %dma_start3A_639 = arith.constant 0 : i32
    %dma_start3A_640 = tpu.memref_slice %arg14[%dma_start3A_637, %dma_start3A_638, %dma_start3A_639] : memref<2x640x64xf32, #tpu.memory_space<vmem>> -> memref<1x640x64xf32, #tpu.memory_space<vmem>>
    %dma_start3A_641 = tpu.memref_squeeze %dma_start3A_640 : memref<1x640x64xf32, #tpu.memory_space<vmem>> -> memref<640x64xf32, #tpu.memory_space<vmem>>
    %dma_start3A_642 = arith.constant 0 : i32
    %dma_start3A_643 = arith.constant 0 : i32
    %dma_start3A_644 = tpu.memref_slice %dma_start3A_641[%dma_start3A_642, %dma_start3A_643] : memref<640x64xf32, #tpu.memory_space<vmem>> -> memref<128x64xf32, #tpu.memory_space<vmem>>
    %dma_start3A_645 = arith.constant 0 : i32
    %dma_start3A_646 = tpu.memref_slice %arg11[%dma_start3A_636, %dma_start3A_645] : memref<2x640xi32, #tpu.memory_space<vmem>> -> memref<1x640xi32, #tpu.memory_space<vmem>>
    %dma_start3A_647 = tpu.memref_squeeze %dma_start3A_646 : memref<1x640xi32, #tpu.memory_space<vmem>> -> memref<640xi32, #tpu.memory_space<vmem>>
    %dma_start3A_648 = arith.constant 0 : i32
    %dma_start3A_649 = tpu.memref_slice %dma_start3A_647[%dma_start3A_648] : memref<640xi32, #tpu.memory_space<vmem>> -> memref<128xi32, #tpu.memory_space<vmem>>
    %dma_start3A_650 = arith.constant 0 : i32
    %dma_start3A_651 = arith.constant 0 : i32
    %dma_start3A_652 = tpu.memref_slice %arg3[%dma_start3A_650, %dma_start3A_651] : memref<100000x64xf32, #tpu.memory_space<hbm>> -> memref<100000x64xf32, #tpu.memory_space<hbm>>
    tpu.enqueue_indirect_dma source(%dma_start3A_652 : memref<100000x64xf32, #tpu.memory_space<hbm>>) target(%dma_start3A_644 : memref<128x64xf32, #tpu.memory_space<vmem>>) offsets(%dma_start3A_649 : memref<128xi32, #tpu.memory_space<vmem>>) semaphore(%arg18 : memref<!tpu.dma_semaphore, #tpu.memory_space<semaphore_mem>>)
    %dma_start3A_653 = arith.constant 1 : i32
    %dma_start3A_654 = arith.constant 1 : i32
    %dma_start3A_655 = arith.constant 0 : i32
    %dma_start3A_656 = arith.constant 0 : i32
    %dma_start3A_657 = tpu.memref_slice %arg14[%dma_start3A_654, %dma_start3A_655, %dma_start3A_656] : memref<2x640x64xf32, #tpu.memory_space<vmem>> -> memref<1x640x64xf32, #tpu.memory_space<vmem>>
    %dma_start3A_658 = tpu.memref_squeeze %dma_start3A_657 : memref<1x640x64xf32, #tpu.memory_space<vmem>> -> memref<640x64xf32, #tpu.memory_space<vmem>>
    %dma_start3A_659 = arith.constant 128 : i32
    %dma_start3A_660 = arith.constant 0 : i32
    %dma_start3A_661 = tpu.memref_slice %dma_start3A_658[%dma_start3A_659, %dma_start3A_660] : memref<640x64xf32, #tpu.memory_space<vmem>> -> memref<128x64xf32, #tpu.memory_space<vmem>>
    %dma_start3A_662 = arith.constant 0 : i32
    %dma_start3A_663 = tpu.memref_slice %arg11[%dma_start3A_653, %dma_start3A_662] : memref<2x640xi32, #tpu.memory_space<vmem>> -> memref<1x640xi32, #tpu.memory_space<vmem>>
    %dma_start3A_664 = tpu.memref_squeeze %dma_start3A_663 : memref<1x640xi32, #tpu.memory_space<vmem>> -> memref<640xi32, #tpu.memory_space<vmem>>
    %dma_start3A_665 = arith.constant 128 : i32
    %dma_start3A_666 = tpu.memref_slice %dma_start3A_664[%dma_start3A_665] : memref<640xi32, #tpu.memory_space<vmem>> -> memref<128xi32, #tpu.memory_space<vmem>>
    %dma_start3A_667 = arith.constant 0 : i32
    %dma_start3A_668 = arith.constant 0 : i32
    %dma_start3A_669 = tpu.memref_slice %arg3[%dma_start3A_667, %dma_start3A_668] : memref<100000x64xf32, #tpu.memory_space<hbm>> -> memref<100000x64xf32, #tpu.memory_space<hbm>>
    tpu.enqueue_indirect_dma source(%dma_start3A_669 : memref<100000x64xf32, #tpu.memory_space<hbm>>) target(%dma_start3A_661 : memref<128x64xf32, #tpu.memory_space<vmem>>) offsets(%dma_start3A_666 : memref<128xi32, #tpu.memory_space<vmem>>) semaphore(%arg18 : memref<!tpu.dma_semaphore, #tpu.memory_space<semaphore_mem>>)
    %dma_start3A_670 = arith.constant 1 : i32
    %dma_start3A_671 = arith.constant 1 : i32
    %dma_start3A_672 = arith.constant 0 : i32
    %dma_start3A_673 = arith.constant 0 : i32
    %dma_start3A_674 = tpu.memref_slice %arg14[%dma_start3A_671, %dma_start3A_672, %dma_start3A_673] : memref<2x640x64xf32, #tpu.memory_space<vmem>> -> memref<1x640x64xf32, #tpu.memory_space<vmem>>
    %dma_start3A_675 = tpu.memref_squeeze %dma_start3A_674 : memref<1x640x64xf32, #tpu.memory_space<vmem>> -> memref<640x64xf32, #tpu.memory_space<vmem>>
    %dma_start3A_676 = arith.constant 256 : i32
    %dma_start3A_677 = arith.constant 0 : i32
    %dma_start3A_678 = tpu.memref_slice %dma_start3A_675[%dma_start3A_676, %dma_start3A_677] : memref<640x64xf32, #tpu.memory_space<vmem>> -> memref<128x64xf32, #tpu.memory_space<vmem>>
    %dma_start3A_679 = arith.constant 0 : i32
    %dma_start3A_680 = tpu.memref_slice %arg11[%dma_start3A_670, %dma_start3A_679] : memref<2x640xi32, #tpu.memory_space<vmem>> -> memref<1x640xi32, #tpu.memory_space<vmem>>
    %dma_start3A_681 = tpu.memref_squeeze %dma_start3A_680 : memref<1x640xi32, #tpu.memory_space<vmem>> -> memref<640xi32, #tpu.memory_space<vmem>>
    %dma_start3A_682 = arith.constant 256 : i32
    %dma_start3A_683 = tpu.memref_slice %dma_start3A_681[%dma_start3A_682] : memref<640xi32, #tpu.memory_space<vmem>> -> memref<128xi32, #tpu.memory_space<vmem>>
    %dma_start3A_684 = arith.constant 0 : i32
    %dma_start3A_685 = arith.constant 0 : i32
    %dma_start3A_686 = tpu.memref_slice %arg3[%dma_start3A_684, %dma_start3A_685] : memref<100000x64xf32, #tpu.memory_space<hbm>> -> memref<100000x64xf32, #tpu.memory_space<hbm>>
    tpu.enqueue_indirect_dma source(%dma_start3A_686 : memref<100000x64xf32, #tpu.memory_space<hbm>>) target(%dma_start3A_678 : memref<128x64xf32, #tpu.memory_space<vmem>>) offsets(%dma_start3A_683 : memref<128xi32, #tpu.memory_space<vmem>>) semaphore(%arg18 : memref<!tpu.dma_semaphore, #tpu.memory_space<semaphore_mem>>)
    %dma_start3A_687 = arith.constant 1 : i32
    %dma_start3A_688 = arith.constant 1 : i32
    %dma_start3A_689 = arith.constant 0 : i32
    %dma_start3A_690 = arith.constant 0 : i32
    %dma_start3A_691 = tpu.memref_slice %arg14[%dma_start3A_688, %dma_start3A_689, %dma_start3A_690] : memref<2x640x64xf32, #tpu.memory_space<vmem>> -> memref<1x640x64xf32, #tpu.memory_space<vmem>>
    %dma_start3A_692 = tpu.memref_squeeze %dma_start3A_691 : memref<1x640x64xf32, #tpu.memory_space<vmem>> -> memref<640x64xf32, #tpu.memory_space<vmem>>
    %dma_start3A_693 = arith.constant 384 : i32
    %dma_start3A_694 = arith.constant 0 : i32
    %dma_start3A_695 = tpu.memref_slice %dma_start3A_692[%dma_start3A_693, %dma_start3A_694] : memref<640x64xf32, #tpu.memory_space<vmem>> -> memref<128x64xf32, #tpu.memory_space<vmem>>
    %dma_start3A_696 = arith.constant 0 : i32
    %dma_start3A_697 = tpu.memref_slice %arg11[%dma_start3A_687, %dma_start3A_696] : memref<2x640xi32, #tpu.memory_space<vmem>> -> memref<1x640xi32, #tpu.memory_space<vmem>>
    %dma_start3A_698 = tpu.memref_squeeze %dma_start3A_697 : memref<1x640xi32, #tpu.memory_space<vmem>> -> memref<640xi32, #tpu.memory_space<vmem>>
    %dma_start3A_699 = arith.constant 384 : i32
    %dma_start3A_700 = tpu.memref_slice %dma_start3A_698[%dma_start3A_699] : memref<640xi32, #tpu.memory_space<vmem>> -> memref<128xi32, #tpu.memory_space<vmem>>
    %dma_start3A_701 = arith.constant 0 : i32
    %dma_start3A_702 = arith.constant 0 : i32
    %dma_start3A_703 = tpu.memref_slice %arg3[%dma_start3A_701, %dma_start3A_702] : memref<100000x64xf32, #tpu.memory_space<hbm>> -> memref<100000x64xf32, #tpu.memory_space<hbm>>
    tpu.enqueue_indirect_dma source(%dma_start3A_703 : memref<100000x64xf32, #tpu.memory_space<hbm>>) target(%dma_start3A_695 : memref<128x64xf32, #tpu.memory_space<vmem>>) offsets(%dma_start3A_700 : memref<128xi32, #tpu.memory_space<vmem>>) semaphore(%arg18 : memref<!tpu.dma_semaphore, #tpu.memory_space<semaphore_mem>>)
    %dma_start3A_704 = arith.constant 1 : i32
    %dma_start3A_705 = arith.constant 1 : i32
    %dma_start3A_706 = arith.constant 0 : i32
    %dma_start3A_707 = arith.constant 0 : i32
    %dma_start3A_708 = tpu.memref_slice %arg14[%dma_start3A_705, %dma_start3A_706, %dma_start3A_707] : memref<2x640x64xf32, #tpu.memory_space<vmem>> -> memref<1x640x64xf32, #tpu.memory_space<vmem>>
    %dma_start3A_709 = tpu.memref_squeeze %dma_start3A_708 : memref<1x640x64xf32, #tpu.memory_space<vmem>> -> memref<640x64xf32, #tpu.memory_space<vmem>>
    %dma_start3A_710 = arith.constant 512 : i32
    %dma_start3A_711 = arith.constant 0 : i32
    %dma_start3A_712 = tpu.memref_slice %dma_start3A_709[%dma_start3A_710, %dma_start3A_711] : memref<640x64xf32, #tpu.memory_space<vmem>> -> memref<128x64xf32, #tpu.memory_space<vmem>>
    %dma_start3A_713 = arith.constant 0 : i32
    %dma_start3A_714 = tpu.memref_slice %arg11[%dma_start3A_704, %dma_start3A_713] : memref<2x640xi32, #tpu.memory_space<vmem>> -> memref<1x640xi32, #tpu.memory_space<vmem>>
    %dma_start3A_715 = tpu.memref_squeeze %dma_start3A_714 : memref<1x640xi32, #tpu.memory_space<vmem>> -> memref<640xi32, #tpu.memory_space<vmem>>
    %dma_start3A_716 = arith.constant 512 : i32
    %dma_start3A_717 = tpu.memref_slice %dma_start3A_715[%dma_start3A_716] : memref<640xi32, #tpu.memory_space<vmem>> -> memref<128xi32, #tpu.memory_space<vmem>>
    %dma_start3A_718 = arith.constant 0 : i32
    %dma_start3A_719 = arith.constant 0 : i32
    %dma_start3A_720 = tpu.memref_slice %arg3[%dma_start3A_718, %dma_start3A_719] : memref<100000x64xf32, #tpu.memory_space<hbm>> -> memref<100000x64xf32, #tpu.memory_space<hbm>>
    tpu.enqueue_indirect_dma source(%dma_start3A_720 : memref<100000x64xf32, #tpu.memory_space<hbm>>) target(%dma_start3A_712 : memref<128x64xf32, #tpu.memory_space<vmem>>) offsets(%dma_start3A_717 : memref<128xi32, #tpu.memory_space<vmem>>) semaphore(%arg18 : memref<!tpu.dma_semaphore, #tpu.memory_space<semaphore_mem>>)
    %dma_wait3A_721 = arith.constant 0 : i32
    %dma_wait3A_722 = arith.constant 0 : i32
    %dma_wait3A_723 = arith.constant 0 : i32
    %dma_wait3A_724 = arith.constant 0 : i32
    %dma_wait3A_725 = tpu.memref_slice %arg12[%dma_wait3A_722, %dma_wait3A_723, %dma_wait3A_724] : memref<2x128x64xf32, #tpu.memory_space<vmem>> -> memref<1x128x64xf32, #tpu.memory_space<vmem>>
    %dma_wait3A_726 = tpu.memref_squeeze %dma_wait3A_725 : memref<1x128x64xf32, #tpu.memory_space<vmem>> -> memref<128x64xf32, #tpu.memory_space<vmem>>
    %dma_wait3A_727 = arith.constant 0 : i32
    %dma_wait3A_728 = tpu.memref_slice %arg9[%dma_wait3A_721, %dma_wait3A_727] : memref<2x128xi32, #tpu.memory_space<vmem>> -> memref<1x128xi32, #tpu.memory_space<vmem>>
    %dma_wait3A_729 = tpu.memref_squeeze %dma_wait3A_728 : memref<1x128xi32, #tpu.memory_space<vmem>> -> memref<128xi32, #tpu.memory_space<vmem>>
    %dma_wait3A_730 = arith.constant 0 : i32
    %dma_wait3A_731 = arith.constant 0 : i32
    %dma_wait3A_732 = tpu.memref_slice %arg2[%dma_wait3A_730, %dma_wait3A_731] : memref<100000x64xf32, #tpu.memory_space<hbm>> -> memref<100000x64xf32, #tpu.memory_space<hbm>>
    tpu.wait_indirect_dma semaphore(%arg17 : memref<!tpu.dma_semaphore, #tpu.memory_space<semaphore_mem>>) src(%dma_wait3A_732 : memref<100000x64xf32, #tpu.memory_space<hbm>>) dst(%dma_wait3A_726 : memref<128x64xf32, #tpu.memory_space<vmem>>)
    %dma_wait3A_733 = arith.constant 0 : i32
    %dma_wait3A_734 = arith.constant 0 : i32
    %dma_wait3A_735 = arith.constant 0 : i32
    %dma_wait3A_736 = arith.constant 0 : i32
    %dma_wait3A_737 = tpu.memref_slice %arg13[%dma_wait3A_734, %dma_wait3A_735, %dma_wait3A_736] : memref<2x128x64xf32, #tpu.memory_space<vmem>> -> memref<1x128x64xf32, #tpu.memory_space<vmem>>
    %dma_wait3A_738 = tpu.memref_squeeze %dma_wait3A_737 : memref<1x128x64xf32, #tpu.memory_space<vmem>> -> memref<128x64xf32, #tpu.memory_space<vmem>>
    %dma_wait3A_739 = arith.constant 0 : i32
    %dma_wait3A_740 = tpu.memref_slice %arg10[%dma_wait3A_733, %dma_wait3A_739] : memref<2x128xi32, #tpu.memory_space<vmem>> -> memref<1x128xi32, #tpu.memory_space<vmem>>
    %dma_wait3A_741 = tpu.memref_squeeze %dma_wait3A_740 : memref<1x128xi32, #tpu.memory_space<vmem>> -> memref<128xi32, #tpu.memory_space<vmem>>
    %dma_wait3A_742 = arith.constant 0 : i32
    %dma_wait3A_743 = arith.constant 0 : i32
    %dma_wait3A_744 = tpu.memref_slice %arg3[%dma_wait3A_742, %dma_wait3A_743] : memref<100000x64xf32, #tpu.memory_space<hbm>> -> memref<100000x64xf32, #tpu.memory_space<hbm>>
    tpu.wait_indirect_dma semaphore(%arg17 : memref<!tpu.dma_semaphore, #tpu.memory_space<semaphore_mem>>) src(%dma_wait3A_744 : memref<100000x64xf32, #tpu.memory_space<hbm>>) dst(%dma_wait3A_738 : memref<128x64xf32, #tpu.memory_space<vmem>>)
    %dma_wait3A_745 = arith.constant 0 : i32
    %dma_wait3A_746 = arith.constant 0 : i32
    %dma_wait3A_747 = arith.constant 0 : i32
    %dma_wait3A_748 = arith.constant 0 : i32
    %dma_wait3A_749 = tpu.memref_slice %arg14[%dma_wait3A_746, %dma_wait3A_747, %dma_wait3A_748] : memref<2x640x64xf32, #tpu.memory_space<vmem>> -> memref<1x640x64xf32, #tpu.memory_space<vmem>>
    %dma_wait3A_750 = tpu.memref_squeeze %dma_wait3A_749 : memref<1x640x64xf32, #tpu.memory_space<vmem>> -> memref<640x64xf32, #tpu.memory_space<vmem>>
    %dma_wait3A_751 = arith.constant 0 : i32
    %dma_wait3A_752 = arith.constant 0 : i32
    %dma_wait3A_753 = tpu.memref_slice %dma_wait3A_750[%dma_wait3A_751, %dma_wait3A_752] : memref<640x64xf32, #tpu.memory_space<vmem>> -> memref<128x64xf32, #tpu.memory_space<vmem>>
    %dma_wait3A_754 = arith.constant 0 : i32
    %dma_wait3A_755 = tpu.memref_slice %arg11[%dma_wait3A_745, %dma_wait3A_754] : memref<2x640xi32, #tpu.memory_space<vmem>> -> memref<1x640xi32, #tpu.memory_space<vmem>>
    %dma_wait3A_756 = tpu.memref_squeeze %dma_wait3A_755 : memref<1x640xi32, #tpu.memory_space<vmem>> -> memref<640xi32, #tpu.memory_space<vmem>>
    %dma_wait3A_757 = arith.constant 0 : i32
    %dma_wait3A_758 = tpu.memref_slice %dma_wait3A_756[%dma_wait3A_757] : memref<640xi32, #tpu.memory_space<vmem>> -> memref<128xi32, #tpu.memory_space<vmem>>
    %dma_wait3A_759 = arith.constant 0 : i32
    %dma_wait3A_760 = arith.constant 0 : i32
    %dma_wait3A_761 = tpu.memref_slice %arg3[%dma_wait3A_759, %dma_wait3A_760] : memref<100000x64xf32, #tpu.memory_space<hbm>> -> memref<100000x64xf32, #tpu.memory_space<hbm>>
    tpu.wait_indirect_dma semaphore(%arg17 : memref<!tpu.dma_semaphore, #tpu.memory_space<semaphore_mem>>) src(%dma_wait3A_761 : memref<100000x64xf32, #tpu.memory_space<hbm>>) dst(%dma_wait3A_753 : memref<128x64xf32, #tpu.memory_space<vmem>>)
    %dma_wait3A_762 = arith.constant 0 : i32
    %dma_wait3A_763 = arith.constant 0 : i32
    %dma_wait3A_764 = arith.constant 0 : i32
    %dma_wait3A_765 = arith.constant 0 : i32
    %dma_wait3A_766 = tpu.memref_slice %arg14[%dma_wait3A_763, %dma_wait3A_764, %dma_wait3A_765] : memref<2x640x64xf32, #tpu.memory_space<vmem>> -> memref<1x640x64xf32, #tpu.memory_space<vmem>>
    %dma_wait3A_767 = tpu.memref_squeeze %dma_wait3A_766 : memref<1x640x64xf32, #tpu.memory_space<vmem>> -> memref<640x64xf32, #tpu.memory_space<vmem>>
    %dma_wait3A_768 = arith.constant 128 : i32
    %dma_wait3A_769 = arith.constant 0 : i32
    %dma_wait3A_770 = tpu.memref_slice %dma_wait3A_767[%dma_wait3A_768, %dma_wait3A_769] : memref<640x64xf32, #tpu.memory_space<vmem>> -> memref<128x64xf32, #tpu.memory_space<vmem>>
    %dma_wait3A_771 = arith.constant 0 : i32
    %dma_wait3A_772 = tpu.memref_slice %arg11[%dma_wait3A_762, %dma_wait3A_771] : memref<2x640xi32, #tpu.memory_space<vmem>> -> memref<1x640xi32, #tpu.memory_space<vmem>>
    %dma_wait3A_773 = tpu.memref_squeeze %dma_wait3A_772 : memref<1x640xi32, #tpu.memory_space<vmem>> -> memref<640xi32, #tpu.memory_space<vmem>>
    %dma_wait3A_774 = arith.constant 128 : i32
    %dma_wait3A_775 = tpu.memref_slice %dma_wait3A_773[%dma_wait3A_774] : memref<640xi32, #tpu.memory_space<vmem>> -> memref<128xi32, #tpu.memory_space<vmem>>
    %dma_wait3A_776 = arith.constant 0 : i32
    %dma_wait3A_777 = arith.constant 0 : i32
    %dma_wait3A_778 = tpu.memref_slice %arg3[%dma_wait3A_776, %dma_wait3A_777] : memref<100000x64xf32, #tpu.memory_space<hbm>> -> memref<100000x64xf32, #tpu.memory_space<hbm>>
    tpu.wait_indirect_dma semaphore(%arg17 : memref<!tpu.dma_semaphore, #tpu.memory_space<semaphore_mem>>) src(%dma_wait3A_778 : memref<100000x64xf32, #tpu.memory_space<hbm>>) dst(%dma_wait3A_770 : memref<128x64xf32, #tpu.memory_space<vmem>>)
    %dma_wait3A_779 = arith.constant 0 : i32
    %dma_wait3A_780 = arith.constant 0 : i32
    %dma_wait3A_781 = arith.constant 0 : i32
    %dma_wait3A_782 = arith.constant 0 : i32
    %dma_wait3A_783 = tpu.memref_slice %arg14[%dma_wait3A_780, %dma_wait3A_781, %dma_wait3A_782] : memref<2x640x64xf32, #tpu.memory_space<vmem>> -> memref<1x640x64xf32, #tpu.memory_space<vmem>>
    %dma_wait3A_784 = tpu.memref_squeeze %dma_wait3A_783 : memref<1x640x64xf32, #tpu.memory_space<vmem>> -> memref<640x64xf32, #tpu.memory_space<vmem>>
    %dma_wait3A_785 = arith.constant 256 : i32
    %dma_wait3A_786 = arith.constant 0 : i32
    %dma_wait3A_787 = tpu.memref_slice %dma_wait3A_784[%dma_wait3A_785, %dma_wait3A_786] : memref<640x64xf32, #tpu.memory_space<vmem>> -> memref<128x64xf32, #tpu.memory_space<vmem>>
    %dma_wait3A_788 = arith.constant 0 : i32
    %dma_wait3A_789 = tpu.memref_slice %arg11[%dma_wait3A_779, %dma_wait3A_788] : memref<2x640xi32, #tpu.memory_space<vmem>> -> memref<1x640xi32, #tpu.memory_space<vmem>>
    %dma_wait3A_790 = tpu.memref_squeeze %dma_wait3A_789 : memref<1x640xi32, #tpu.memory_space<vmem>> -> memref<640xi32, #tpu.memory_space<vmem>>
    %dma_wait3A_791 = arith.constant 256 : i32
    %dma_wait3A_792 = tpu.memref_slice %dma_wait3A_790[%dma_wait3A_791] : memref<640xi32, #tpu.memory_space<vmem>> -> memref<128xi32, #tpu.memory_space<vmem>>
    %dma_wait3A_793 = arith.constant 0 : i32
    %dma_wait3A_794 = arith.constant 0 : i32
    %dma_wait3A_795 = tpu.memref_slice %arg3[%dma_wait3A_793, %dma_wait3A_794] : memref<100000x64xf32, #tpu.memory_space<hbm>> -> memref<100000x64xf32, #tpu.memory_space<hbm>>
    tpu.wait_indirect_dma semaphore(%arg17 : memref<!tpu.dma_semaphore, #tpu.memory_space<semaphore_mem>>) src(%dma_wait3A_795 : memref<100000x64xf32, #tpu.memory_space<hbm>>) dst(%dma_wait3A_787 : memref<128x64xf32, #tpu.memory_space<vmem>>)
    %dma_wait3A_796 = arith.constant 0 : i32
    %dma_wait3A_797 = arith.constant 0 : i32
    %dma_wait3A_798 = arith.constant 0 : i32
    %dma_wait3A_799 = arith.constant 0 : i32
    %dma_wait3A_800 = tpu.memref_slice %arg14[%dma_wait3A_797, %dma_wait3A_798, %dma_wait3A_799] : memref<2x640x64xf32, #tpu.memory_space<vmem>> -> memref<1x640x64xf32, #tpu.memory_space<vmem>>
    %dma_wait3A_801 = tpu.memref_squeeze %dma_wait3A_800 : memref<1x640x64xf32, #tpu.memory_space<vmem>> -> memref<640x64xf32, #tpu.memory_space<vmem>>
    %dma_wait3A_802 = arith.constant 384 : i32
    %dma_wait3A_803 = arith.constant 0 : i32
    %dma_wait3A_804 = tpu.memref_slice %dma_wait3A_801[%dma_wait3A_802, %dma_wait3A_803] : memref<640x64xf32, #tpu.memory_space<vmem>> -> memref<128x64xf32, #tpu.memory_space<vmem>>
    %dma_wait3A_805 = arith.constant 0 : i32
    %dma_wait3A_806 = tpu.memref_slice %arg11[%dma_wait3A_796, %dma_wait3A_805] : memref<2x640xi32, #tpu.memory_space<vmem>> -> memref<1x640xi32, #tpu.memory_space<vmem>>
    %dma_wait3A_807 = tpu.memref_squeeze %dma_wait3A_806 : memref<1x640xi32, #tpu.memory_space<vmem>> -> memref<640xi32, #tpu.memory_space<vmem>>
    %dma_wait3A_808 = arith.constant 384 : i32
    %dma_wait3A_809 = tpu.memref_slice %dma_wait3A_807[%dma_wait3A_808] : memref<640xi32, #tpu.memory_space<vmem>> -> memref<128xi32, #tpu.memory_space<vmem>>
    %dma_wait3A_810 = arith.constant 0 : i32
    %dma_wait3A_811 = arith.constant 0 : i32
    %dma_wait3A_812 = tpu.memref_slice %arg3[%dma_wait3A_810, %dma_wait3A_811] : memref<100000x64xf32, #tpu.memory_space<hbm>> -> memref<100000x64xf32, #tpu.memory_space<hbm>>
    tpu.wait_indirect_dma semaphore(%arg17 : memref<!tpu.dma_semaphore, #tpu.memory_space<semaphore_mem>>) src(%dma_wait3A_812 : memref<100000x64xf32, #tpu.memory_space<hbm>>) dst(%dma_wait3A_804 : memref<128x64xf32, #tpu.memory_space<vmem>>)
    %dma_wait3A_813 = arith.constant 0 : i32
    %dma_wait3A_814 = arith.constant 0 : i32
    %dma_wait3A_815 = arith.constant 0 : i32
    %dma_wait3A_816 = arith.constant 0 : i32
    %dma_wait3A_817 = tpu.memref_slice %arg14[%dma_wait3A_814, %dma_wait3A_815, %dma_wait3A_816] : memref<2x640x64xf32, #tpu.memory_space<vmem>> -> memref<1x640x64xf32, #tpu.memory_space<vmem>>
    %dma_wait3A_818 = tpu.memref_squeeze %dma_wait3A_817 : memref<1x640x64xf32, #tpu.memory_space<vmem>> -> memref<640x64xf32, #tpu.memory_space<vmem>>
    %dma_wait3A_819 = arith.constant 512 : i32
    %dma_wait3A_820 = arith.constant 0 : i32
    %dma_wait3A_821 = tpu.memref_slice %dma_wait3A_818[%dma_wait3A_819, %dma_wait3A_820] : memref<640x64xf32, #tpu.memory_space<vmem>> -> memref<128x64xf32, #tpu.memory_space<vmem>>
    %dma_wait3A_822 = arith.constant 0 : i32
    %dma_wait3A_823 = tpu.memref_slice %arg11[%dma_wait3A_813, %dma_wait3A_822] : memref<2x640xi32, #tpu.memory_space<vmem>> -> memref<1x640xi32, #tpu.memory_space<vmem>>
    %dma_wait3A_824 = tpu.memref_squeeze %dma_wait3A_823 : memref<1x640xi32, #tpu.memory_space<vmem>> -> memref<640xi32, #tpu.memory_space<vmem>>
    %dma_wait3A_825 = arith.constant 512 : i32
    %dma_wait3A_826 = tpu.memref_slice %dma_wait3A_824[%dma_wait3A_825] : memref<640xi32, #tpu.memory_space<vmem>> -> memref<128xi32, #tpu.memory_space<vmem>>
    %dma_wait3A_827 = arith.constant 0 : i32
    %dma_wait3A_828 = arith.constant 0 : i32
    %dma_wait3A_829 = tpu.memref_slice %arg3[%dma_wait3A_827, %dma_wait3A_828] : memref<100000x64xf32, #tpu.memory_space<hbm>> -> memref<100000x64xf32, #tpu.memory_space<hbm>>
    tpu.wait_indirect_dma semaphore(%arg17 : memref<!tpu.dma_semaphore, #tpu.memory_space<semaphore_mem>>) src(%dma_wait3A_829 : memref<100000x64xf32, #tpu.memory_space<hbm>>) dst(%dma_wait3A_821 : memref<128x64xf32, #tpu.memory_space<vmem>>)
    %mul3A_830 = arith.constant 512 : i32
    %mul3A_831 = arith.muli %add3A, %mul3A_830 : i32
    %add3A_832 = arith.constant 256 : i32
    %add3A_833 = arith.addi %mul3A_831, %add3A_832 : i32
    %scan3A_834 = arith.constant 0 : i32
    %scan3A_835 = arith.constant 0 : i32
    %scan3A_836 = arith.constant 0 : i32
    %scan3A_837 = arith.constant 0 : i32
    %scan3A_838 = arith.constant 0 : i32
    %scan3A_839 = arith.constant 128 : i32
    %scan3A_840 = arith.addi %scan3A_838, %scan3A_839 : i32
    %scan3A_841 = arith.constant 1 : i32
    scf.for %scan3A_973 = %scan3A_838 to %scan3A_840 step %scan3A_841  : i32 {
      %get3A = arith.constant 0 : i32
      %get3A_974 = arith.constant 0 : i32
      %get3A_975 = tpu.memref_slice %arg12[%scan3A_835, %get3A, %get3A_974] : memref<2x128x64xf32, #tpu.memory_space<vmem>> -> memref<1x128x64xf32, #tpu.memory_space<vmem>>
      %get3A_976 = tpu.memref_squeeze %get3A_975 : memref<1x128x64xf32, #tpu.memory_space<vmem>> -> memref<128x64xf32, #tpu.memory_space<vmem>>
      %get3A_977 = arith.index_cast %scan3A_973 : i32 to index
      %get3A_978 = arith.constant 0 : index
      %get3A_979 = tpu.vector_load %get3A_976[%get3A_977, %get3A_978] {strides = array<i32>} : memref<128x64xf32, #tpu.memory_space<vmem>>, vector<1x16xf32>,
      %get3A_980 = vector.shape_cast %get3A_979 : vector<1x16xf32> to vector<16xf32>
      %get3A_981 = arith.constant 0 : i32
      %get3A_982 = arith.constant 0 : i32
      %get3A_983 = tpu.memref_slice %arg12[%scan3A_835, %get3A_981, %get3A_982] : memref<2x128x64xf32, #tpu.memory_space<vmem>> -> memref<1x128x64xf32, #tpu.memory_space<vmem>>
      %get3A_984 = tpu.memref_squeeze %get3A_983 : memref<1x128x64xf32, #tpu.memory_space<vmem>> -> memref<128x64xf32, #tpu.memory_space<vmem>>
      %get3A_985 = arith.index_cast %scan3A_973 : i32 to index
      %get3A_986 = arith.constant 16 : index
      %get3A_987 = tpu.vector_load %get3A_984[%get3A_985, %get3A_986] {strides = array<i32>} : memref<128x64xf32, #tpu.memory_space<vmem>>, vector<1x16xf32>,
      %get3A_988 = vector.shape_cast %get3A_987 : vector<1x16xf32> to vector<16xf32>
      %get3A_989 = arith.constant 0 : i32
      %get3A_990 = arith.constant 0 : i32
      %get3A_991 = tpu.memref_slice %arg12[%scan3A_835, %get3A_989, %get3A_990] : memref<2x128x64xf32, #tpu.memory_space<vmem>> -> memref<1x128x64xf32, #tpu.memory_space<vmem>>
      %get3A_992 = tpu.memref_squeeze %get3A_991 : memref<1x128x64xf32, #tpu.memory_space<vmem>> -> memref<128x64xf32, #tpu.memory_space<vmem>>
      %get3A_993 = arith.index_cast %scan3A_973 : i32 to index
      %get3A_994 = arith.constant 32 : index
      %get3A_995 = tpu.vector_load %get3A_992[%get3A_993, %get3A_994] {strides = array<i32>} : memref<128x64xf32, #tpu.memory_space<vmem>>, vector<1x16xf32>,
      %get3A_996 = vector.shape_cast %get3A_995 : vector<1x16xf32> to vector<16xf32>
      %get3A_997 = arith.constant 0 : i32
      %get3A_998 = arith.constant 0 : i32
      %get3A_999 = tpu.memref_slice %arg12[%scan3A_835, %get3A_997, %get3A_998] : memref<2x128x64xf32, #tpu.memory_space<vmem>> -> memref<1x128x64xf32, #tpu.memory_space<vmem>>
      %get3A_1000 = tpu.memref_squeeze %get3A_999 : memref<1x128x64xf32, #tpu.memory_space<vmem>> -> memref<128x64xf32, #tpu.memory_space<vmem>>
      %get3A_1001 = arith.index_cast %scan3A_973 : i32 to index
      %get3A_1002 = arith.constant 48 : index
      %get3A_1003 = tpu.vector_load %get3A_1000[%get3A_1001, %get3A_1002] {strides = array<i32>} : memref<128x64xf32, #tpu.memory_space<vmem>>, vector<1x16xf32>,
      %get3A_1004 = vector.shape_cast %get3A_1003 : vector<1x16xf32> to vector<16xf32>
      %get3A_1005 = arith.constant 0 : i32
      %get3A_1006 = arith.constant 0 : i32
      %get3A_1007 = tpu.memref_slice %arg13[%scan3A_836, %get3A_1005, %get3A_1006] : memref<2x128x64xf32, #tpu.memory_space<vmem>> -> memref<1x128x64xf32, #tpu.memory_space<vmem>>
      %get3A_1008 = tpu.memref_squeeze %get3A_1007 : memref<1x128x64xf32, #tpu.memory_space<vmem>> -> memref<128x64xf32, #tpu.memory_space<vmem>>
      %get3A_1009 = arith.index_cast %scan3A_973 : i32 to index
      %get3A_1010 = arith.constant 0 : index
      %get3A_1011 = tpu.vector_load %get3A_1008[%get3A_1009, %get3A_1010] {strides = array<i32>} : memref<128x64xf32, #tpu.memory_space<vmem>>, vector<1x16xf32>,
      %get3A_1012 = vector.shape_cast %get3A_1011 : vector<1x16xf32> to vector<16xf32>
      %get3A_1013 = arith.constant 0 : i32
      %get3A_1014 = arith.constant 0 : i32
      %get3A_1015 = tpu.memref_slice %arg13[%scan3A_836, %get3A_1013, %get3A_1014] : memref<2x128x64xf32, #tpu.memory_space<vmem>> -> memref<1x128x64xf32, #tpu.memory_space<vmem>>
      %get3A_1016 = tpu.memref_squeeze %get3A_1015 : memref<1x128x64xf32, #tpu.memory_space<vmem>> -> memref<128x64xf32, #tpu.memory_space<vmem>>
      %get3A_1017 = arith.index_cast %scan3A_973 : i32 to index
      %get3A_1018 = arith.constant 16 : index
      %get3A_1019 = tpu.vector_load %get3A_1016[%get3A_1017, %get3A_1018] {strides = array<i32>} : memref<128x64xf32, #tpu.memory_space<vmem>>, vector<1x16xf32>,
      %get3A_1020 = vector.shape_cast %get3A_1019 : vector<1x16xf32> to vector<16xf32>
      %get3A_1021 = arith.constant 0 : i32
      %get3A_1022 = arith.constant 0 : i32
      %get3A_1023 = tpu.memref_slice %arg13[%scan3A_836, %get3A_1021, %get3A_1022] : memref<2x128x64xf32, #tpu.memory_space<vmem>> -> memref<1x128x64xf32, #tpu.memory_space<vmem>>
      %get3A_1024 = tpu.memref_squeeze %get3A_1023 : memref<1x128x64xf32, #tpu.memory_space<vmem>> -> memref<128x64xf32, #tpu.memory_space<vmem>>
      %get3A_1025 = arith.index_cast %scan3A_973 : i32 to index
      %get3A_1026 = arith.constant 32 : index
      %get3A_1027 = tpu.vector_load %get3A_1024[%get3A_1025, %get3A_1026] {strides = array<i32>} : memref<128x64xf32, #tpu.memory_space<vmem>>, vector<1x16xf32>,
      %get3A_1028 = vector.shape_cast %get3A_1027 : vector<1x16xf32> to vector<16xf32>
      %get3A_1029 = arith.constant 0 : i32
      %get3A_1030 = arith.constant 0 : i32
      %get3A_1031 = tpu.memref_slice %arg13[%scan3A_836, %get3A_1029, %get3A_1030] : memref<2x128x64xf32, #tpu.memory_space<vmem>> -> memref<1x128x64xf32, #tpu.memory_space<vmem>>
      %get3A_1032 = tpu.memref_squeeze %get3A_1031 : memref<1x128x64xf32, #tpu.memory_space<vmem>> -> memref<128x64xf32, #tpu.memory_space<vmem>>
      %get3A_1033 = arith.index_cast %scan3A_973 : i32 to index
      %get3A_1034 = arith.constant 48 : index
      %get3A_1035 = tpu.vector_load %get3A_1032[%get3A_1033, %get3A_1034] {strides = array<i32>} : memref<128x64xf32, #tpu.memory_space<vmem>>, vector<1x16xf32>,
      %get3A_1036 = vector.shape_cast %get3A_1035 : vector<1x16xf32> to vector<16xf32>
      %mul3A_1037 = arith.mulf %get3A_980, %get3A_1012 : vector<16xf32>
      %mul3A_1038 = arith.mulf %get3A_988, %get3A_1020 : vector<16xf32>
      %add3A_1039 = arith.addf %mul3A_1037, %mul3A_1038 : vector<16xf32>
      %mul3A_1040 = arith.mulf %get3A_996, %get3A_1028 : vector<16xf32>
      %add3A_1041 = arith.addf %add3A_1039, %mul3A_1040 : vector<16xf32>
      %mul3A_1042 = arith.mulf %get3A_1004, %get3A_1036 : vector<16xf32>
      %add3A_1043 = arith.addf %add3A_1041, %mul3A_1042 : vector<16xf32>
      %mul3A_1044 = arith.constant 16 : i32
      %mul3A_1045 = arith.muli %scan3A_973, %mul3A_1044 : i32
      %swap3A = arith.index_cast %mul3A_1045 : i32 to index
      %swap3A_1046 = tpu.vector_load %arg15[%swap3A] {strides = array<i32>} : memref<2048xf32, #tpu.memory_space<vmem>>, vector<16xf32>,
      %swap3A_1047 = vector.shape_cast %swap3A_1046 : vector<16xf32> to vector<16xf32>
      %swap3A_1048 = vector.shape_cast %add3A_1043 : vector<16xf32> to vector<16xf32>
      tpu.vector_store %arg15[%swap3A], %swap3A_1048 {strides = array<i32>} : memref<2048xf32, #tpu.memory_space<vmem>>, vector<16xf32>,
      %mul3A_1049 = arith.constant 5 : i32
      %mul3A_1050 = arith.muli %scan3A_973, %mul3A_1049 : i32
      %get3A_1051 = arith.constant 0 : i32
      %get3A_1052 = arith.constant 0 : i32
      %get3A_1053 = tpu.memref_slice %arg14[%scan3A_837, %get3A_1051, %get3A_1052] : memref<2x640x64xf32, #tpu.memory_space<vmem>> -> memref<1x640x64xf32, #tpu.memory_space<vmem>>
      %get3A_1054 = tpu.memref_squeeze %get3A_1053 : memref<1x640x64xf32, #tpu.memory_space<vmem>> -> memref<640x64xf32, #tpu.memory_space<vmem>>
      %get3A_1055 = arith.index_cast %mul3A_1050 : i32 to index
      %get3A_1056 = arith.constant 0 : index
      %get3A_1057 = tpu.vector_load %get3A_1054[%get3A_1055, %get3A_1056] {strides = array<i32>} : memref<640x64xf32, #tpu.memory_space<vmem>>, vector<1x16xf32>,
      %get3A_1058 = vector.shape_cast %get3A_1057 : vector<1x16xf32> to vector<16xf32>
      %mul3A_1059 = arith.constant 5 : i32
      %mul3A_1060 = arith.muli %scan3A_973, %mul3A_1059 : i32
      %get3A_1061 = arith.constant 0 : i32
      %get3A_1062 = arith.constant 0 : i32
      %get3A_1063 = tpu.memref_slice %arg14[%scan3A_837, %get3A_1061, %get3A_1062] : memref<2x640x64xf32, #tpu.memory_space<vmem>> -> memref<1x640x64xf32, #tpu.memory_space<vmem>>
      %get3A_1064 = tpu.memref_squeeze %get3A_1063 : memref<1x640x64xf32, #tpu.memory_space<vmem>> -> memref<640x64xf32, #tpu.memory_space<vmem>>
      %get3A_1065 = arith.index_cast %mul3A_1060 : i32 to index
      %get3A_1066 = arith.constant 16 : index
      %get3A_1067 = tpu.vector_load %get3A_1064[%get3A_1065, %get3A_1066] {strides = array<i32>} : memref<640x64xf32, #tpu.memory_space<vmem>>, vector<1x16xf32>,
      %get3A_1068 = vector.shape_cast %get3A_1067 : vector<1x16xf32> to vector<16xf32>
      %mul3A_1069 = arith.constant 5 : i32
      %mul3A_1070 = arith.muli %scan3A_973, %mul3A_1069 : i32
      %get3A_1071 = arith.constant 0 : i32
      %get3A_1072 = arith.constant 0 : i32
      %get3A_1073 = tpu.memref_slice %arg14[%scan3A_837, %get3A_1071, %get3A_1072] : memref<2x640x64xf32, #tpu.memory_space<vmem>> -> memref<1x640x64xf32, #tpu.memory_space<vmem>>
      %get3A_1074 = tpu.memref_squeeze %get3A_1073 : memref<1x640x64xf32, #tpu.memory_space<vmem>> -> memref<640x64xf32, #tpu.memory_space<vmem>>
      %get3A_1075 = arith.index_cast %mul3A_1070 : i32 to index
      %get3A_1076 = arith.constant 32 : index
      %get3A_1077 = tpu.vector_load %get3A_1074[%get3A_1075, %get3A_1076] {strides = array<i32>} : memref<640x64xf32, #tpu.memory_space<vmem>>, vector<1x16xf32>,
      %get3A_1078 = vector.shape_cast %get3A_1077 : vector<1x16xf32> to vector<16xf32>
      %mul3A_1079 = arith.constant 5 : i32
      %mul3A_1080 = arith.muli %scan3A_973, %mul3A_1079 : i32
      %get3A_1081 = arith.constant 0 : i32
      %get3A_1082 = arith.constant 0 : i32
      %get3A_1083 = tpu.memref_slice %arg14[%scan3A_837, %get3A_1081, %get3A_1082] : memref<2x640x64xf32, #tpu.memory_space<vmem>> -> memref<1x640x64xf32, #tpu.memory_space<vmem>>
      %get3A_1084 = tpu.memref_squeeze %get3A_1083 : memref<1x640x64xf32, #tpu.memory_space<vmem>> -> memref<640x64xf32, #tpu.memory_space<vmem>>
      %get3A_1085 = arith.index_cast %mul3A_1080 : i32 to index
      %get3A_1086 = arith.constant 48 : index
      %get3A_1087 = tpu.vector_load %get3A_1084[%get3A_1085, %get3A_1086] {strides = array<i32>} : memref<640x64xf32, #tpu.memory_space<vmem>>, vector<1x16xf32>,
      %get3A_1088 = vector.shape_cast %get3A_1087 : vector<1x16xf32> to vector<16xf32>
      %mul3A_1089 = arith.constant 5 : i32
      %mul3A_1090 = arith.muli %scan3A_973, %mul3A_1089 : i32
      %add3A_1091 = arith.constant 1 : i32
      %add3A_1092 = arith.addi %mul3A_1090, %add3A_1091 : i32
      %get3A_1093 = arith.constant 0 : i32
      %get3A_1094 = arith.constant 0 : i32
      %get3A_1095 = tpu.memref_slice %arg14[%scan3A_837, %get3A_1093, %get3A_1094] : memref<2x640x64xf32, #tpu.memory_space<vmem>> -> memref<1x640x64xf32, #tpu.memory_space<vmem>>
      %get3A_1096 = tpu.memref_squeeze %get3A_1095 : memref<1x640x64xf32, #tpu.memory_space<vmem>> -> memref<640x64xf32, #tpu.memory_space<vmem>>
      %get3A_1097 = arith.index_cast %add3A_1092 : i32 to index
      %get3A_1098 = arith.constant 0 : index
      %get3A_1099 = tpu.vector_load %get3A_1096[%get3A_1097, %get3A_1098] {strides = array<i32>} : memref<640x64xf32, #tpu.memory_space<vmem>>, vector<1x16xf32>,
      %get3A_1100 = vector.shape_cast %get3A_1099 : vector<1x16xf32> to vector<16xf32>
      %add3A_1101 = arith.addf %get3A_1058, %get3A_1100 : vector<16xf32>
      %mul3A_1102 = arith.constant 5 : i32
      %mul3A_1103 = arith.muli %scan3A_973, %mul3A_1102 : i32
      %add3A_1104 = arith.constant 1 : i32
      %add3A_1105 = arith.addi %mul3A_1103, %add3A_1104 : i32
      %get3A_1106 = arith.constant 0 : i32
      %get3A_1107 = arith.constant 0 : i32
      %get3A_1108 = tpu.memref_slice %arg14[%scan3A_837, %get3A_1106, %get3A_1107] : memref<2x640x64xf32, #tpu.memory_space<vmem>> -> memref<1x640x64xf32, #tpu.memory_space<vmem>>
      %get3A_1109 = tpu.memref_squeeze %get3A_1108 : memref<1x640x64xf32, #tpu.memory_space<vmem>> -> memref<640x64xf32, #tpu.memory_space<vmem>>
      %get3A_1110 = arith.index_cast %add3A_1105 : i32 to index
      %get3A_1111 = arith.constant 16 : index
      %get3A_1112 = tpu.vector_load %get3A_1109[%get3A_1110, %get3A_1111] {strides = array<i32>} : memref<640x64xf32, #tpu.memory_space<vmem>>, vector<1x16xf32>,
      %get3A_1113 = vector.shape_cast %get3A_1112 : vector<1x16xf32> to vector<16xf32>
      %add3A_1114 = arith.addf %get3A_1068, %get3A_1113 : vector<16xf32>
      %mul3A_1115 = arith.constant 5 : i32
      %mul3A_1116 = arith.muli %scan3A_973, %mul3A_1115 : i32
      %add3A_1117 = arith.constant 1 : i32
      %add3A_1118 = arith.addi %mul3A_1116, %add3A_1117 : i32
      %get3A_1119 = arith.constant 0 : i32
      %get3A_1120 = arith.constant 0 : i32
      %get3A_1121 = tpu.memref_slice %arg14[%scan3A_837, %get3A_1119, %get3A_1120] : memref<2x640x64xf32, #tpu.memory_space<vmem>> -> memref<1x640x64xf32, #tpu.memory_space<vmem>>
      %get3A_1122 = tpu.memref_squeeze %get3A_1121 : memref<1x640x64xf32, #tpu.memory_space<vmem>> -> memref<640x64xf32, #tpu.memory_space<vmem>>
      %get3A_1123 = arith.index_cast %add3A_1118 : i32 to index
      %get3A_1124 = arith.constant 32 : index
      %get3A_1125 = tpu.vector_load %get3A_1122[%get3A_1123, %get3A_1124] {strides = array<i32>} : memref<640x64xf32, #tpu.memory_space<vmem>>, vector<1x16xf32>,
      %get3A_1126 = vector.shape_cast %get3A_1125 : vector<1x16xf32> to vector<16xf32>
      %add3A_1127 = arith.addf %get3A_1078, %get3A_1126 : vector<16xf32>
      %mul3A_1128 = arith.constant 5 : i32
      %mul3A_1129 = arith.muli %scan3A_973, %mul3A_1128 : i32
      %add3A_1130 = arith.constant 1 : i32
      %add3A_1131 = arith.addi %mul3A_1129, %add3A_1130 : i32
      %get3A_1132 = arith.constant 0 : i32
      %get3A_1133 = arith.constant 0 : i32
      %get3A_1134 = tpu.memref_slice %arg14[%scan3A_837, %get3A_1132, %get3A_1133] : memref<2x640x64xf32, #tpu.memory_space<vmem>> -> memref<1x640x64xf32, #tpu.memory_space<vmem>>
      %get3A_1135 = tpu.memref_squeeze %get3A_1134 : memref<1x640x64xf32, #tpu.memory_space<vmem>> -> memref<640x64xf32, #tpu.memory_space<vmem>>
      %get3A_1136 = arith.index_cast %add3A_1131 : i32 to index
      %get3A_1137 = arith.constant 48 : index
      %get3A_1138 = tpu.vector_load %get3A_1135[%get3A_1136, %get3A_1137] {strides = array<i32>} : memref<640x64xf32, #tpu.memory_space<vmem>>, vector<1x16xf32>,
      %get3A_1139 = vector.shape_cast %get3A_1138 : vector<1x16xf32> to vector<16xf32>
      %add3A_1140 = arith.addf %get3A_1088, %get3A_1139 : vector<16xf32>
      %mul3A_1141 = arith.constant 5 : i32
      %mul3A_1142 = arith.muli %scan3A_973, %mul3A_1141 : i32
      %add3A_1143 = arith.constant 2 : i32
      %add3A_1144 = arith.addi %mul3A_1142, %add3A_1143 : i32
      %get3A_1145 = arith.constant 0 : i32
      %get3A_1146 = arith.constant 0 : i32
      %get3A_1147 = tpu.memref_slice %arg14[%scan3A_837, %get3A_1145, %get3A_1146] : memref<2x640x64xf32, #tpu.memory_space<vmem>> -> memref<1x640x64xf32, #tpu.memory_space<vmem>>
      %get3A_1148 = tpu.memref_squeeze %get3A_1147 : memref<1x640x64xf32, #tpu.memory_space<vmem>> -> memref<640x64xf32, #tpu.memory_space<vmem>>
      %get3A_1149 = arith.index_cast %add3A_1144 : i32 to index
      %get3A_1150 = arith.constant 0 : index
      %get3A_1151 = tpu.vector_load %get3A_1148[%get3A_1149, %get3A_1150] {strides = array<i32>} : memref<640x64xf32, #tpu.memory_space<vmem>>, vector<1x16xf32>,
      %get3A_1152 = vector.shape_cast %get3A_1151 : vector<1x16xf32> to vector<16xf32>
      %add3A_1153 = arith.addf %add3A_1101, %get3A_1152 : vector<16xf32>
      %mul3A_1154 = arith.constant 5 : i32
      %mul3A_1155 = arith.muli %scan3A_973, %mul3A_1154 : i32
      %add3A_1156 = arith.constant 2 : i32
      %add3A_1157 = arith.addi %mul3A_1155, %add3A_1156 : i32
      %get3A_1158 = arith.constant 0 : i32
      %get3A_1159 = arith.constant 0 : i32
      %get3A_1160 = tpu.memref_slice %arg14[%scan3A_837, %get3A_1158, %get3A_1159] : memref<2x640x64xf32, #tpu.memory_space<vmem>> -> memref<1x640x64xf32, #tpu.memory_space<vmem>>
      %get3A_1161 = tpu.memref_squeeze %get3A_1160 : memref<1x640x64xf32, #tpu.memory_space<vmem>> -> memref<640x64xf32, #tpu.memory_space<vmem>>
      %get3A_1162 = arith.index_cast %add3A_1157 : i32 to index
      %get3A_1163 = arith.constant 16 : index
      %get3A_1164 = tpu.vector_load %get3A_1161[%get3A_1162, %get3A_1163] {strides = array<i32>} : memref<640x64xf32, #tpu.memory_space<vmem>>, vector<1x16xf32>,
      %get3A_1165 = vector.shape_cast %get3A_1164 : vector<1x16xf32> to vector<16xf32>
      %add3A_1166 = arith.addf %add3A_1114, %get3A_1165 : vector<16xf32>
      %mul3A_1167 = arith.constant 5 : i32
      %mul3A_1168 = arith.muli %scan3A_973, %mul3A_1167 : i32
      %add3A_1169 = arith.constant 2 : i32
      %add3A_1170 = arith.addi %mul3A_1168, %add3A_1169 : i32
      %get3A_1171 = arith.constant 0 : i32
      %get3A_1172 = arith.constant 0 : i32
      %get3A_1173 = tpu.memref_slice %arg14[%scan3A_837, %get3A_1171, %get3A_1172] : memref<2x640x64xf32, #tpu.memory_space<vmem>> -> memref<1x640x64xf32, #tpu.memory_space<vmem>>
      %get3A_1174 = tpu.memref_squeeze %get3A_1173 : memref<1x640x64xf32, #tpu.memory_space<vmem>> -> memref<640x64xf32, #tpu.memory_space<vmem>>
      %get3A_1175 = arith.index_cast %add3A_1170 : i32 to index
      %get3A_1176 = arith.constant 32 : index
      %get3A_1177 = tpu.vector_load %get3A_1174[%get3A_1175, %get3A_1176] {strides = array<i32>} : memref<640x64xf32, #tpu.memory_space<vmem>>, vector<1x16xf32>,
      %get3A_1178 = vector.shape_cast %get3A_1177 : vector<1x16xf32> to vector<16xf32>
      %add3A_1179 = arith.addf %add3A_1127, %get3A_1178 : vector<16xf32>
      %mul3A_1180 = arith.constant 5 : i32
      %mul3A_1181 = arith.muli %scan3A_973, %mul3A_1180 : i32
      %add3A_1182 = arith.constant 2 : i32
      %add3A_1183 = arith.addi %mul3A_1181, %add3A_1182 : i32
      %get3A_1184 = arith.constant 0 : i32
      %get3A_1185 = arith.constant 0 : i32
      %get3A_1186 = tpu.memref_slice %arg14[%scan3A_837, %get3A_1184, %get3A_1185] : memref<2x640x64xf32, #tpu.memory_space<vmem>> -> memref<1x640x64xf32, #tpu.memory_space<vmem>>
      %get3A_1187 = tpu.memref_squeeze %get3A_1186 : memref<1x640x64xf32, #tpu.memory_space<vmem>> -> memref<640x64xf32, #tpu.memory_space<vmem>>
      %get3A_1188 = arith.index_cast %add3A_1183 : i32 to index
      %get3A_1189 = arith.constant 48 : index
      %get3A_1190 = tpu.vector_load %get3A_1187[%get3A_1188, %get3A_1189] {strides = array<i32>} : memref<640x64xf32, #tpu.memory_space<vmem>>, vector<1x16xf32>,
      %get3A_1191 = vector.shape_cast %get3A_1190 : vector<1x16xf32> to vector<16xf32>
      %add3A_1192 = arith.addf %add3A_1140, %get3A_1191 : vector<16xf32>
      %mul3A_1193 = arith.constant 5 : i32
      %mul3A_1194 = arith.muli %scan3A_973, %mul3A_1193 : i32
      %add3A_1195 = arith.constant 3 : i32
      %add3A_1196 = arith.addi %mul3A_1194, %add3A_1195 : i32
      %get3A_1197 = arith.constant 0 : i32
      %get3A_1198 = arith.constant 0 : i32
      %get3A_1199 = tpu.memref_slice %arg14[%scan3A_837, %get3A_1197, %get3A_1198] : memref<2x640x64xf32, #tpu.memory_space<vmem>> -> memref<1x640x64xf32, #tpu.memory_space<vmem>>
      %get3A_1200 = tpu.memref_squeeze %get3A_1199 : memref<1x640x64xf32, #tpu.memory_space<vmem>> -> memref<640x64xf32, #tpu.memory_space<vmem>>
      %get3A_1201 = arith.index_cast %add3A_1196 : i32 to index
      %get3A_1202 = arith.constant 0 : index
      %get3A_1203 = tpu.vector_load %get3A_1200[%get3A_1201, %get3A_1202] {strides = array<i32>} : memref<640x64xf32, #tpu.memory_space<vmem>>, vector<1x16xf32>,
      %get3A_1204 = vector.shape_cast %get3A_1203 : vector<1x16xf32> to vector<16xf32>
      %add3A_1205 = arith.addf %add3A_1153, %get3A_1204 : vector<16xf32>
      %mul3A_1206 = arith.constant 5 : i32
      %mul3A_1207 = arith.muli %scan3A_973, %mul3A_1206 : i32
      %add3A_1208 = arith.constant 3 : i32
      %add3A_1209 = arith.addi %mul3A_1207, %add3A_1208 : i32
      %get3A_1210 = arith.constant 0 : i32
      %get3A_1211 = arith.constant 0 : i32
      %get3A_1212 = tpu.memref_slice %arg14[%scan3A_837, %get3A_1210, %get3A_1211] : memref<2x640x64xf32, #tpu.memory_space<vmem>> -> memref<1x640x64xf32, #tpu.memory_space<vmem>>
      %get3A_1213 = tpu.memref_squeeze %get3A_1212 : memref<1x640x64xf32, #tpu.memory_space<vmem>> -> memref<640x64xf32, #tpu.memory_space<vmem>>
      %get3A_1214 = arith.index_cast %add3A_1209 : i32 to index
      %get3A_1215 = arith.constant 16 : index
      %get3A_1216 = tpu.vector_load %get3A_1213[%get3A_1214, %get3A_1215] {strides = array<i32>} : memref<640x64xf32, #tpu.memory_space<vmem>>, vector<1x16xf32>,
      %get3A_1217 = vector.shape_cast %get3A_1216 : vector<1x16xf32> to vector<16xf32>
      %add3A_1218 = arith.addf %add3A_1166, %get3A_1217 : vector<16xf32>
      %mul3A_1219 = arith.constant 5 : i32
      %mul3A_1220 = arith.muli %scan3A_973, %mul3A_1219 : i32
      %add3A_1221 = arith.constant 3 : i32
      %add3A_1222 = arith.addi %mul3A_1220, %add3A_1221 : i32
      %get3A_1223 = arith.constant 0 : i32
      %get3A_1224 = arith.constant 0 : i32
      %get3A_1225 = tpu.memref_slice %arg14[%scan3A_837, %get3A_1223, %get3A_1224] : memref<2x640x64xf32, #tpu.memory_space<vmem>> -> memref<1x640x64xf32, #tpu.memory_space<vmem>>
      %get3A_1226 = tpu.memref_squeeze %get3A_1225 : memref<1x640x64xf32, #tpu.memory_space<vmem>> -> memref<640x64xf32, #tpu.memory_space<vmem>>
      %get3A_1227 = arith.index_cast %add3A_1222 : i32 to index
      %get3A_1228 = arith.constant 32 : index
      %get3A_1229 = tpu.vector_load %get3A_1226[%get3A_1227, %get3A_1228] {strides = array<i32>} : memref<640x64xf32, #tpu.memory_space<vmem>>, vector<1x16xf32>,
      %get3A_1230 = vector.shape_cast %get3A_1229 : vector<1x16xf32> to vector<16xf32>
      %add3A_1231 = arith.addf %add3A_1179, %get3A_1230 : vector<16xf32>
      %mul3A_1232 = arith.constant 5 : i32
      %mul3A_1233 = arith.muli %scan3A_973, %mul3A_1232 : i32
      %add3A_1234 = arith.constant 3 : i32
      %add3A_1235 = arith.addi %mul3A_1233, %add3A_1234 : i32
      %get3A_1236 = arith.constant 0 : i32
      %get3A_1237 = arith.constant 0 : i32
      %get3A_1238 = tpu.memref_slice %arg14[%scan3A_837, %get3A_1236, %get3A_1237] : memref<2x640x64xf32, #tpu.memory_space<vmem>> -> memref<1x640x64xf32, #tpu.memory_space<vmem>>
      %get3A_1239 = tpu.memref_squeeze %get3A_1238 : memref<1x640x64xf32, #tpu.memory_space<vmem>> -> memref<640x64xf32, #tpu.memory_space<vmem>>
      %get3A_1240 = arith.index_cast %add3A_1235 : i32 to index
      %get3A_1241 = arith.constant 48 : index
      %get3A_1242 = tpu.vector_load %get3A_1239[%get3A_1240, %get3A_1241] {strides = array<i32>} : memref<640x64xf32, #tpu.memory_space<vmem>>, vector<1x16xf32>,
      %get3A_1243 = vector.shape_cast %get3A_1242 : vector<1x16xf32> to vector<16xf32>
      %add3A_1244 = arith.addf %add3A_1192, %get3A_1243 : vector<16xf32>
      %mul3A_1245 = arith.constant 5 : i32
      %mul3A_1246 = arith.muli %scan3A_973, %mul3A_1245 : i32
      %add3A_1247 = arith.constant 4 : i32
      %add3A_1248 = arith.addi %mul3A_1246, %add3A_1247 : i32
      %get3A_1249 = arith.constant 0 : i32
      %get3A_1250 = arith.constant 0 : i32
      %get3A_1251 = tpu.memref_slice %arg14[%scan3A_837, %get3A_1249, %get3A_1250] : memref<2x640x64xf32, #tpu.memory_space<vmem>> -> memref<1x640x64xf32, #tpu.memory_space<vmem>>
      %get3A_1252 = tpu.memref_squeeze %get3A_1251 : memref<1x640x64xf32, #tpu.memory_space<vmem>> -> memref<640x64xf32, #tpu.memory_space<vmem>>
      %get3A_1253 = arith.index_cast %add3A_1248 : i32 to index
      %get3A_1254 = arith.constant 0 : index
      %get3A_1255 = tpu.vector_load %get3A_1252[%get3A_1253, %get3A_1254] {strides = array<i32>} : memref<640x64xf32, #tpu.memory_space<vmem>>, vector<1x16xf32>,
      %get3A_1256 = vector.shape_cast %get3A_1255 : vector<1x16xf32> to vector<16xf32>
      %add3A_1257 = arith.addf %add3A_1205, %get3A_1256 : vector<16xf32>
      %mul3A_1258 = arith.constant 5 : i32
      %mul3A_1259 = arith.muli %scan3A_973, %mul3A_1258 : i32
      %add3A_1260 = arith.constant 4 : i32
      %add3A_1261 = arith.addi %mul3A_1259, %add3A_1260 : i32
      %get3A_1262 = arith.constant 0 : i32
      %get3A_1263 = arith.constant 0 : i32
      %get3A_1264 = tpu.memref_slice %arg14[%scan3A_837, %get3A_1262, %get3A_1263] : memref<2x640x64xf32, #tpu.memory_space<vmem>> -> memref<1x640x64xf32, #tpu.memory_space<vmem>>
      %get3A_1265 = tpu.memref_squeeze %get3A_1264 : memref<1x640x64xf32, #tpu.memory_space<vmem>> -> memref<640x64xf32, #tpu.memory_space<vmem>>
      %get3A_1266 = arith.index_cast %add3A_1261 : i32 to index
      %get3A_1267 = arith.constant 16 : index
      %get3A_1268 = tpu.vector_load %get3A_1265[%get3A_1266, %get3A_1267] {strides = array<i32>} : memref<640x64xf32, #tpu.memory_space<vmem>>, vector<1x16xf32>,
      %get3A_1269 = vector.shape_cast %get3A_1268 : vector<1x16xf32> to vector<16xf32>
      %add3A_1270 = arith.addf %add3A_1218, %get3A_1269 : vector<16xf32>
      %mul3A_1271 = arith.constant 5 : i32
      %mul3A_1272 = arith.muli %scan3A_973, %mul3A_1271 : i32
      %add3A_1273 = arith.constant 4 : i32
      %add3A_1274 = arith.addi %mul3A_1272, %add3A_1273 : i32
      %get3A_1275 = arith.constant 0 : i32
      %get3A_1276 = arith.constant 0 : i32
      %get3A_1277 = tpu.memref_slice %arg14[%scan3A_837, %get3A_1275, %get3A_1276] : memref<2x640x64xf32, #tpu.memory_space<vmem>> -> memref<1x640x64xf32, #tpu.memory_space<vmem>>
      %get3A_1278 = tpu.memref_squeeze %get3A_1277 : memref<1x640x64xf32, #tpu.memory_space<vmem>> -> memref<640x64xf32, #tpu.memory_space<vmem>>
      %get3A_1279 = arith.index_cast %add3A_1274 : i32 to index
      %get3A_1280 = arith.constant 32 : index
      %get3A_1281 = tpu.vector_load %get3A_1278[%get3A_1279, %get3A_1280] {strides = array<i32>} : memref<640x64xf32, #tpu.memory_space<vmem>>, vector<1x16xf32>,
      %get3A_1282 = vector.shape_cast %get3A_1281 : vector<1x16xf32> to vector<16xf32>
      %add3A_1283 = arith.addf %add3A_1231, %get3A_1282 : vector<16xf32>
      %mul3A_1284 = arith.constant 5 : i32
      %mul3A_1285 = arith.muli %scan3A_973, %mul3A_1284 : i32
      %add3A_1286 = arith.constant 4 : i32
      %add3A_1287 = arith.addi %mul3A_1285, %add3A_1286 : i32
      %get3A_1288 = arith.constant 0 : i32
      %get3A_1289 = arith.constant 0 : i32
      %get3A_1290 = tpu.memref_slice %arg14[%scan3A_837, %get3A_1288, %get3A_1289] : memref<2x640x64xf32, #tpu.memory_space<vmem>> -> memref<1x640x64xf32, #tpu.memory_space<vmem>>
      %get3A_1291 = tpu.memref_squeeze %get3A_1290 : memref<1x640x64xf32, #tpu.memory_space<vmem>> -> memref<640x64xf32, #tpu.memory_space<vmem>>
      %get3A_1292 = arith.index_cast %add3A_1287 : i32 to index
      %get3A_1293 = arith.constant 48 : index
      %get3A_1294 = tpu.vector_load %get3A_1291[%get3A_1292, %get3A_1293] {strides = array<i32>} : memref<640x64xf32, #tpu.memory_space<vmem>>, vector<1x16xf32>,
      %get3A_1295 = vector.shape_cast %get3A_1294 : vector<1x16xf32> to vector<16xf32>
      %add3A_1296 = arith.addf %add3A_1244, %get3A_1295 : vector<16xf32>
      %mul3A_1297 = arith.mulf %get3A_980, %add3A_1257 : vector<16xf32>
      %mul3A_1298 = arith.mulf %get3A_988, %add3A_1270 : vector<16xf32>
      %add3A_1299 = arith.addf %mul3A_1297, %mul3A_1298 : vector<16xf32>
      %mul3A_1300 = arith.mulf %get3A_996, %add3A_1283 : vector<16xf32>
      %add3A_1301 = arith.addf %add3A_1299, %mul3A_1300 : vector<16xf32>
      %mul3A_1302 = arith.mulf %get3A_1004, %add3A_1296 : vector<16xf32>
      %add3A_1303 = arith.addf %add3A_1301, %mul3A_1302 : vector<16xf32>
      %mul3A_1304 = arith.constant 16 : i32
      %mul3A_1305 = arith.muli %scan3A_973, %mul3A_1304 : i32
      %swap3A_1306 = arith.index_cast %mul3A_1305 : i32 to index
      %swap3A_1307 = tpu.vector_load %arg16[%swap3A_1306] {strides = array<i32>} : memref<2048xf32, #tpu.memory_space<vmem>>, vector<16xf32>,
      %swap3A_1308 = vector.shape_cast %swap3A_1307 : vector<16xf32> to vector<16xf32>
      %swap3A_1309 = vector.shape_cast %add3A_1303 : vector<16xf32> to vector<16xf32>
      tpu.vector_store %arg16[%swap3A_1306], %swap3A_1309 {strides = array<i32>} : memref<2048xf32, #tpu.memory_space<vmem>>, vector<16xf32>,
    }
    %scan3A_842 = arith.constant 128 : i32
    %mul3A_843 = arith.constant 16 : i32
    %mul3A_844 = arith.muli %add3A_833, %mul3A_843 : i32
    "tpu.region"() ({
      %run_scoped3A_973 = tpu.sem_alloc : memref<!tpu.dma_semaphore, #tpu.memory_space<semaphore_mem>>
      %dma_start3A_974 = tpu.memref_slice %arg7[%mul3A_844] : memref<262144xf32, #tpu.memory_space<hbm>> -> memref<2048xf32, #tpu.memory_space<hbm>>
      %dma_start3A_975 = tpu.memref_slice %arg7[%mul3A_844] : memref<262144xf32, #tpu.memory_space<hbm>> -> memref<2048xf32, #tpu.memory_space<hbm>>
      tpu.enqueue_dma source(%arg15 : memref<2048xf32, #tpu.memory_space<vmem>>) target(%dma_start3A_975 : memref<2048xf32, #tpu.memory_space<hbm>>) target_semaphore(%run_scoped3A_973 : memref<!tpu.dma_semaphore, #tpu.memory_space<semaphore_mem>>)
      %dma_wait3A_976 = tpu.memref_slice %arg7[%mul3A_844] : memref<262144xf32, #tpu.memory_space<hbm>> -> memref<2048xf32, #tpu.memory_space<hbm>>
      %dma_wait3A_977 = tpu.memref_slice %arg7[%mul3A_844] : memref<262144xf32, #tpu.memory_space<hbm>> -> memref<2048xf32, #tpu.memory_space<hbm>>
      tpu.wait_dma2 semaphore(%run_scoped3A_973 : memref<!tpu.dma_semaphore, #tpu.memory_space<semaphore_mem>>) src(%arg15 : memref<2048xf32, #tpu.memory_space<vmem>>) dst(%dma_wait3A_977 : memref<2048xf32, #tpu.memory_space<hbm>>)
      tpu.yield
    }) : () -> ()
    %mul3A_845 = arith.constant 16 : i32
    %mul3A_846 = arith.muli %add3A_833, %mul3A_845 : i32
    "tpu.region"() ({
      %run_scoped3A_973 = tpu.sem_alloc : memref<!tpu.dma_semaphore, #tpu.memory_space<semaphore_mem>>
      %dma_start3A_974 = tpu.memref_slice %arg8[%mul3A_846] : memref<262144xf32, #tpu.memory_space<hbm>> -> memref<2048xf32, #tpu.memory_space<hbm>>
      %dma_start3A_975 = tpu.memref_slice %arg8[%mul3A_846] : memref<262144xf32, #tpu.memory_space<hbm>> -> memref<2048xf32, #tpu.memory_space<hbm>>
      tpu.enqueue_dma source(%arg16 : memref<2048xf32, #tpu.memory_space<vmem>>) target(%dma_start3A_975 : memref<2048xf32, #tpu.memory_space<hbm>>) target_semaphore(%run_scoped3A_973 : memref<!tpu.dma_semaphore, #tpu.memory_space<semaphore_mem>>)
      %dma_wait3A_976 = tpu.memref_slice %arg8[%mul3A_846] : memref<262144xf32, #tpu.memory_space<hbm>> -> memref<2048xf32, #tpu.memory_space<hbm>>
      %dma_wait3A_977 = tpu.memref_slice %arg8[%mul3A_846] : memref<262144xf32, #tpu.memory_space<hbm>> -> memref<2048xf32, #tpu.memory_space<hbm>>
      tpu.wait_dma2 semaphore(%run_scoped3A_973 : memref<!tpu.dma_semaphore, #tpu.memory_space<semaphore_mem>>) src(%arg16 : memref<2048xf32, #tpu.memory_space<vmem>>) dst(%dma_wait3A_977 : memref<2048xf32, #tpu.memory_space<hbm>>)
      tpu.yield
    }) : () -> ()
    %dma_wait3A_847 = arith.constant 1 : i32
    %dma_wait3A_848 = arith.constant 1 : i32
    %dma_wait3A_849 = arith.constant 0 : i32
    %dma_wait3A_850 = arith.constant 0 : i32
    %dma_wait3A_851 = tpu.memref_slice %arg12[%dma_wait3A_848, %dma_wait3A_849, %dma_wait3A_850] : memref<2x128x64xf32, #tpu.memory_space<vmem>> -> memref<1x128x64xf32, #tpu.memory_space<vmem>>
    %dma_wait3A_852 = tpu.memref_squeeze %dma_wait3A_851 : memref<1x128x64xf32, #tpu.memory_space<vmem>> -> memref<128x64xf32, #tpu.memory_space<vmem>>
    %dma_wait3A_853 = arith.constant 0 : i32
    %dma_wait3A_854 = tpu.memref_slice %arg9[%dma_wait3A_847, %dma_wait3A_853] : memref<2x128xi32, #tpu.memory_space<vmem>> -> memref<1x128xi32, #tpu.memory_space<vmem>>
    %dma_wait3A_855 = tpu.memref_squeeze %dma_wait3A_854 : memref<1x128xi32, #tpu.memory_space<vmem>> -> memref<128xi32, #tpu.memory_space<vmem>>
    %dma_wait3A_856 = arith.constant 0 : i32
    %dma_wait3A_857 = arith.constant 0 : i32
    %dma_wait3A_858 = tpu.memref_slice %arg2[%dma_wait3A_856, %dma_wait3A_857] : memref<100000x64xf32, #tpu.memory_space<hbm>> -> memref<100000x64xf32, #tpu.memory_space<hbm>>
    tpu.wait_indirect_dma semaphore(%arg18 : memref<!tpu.dma_semaphore, #tpu.memory_space<semaphore_mem>>) src(%dma_wait3A_858 : memref<100000x64xf32, #tpu.memory_space<hbm>>) dst(%dma_wait3A_852 : memref<128x64xf32, #tpu.memory_space<vmem>>)
    %dma_wait3A_859 = arith.constant 1 : i32
    %dma_wait3A_860 = arith.constant 1 : i32
    %dma_wait3A_861 = arith.constant 0 : i32
    %dma_wait3A_862 = arith.constant 0 : i32
    %dma_wait3A_863 = tpu.memref_slice %arg13[%dma_wait3A_860, %dma_wait3A_861, %dma_wait3A_862] : memref<2x128x64xf32, #tpu.memory_space<vmem>> -> memref<1x128x64xf32, #tpu.memory_space<vmem>>
    %dma_wait3A_864 = tpu.memref_squeeze %dma_wait3A_863 : memref<1x128x64xf32, #tpu.memory_space<vmem>> -> memref<128x64xf32, #tpu.memory_space<vmem>>
    %dma_wait3A_865 = arith.constant 0 : i32
    %dma_wait3A_866 = tpu.memref_slice %arg10[%dma_wait3A_859, %dma_wait3A_865] : memref<2x128xi32, #tpu.memory_space<vmem>> -> memref<1x128xi32, #tpu.memory_space<vmem>>
    %dma_wait3A_867 = tpu.memref_squeeze %dma_wait3A_866 : memref<1x128xi32, #tpu.memory_space<vmem>> -> memref<128xi32, #tpu.memory_space<vmem>>
    %dma_wait3A_868 = arith.constant 0 : i32
    %dma_wait3A_869 = arith.constant 0 : i32
    %dma_wait3A_870 = tpu.memref_slice %arg3[%dma_wait3A_868, %dma_wait3A_869] : memref<100000x64xf32, #tpu.memory_space<hbm>> -> memref<100000x64xf32, #tpu.memory_space<hbm>>
    tpu.wait_indirect_dma semaphore(%arg18 : memref<!tpu.dma_semaphore, #tpu.memory_space<semaphore_mem>>) src(%dma_wait3A_870 : memref<100000x64xf32, #tpu.memory_space<hbm>>) dst(%dma_wait3A_864 : memref<128x64xf32, #tpu.memory_space<vmem>>)
    %dma_wait3A_871 = arith.constant 1 : i32
    %dma_wait3A_872 = arith.constant 1 : i32
    %dma_wait3A_873 = arith.constant 0 : i32
    %dma_wait3A_874 = arith.constant 0 : i32
    %dma_wait3A_875 = tpu.memref_slice %arg14[%dma_wait3A_872, %dma_wait3A_873, %dma_wait3A_874] : memref<2x640x64xf32, #tpu.memory_space<vmem>> -> memref<1x640x64xf32, #tpu.memory_space<vmem>>
    %dma_wait3A_876 = tpu.memref_squeeze %dma_wait3A_875 : memref<1x640x64xf32, #tpu.memory_space<vmem>> -> memref<640x64xf32, #tpu.memory_space<vmem>>
    %dma_wait3A_877 = arith.constant 0 : i32
    %dma_wait3A_878 = arith.constant 0 : i32
    %dma_wait3A_879 = tpu.memref_slice %dma_wait3A_876[%dma_wait3A_877, %dma_wait3A_878] : memref<640x64xf32, #tpu.memory_space<vmem>> -> memref<128x64xf32, #tpu.memory_space<vmem>>
    %dma_wait3A_880 = arith.constant 0 : i32
    %dma_wait3A_881 = tpu.memref_slice %arg11[%dma_wait3A_871, %dma_wait3A_880] : memref<2x640xi32, #tpu.memory_space<vmem>> -> memref<1x640xi32, #tpu.memory_space<vmem>>
    %dma_wait3A_882 = tpu.memref_squeeze %dma_wait3A_881 : memref<1x640xi32, #tpu.memory_space<vmem>> -> memref<640xi32, #tpu.memory_space<vmem>>
    %dma_wait3A_883 = arith.constant 0 : i32
    %dma_wait3A_884 = tpu.memref_slice %dma_wait3A_882[%dma_wait3A_883] : memref<640xi32, #tpu.memory_space<vmem>> -> memref<128xi32, #tpu.memory_space<vmem>>
    %dma_wait3A_885 = arith.constant 0 : i32
    %dma_wait3A_886 = arith.constant 0 : i32
    %dma_wait3A_887 = tpu.memref_slice %arg3[%dma_wait3A_885, %dma_wait3A_886] : memref<100000x64xf32, #tpu.memory_space<hbm>> -> memref<100000x64xf32, #tpu.memory_space<hbm>>
    tpu.wait_indirect_dma semaphore(%arg18 : memref<!tpu.dma_semaphore, #tpu.memory_space<semaphore_mem>>) src(%dma_wait3A_887 : memref<100000x64xf32, #tpu.memory_space<hbm>>) dst(%dma_wait3A_879 : memref<128x64xf32, #tpu.memory_space<vmem>>)
    %dma_wait3A_888 = arith.constant 1 : i32
    %dma_wait3A_889 = arith.constant 1 : i32
    %dma_wait3A_890 = arith.constant 0 : i32
    %dma_wait3A_891 = arith.constant 0 : i32
    %dma_wait3A_892 = tpu.memref_slice %arg14[%dma_wait3A_889, %dma_wait3A_890, %dma_wait3A_891] : memref<2x640x64xf32, #tpu.memory_space<vmem>> -> memref<1x640x64xf32, #tpu.memory_space<vmem>>
    %dma_wait3A_893 = tpu.memref_squeeze %dma_wait3A_892 : memref<1x640x64xf32, #tpu.memory_space<vmem>> -> memref<640x64xf32, #tpu.memory_space<vmem>>
    %dma_wait3A_894 = arith.constant 128 : i32
    %dma_wait3A_895 = arith.constant 0 : i32
    %dma_wait3A_896 = tpu.memref_slice %dma_wait3A_893[%dma_wait3A_894, %dma_wait3A_895] : memref<640x64xf32, #tpu.memory_space<vmem>> -> memref<128x64xf32, #tpu.memory_space<vmem>>
    %dma_wait3A_897 = arith.constant 0 : i32
    %dma_wait3A_898 = tpu.memref_slice %arg11[%dma_wait3A_888, %dma_wait3A_897] : memref<2x640xi32, #tpu.memory_space<vmem>> -> memref<1x640xi32, #tpu.memory_space<vmem>>
    %dma_wait3A_899 = tpu.memref_squeeze %dma_wait3A_898 : memref<1x640xi32, #tpu.memory_space<vmem>> -> memref<640xi32, #tpu.memory_space<vmem>>
    %dma_wait3A_900 = arith.constant 128 : i32
    %dma_wait3A_901 = tpu.memref_slice %dma_wait3A_899[%dma_wait3A_900] : memref<640xi32, #tpu.memory_space<vmem>> -> memref<128xi32, #tpu.memory_space<vmem>>
    %dma_wait3A_902 = arith.constant 0 : i32
    %dma_wait3A_903 = arith.constant 0 : i32
    %dma_wait3A_904 = tpu.memref_slice %arg3[%dma_wait3A_902, %dma_wait3A_903] : memref<100000x64xf32, #tpu.memory_space<hbm>> -> memref<100000x64xf32, #tpu.memory_space<hbm>>
    tpu.wait_indirect_dma semaphore(%arg18 : memref<!tpu.dma_semaphore, #tpu.memory_space<semaphore_mem>>) src(%dma_wait3A_904 : memref<100000x64xf32, #tpu.memory_space<hbm>>) dst(%dma_wait3A_896 : memref<128x64xf32, #tpu.memory_space<vmem>>)
    %dma_wait3A_905 = arith.constant 1 : i32
    %dma_wait3A_906 = arith.constant 1 : i32
    %dma_wait3A_907 = arith.constant 0 : i32
    %dma_wait3A_908 = arith.constant 0 : i32
    %dma_wait3A_909 = tpu.memref_slice %arg14[%dma_wait3A_906, %dma_wait3A_907, %dma_wait3A_908] : memref<2x640x64xf32, #tpu.memory_space<vmem>> -> memref<1x640x64xf32, #tpu.memory_space<vmem>>
    %dma_wait3A_910 = tpu.memref_squeeze %dma_wait3A_909 : memref<1x640x64xf32, #tpu.memory_space<vmem>> -> memref<640x64xf32, #tpu.memory_space<vmem>>
    %dma_wait3A_911 = arith.constant 256 : i32
    %dma_wait3A_912 = arith.constant 0 : i32
    %dma_wait3A_913 = tpu.memref_slice %dma_wait3A_910[%dma_wait3A_911, %dma_wait3A_912] : memref<640x64xf32, #tpu.memory_space<vmem>> -> memref<128x64xf32, #tpu.memory_space<vmem>>
    %dma_wait3A_914 = arith.constant 0 : i32
    %dma_wait3A_915 = tpu.memref_slice %arg11[%dma_wait3A_905, %dma_wait3A_914] : memref<2x640xi32, #tpu.memory_space<vmem>> -> memref<1x640xi32, #tpu.memory_space<vmem>>
    %dma_wait3A_916 = tpu.memref_squeeze %dma_wait3A_915 : memref<1x640xi32, #tpu.memory_space<vmem>> -> memref<640xi32, #tpu.memory_space<vmem>>
    %dma_wait3A_917 = arith.constant 256 : i32
    %dma_wait3A_918 = tpu.memref_slice %dma_wait3A_916[%dma_wait3A_917] : memref<640xi32, #tpu.memory_space<vmem>> -> memref<128xi32, #tpu.memory_space<vmem>>
    %dma_wait3A_919 = arith.constant 0 : i32
    %dma_wait3A_920 = arith.constant 0 : i32
    %dma_wait3A_921 = tpu.memref_slice %arg3[%dma_wait3A_919, %dma_wait3A_920] : memref<100000x64xf32, #tpu.memory_space<hbm>> -> memref<100000x64xf32, #tpu.memory_space<hbm>>
    tpu.wait_indirect_dma semaphore(%arg18 : memref<!tpu.dma_semaphore, #tpu.memory_space<semaphore_mem>>) src(%dma_wait3A_921 : memref<100000x64xf32, #tpu.memory_space<hbm>>) dst(%dma_wait3A_913 : memref<128x64xf32, #tpu.memory_space<vmem>>)
    %dma_wait3A_922 = arith.constant 1 : i32
    %dma_wait3A_923 = arith.constant 1 : i32
    %dma_wait3A_924 = arith.constant 0 : i32
    %dma_wait3A_925 = arith.constant 0 : i32
    %dma_wait3A_926 = tpu.memref_slice %arg14[%dma_wait3A_923, %dma_wait3A_924, %dma_wait3A_925] : memref<2x640x64xf32, #tpu.memory_space<vmem>> -> memref<1x640x64xf32, #tpu.memory_space<vmem>>
    %dma_wait3A_927 = tpu.memref_squeeze %dma_wait3A_926 : memref<1x640x64xf32, #tpu.memory_space<vmem>> -> memref<640x64xf32, #tpu.memory_space<vmem>>
    %dma_wait3A_928 = arith.constant 384 : i32
    %dma_wait3A_929 = arith.constant 0 : i32
    %dma_wait3A_930 = tpu.memref_slice %dma_wait3A_927[%dma_wait3A_928, %dma_wait3A_929] : memref<640x64xf32, #tpu.memory_space<vmem>> -> memref<128x64xf32, #tpu.memory_space<vmem>>
    %dma_wait3A_931 = arith.constant 0 : i32
    %dma_wait3A_932 = tpu.memref_slice %arg11[%dma_wait3A_922, %dma_wait3A_931] : memref<2x640xi32, #tpu.memory_space<vmem>> -> memref<1x640xi32, #tpu.memory_space<vmem>>
    %dma_wait3A_933 = tpu.memref_squeeze %dma_wait3A_932 : memref<1x640xi32, #tpu.memory_space<vmem>> -> memref<640xi32, #tpu.memory_space<vmem>>
    %dma_wait3A_934 = arith.constant 384 : i32
    %dma_wait3A_935 = tpu.memref_slice %dma_wait3A_933[%dma_wait3A_934] : memref<640xi32, #tpu.memory_space<vmem>> -> memref<128xi32, #tpu.memory_space<vmem>>
    %dma_wait3A_936 = arith.constant 0 : i32
    %dma_wait3A_937 = arith.constant 0 : i32
    %dma_wait3A_938 = tpu.memref_slice %arg3[%dma_wait3A_936, %dma_wait3A_937] : memref<100000x64xf32, #tpu.memory_space<hbm>> -> memref<100000x64xf32, #tpu.memory_space<hbm>>
    tpu.wait_indirect_dma semaphore(%arg18 : memref<!tpu.dma_semaphore, #tpu.memory_space<semaphore_mem>>) src(%dma_wait3A_938 : memref<100000x64xf32, #tpu.memory_space<hbm>>) dst(%dma_wait3A_930 : memref<128x64xf32, #tpu.memory_space<vmem>>)
    %dma_wait3A_939 = arith.constant 1 : i32
    %dma_wait3A_940 = arith.constant 1 : i32
    %dma_wait3A_941 = arith.constant 0 : i32
    %dma_wait3A_942 = arith.constant 0 : i32
    %dma_wait3A_943 = tpu.memref_slice %arg14[%dma_wait3A_940, %dma_wait3A_941, %dma_wait3A_942] : memref<2x640x64xf32, #tpu.memory_space<vmem>> -> memref<1x640x64xf32, #tpu.memory_space<vmem>>
    %dma_wait3A_944 = tpu.memref_squeeze %dma_wait3A_943 : memref<1x640x64xf32, #tpu.memory_space<vmem>> -> memref<640x64xf32, #tpu.memory_space<vmem>>
    %dma_wait3A_945 = arith.constant 512 : i32
    %dma_wait3A_946 = arith.constant 0 : i32
    %dma_wait3A_947 = tpu.memref_slice %dma_wait3A_944[%dma_wait3A_945, %dma_wait3A_946] : memref<640x64xf32, #tpu.memory_space<vmem>> -> memref<128x64xf32, #tpu.memory_space<vmem>>
    %dma_wait3A_948 = arith.constant 0 : i32
    %dma_wait3A_949 = tpu.memref_slice %arg11[%dma_wait3A_939, %dma_wait3A_948] : memref<2x640xi32, #tpu.memory_space<vmem>> -> memref<1x640xi32, #tpu.memory_space<vmem>>
    %dma_wait3A_950 = tpu.memref_squeeze %dma_wait3A_949 : memref<1x640xi32, #tpu.memory_space<vmem>> -> memref<640xi32, #tpu.memory_space<vmem>>
    %dma_wait3A_951 = arith.constant 512 : i32
    %dma_wait3A_952 = tpu.memref_slice %dma_wait3A_950[%dma_wait3A_951] : memref<640xi32, #tpu.memory_space<vmem>> -> memref<128xi32, #tpu.memory_space<vmem>>
    %dma_wait3A_953 = arith.constant 0 : i32
    %dma_wait3A_954 = arith.constant 0 : i32
    %dma_wait3A_955 = tpu.memref_slice %arg3[%dma_wait3A_953, %dma_wait3A_954] : memref<100000x64xf32, #tpu.memory_space<hbm>> -> memref<100000x64xf32, #tpu.memory_space<hbm>>
    tpu.wait_indirect_dma semaphore(%arg18 : memref<!tpu.dma_semaphore, #tpu.memory_space<semaphore_mem>>) src(%dma_wait3A_955 : memref<100000x64xf32, #tpu.memory_space<hbm>>) dst(%dma_wait3A_947 : memref<128x64xf32, #tpu.memory_space<vmem>>)
    %mul3A_956 = arith.constant 512 : i32
    %mul3A_957 = arith.muli %add3A, %mul3A_956 : i32
    %add3A_958 = arith.constant 384 : i32
    %add3A_959 = arith.addi %mul3A_957, %add3A_958 : i32
    %scan3A_960 = arith.constant 0 : i32
    %scan3A_961 = arith.constant 1 : i32
    %scan3A_962 = arith.constant 1 : i32
    %scan3A_963 = arith.constant 1 : i32
    %scan3A_964 = arith.constant 0 : i32
    %scan3A_965 = arith.constant 128 : i32
    %scan3A_966 = arith.addi %scan3A_964, %scan3A_965 : i32
    %scan3A_967 = arith.constant 1 : i32
    scf.for %scan3A_973 = %scan3A_964 to %scan3A_966 step %scan3A_967  : i32 {
      %get3A = arith.constant 0 : i32
      %get3A_974 = arith.constant 0 : i32
      %get3A_975 = tpu.memref_slice %arg12[%scan3A_961, %get3A, %get3A_974] : memref<2x128x64xf32, #tpu.memory_space<vmem>> -> memref<1x128x64xf32, #tpu.memory_space<vmem>>
      %get3A_976 = tpu.memref_squeeze %get3A_975 : memref<1x128x64xf32, #tpu.memory_space<vmem>> -> memref<128x64xf32, #tpu.memory_space<vmem>>
      %get3A_977 = arith.index_cast %scan3A_973 : i32 to index
      %get3A_978 = arith.constant 0 : index
      %get3A_979 = tpu.vector_load %get3A_976[%get3A_977, %get3A_978] {strides = array<i32>} : memref<128x64xf32, #tpu.memory_space<vmem>>, vector<1x16xf32>,
      %get3A_980 = vector.shape_cast %get3A_979 : vector<1x16xf32> to vector<16xf32>
      %get3A_981 = arith.constant 0 : i32
      %get3A_982 = arith.constant 0 : i32
      %get3A_983 = tpu.memref_slice %arg12[%scan3A_961, %get3A_981, %get3A_982] : memref<2x128x64xf32, #tpu.memory_space<vmem>> -> memref<1x128x64xf32, #tpu.memory_space<vmem>>
      %get3A_984 = tpu.memref_squeeze %get3A_983 : memref<1x128x64xf32, #tpu.memory_space<vmem>> -> memref<128x64xf32, #tpu.memory_space<vmem>>
      %get3A_985 = arith.index_cast %scan3A_973 : i32 to index
      %get3A_986 = arith.constant 16 : index
      %get3A_987 = tpu.vector_load %get3A_984[%get3A_985, %get3A_986] {strides = array<i32>} : memref<128x64xf32, #tpu.memory_space<vmem>>, vector<1x16xf32>,
      %get3A_988 = vector.shape_cast %get3A_987 : vector<1x16xf32> to vector<16xf32>
      %get3A_989 = arith.constant 0 : i32
      %get3A_990 = arith.constant 0 : i32
      %get3A_991 = tpu.memref_slice %arg12[%scan3A_961, %get3A_989, %get3A_990] : memref<2x128x64xf32, #tpu.memory_space<vmem>> -> memref<1x128x64xf32, #tpu.memory_space<vmem>>
      %get3A_992 = tpu.memref_squeeze %get3A_991 : memref<1x128x64xf32, #tpu.memory_space<vmem>> -> memref<128x64xf32, #tpu.memory_space<vmem>>
      %get3A_993 = arith.index_cast %scan3A_973 : i32 to index
      %get3A_994 = arith.constant 32 : index
      %get3A_995 = tpu.vector_load %get3A_992[%get3A_993, %get3A_994] {strides = array<i32>} : memref<128x64xf32, #tpu.memory_space<vmem>>, vector<1x16xf32>,
      %get3A_996 = vector.shape_cast %get3A_995 : vector<1x16xf32> to vector<16xf32>
      %get3A_997 = arith.constant 0 : i32
      %get3A_998 = arith.constant 0 : i32
      %get3A_999 = tpu.memref_slice %arg12[%scan3A_961, %get3A_997, %get3A_998] : memref<2x128x64xf32, #tpu.memory_space<vmem>> -> memref<1x128x64xf32, #tpu.memory_space<vmem>>
      %get3A_1000 = tpu.memref_squeeze %get3A_999 : memref<1x128x64xf32, #tpu.memory_space<vmem>> -> memref<128x64xf32, #tpu.memory_space<vmem>>
      %get3A_1001 = arith.index_cast %scan3A_973 : i32 to index
      %get3A_1002 = arith.constant 48 : index
      %get3A_1003 = tpu.vector_load %get3A_1000[%get3A_1001, %get3A_1002] {strides = array<i32>} : memref<128x64xf32, #tpu.memory_space<vmem>>, vector<1x16xf32>,
      %get3A_1004 = vector.shape_cast %get3A_1003 : vector<1x16xf32> to vector<16xf32>
      %get3A_1005 = arith.constant 0 : i32
      %get3A_1006 = arith.constant 0 : i32
      %get3A_1007 = tpu.memref_slice %arg13[%scan3A_962, %get3A_1005, %get3A_1006] : memref<2x128x64xf32, #tpu.memory_space<vmem>> -> memref<1x128x64xf32, #tpu.memory_space<vmem>>
      %get3A_1008 = tpu.memref_squeeze %get3A_1007 : memref<1x128x64xf32, #tpu.memory_space<vmem>> -> memref<128x64xf32, #tpu.memory_space<vmem>>
      %get3A_1009 = arith.index_cast %scan3A_973 : i32 to index
      %get3A_1010 = arith.constant 0 : index
      %get3A_1011 = tpu.vector_load %get3A_1008[%get3A_1009, %get3A_1010] {strides = array<i32>} : memref<128x64xf32, #tpu.memory_space<vmem>>, vector<1x16xf32>,
      %get3A_1012 = vector.shape_cast %get3A_1011 : vector<1x16xf32> to vector<16xf32>
      %get3A_1013 = arith.constant 0 : i32
      %get3A_1014 = arith.constant 0 : i32
      %get3A_1015 = tpu.memref_slice %arg13[%scan3A_962, %get3A_1013, %get3A_1014] : memref<2x128x64xf32, #tpu.memory_space<vmem>> -> memref<1x128x64xf32, #tpu.memory_space<vmem>>
      %get3A_1016 = tpu.memref_squeeze %get3A_1015 : memref<1x128x64xf32, #tpu.memory_space<vmem>> -> memref<128x64xf32, #tpu.memory_space<vmem>>
      %get3A_1017 = arith.index_cast %scan3A_973 : i32 to index
      %get3A_1018 = arith.constant 16 : index
      %get3A_1019 = tpu.vector_load %get3A_1016[%get3A_1017, %get3A_1018] {strides = array<i32>} : memref<128x64xf32, #tpu.memory_space<vmem>>, vector<1x16xf32>,
      %get3A_1020 = vector.shape_cast %get3A_1019 : vector<1x16xf32> to vector<16xf32>
      %get3A_1021 = arith.constant 0 : i32
      %get3A_1022 = arith.constant 0 : i32
      %get3A_1023 = tpu.memref_slice %arg13[%scan3A_962, %get3A_1021, %get3A_1022] : memref<2x128x64xf32, #tpu.memory_space<vmem>> -> memref<1x128x64xf32, #tpu.memory_space<vmem>>
      %get3A_1024 = tpu.memref_squeeze %get3A_1023 : memref<1x128x64xf32, #tpu.memory_space<vmem>> -> memref<128x64xf32, #tpu.memory_space<vmem>>
      %get3A_1025 = arith.index_cast %scan3A_973 : i32 to index
      %get3A_1026 = arith.constant 32 : index
      %get3A_1027 = tpu.vector_load %get3A_1024[%get3A_1025, %get3A_1026] {strides = array<i32>} : memref<128x64xf32, #tpu.memory_space<vmem>>, vector<1x16xf32>,
      %get3A_1028 = vector.shape_cast %get3A_1027 : vector<1x16xf32> to vector<16xf32>
      %get3A_1029 = arith.constant 0 : i32
      %get3A_1030 = arith.constant 0 : i32
      %get3A_1031 = tpu.memref_slice %arg13[%scan3A_962, %get3A_1029, %get3A_1030] : memref<2x128x64xf32, #tpu.memory_space<vmem>> -> memref<1x128x64xf32, #tpu.memory_space<vmem>>
      %get3A_1032 = tpu.memref_squeeze %get3A_1031 : memref<1x128x64xf32, #tpu.memory_space<vmem>> -> memref<128x64xf32, #tpu.memory_space<vmem>>
      %get3A_1033 = arith.index_cast %scan3A_973 : i32 to index
      %get3A_1034 = arith.constant 48 : index
      %get3A_1035 = tpu.vector_load %get3A_1032[%get3A_1033, %get3A_1034] {strides = array<i32>} : memref<128x64xf32, #tpu.memory_space<vmem>>, vector<1x16xf32>,
      %get3A_1036 = vector.shape_cast %get3A_1035 : vector<1x16xf32> to vector<16xf32>
      %mul3A_1037 = arith.mulf %get3A_980, %get3A_1012 : vector<16xf32>
      %mul3A_1038 = arith.mulf %get3A_988, %get3A_1020 : vector<16xf32>
      %add3A_1039 = arith.addf %mul3A_1037, %mul3A_1038 : vector<16xf32>
      %mul3A_1040 = arith.mulf %get3A_996, %get3A_1028 : vector<16xf32>
      %add3A_1041 = arith.addf %add3A_1039, %mul3A_1040 : vector<16xf32>
      %mul3A_1042 = arith.mulf %get3A_1004, %get3A_1036 : vector<16xf32>
      %add3A_1043 = arith.addf %add3A_1041, %mul3A_1042 : vector<16xf32>
      %mul3A_1044 = arith.constant 16 : i32
      %mul3A_1045 = arith.muli %scan3A_973, %mul3A_1044 : i32
      %swap3A = arith.index_cast %mul3A_1045 : i32 to index
      %swap3A_1046 = tpu.vector_load %arg15[%swap3A] {strides = array<i32>} : memref<2048xf32, #tpu.memory_space<vmem>>, vector<16xf32>,
      %swap3A_1047 = vector.shape_cast %swap3A_1046 : vector<16xf32> to vector<16xf32>
      %swap3A_1048 = vector.shape_cast %add3A_1043 : vector<16xf32> to vector<16xf32>
      tpu.vector_store %arg15[%swap3A], %swap3A_1048 {strides = array<i32>} : memref<2048xf32, #tpu.memory_space<vmem>>, vector<16xf32>,
      %mul3A_1049 = arith.constant 5 : i32
      %mul3A_1050 = arith.muli %scan3A_973, %mul3A_1049 : i32
      %get3A_1051 = arith.constant 0 : i32
      %get3A_1052 = arith.constant 0 : i32
      %get3A_1053 = tpu.memref_slice %arg14[%scan3A_963, %get3A_1051, %get3A_1052] : memref<2x640x64xf32, #tpu.memory_space<vmem>> -> memref<1x640x64xf32, #tpu.memory_space<vmem>>
      %get3A_1054 = tpu.memref_squeeze %get3A_1053 : memref<1x640x64xf32, #tpu.memory_space<vmem>> -> memref<640x64xf32, #tpu.memory_space<vmem>>
      %get3A_1055 = arith.index_cast %mul3A_1050 : i32 to index
      %get3A_1056 = arith.constant 0 : index
      %get3A_1057 = tpu.vector_load %get3A_1054[%get3A_1055, %get3A_1056] {strides = array<i32>} : memref<640x64xf32, #tpu.memory_space<vmem>>, vector<1x16xf32>,
      %get3A_1058 = vector.shape_cast %get3A_1057 : vector<1x16xf32> to vector<16xf32>
      %mul3A_1059 = arith.constant 5 : i32
      %mul3A_1060 = arith.muli %scan3A_973, %mul3A_1059 : i32
      %get3A_1061 = arith.constant 0 : i32
      %get3A_1062 = arith.constant 0 : i32
      %get3A_1063 = tpu.memref_slice %arg14[%scan3A_963, %get3A_1061, %get3A_1062] : memref<2x640x64xf32, #tpu.memory_space<vmem>> -> memref<1x640x64xf32, #tpu.memory_space<vmem>>
      %get3A_1064 = tpu.memref_squeeze %get3A_1063 : memref<1x640x64xf32, #tpu.memory_space<vmem>> -> memref<640x64xf32, #tpu.memory_space<vmem>>
      %get3A_1065 = arith.index_cast %mul3A_1060 : i32 to index
      %get3A_1066 = arith.constant 16 : index
      %get3A_1067 = tpu.vector_load %get3A_1064[%get3A_1065, %get3A_1066] {strides = array<i32>} : memref<640x64xf32, #tpu.memory_space<vmem>>, vector<1x16xf32>,
      %get3A_1068 = vector.shape_cast %get3A_1067 : vector<1x16xf32> to vector<16xf32>
      %mul3A_1069 = arith.constant 5 : i32
      %mul3A_1070 = arith.muli %scan3A_973, %mul3A_1069 : i32
      %get3A_1071 = arith.constant 0 : i32
      %get3A_1072 = arith.constant 0 : i32
      %get3A_1073 = tpu.memref_slice %arg14[%scan3A_963, %get3A_1071, %get3A_1072] : memref<2x640x64xf32, #tpu.memory_space<vmem>> -> memref<1x640x64xf32, #tpu.memory_space<vmem>>
      %get3A_1074 = tpu.memref_squeeze %get3A_1073 : memref<1x640x64xf32, #tpu.memory_space<vmem>> -> memref<640x64xf32, #tpu.memory_space<vmem>>
      %get3A_1075 = arith.index_cast %mul3A_1070 : i32 to index
      %get3A_1076 = arith.constant 32 : index
      %get3A_1077 = tpu.vector_load %get3A_1074[%get3A_1075, %get3A_1076] {strides = array<i32>} : memref<640x64xf32, #tpu.memory_space<vmem>>, vector<1x16xf32>,
      %get3A_1078 = vector.shape_cast %get3A_1077 : vector<1x16xf32> to vector<16xf32>
      %mul3A_1079 = arith.constant 5 : i32
      %mul3A_1080 = arith.muli %scan3A_973, %mul3A_1079 : i32
      %get3A_1081 = arith.constant 0 : i32
      %get3A_1082 = arith.constant 0 : i32
      %get3A_1083 = tpu.memref_slice %arg14[%scan3A_963, %get3A_1081, %get3A_1082] : memref<2x640x64xf32, #tpu.memory_space<vmem>> -> memref<1x640x64xf32, #tpu.memory_space<vmem>>
      %get3A_1084 = tpu.memref_squeeze %get3A_1083 : memref<1x640x64xf32, #tpu.memory_space<vmem>> -> memref<640x64xf32, #tpu.memory_space<vmem>>
      %get3A_1085 = arith.index_cast %mul3A_1080 : i32 to index
      %get3A_1086 = arith.constant 48 : index
      %get3A_1087 = tpu.vector_load %get3A_1084[%get3A_1085, %get3A_1086] {strides = array<i32>} : memref<640x64xf32, #tpu.memory_space<vmem>>, vector<1x16xf32>,
      %get3A_1088 = vector.shape_cast %get3A_1087 : vector<1x16xf32> to vector<16xf32>
      %mul3A_1089 = arith.constant 5 : i32
      %mul3A_1090 = arith.muli %scan3A_973, %mul3A_1089 : i32
      %add3A_1091 = arith.constant 1 : i32
      %add3A_1092 = arith.addi %mul3A_1090, %add3A_1091 : i32
      %get3A_1093 = arith.constant 0 : i32
      %get3A_1094 = arith.constant 0 : i32
      %get3A_1095 = tpu.memref_slice %arg14[%scan3A_963, %get3A_1093, %get3A_1094] : memref<2x640x64xf32, #tpu.memory_space<vmem>> -> memref<1x640x64xf32, #tpu.memory_space<vmem>>
      %get3A_1096 = tpu.memref_squeeze %get3A_1095 : memref<1x640x64xf32, #tpu.memory_space<vmem>> -> memref<640x64xf32, #tpu.memory_space<vmem>>
      %get3A_1097 = arith.index_cast %add3A_1092 : i32 to index
      %get3A_1098 = arith.constant 0 : index
      %get3A_1099 = tpu.vector_load %get3A_1096[%get3A_1097, %get3A_1098] {strides = array<i32>} : memref<640x64xf32, #tpu.memory_space<vmem>>, vector<1x16xf32>,
      %get3A_1100 = vector.shape_cast %get3A_1099 : vector<1x16xf32> to vector<16xf32>
      %add3A_1101 = arith.addf %get3A_1058, %get3A_1100 : vector<16xf32>
      %mul3A_1102 = arith.constant 5 : i32
      %mul3A_1103 = arith.muli %scan3A_973, %mul3A_1102 : i32
      %add3A_1104 = arith.constant 1 : i32
      %add3A_1105 = arith.addi %mul3A_1103, %add3A_1104 : i32
      %get3A_1106 = arith.constant 0 : i32
      %get3A_1107 = arith.constant 0 : i32
      %get3A_1108 = tpu.memref_slice %arg14[%scan3A_963, %get3A_1106, %get3A_1107] : memref<2x640x64xf32, #tpu.memory_space<vmem>> -> memref<1x640x64xf32, #tpu.memory_space<vmem>>
      %get3A_1109 = tpu.memref_squeeze %get3A_1108 : memref<1x640x64xf32, #tpu.memory_space<vmem>> -> memref<640x64xf32, #tpu.memory_space<vmem>>
      %get3A_1110 = arith.index_cast %add3A_1105 : i32 to index
      %get3A_1111 = arith.constant 16 : index
      %get3A_1112 = tpu.vector_load %get3A_1109[%get3A_1110, %get3A_1111] {strides = array<i32>} : memref<640x64xf32, #tpu.memory_space<vmem>>, vector<1x16xf32>,
      %get3A_1113 = vector.shape_cast %get3A_1112 : vector<1x16xf32> to vector<16xf32>
      %add3A_1114 = arith.addf %get3A_1068, %get3A_1113 : vector<16xf32>
      %mul3A_1115 = arith.constant 5 : i32
      %mul3A_1116 = arith.muli %scan3A_973, %mul3A_1115 : i32
      %add3A_1117 = arith.constant 1 : i32
      %add3A_1118 = arith.addi %mul3A_1116, %add3A_1117 : i32
      %get3A_1119 = arith.constant 0 : i32
      %get3A_1120 = arith.constant 0 : i32
      %get3A_1121 = tpu.memref_slice %arg14[%scan3A_963, %get3A_1119, %get3A_1120] : memref<2x640x64xf32, #tpu.memory_space<vmem>> -> memref<1x640x64xf32, #tpu.memory_space<vmem>>
      %get3A_1122 = tpu.memref_squeeze %get3A_1121 : memref<1x640x64xf32, #tpu.memory_space<vmem>> -> memref<640x64xf32, #tpu.memory_space<vmem>>
      %get3A_1123 = arith.index_cast %add3A_1118 : i32 to index
      %get3A_1124 = arith.constant 32 : index
      %get3A_1125 = tpu.vector_load %get3A_1122[%get3A_1123, %get3A_1124] {strides = array<i32>} : memref<640x64xf32, #tpu.memory_space<vmem>>, vector<1x16xf32>,
      %get3A_1126 = vector.shape_cast %get3A_1125 : vector<1x16xf32> to vector<16xf32>
      %add3A_1127 = arith.addf %get3A_1078, %get3A_1126 : vector<16xf32>
      %mul3A_1128 = arith.constant 5 : i32
      %mul3A_1129 = arith.muli %scan3A_973, %mul3A_1128 : i32
      %add3A_1130 = arith.constant 1 : i32
      %add3A_1131 = arith.addi %mul3A_1129, %add3A_1130 : i32
      %get3A_1132 = arith.constant 0 : i32
      %get3A_1133 = arith.constant 0 : i32
      %get3A_1134 = tpu.memref_slice %arg14[%scan3A_963, %get3A_1132, %get3A_1133] : memref<2x640x64xf32, #tpu.memory_space<vmem>> -> memref<1x640x64xf32, #tpu.memory_space<vmem>>
      %get3A_1135 = tpu.memref_squeeze %get3A_1134 : memref<1x640x64xf32, #tpu.memory_space<vmem>> -> memref<640x64xf32, #tpu.memory_space<vmem>>
      %get3A_1136 = arith.index_cast %add3A_1131 : i32 to index
      %get3A_1137 = arith.constant 48 : index
      %get3A_1138 = tpu.vector_load %get3A_1135[%get3A_1136, %get3A_1137] {strides = array<i32>} : memref<640x64xf32, #tpu.memory_space<vmem>>, vector<1x16xf32>,
      %get3A_1139 = vector.shape_cast %get3A_1138 : vector<1x16xf32> to vector<16xf32>
      %add3A_1140 = arith.addf %get3A_1088, %get3A_1139 : vector<16xf32>
      %mul3A_1141 = arith.constant 5 : i32
      %mul3A_1142 = arith.muli %scan3A_973, %mul3A_1141 : i32
      %add3A_1143 = arith.constant 2 : i32
      %add3A_1144 = arith.addi %mul3A_1142, %add3A_1143 : i32
      %get3A_1145 = arith.constant 0 : i32
      %get3A_1146 = arith.constant 0 : i32
      %get3A_1147 = tpu.memref_slice %arg14[%scan3A_963, %get3A_1145, %get3A_1146] : memref<2x640x64xf32, #tpu.memory_space<vmem>> -> memref<1x640x64xf32, #tpu.memory_space<vmem>>
      %get3A_1148 = tpu.memref_squeeze %get3A_1147 : memref<1x640x64xf32, #tpu.memory_space<vmem>> -> memref<640x64xf32, #tpu.memory_space<vmem>>
      %get3A_1149 = arith.index_cast %add3A_1144 : i32 to index
      %get3A_1150 = arith.constant 0 : index
      %get3A_1151 = tpu.vector_load %get3A_1148[%get3A_1149, %get3A_1150] {strides = array<i32>} : memref<640x64xf32, #tpu.memory_space<vmem>>, vector<1x16xf32>,
      %get3A_1152 = vector.shape_cast %get3A_1151 : vector<1x16xf32> to vector<16xf32>
      %add3A_1153 = arith.addf %add3A_1101, %get3A_1152 : vector<16xf32>
      %mul3A_1154 = arith.constant 5 : i32
      %mul3A_1155 = arith.muli %scan3A_973, %mul3A_1154 : i32
      %add3A_1156 = arith.constant 2 : i32
      %add3A_1157 = arith.addi %mul3A_1155, %add3A_1156 : i32
      %get3A_1158 = arith.constant 0 : i32
      %get3A_1159 = arith.constant 0 : i32
      %get3A_1160 = tpu.memref_slice %arg14[%scan3A_963, %get3A_1158, %get3A_1159] : memref<2x640x64xf32, #tpu.memory_space<vmem>> -> memref<1x640x64xf32, #tpu.memory_space<vmem>>
      %get3A_1161 = tpu.memref_squeeze %get3A_1160 : memref<1x640x64xf32, #tpu.memory_space<vmem>> -> memref<640x64xf32, #tpu.memory_space<vmem>>
      %get3A_1162 = arith.index_cast %add3A_1157 : i32 to index
      %get3A_1163 = arith.constant 16 : index
      %get3A_1164 = tpu.vector_load %get3A_1161[%get3A_1162, %get3A_1163] {strides = array<i32>} : memref<640x64xf32, #tpu.memory_space<vmem>>, vector<1x16xf32>,
      %get3A_1165 = vector.shape_cast %get3A_1164 : vector<1x16xf32> to vector<16xf32>
      %add3A_1166 = arith.addf %add3A_1114, %get3A_1165 : vector<16xf32>
      %mul3A_1167 = arith.constant 5 : i32
      %mul3A_1168 = arith.muli %scan3A_973, %mul3A_1167 : i32
      %add3A_1169 = arith.constant 2 : i32
      %add3A_1170 = arith.addi %mul3A_1168, %add3A_1169 : i32
      %get3A_1171 = arith.constant 0 : i32
      %get3A_1172 = arith.constant 0 : i32
      %get3A_1173 = tpu.memref_slice %arg14[%scan3A_963, %get3A_1171, %get3A_1172] : memref<2x640x64xf32, #tpu.memory_space<vmem>> -> memref<1x640x64xf32, #tpu.memory_space<vmem>>
      %get3A_1174 = tpu.memref_squeeze %get3A_1173 : memref<1x640x64xf32, #tpu.memory_space<vmem>> -> memref<640x64xf32, #tpu.memory_space<vmem>>
      %get3A_1175 = arith.index_cast %add3A_1170 : i32 to index
      %get3A_1176 = arith.constant 32 : index
      %get3A_1177 = tpu.vector_load %get3A_1174[%get3A_1175, %get3A_1176] {strides = array<i32>} : memref<640x64xf32, #tpu.memory_space<vmem>>, vector<1x16xf32>,
      %get3A_1178 = vector.shape_cast %get3A_1177 : vector<1x16xf32> to vector<16xf32>
      %add3A_1179 = arith.addf %add3A_1127, %get3A_1178 : vector<16xf32>
      %mul3A_1180 = arith.constant 5 : i32
      %mul3A_1181 = arith.muli %scan3A_973, %mul3A_1180 : i32
      %add3A_1182 = arith.constant 2 : i32
      %add3A_1183 = arith.addi %mul3A_1181, %add3A_1182 : i32
      %get3A_1184 = arith.constant 0 : i32
      %get3A_1185 = arith.constant 0 : i32
      %get3A_1186 = tpu.memref_slice %arg14[%scan3A_963, %get3A_1184, %get3A_1185] : memref<2x640x64xf32, #tpu.memory_space<vmem>> -> memref<1x640x64xf32, #tpu.memory_space<vmem>>
      %get3A_1187 = tpu.memref_squeeze %get3A_1186 : memref<1x640x64xf32, #tpu.memory_space<vmem>> -> memref<640x64xf32, #tpu.memory_space<vmem>>
      %get3A_1188 = arith.index_cast %add3A_1183 : i32 to index
      %get3A_1189 = arith.constant 48 : index
      %get3A_1190 = tpu.vector_load %get3A_1187[%get3A_1188, %get3A_1189] {strides = array<i32>} : memref<640x64xf32, #tpu.memory_space<vmem>>, vector<1x16xf32>,
      %get3A_1191 = vector.shape_cast %get3A_1190 : vector<1x16xf32> to vector<16xf32>
      %add3A_1192 = arith.addf %add3A_1140, %get3A_1191 : vector<16xf32>
      %mul3A_1193 = arith.constant 5 : i32
      %mul3A_1194 = arith.muli %scan3A_973, %mul3A_1193 : i32
      %add3A_1195 = arith.constant 3 : i32
      %add3A_1196 = arith.addi %mul3A_1194, %add3A_1195 : i32
      %get3A_1197 = arith.constant 0 : i32
      %get3A_1198 = arith.constant 0 : i32
      %get3A_1199 = tpu.memref_slice %arg14[%scan3A_963, %get3A_1197, %get3A_1198] : memref<2x640x64xf32, #tpu.memory_space<vmem>> -> memref<1x640x64xf32, #tpu.memory_space<vmem>>
      %get3A_1200 = tpu.memref_squeeze %get3A_1199 : memref<1x640x64xf32, #tpu.memory_space<vmem>> -> memref<640x64xf32, #tpu.memory_space<vmem>>
      %get3A_1201 = arith.index_cast %add3A_1196 : i32 to index
      %get3A_1202 = arith.constant 0 : index
      %get3A_1203 = tpu.vector_load %get3A_1200[%get3A_1201, %get3A_1202] {strides = array<i32>} : memref<640x64xf32, #tpu.memory_space<vmem>>, vector<1x16xf32>,
      %get3A_1204 = vector.shape_cast %get3A_1203 : vector<1x16xf32> to vector<16xf32>
      %add3A_1205 = arith.addf %add3A_1153, %get3A_1204 : vector<16xf32>
      %mul3A_1206 = arith.constant 5 : i32
      %mul3A_1207 = arith.muli %scan3A_973, %mul3A_1206 : i32
      %add3A_1208 = arith.constant 3 : i32
      %add3A_1209 = arith.addi %mul3A_1207, %add3A_1208 : i32
      %get3A_1210 = arith.constant 0 : i32
      %get3A_1211 = arith.constant 0 : i32
      %get3A_1212 = tpu.memref_slice %arg14[%scan3A_963, %get3A_1210, %get3A_1211] : memref<2x640x64xf32, #tpu.memory_space<vmem>> -> memref<1x640x64xf32, #tpu.memory_space<vmem>>
      %get3A_1213 = tpu.memref_squeeze %get3A_1212 : memref<1x640x64xf32, #tpu.memory_space<vmem>> -> memref<640x64xf32, #tpu.memory_space<vmem>>
      %get3A_1214 = arith.index_cast %add3A_1209 : i32 to index
      %get3A_1215 = arith.constant 16 : index
      %get3A_1216 = tpu.vector_load %get3A_1213[%get3A_1214, %get3A_1215] {strides = array<i32>} : memref<640x64xf32, #tpu.memory_space<vmem>>, vector<1x16xf32>,
      %get3A_1217 = vector.shape_cast %get3A_1216 : vector<1x16xf32> to vector<16xf32>
      %add3A_1218 = arith.addf %add3A_1166, %get3A_1217 : vector<16xf32>
      %mul3A_1219 = arith.constant 5 : i32
      %mul3A_1220 = arith.muli %scan3A_973, %mul3A_1219 : i32
      %add3A_1221 = arith.constant 3 : i32
      %add3A_1222 = arith.addi %mul3A_1220, %add3A_1221 : i32
      %get3A_1223 = arith.constant 0 : i32
      %get3A_1224 = arith.constant 0 : i32
      %get3A_1225 = tpu.memref_slice %arg14[%scan3A_963, %get3A_1223, %get3A_1224] : memref<2x640x64xf32, #tpu.memory_space<vmem>> -> memref<1x640x64xf32, #tpu.memory_space<vmem>>
      %get3A_1226 = tpu.memref_squeeze %get3A_1225 : memref<1x640x64xf32, #tpu.memory_space<vmem>> -> memref<640x64xf32, #tpu.memory_space<vmem>>
      %get3A_1227 = arith.index_cast %add3A_1222 : i32 to index
      %get3A_1228 = arith.constant 32 : index
      %get3A_1229 = tpu.vector_load %get3A_1226[%get3A_1227, %get3A_1228] {strides = array<i32>} : memref<640x64xf32, #tpu.memory_space<vmem>>, vector<1x16xf32>,
      %get3A_1230 = vector.shape_cast %get3A_1229 : vector<1x16xf32> to vector<16xf32>
      %add3A_1231 = arith.addf %add3A_1179, %get3A_1230 : vector<16xf32>
      %mul3A_1232 = arith.constant 5 : i32
      %mul3A_1233 = arith.muli %scan3A_973, %mul3A_1232 : i32
      %add3A_1234 = arith.constant 3 : i32
      %add3A_1235 = arith.addi %mul3A_1233, %add3A_1234 : i32
      %get3A_1236 = arith.constant 0 : i32
      %get3A_1237 = arith.constant 0 : i32
      %get3A_1238 = tpu.memref_slice %arg14[%scan3A_963, %get3A_1236, %get3A_1237] : memref<2x640x64xf32, #tpu.memory_space<vmem>> -> memref<1x640x64xf32, #tpu.memory_space<vmem>>
      %get3A_1239 = tpu.memref_squeeze %get3A_1238 : memref<1x640x64xf32, #tpu.memory_space<vmem>> -> memref<640x64xf32, #tpu.memory_space<vmem>>
      %get3A_1240 = arith.index_cast %add3A_1235 : i32 to index
      %get3A_1241 = arith.constant 48 : index
      %get3A_1242 = tpu.vector_load %get3A_1239[%get3A_1240, %get3A_1241] {strides = array<i32>} : memref<640x64xf32, #tpu.memory_space<vmem>>, vector<1x16xf32>,
      %get3A_1243 = vector.shape_cast %get3A_1242 : vector<1x16xf32> to vector<16xf32>
      %add3A_1244 = arith.addf %add3A_1192, %get3A_1243 : vector<16xf32>
      %mul3A_1245 = arith.constant 5 : i32
      %mul3A_1246 = arith.muli %scan3A_973, %mul3A_1245 : i32
      %add3A_1247 = arith.constant 4 : i32
      %add3A_1248 = arith.addi %mul3A_1246, %add3A_1247 : i32
      %get3A_1249 = arith.constant 0 : i32
      %get3A_1250 = arith.constant 0 : i32
      %get3A_1251 = tpu.memref_slice %arg14[%scan3A_963, %get3A_1249, %get3A_1250] : memref<2x640x64xf32, #tpu.memory_space<vmem>> -> memref<1x640x64xf32, #tpu.memory_space<vmem>>
      %get3A_1252 = tpu.memref_squeeze %get3A_1251 : memref<1x640x64xf32, #tpu.memory_space<vmem>> -> memref<640x64xf32, #tpu.memory_space<vmem>>
      %get3A_1253 = arith.index_cast %add3A_1248 : i32 to index
      %get3A_1254 = arith.constant 0 : index
      %get3A_1255 = tpu.vector_load %get3A_1252[%get3A_1253, %get3A_1254] {strides = array<i32>} : memref<640x64xf32, #tpu.memory_space<vmem>>, vector<1x16xf32>,
      %get3A_1256 = vector.shape_cast %get3A_1255 : vector<1x16xf32> to vector<16xf32>
      %add3A_1257 = arith.addf %add3A_1205, %get3A_1256 : vector<16xf32>
      %mul3A_1258 = arith.constant 5 : i32
      %mul3A_1259 = arith.muli %scan3A_973, %mul3A_1258 : i32
      %add3A_1260 = arith.constant 4 : i32
      %add3A_1261 = arith.addi %mul3A_1259, %add3A_1260 : i32
      %get3A_1262 = arith.constant 0 : i32
      %get3A_1263 = arith.constant 0 : i32
      %get3A_1264 = tpu.memref_slice %arg14[%scan3A_963, %get3A_1262, %get3A_1263] : memref<2x640x64xf32, #tpu.memory_space<vmem>> -> memref<1x640x64xf32, #tpu.memory_space<vmem>>
      %get3A_1265 = tpu.memref_squeeze %get3A_1264 : memref<1x640x64xf32, #tpu.memory_space<vmem>> -> memref<640x64xf32, #tpu.memory_space<vmem>>
      %get3A_1266 = arith.index_cast %add3A_1261 : i32 to index
      %get3A_1267 = arith.constant 16 : index
      %get3A_1268 = tpu.vector_load %get3A_1265[%get3A_1266, %get3A_1267] {strides = array<i32>} : memref<640x64xf32, #tpu.memory_space<vmem>>, vector<1x16xf32>,
      %get3A_1269 = vector.shape_cast %get3A_1268 : vector<1x16xf32> to vector<16xf32>
      %add3A_1270 = arith.addf %add3A_1218, %get3A_1269 : vector<16xf32>
      %mul3A_1271 = arith.constant 5 : i32
      %mul3A_1272 = arith.muli %scan3A_973, %mul3A_1271 : i32
      %add3A_1273 = arith.constant 4 : i32
      %add3A_1274 = arith.addi %mul3A_1272, %add3A_1273 : i32
      %get3A_1275 = arith.constant 0 : i32
      %get3A_1276 = arith.constant 0 : i32
      %get3A_1277 = tpu.memref_slice %arg14[%scan3A_963, %get3A_1275, %get3A_1276] : memref<2x640x64xf32, #tpu.memory_space<vmem>> -> memref<1x640x64xf32, #tpu.memory_space<vmem>>
      %get3A_1278 = tpu.memref_squeeze %get3A_1277 : memref<1x640x64xf32, #tpu.memory_space<vmem>> -> memref<640x64xf32, #tpu.memory_space<vmem>>
      %get3A_1279 = arith.index_cast %add3A_1274 : i32 to index
      %get3A_1280 = arith.constant 32 : index
      %get3A_1281 = tpu.vector_load %get3A_1278[%get3A_1279, %get3A_1280] {strides = array<i32>} : memref<640x64xf32, #tpu.memory_space<vmem>>, vector<1x16xf32>,
      %get3A_1282 = vector.shape_cast %get3A_1281 : vector<1x16xf32> to vector<16xf32>
      %add3A_1283 = arith.addf %add3A_1231, %get3A_1282 : vector<16xf32>
      %mul3A_1284 = arith.constant 5 : i32
      %mul3A_1285 = arith.muli %scan3A_973, %mul3A_1284 : i32
      %add3A_1286 = arith.constant 4 : i32
      %add3A_1287 = arith.addi %mul3A_1285, %add3A_1286 : i32
      %get3A_1288 = arith.constant 0 : i32
      %get3A_1289 = arith.constant 0 : i32
      %get3A_1290 = tpu.memref_slice %arg14[%scan3A_963, %get3A_1288, %get3A_1289] : memref<2x640x64xf32, #tpu.memory_space<vmem>> -> memref<1x640x64xf32, #tpu.memory_space<vmem>>
      %get3A_1291 = tpu.memref_squeeze %get3A_1290 : memref<1x640x64xf32, #tpu.memory_space<vmem>> -> memref<640x64xf32, #tpu.memory_space<vmem>>
      %get3A_1292 = arith.index_cast %add3A_1287 : i32 to index
      %get3A_1293 = arith.constant 48 : index
      %get3A_1294 = tpu.vector_load %get3A_1291[%get3A_1292, %get3A_1293] {strides = array<i32>} : memref<640x64xf32, #tpu.memory_space<vmem>>, vector<1x16xf32>,
      %get3A_1295 = vector.shape_cast %get3A_1294 : vector<1x16xf32> to vector<16xf32>
      %add3A_1296 = arith.addf %add3A_1244, %get3A_1295 : vector<16xf32>
      %mul3A_1297 = arith.mulf %get3A_980, %add3A_1257 : vector<16xf32>
      %mul3A_1298 = arith.mulf %get3A_988, %add3A_1270 : vector<16xf32>
      %add3A_1299 = arith.addf %mul3A_1297, %mul3A_1298 : vector<16xf32>
      %mul3A_1300 = arith.mulf %get3A_996, %add3A_1283 : vector<16xf32>
      %add3A_1301 = arith.addf %add3A_1299, %mul3A_1300 : vector<16xf32>
      %mul3A_1302 = arith.mulf %get3A_1004, %add3A_1296 : vector<16xf32>
      %add3A_1303 = arith.addf %add3A_1301, %mul3A_1302 : vector<16xf32>
      %mul3A_1304 = arith.constant 16 : i32
      %mul3A_1305 = arith.muli %scan3A_973, %mul3A_1304 : i32
      %swap3A_1306 = arith.index_cast %mul3A_1305 : i32 to index
      %swap3A_1307 = tpu.vector_load %arg16[%swap3A_1306] {strides = array<i32>} : memref<2048xf32, #tpu.memory_space<vmem>>, vector<16xf32>,
      %swap3A_1308 = vector.shape_cast %swap3A_1307 : vector<16xf32> to vector<16xf32>
      %swap3A_1309 = vector.shape_cast %add3A_1303 : vector<16xf32> to vector<16xf32>
      tpu.vector_store %arg16[%swap3A_1306], %swap3A_1309 {strides = array<i32>} : memref<2048xf32, #tpu.memory_space<vmem>>, vector<16xf32>,
    }
    %scan3A_968 = arith.constant 128 : i32
    %mul3A_969 = arith.constant 16 : i32
    %mul3A_970 = arith.muli %add3A_959, %mul3A_969 : i32
    "tpu.region"() ({
      %run_scoped3A_973 = tpu.sem_alloc : memref<!tpu.dma_semaphore, #tpu.memory_space<semaphore_mem>>
      %dma_start3A_974 = tpu.memref_slice %arg7[%mul3A_970] : memref<262144xf32, #tpu.memory_space<hbm>> -> memref<2048xf32, #tpu.memory_space<hbm>>
      %dma_start3A_975 = tpu.memref_slice %arg7[%mul3A_970] : memref<262144xf32, #tpu.memory_space<hbm>> -> memref<2048xf32, #tpu.memory_space<hbm>>
      tpu.enqueue_dma source(%arg15 : memref<2048xf32, #tpu.memory_space<vmem>>) target(%dma_start3A_975 : memref<2048xf32, #tpu.memory_space<hbm>>) target_semaphore(%run_scoped3A_973 : memref<!tpu.dma_semaphore, #tpu.memory_space<semaphore_mem>>)
      %dma_wait3A_976 = tpu.memref_slice %arg7[%mul3A_970] : memref<262144xf32, #tpu.memory_space<hbm>> -> memref<2048xf32, #tpu.memory_space<hbm>>
      %dma_wait3A_977 = tpu.memref_slice %arg7[%mul3A_970] : memref<262144xf32, #tpu.memory_space<hbm>> -> memref<2048xf32, #tpu.memory_space<hbm>>
      tpu.wait_dma2 semaphore(%run_scoped3A_973 : memref<!tpu.dma_semaphore, #tpu.memory_space<semaphore_mem>>) src(%arg15 : memref<2048xf32, #tpu.memory_space<vmem>>) dst(%dma_wait3A_977 : memref<2048xf32, #tpu.memory_space<hbm>>)
      tpu.yield
    }) : () -> ()
    %mul3A_971 = arith.constant 16 : i32
    %mul3A_972 = arith.muli %add3A_959, %mul3A_971 : i32
    "tpu.region"() ({
      %run_scoped3A_973 = tpu.sem_alloc : memref<!tpu.dma_semaphore, #tpu.memory_space<semaphore_mem>>
      %dma_start3A_974 = tpu.memref_slice %arg8[%mul3A_972] : memref<262144xf32, #tpu.memory_space<hbm>> -> memref<2048xf32, #tpu.memory_space<hbm>>
      %dma_start3A_975 = tpu.memref_slice %arg8[%mul3A_972] : memref<262144xf32, #tpu.memory_space<hbm>> -> memref<2048xf32, #tpu.memory_space<hbm>>
      tpu.enqueue_dma source(%arg16 : memref<2048xf32, #tpu.memory_space<vmem>>) target(%dma_start3A_975 : memref<2048xf32, #tpu.memory_space<hbm>>) target_semaphore(%run_scoped3A_973 : memref<!tpu.dma_semaphore, #tpu.memory_space<semaphore_mem>>)
      %dma_wait3A_976 = tpu.memref_slice %arg8[%mul3A_972] : memref<262144xf32, #tpu.memory_space<hbm>> -> memref<2048xf32, #tpu.memory_space<hbm>>
      %dma_wait3A_977 = tpu.memref_slice %arg8[%mul3A_972] : memref<262144xf32, #tpu.memory_space<hbm>> -> memref<2048xf32, #tpu.memory_space<hbm>>
      tpu.wait_dma2 semaphore(%run_scoped3A_973 : memref<!tpu.dma_semaphore, #tpu.memory_space<semaphore_mem>>) src(%arg16 : memref<2048xf32, #tpu.memory_space<vmem>>) dst(%dma_wait3A_977 : memref<2048xf32, #tpu.memory_space<hbm>>)
      tpu.yield
    }) : () -> ()
    return
  }
}

module attributes {stable_mosaic.version = 14 : i64} {
  func.func @_tc_loss(%arg0: memref<2048x128xf32, #tpu.memory_space<vmem>>, %arg1: memref<2048x128xf32, #tpu.memory_space<vmem>>, %arg2: memref<1x1xf32, #tpu.memory_space<smem>>) attributes {dimension_semantics = [], scalar_prefetch = 0 : i64, scratch_operands = 0 : i64, tpu.core_type = #tpu.core_type<tc>} {
    %iota3A = tpu.iota {dimensions = array<i32: 0>} : vector<128x8xi32>
    %iota3A_0 = tpu.iota {dimensions = array<i32: 1>} : vector<128x8xi32>
    %jit3A = arith.constant 16 : i32
    %div3A = vector.broadcast %jit3A : i32 to vector<128x8xi32>
    %div3A_1 = arith.divsi %iota3A, %div3A : vector<128x8xi32>
    %sign3A = arith.constant 0 : i32
    %sign3A_2 = vector.broadcast %sign3A : i32 to vector<128x8xi32>
    %sign3A_3 = arith.cmpi sgt, %iota3A, %sign3A_2 : vector<128x8xi32>
    %sign3A_4 = arith.extui %sign3A_3 : vector<128x8xi1> to vector<128x8xi32>
    %sign3A_5 = arith.constant 0 : i32
    %sign3A_6 = vector.broadcast %sign3A_5 : i32 to vector<128x8xi32>
    %sign3A_7 = arith.cmpi slt, %iota3A, %sign3A_6 : vector<128x8xi32>
    %sign3A_8 = arith.extui %sign3A_7 : vector<128x8xi1> to vector<128x8xi32>
    %sign3A_9 = arith.subi %sign3A_4, %sign3A_8 : vector<128x8xi32>
    %sign3A_10 = arith.constant 0 : i32
    %sign3A_11 = arith.cmpi sgt, %jit3A, %sign3A_10 : i32
    %sign3A_12 = arith.extui %sign3A_11 : i1 to i32
    %sign3A_13 = arith.constant 0 : i32
    %sign3A_14 = arith.cmpi slt, %jit3A, %sign3A_13 : i32
    %sign3A_15 = arith.extui %sign3A_14 : i1 to i32
    %sign3A_16 = arith.subi %sign3A_12, %sign3A_15 : i32
    %ne3A = vector.broadcast %sign3A_16 : i32 to vector<128x8xi32>
    %ne3A_17 = arith.cmpi ne, %sign3A_9, %ne3A : vector<128x8xi32>
    %rem3A = vector.broadcast %jit3A : i32 to vector<128x8xi32>
    %rem3A_18 = arith.remsi %iota3A, %rem3A : vector<128x8xi32>
    %ne3A_19 = arith.constant 0 : i32
    %ne3A_20 = vector.broadcast %ne3A_19 : i32 to vector<128x8xi32>
    %ne3A_21 = arith.cmpi ne, %rem3A_18, %ne3A_20 : vector<128x8xi32>
    %and3A = arith.andi %ne3A_17, %ne3A_21 : vector<128x8xi1>
    %sub3A = arith.constant 1 : i32
    %sub3A_22 = vector.broadcast %sub3A : i32 to vector<128x8xi32>
    %sub3A_23 = arith.subi %div3A_1, %sub3A_22 : vector<128x8xi32>
    %select_n3A = arith.select %and3A, %sub3A_23, %div3A_1 : vector<128x8xi1>, vector<128x8xi32>
    %eq3A = arith.cmpi eq, %select_n3A, %iota3A_0 : vector<128x8xi32>
    %jit3A_24 = arith.constant 1.000000e+00 : f32
    %jit3A_25 = arith.constant 0.000000e+00 : f32
    %broadcast_in_dim3A = vector.broadcast %jit3A_24 : f32 to vector<128x8xf32>
    %broadcast_in_dim3A_26 = vector.broadcast %jit3A_25 : f32 to vector<128x8xf32>
    %select_n3A_27 = arith.select %eq3A, %broadcast_in_dim3A, %broadcast_in_dim3A_26 : vector<128x8xi1>, vector<128x8xf32>
    %get3A = arith.constant 0 : index
    %get3A_28 = arith.constant 0 : index
    %get3A_29 = vector.load %arg0[%get3A, %get3A_28] : memref<2048x128xf32, #tpu.memory_space<vmem>>, vector<2048x128xf32>
    %dot_general3A = arith.constant dense<0.000000e+00> : vector<2048x8xf32>
    %dot_general3A_30 = tpu.matmul %get3A_29, %select_n3A_27, %dot_general3A {dimension_numbers = #tpu.dot_dimension_numbers<[1], [0], [0], [1], [0, 0, 1, 1], [], []>, transpose_lhs_hint = false} : vector<2048x128xf32>, vector<128x8xf32>, vector<2048x8xf32> -> vector<2048x8xf32>
    %get3A_31 = arith.constant 0 : index
    %get3A_32 = arith.constant 0 : index
    %get3A_33 = vector.load %arg1[%get3A_31, %get3A_32] : memref<2048x128xf32, #tpu.memory_space<vmem>>, vector<2048x128xf32>
    %dot_general3A_34 = arith.constant dense<0.000000e+00> : vector<2048x8xf32>
    %dot_general3A_35 = tpu.matmul %get3A_33, %select_n3A_27, %dot_general3A_34 {dimension_numbers = #tpu.dot_dimension_numbers<[1], [0], [0], [1], [0, 0, 1, 1], [], []>, transpose_lhs_hint = false} : vector<2048x128xf32>, vector<128x8xf32>, vector<2048x8xf32> -> vector<2048x8xf32>
    %logistic3A = arith.negf %dot_general3A_30 : vector<2048x8xf32>
    %logistic3A_36 = math.exp %logistic3A : vector<2048x8xf32>
    %logistic3A_37 = arith.constant 1.000000e+00 : f32
    %logistic3A_38 = vector.broadcast %logistic3A_37 : f32 to vector<2048x8xf32>
    %logistic3A_39 = arith.addf %logistic3A_38, %logistic3A_36 : vector<2048x8xf32>
    %logistic3A_40 = arith.divf %logistic3A_38, %logistic3A_39 : vector<2048x8xf32>
    %log3A = math.log %logistic3A_40 : vector<2048x8xf32>
    %reduce_sum3A = vector.shape_cast %log3A : vector<2048x8xf32> to vector<1x2048x8xf32>
    %reduce_sum3A_41 = arith.constant dense<0.000000e+00> : vector<1xf32>
    %reduce_sum3A_42 = vector.multi_reduction <add>, %reduce_sum3A, %reduce_sum3A_41 [1, 2] : vector<1x2048x8xf32> to vector<1xf32>
    %reduce_sum3A_43 = vector.shape_cast %reduce_sum3A_42 : vector<1xf32> to vector<1x1x1xf32>
    %reduce_sum3A_44 = vector.extract %reduce_sum3A_43[0, 0, 0] : f32 from vector<1x1x1xf32>
    %neg3A = arith.constant 0.000000e+00 : f32
    %neg3A_45 = vector.broadcast %neg3A : f32 to vector<2048x8xf32>
    %neg3A_46 = arith.subf %neg3A_45, %dot_general3A_35 : vector<2048x8xf32>
    %logistic3A_47 = arith.negf %neg3A_46 : vector<2048x8xf32>
    %logistic3A_48 = math.exp %logistic3A_47 : vector<2048x8xf32>
    %logistic3A_49 = arith.constant 1.000000e+00 : f32
    %logistic3A_50 = vector.broadcast %logistic3A_49 : f32 to vector<2048x8xf32>
    %logistic3A_51 = arith.addf %logistic3A_50, %logistic3A_48 : vector<2048x8xf32>
    %logistic3A_52 = arith.divf %logistic3A_50, %logistic3A_51 : vector<2048x8xf32>
    %log3A_53 = math.log %logistic3A_52 : vector<2048x8xf32>
    %reduce_sum3A_54 = vector.shape_cast %log3A_53 : vector<2048x8xf32> to vector<1x2048x8xf32>
    %reduce_sum3A_55 = arith.constant dense<0.000000e+00> : vector<1xf32>
    %reduce_sum3A_56 = vector.multi_reduction <add>, %reduce_sum3A_54, %reduce_sum3A_55 [1, 2] : vector<1x2048x8xf32> to vector<1xf32>
    %reduce_sum3A_57 = vector.shape_cast %reduce_sum3A_56 : vector<1xf32> to vector<1x1x1xf32>
    %reduce_sum3A_58 = vector.extract %reduce_sum3A_57[0, 0, 0] : f32 from vector<1x1x1xf32>
    %add3A = arith.addf %reduce_sum3A_44, %reduce_sum3A_58 : f32
    %neg3A_59 = arith.constant 0.000000e+00 : f32
    %neg3A_60 = arith.subf %neg3A_59, %add3A : f32
    %div3A_61 = arith.constant 9.830400e+04 : f32
    %div3A_62 = arith.divf %neg3A_60, %div3A_61 : f32
    %swap3A = arith.constant 0 : index
    %swap3A_63 = arith.constant 0 : index
    %swap3A_64 = memref.load %arg2[%swap3A, %swap3A_63] : memref<1x1xf32, #tpu.memory_space<smem>>
    memref.store %div3A_62, %arg2[%swap3A, %swap3A_63] : memref<1x1xf32, #tpu.memory_space<smem>>
    return
  }
}

</mosaic_0001>

<sc_bundles>
// kernel: kernel.4.cloned.1.call-start
scs
__scs_entry_jumppad:
0x0: {  	(pc) =	sbr.rel $0x88, $3  }
0x1: {  	(tag) =	ssettag $0x0;
	lr =	simm.s32 $0x1  }
0x2: {  	[smem:$0x3F9C] =	sst lr;
	_ =	strace $0xD0000000  }
0x3: {  	_ = 	snop  }
0x4: {  	_ = 	snop  }
0x5: {  	_ = 	snop  }
0x6: {  	_ = 	snop  }
0x7: {  	_ = 	snop  }
__scs_overlays_trampoline_lowered:
0x8: {  	[smem:$0x3FAB] =	sst s0  }
0x9: {  	[smem:$0x3FAC] =	sst s1  }
0xa: {  	[smem:$0x3FAD] =	sst s2  }
0xb: {  	[smem:$0x3FAE] =	sst s3  }
0xc: {  	[smem:$0x3FAF] =	sst s4  }
0xd: {  	[smem:$0x3FB0] =	sst s5  }
0xe: {  	[smem:$0x3FB1] =	sst s6  }
0xf: {  	[smem:$0x3FB2] =	sst s7  }
0x10: {  	[smem:$0x3FB3] =	sst s8  }
0x11: {  	[smem:$0x3FB4] =	sst s9;
	s0 =	simm.s32 @!p0 $0x0  }
0x12: {  	s1 =	sld [smem:$0x3F9A];
	s0 =	simm.s32 @p0 $0x1  }
0x13: {  	[smem:$0x3FB5] =	sst s0;
	s0 =	simm.s32 @!p1 $0x0  }
0x14: {  	s2 =	sld [smem:$0x3F99];
	s0 =	simm.s32 @p1 $0x1  }
0x15: {  	[smem:$0x3FB6] =	sst s0;
	s0 =	simm.s32 @!p2 $0x0  }
0x16: {  	s3 =	sld [smem:$0x3FDB];
	s0 =	simm.s32 @p2 $0x1  }
0x17: {  	s4 =	simm.s32 $0x1BF5;
	[smem:$0x3FB8] =	sst s0  }
0x18: {  	s0 =	sld [smem:$0x3F9B];
	_ =	swait.ge [sflag:s4], $0x0  }
0x19: {  	s7 =	sld [smem:$0x3F9C]  }
0x1a: {  	s8 =	sadd.s32 $0xFFFFE003, lr  }
0x1b: {  	s9 =	sadd.s32 $0xFFFFFEF7, lr;
	s5 =	simm.s32 $0xFFFFFFFF;
	p2 =	slt.u32 s8, $0xFFFFF086  }
0x1c: {  	p1 =	slt.u32 s9, $0xF7A;
	s5 =	simm.s32 @!p2 $0x0  }
0x1d: {  	s5 =	simm.s32 @p1 $0x1;
	p0 =	seq.s32 s7, s2  }
0x1e: {  	s7 =	smul.u32 @!p0 $0xF7A, s2;
	p2 =	seq.s32 @!p0 s5, $0x0  }
0x1f: {  	s9 =	smul.u32 $0xF7A, s1;
	s8 =	simm.s32 @!p0 $0x1BF5;
	p2 =	por !p2, p0  }
0x20: {  	[sflag:s8] =	ssyncset.s32 @!p0 $0xFFFFF086;
	s6 =	sadd.s32 @!p0 s3, s7;
	s7 =	simm.s32 @!p0 $0x108  }
0x21: {  	s3 =	sadd.s32 s3, s9;
	s6 =	sadd.s32 @!p0 $0x88, s6;
	s7 =	simm.s32 @p2 $0x1082  }
0x22: {  	[simem:s7], [sflag:s8] =	dma.local @!p0 [hbm:s6], $0xF7A  }
0x23: {  	s9 =	sor.u32 $0xD0000000, s2;
	s6 =	simm.s32 $0x108;
	_ =	swait.ge @!p0 [sflag:s8], $0x0  }
0x24: {  	s3 =	sadd.s32 $0x88, s3;
	s6 =	simm.s32 @!p1 $0x1082;
	[sflag:s4] =	ssyncset.s32 $0xFFFFF086  }
0x25: {  	[simem:s6], [sflag:s4] =	dma.local [hbm:s3], $0xF7A  }
0x26: {  	[smem:$0x3F9C] =	sst s1;
	(tag) =	ssettag s2;
	_ =	strace s9  }
0x27: {  	s1 =	sld [smem:$0x3FAC]  }
0x28: {  	s2 =	sld [smem:$0x3FAD]  }
0x29: {  	s4 =	sld [smem:$0x3FAF]  }
0x2a: {  	p0 =	seq.s32 s5, $0x0;
	s5 =	sld [smem:$0x3FB0]  }
0x2b: {  	s6 =	sld [smem:$0x3FB1]  }
0x2c: {  	s7 =	sld [smem:$0x3FB2]  }
0x2d: {  	s3 =	simm.s32 $0x108;
	s8 =	sld [smem:$0x3FB3]  }
0x2e: {  	s3 =	simm.s32 @!p0 $0x1082;
	s9 =	sld [smem:$0x3FB4]  }
0x2f: {  	lr =	sadd.s32 s0, s3;
	s0 =	sld [smem:$0x3FAB]  }
0x30: {  	s3 =	sld [smem:$0x3FAE]  }
0x31: {  	[smem:$0x3FB7] =	sst s10  }
0x32: {  	s10 =	sld [smem:$0x3FB5];
	_ =	sdelay $0x3  }
0x33: {  	p0 =	seq.s32 s10, $0x1;
	s10 =	sld [smem:$0x3FB7];
	_ =	sdelay $0x3  }
0x34: {  	[smem:$0x3FB7] =	sst s10  }
0x35: {  	s10 =	sld [smem:$0x3FB6];
	_ =	sdelay $0x3  }
0x36: {  	p1 =	seq.s32 s10, $0x1;
	s10 =	sld [smem:$0x3FB7];
	_ =	sdelay $0x3  }
0x37: {  	[smem:$0x3FB7] =	sst s10  }
0x38: {  	s10 =	sld [smem:$0x3FB8]  }
0x39: {  	_ = 	snop;
	(pc) =	sbr.ind lr, $3  }
0x3a: {  	_ = 	snop  }
0x3b: {  	_ = 	snop  }
0x3c: {  	p2 =	seq.s32 s10, $0x1;
	s10 =	sld [smem:$0x3FB7]  }
0x3d: {  	_ =	shalt  }
0x3e: {  	_ =	shalt  }
0x3f: {  	_ =	shalt  }
0x40: {  	_ =	shalt  }
0x41: {  	_ =	shalt  }
0x42: {  	_ =	shalt  }
0x43: {  	_ =	shalt  }
0x44: {  	_ =	shalt  }
0x45: {  	_ =	shalt  }
0x46: {  	_ =	shalt  }
0x47: {  	_ =	shalt  }
0x48: {  	_ =	shalt  }
0x49: {  	_ =	shalt  }
0x4a: {  	_ =	shalt  }
0x4b: {  	_ =	shalt  }
0x4c: {  	_ =	shalt  }
0x4d: {  	_ =	shalt  }
0x4e: {  	_ =	shalt  }
0x4f: {  	_ =	shalt  }
0x50: {  	_ =	shalt  }
0x51: {  	_ =	shalt  }
0x52: {  	_ =	shalt  }
0x53: {  	_ =	shalt  }
0x54: {  	_ =	shalt  }
0x55: {  	_ =	shalt  }
0x56: {  	_ =	shalt  }
0x57: {  	_ =	shalt  }
0x58: {  	_ =	shalt  }
0x59: {  	_ =	shalt  }
0x5a: {  	_ =	shalt  }
0x5b: {  	_ =	shalt  }
0x5c: {  	_ =	shalt  }
0x5d: {  	_ =	shalt  }
0x5e: {  	_ =	shalt  }
0x5f: {  	_ =	shalt  }
0x60: {  	_ =	shalt  }
0x61: {  	_ =	shalt  }
0x62: {  	_ =	shalt  }
0x63: {  	_ =	shalt  }
0x64: {  	_ =	shalt  }
0x65: {  	_ =	shalt  }
0x66: {  	_ =	shalt  }
0x67: {  	_ =	shalt  }
0x68: {  	_ =	shalt  }
0x69: {  	_ =	shalt  }
0x6a: {  	_ =	shalt  }
0x6b: {  	_ =	shalt  }
0x6c: {  	_ =	shalt  }
0x6d: {  	_ =	shalt  }
0x6e: {  	_ =	shalt  }
0x6f: {  	_ =	shalt  }
0x70: {  	_ =	shalt  }
0x71: {  	_ =	shalt  }
0x72: {  	_ =	shalt  }
0x73: {  	_ =	shalt  }
0x74: {  	_ =	shalt  }
0x75: {  	_ =	shalt  }
0x76: {  	_ =	shalt  }
0x77: {  	_ =	shalt  }
0x78: {  	_ =	shalt  }
0x79: {  	_ =	shalt  }
0x7a: {  	_ =	shalt  }
0x7b: {  	_ =	shalt  }
0x7c: {  	_ =	shalt  }
0x7d: {  	_ =	shalt  }
0x7e: {  	_ =	shalt  }
0x7f: {  	_ =	shalt  }
0x80: {  	_ =	shalt  }
0x81: {  	_ =	shalt  }
0x82: {  	_ =	shalt  }
0x83: {  	_ =	shalt  }
0x84: {  	_ =	shalt  }
0x85: {  	_ =	shalt  }
0x86: {  	_ =	shalt  }
0x87: {  	_ =	shalt  }
.Lfunc_end0:
.L_simem_size_0:
called_computation_lowered:
.L_overlay_start_0:
0x88: {  	s2 =	sld [smem:$0x3FD9]  }
0x89: {  	s3 =	sld [smem:$0x3FFE];
	_ =	sdelay $0x1  }
0x8a: {  	s1 =	srdreg.scid  }
0x8b: {  	s0 =	sand.u32 $0x1, s1  }
0x8c: {  	s17 =	sshll.u32 s0, $0xA;
	s2 =	sadd.s32 s3, s2  }
0x8d: {  	s2 =	sadd.s32 s2, s17  }
0x8e: {  	[smem:$0x3FC3] =	sst s2  }
0x8f: {  	_ = 	snop  }
0x90: {  	s2 =	sld [smem:$0x3FC7]  }
0x91: {  	s18 =	sld [smem:$0x3FC6];
	(tm) =	ssettm $0x1  }
0x92: {  	s4 =	sld [smem:$0x3FFB];
	_ =	sdelay $0x3  }
0x93: {  	_ =	strace s4  }
0x94: {  	s4 =	sld [smem:$0x3FFC];
	_ =	sdelay $0x3  }
0x95: {  	_ =	strace s4  }
0x96: {  	s4 =	sld [smem:$0x3FFD];
	_ =	sdelay $0x3  }
0x97: {  	_ =	strace s4  }
0x98: {  	_ =	strace $0x8FFFFFFF  }
0x99: {  	s19 =	sld [smem:$0x3FDB];
	_ =	sdelay $0x1  }
0x9a: {  	s5 =	simm.s32 $_scs_section_size  }
0x9b: {  	s6 =	simm.s32 $_size__tile_overlayer_lowered;
	s7 =	simm.s32 $_tile_overlayer_lowered  }
0x9c: {  	s22 =	simm.s32 $0x1BFF;
	s21 =	sshll.u32 s7, $0x1;
	s4 =	sadd.s32 s5, s19  }
0x9d: {  	s8 =	simm.s32 $0x0;
	s20 =	sshll.u32 s6, $0x1;
	s6 =	sadd.s32 s21, s4  }
0x9e: {  	[timem:s8], [sflag:s22] =	dma.local [hbm:s6], s20  }
0x9f: {  	_ =	swait.ge [sflag:s22], s20  }
0xa0: {  	s5 =	ssub.s32 $0x0, s20;
	[sflag:s22] =	ssyncset.done $0x0  }
0xa1: {  	[sflag:s22] =	ssyncadd.s32 s5;
	_ =	sdelay $0x1  }
0xa2: {  	s23 =	simm.s32 $0x1B8B  }
0xa3: {  	_ =	swait.ge [sflag:s23], $0x1  }
0xa4: {  	[sflag:s23] =	ssyncset.done $0x0  }
0xa5: {  	s25 =	simm.s32 $0x1B8E;
	s24 =	sld [smem:$0x3FFE];
	[sflag:s23] =	ssyncadd.s32 $0xFFFFFFFF  }
0xa6: {  	s26 =	simm.s32 $execute0_lowered;
	[smem:$0x3FD2] =	sst s25  }
0xa7: {  	s6 =	sshll.u32 s26, $0x1;
	_ =	strace $0x80000046;
	[dreg:$0x1] =	wrdreg $0xFFFFFFFF  }
0xa8: {  	s28 =	simm.s32 $_size_execute0_lowered;
	s4 =	sadd.s32 s4, s6;
	[dreg:$0x0] =	wrdreg $0x0  }
0xa9: {  	s6 =	sshll.u32 s28, $0x1;
	[dreg:$0x2] =	wrdreg s4  }
0xaa: {  	[dreg:$0x3] =	wrdreg s6  }
0xab: {  	[dreg:$0x4] =	wrdreg $0xC0  }
0xac: {  	_ =	task [dreg:s8], $0x5FFFF  }
0xad: {  	[dreg:$0x1] =	wrdreg $0xFFFFFFFF  }
0xae: {  	[dreg:$0x0] =	wrdreg $0x60  }
0xaf: {  	[dreg:$0x2] =	wrdreg s24  }
0xb0: {  	[dreg:$0x3] =	wrdreg s2  }
0xb1: {  	[dreg:$0x4] =	wrdreg s18  }
0xb2: {  	[dreg:$0x5] =	wrdreg $0x9  }
0xb3: {  	_ =	task.clear_ibuf [dreg:s8], $0x6FFFF;
	_ =	strace $0x90000046  }
0xb4: {  	s29 =	simm.s32 $0x9;
	_ =	strace $0x80000048  }
0xb5: {  	_ =	swait.ge [sflag:s29], $0x1  }
0xb6: {  	[sflag:s29] =	ssyncadd.s32 $0xFFFFFFFF  }
0xb7: {  	_ =	strace $0x90000048  }
0xb8: {  	_ =	sfence  }
0xb9: {  	s30 =	sld [smem:$0x0];
	_ =	sdelay $0x2  }
0xba: {  	s31 =	sshll.u32 s1, $0xD;
	s1 =	sshrl.u32 s1, $0x2  }
0xbb: {  	s3 =	sand.u32 $0x4000, s31;
	s1 =	sadd.s32 s1, s30  }
0xbc: {  	s0 =	sor.u32 s3, s0;
	s1 =	sshll.u32 s1, $0x11  }
0xbd: {  	s0 =	sor.u32 s1, s0  }
0xbe: {  	s0 =	sadd.s32 $0x8F2B, s0  }
0xbf: {  	[sflag:s0] =	ssyncadd.remote.s32 $0x1  }
0xc0: {  	_ =	sfence.sel $0xFFFF  }
0xc1: {  	[dreg:$0x0] =	wrdreg $0xFFFFFFFF;
	(pc) =	sbr.abs _section_cstart, $3  }
0xc2: {  	[dreg:$0x1] =	wrdreg $0xFFFFFFFF  }
0xc3: {  	_ =	task.clear_ibuf [dreg:s8], $0x2FFFF;
	_ =	strace $0x9FFFFFFF  }
0xc4: {  	(tm) =	ssettm $0x7FFFFFFF  }
0xc5: {  	_ =	shalt  }
tec
execute0_lowered:
.L_overlay_start_1:
0x0: {  	(tag) =	ssettag $0x1  }
0x1: {  	s0 =	rddreg [dreg:$0x0]  }
0x2: {  	s2 =	rddreg [dreg:$0x1]  }
0x3: {  	s3 =	rddreg [dreg:$0x2];
	s1 =	simm.s32 $0x0;
	s4 =	srdreg.scid  }
0x4: {  	s9 =	stileid.u32;
	s28 =	simm.s32 $0x100;
	s29 =	simm.s32 $0x200  }
0x5: {  	s30 =	simm.s32 $0x80;
	s31 =	simm.s32 $0x580;
	[smem:$0x7FF] =	sst s1  }
0x6: {  	s4 =	sand.u32 $0x1, s4;
	s5 =	sadd.s32 $0x2A00, s0;
	s7 =	sadd.s32 $0x5200, s0  }
0x7: {  	s9 =	sshll.u32 s9, $0x1;
	s10 =	sadd.s32 $0xD200, s0;
	s6 =	ssub.s32 $0x2, s4  }
0x8: {  	_ =	strace $0x80000047;
	s4 =	sor.u32 s4, s9;
	s8 =	sshrl.u32 s6, $0x1  }
0x9: {  	s18 =	sshll.u32 s4, $0x9;
	s9 =	sshll.u32 s4, $0x6;
	s11 =	smul.u32 $0x140, s4  }
0xa: {  	s4 =	sshll.u32 s4, $0xA;
	s6 =	ssub.s32 s6, s8;
	s12 =	sadd.s32 s2, s9  }
0xb: {  	s9 =	sadd.s32 s3, s9;
	s19 =	sor.u32 $0x80, s18;
	s22 =	sor.u32 $0x100, s18  }
0xc: {  	s24 =	sadd.s32 s7, s4;
	s4 =	sadd.s32 s10, s4;
	[dreg:$0x4] =	wrdreg s12  }
0xd: {  	s14 =	sor.u32 $0x180, s18;
	[dreg:$0x5] =	wrdreg s9;
	s11 =	sadd.s32 s5, s11  }
0xe: {  	s20 =	sshrl.u32 s19, $0x3;
	s21 =	smul.u32 $0x5, s19;
	[dreg:$0xa] =	wrdreg s24  }
0xf: {  	s23 =	smul.u32 $0x5, s22;
	s25 =	sshrl.u32 s22, $0x3;
	[dreg:$0xb] =	wrdreg s4  }
0x10: {  	s15 =	sshll.u32 s19, $0x1;
	s16 =	sshrl.u32 s14, $0x3;
	s17 =	smul.u32 $0x5, s14  }
0x11: {  	s22 =	sshll.u32 s22, $0x1;
	[dreg:$0x6] =	wrdreg s11;
	s13 =	sadd.s32 s2, s20  }
0x12: {  	s24 =	sshll.u32 s14, $0x1;
	s11 =	sadd.s32 s3, s20;
	[dreg:$0x7] =	wrdreg s13  }
0x13: {  	s14 =	simm.s32 $0x6700;
	s26 =	sadd.s32 s2, s25;
	[dreg:$0x8] =	wrdreg s11  }
0x14: {  	s2 =	sadd.s32 s2, s16;
	s18 =	sadd.s32 s3, s16;
	[dreg:$0xc] =	wrdreg s26  }
0x15: {  	s19 =	sadd.s32 s7, s15;
	s20 =	sadd.s32 s10, s15;
	[dreg:$0xf] =	wrdreg s2  }
0x16: {  	s15 =	simm.s32 $0x12700;
	s16 =	simm.s32 $0x500;
	[dreg:$0x10] =	wrdreg s18  }
0x17: {  	s12 =	sshrl.u32 s21, $0x3;
	s13 =	sshrl.u32 s23, $0x3;
	[dreg:$0x11] =	wrdreg s19  }
0x18: {  	[dreg:$0x12] =	wrdreg s20;
	s21 =	sshrl.u32 s17, $0x3;
	s23 =	sadd.s32 s7, s22  }
0x19: {  	s26 =	smax.u32 s6, $0x1;
	s11 =	simm.s32 $0x180;
	s17 =	simm.s32 $0x14700  }
0x1a: {  	s18 =	simm.s32 $0x18700;
	s19 =	simm.s32 $0x1A700;
	[dreg:$0x14] =	wrdreg s23  }
0x1b: {  	s20 =	simm.s32 $0x1C700;
	s12 =	sadd.s32 s5, s12;
	[dreg:$0x18] =	wrdreg s26  }
0x1c: {  	s6 =	simm.s32 $0x1CF00;
	s4 =	sadd.s32 s5, s13;
	[dreg:$0x9] =	wrdreg s12  }
0x1d: {  	s2 =	sadd.s32 s5, s21;
	s23 =	sadd.s32 $0x24CA00, s0;
	[dreg:$0xe] =	wrdreg s4  }
0x1e: {  	s26 =	simm.s32 $0x3;
	s12 =	sadd.s32 s3, s25;
	[dreg:$0x13] =	wrdreg s2  }
0x1f: {  	s5 =	simm.s32 $0x2;
	s3 =	sadd.s32 s10, s22;
	[dreg:$0xd] =	wrdreg s12  }
0x20: {  	s21 =	simm.s32 $0x0;
	s25 =	sadd.s32 s7, s24;
	[dreg:$0x15] =	wrdreg s3  }
0x21: {  	s2 =	sadd.s32 s10, s24;
	s24 =	sadd.s32 $0x189400, s0;
	[dreg:$0x16] =	wrdreg s25  }
0x22: {  	s0 =	simm.s32 $0x16700;
	s4 =	simm.s32 $0x1;
	[dreg:$0x17] =	wrdreg s2  }
0x23: {  	s12 =	simm.s32 $0x480;
	s2 =	simm.s32 $0x600;
	s3 =	simm.s32 $0x680  }
.LBB2_1:
0x24: {  	s7 =	rddreg [dreg:$0x4]  }
0x25: {  	[tilespmem:s1], [sflag:$0x3] =	stream.linear.gather [hbm4b:s7+s1], $0x80, $0x38;
	[tilespmem:$0x1D700] =	vst v63  }
0x26: {  	_ =	swait.ge [sflag:s26], $0x80  }
0x27: {  	[sflag:s26] =	ssyncset.done $0x0  }
0x28: {  	s10 =	rddreg [dreg:$0x5];
	[sflag:s26] =	ssyncadd.s32 $0xFFFFFF80  }
0x29: {  	[tilespmem:s28], [sflag:$0x3] =	stream.linear.gather [hbm4b:s10+s1], $0x80, $0x38;
	[tilespmem:$0x1D700] =	vst v63  }
0x2a: {  	_ =	swait.ge [sflag:s26], $0x80  }
0x2b: {  	[sflag:s26] =	ssyncset.done $0x0  }
0x2c: {  	s13 =	rddreg [dreg:$0x6];
	[sflag:s26] =	ssyncadd.s32 $0xFFFFFF80  }
0x2d: {  	[tilespmem:s29], [sflag:$0x3] =	stream.linear.gather [hbm4b:s13+s1], $0x280, $0x38;
	[tilespmem:$0x1D700] =	vst v63  }
0x2e: {  	_ =	swait.ge [sflag:s26], $0x280  }
0x2f: {  	[sflag:s26] =	ssyncset.done $0x0  }
0x30: {  	s22 =	simm.s32 $0x700;
	[sflag:s26] =	ssyncadd.s32 $0xFFFFFD80  }
0x31: {  	[tilespmem:s22], [sflag:$0x1] =	stream.indirect.gather [hbm4b:s23+s30], $0x40, s1, s30, $0xb8;
	[tilespmem:$0x1D700] =	vst v63  }
0x32: {  	s25 =	simm.s32 $0x4700  }
0x33: {  	[tilespmem:s25], [sflag:$0x1] =	stream.indirect.gather [hbm4b:s24+s30], $0x40, s28, s30, $0xb8;
	[tilespmem:$0x1D700] =	vst v63  }
0x34: {  	s8 =	simm.s32 $0x8700  }
0x35: {  	[tilespmem:s8], [sflag:$0x1] =	stream.indirect.gather [hbm4b:s24+s30], $0x40, s29, s30, $0xb8;
	[tilespmem:$0x1D700] =	vst v63  }
0x36: {  	s9 =	simm.s32 $0x280;
	s8 =	simm.s32 $0xA700  }
0x37: {  	[tilespmem:s8], [sflag:$0x1] =	stream.indirect.gather [hbm4b:s24+s30], $0x40, s9, s30, $0xb8;
	[tilespmem:$0x1D700] =	vst v63  }
0x38: {  	s10 =	simm.s32 $0x300;
	s13 =	simm.s32 $0xC700  }
0x39: {  	[tilespmem:s13], [sflag:$0x1] =	stream.indirect.gather [hbm4b:s24+s30], $0x40, s10, s30, $0xb8;
	[tilespmem:$0x1D700] =	vst v63  }
0x3a: {  	s22 =	simm.s32 $0x380;
	s25 =	simm.s32 $0xE700  }
0x3b: {  	[tilespmem:s25], [sflag:$0x1] =	stream.indirect.gather [hbm4b:s24+s30], $0x40, s22, s30, $0xb8;
	[tilespmem:$0x1D700] =	vst v63  }
0x3c: {  	s8 =	simm.s32 $0x400;
	s9 =	simm.s32 $0x10700  }
0x3d: {  	[tilespmem:s9], [sflag:$0x1] =	stream.indirect.gather [hbm4b:s24+s30], $0x40, s8, s30, $0xb8;
	[tilespmem:$0x1D700] =	vst v63  }
0x3e: {  	s10 =	rddreg [dreg:$0x7]  }
0x3f: {  	[tilespmem:s30], [sflag:$0x3] =	stream.linear.gather [hbm4b:s10+s1], $0x80, $0x38;
	[tilespmem:$0x1D700] =	vst v63  }
0x40: {  	_ =	swait.ge [sflag:s26], $0x80  }
0x41: {  	[sflag:s26] =	ssyncset.done $0x0  }
0x42: {  	s13 =	rddreg [dreg:$0x8];
	[sflag:s26] =	ssyncadd.s32 $0xFFFFFF80  }
0x43: {  	[tilespmem:s11], [sflag:$0x3] =	stream.linear.gather [hbm4b:s13+s1], $0x80, $0x38;
	[tilespmem:$0x1D700] =	vst v63  }
0x44: {  	_ =	swait.ge [sflag:s26], $0x80  }
0x45: {  	[sflag:s26] =	ssyncset.done $0x0  }
0x46: {  	s22 =	rddreg [dreg:$0x9];
	[sflag:s26] =	ssyncadd.s32 $0xFFFFFF80  }
0x47: {  	[tilespmem:s12], [sflag:$0x3] =	stream.linear.gather [hbm4b:s22+s1], $0x280, $0x38;
	[tilespmem:$0x1D700] =	vst v63  }
0x48: {  	_ =	swait.ge [sflag:s26], $0x280  }
0x49: {  	[sflag:s26] =	ssyncset.done $0x0  }
0x4a: {  	s25 =	simm.s32 $0x2700;
	[sflag:s26] =	ssyncadd.s32 $0xFFFFFD80  }
0x4b: {  	[tilespmem:s25], [sflag:$0x2] =	stream.indirect.gather [hbm4b:s23+s30], $0x40, s30, s30, $0xb8;
	[tilespmem:$0x1D700] =	vst v63  }
0x4c: {  	_ = 	snop  }
0x4d: {  	[tilespmem:s14], [sflag:$0x2] =	stream.indirect.gather [hbm4b:s24+s30], $0x40, s11, s30, $0xb8;
	[tilespmem:$0x1D700] =	vst v63  }
0x4e: {  	_ = 	snop  }
0x4f: {  	[tilespmem:s15], [sflag:$0x2] =	stream.indirect.gather [hbm4b:s24+s30], $0x40, s12, s30, $0xb8;
	[tilespmem:$0x1D700] =	vst v63  }
0x50: {  	_ = 	snop  }
0x51: {  	[tilespmem:s17], [sflag:$0x2] =	stream.indirect.gather [hbm4b:s24+s30], $0x40, s16, s30, $0xb8;
	[tilespmem:$0x1D700] =	vst v63  }
0x52: {  	_ = 	snop  }
0x53: {  	[tilespmem:s0], [sflag:$0x2] =	stream.indirect.gather [hbm4b:s24+s30], $0x40, s31, s30, $0xb8;
	[tilespmem:$0x1D700] =	vst v63  }
0x54: {  	_ = 	snop  }
0x55: {  	[tilespmem:s18], [sflag:$0x2] =	stream.indirect.gather [hbm4b:s24+s30], $0x40, s2, s30, $0xb8;
	[tilespmem:$0x1D700] =	vst v63  }
0x56: {  	_ = 	snop  }
0x57: {  	[tilespmem:s19], [sflag:$0x2] =	stream.indirect.gather [hbm4b:s24+s30], $0x40, s3, s30, $0xb8;
	[tilespmem:$0x1D700] =	vst v63  }
0x58: {  	_ =	swait.ge [sflag:s4], $0x2000  }
0x59: {  	[sflag:s4] =	ssyncset.done $0x0  }
0x5a: {  	[sflag:s4] =	ssyncadd.s32 $0xFFFFE000  }
0x5b: {  	_ =	swait.ge [sflag:s4], $0x2000  }
0x5c: {  	[sflag:s4] =	ssyncset.done $0x0  }
0x5d: {  	[sflag:s4] =	ssyncadd.s32 $0xFFFFE000  }
0x5e: {  	_ =	swait.ge [sflag:s4], $0x2000  }
0x5f: {  	[sflag:s4] =	ssyncset.done $0x0  }
0x60: {  	[sflag:s4] =	ssyncadd.s32 $0xFFFFE000  }
0x61: {  	_ =	swait.ge [sflag:s4], $0x2000  }
0x62: {  	[sflag:s4] =	ssyncset.done $0x0  }
0x63: {  	[sflag:s4] =	ssyncadd.s32 $0xFFFFE000  }
0x64: {  	_ =	swait.ge [sflag:s4], $0x2000  }
0x65: {  	[sflag:s4] =	ssyncset.done $0x0  }
0x66: {  	[sflag:s4] =	ssyncadd.s32 $0xFFFFE000  }
0x67: {  	_ =	swait.ge [sflag:s4], $0x2000  }
0x68: {  	[sflag:s4] =	ssyncset.done $0x0  }
0x69: {  	[sflag:s4] =	ssyncadd.s32 $0xFFFFE000  }
0x6a: {  	_ =	swait.ge [sflag:s4], $0x2000  }
0x6b: {  	[sflag:s4] =	ssyncset.done $0x0  }
0x6c: {  	s7 =	simm.s32 $0x720;
	[sflag:s4] =	ssyncadd.s32 $0xFFFFE000  }
0x6d: {  	v3 =	vld [tilespmem:s7+$0xFFFFFFE0]  }
0x6e: {  	s8 =	simm.s32 $0x4720;
	v1 =	vld [tilespmem:s7+$0xFFFFFFF0]  }
0x6f: {  	v4 =	vld [tilespmem:s8+$0xFFFFFFE0]  }
0x70: {  	v5 =	vld [tilespmem:s8+$0xFFFFFFF0]  }
0x71: {  	v6 =	vld [tilespmem:s8+$0x0]  }
0x72: {  	v2 =	vld [tilespmem:s7+$0x0]  }
0x73: {  	v7 =	vld [tilespmem:s8+$0x10]  }
0x74: {  	v0 =	vld [tilespmem:s7+$0x10]  }
0x75: {  	v4 =	vmul.f32 v4, v3;
	v5 =	vmul.f32 v5, v1;
	_ =	sdelay $0x1  }
0x76: {  	v6 =	vmul.f32 v6, v2;
	v4 =	vadd.f32 v5, v4;
	_ =	sdelay $0x1  }
0x77: {  	v5 =	vmul.f32 v7, v0;
	v4 =	vadd.f32 v6, v4;
	_ =	sdelay $0x1  }
0x78: {  	v4 =	vadd.f32 v5, v4  }
0x79: {  	s9 =	simm.s32 $0x0  }
0x7a: {  	s22 =	simm.s32 $0x87A0;
	[tilespmem:s9+$0x1C700] =	vst v4  }
0x7b: {  	v4 =	vld [tilespmem:s22+$0xFFFFFF60]  }
0x7c: {  	v7 =	vld [tilespmem:s22+$0xFFFFFF70]  }
0x7d: {  	v5 =	vld [tilespmem:s22+$0xFFFFFFA0]  }
0x7e: {  	v6 =	vld [tilespmem:s22+$0xFFFFFFE0]  }
0x7f: {  	v10 =	vld [tilespmem:s22+$0x30]  }
0x80: {  	v8 =	vld [tilespmem:s22+$0x20]  }
0x81: {  	v11 =	vld [tilespmem:s22+$0x0]  }
0x82: {  	v13 =	vld [tilespmem:s22+$0xFFFFFFB0]  }
0x83: {  	v12 =	vld [tilespmem:s22+$0xFFFFFF80]  }
0x84: {  	v14 =	vld [tilespmem:s22+$0xFFFFFFF0]  }
0x85: {  	v15 =	vld [tilespmem:s22+$0xFFFFFFC0];
	v4 =	vadd.f32 v5, v4  }
0x86: {  	v9 =	vld [tilespmem:s22+$0x60]  }
0x87: {  	v5 =	vld [tilespmem:s22+$0xFFFFFFD0];
	v7 =	vadd.f32 v13, v7;
	v4 =	vadd.f32 v6, v4  }
0x88: {  	v6 =	vld [tilespmem:s22+$0xFFFFFF90]  }
0x89: {  	v14 =	vadd.f32 v14, v7;
	v7 =	vld [tilespmem:s22+$0x10];
	v8 =	vadd.f32 v8, v4  }
0x8a: {  	v12 =	vadd.f32 v15, v12;
	v4 =	vld [tilespmem:s22+$0x70]  }
0x8b: {  	v13 =	vadd.f32 v9, v8;
	v9 =	vld [tilespmem:s22+$0x40]  }
0x8c: {  	v12 =	vadd.f32 v11, v12;
	v11 =	vadd.f32 v10, v14;
	v10 =	vld [tilespmem:s22+$0x50]  }
0x8d: {  	s10 =	simm.s32 $0x40;
	s25 =	simm.s32 $0x87A0;
	v8 =	vld [tilespmem:s22+$0x80];
	v3 =	vmul.f32 v13, v3  }
.LBB2_2:
0x8e: {  	s22 =	sadd.s32 $0x140, s22  }
0x8f: {  	v5 =	vadd.f32 v5, v6;
	s8 =	sadd.s32 $0x40, s8;
	s7 =	sadd.s32 $0x40, s7;
	s13 =	smov.u32 s10  }
0x90: {  	p0 =	sne.s32 s10, $0x1FC0;
	s10 =	sadd.s32 $0x40, s10;
	v6 =	vadd.f32 v9, v12;
	v4 =	vadd.f32 v4, v11;
	v9 =	vld [tilespmem:s25+$0x90];
	s25 =	smov.u32 s22  }
0x91: {  	v5 =	vadd.f32 v7, v5  }
0x92: {  	v6 =	vadd.f32 v8, v6;
	v1 =	vmul.f32 v4, v1  }
0x93: {  	v4 =	vadd.f32 v10, v5  }
0x94: {  	v1 =	vadd.f32 v1, v3;
	v2 =	vmul.f32 v6, v2  }
0x95: {  	v3 =	vadd.f32 v9, v4  }
0x96: {  	v1 =	vadd.f32 v2, v1  }
0x97: {  	v0 =	vmul.f32 v3, v0;
	_ =	sdelay $0x1  }
0x98: {  	v0 =	vadd.f32 v0, v1;
	_ =	sdelay $0x1  }
0x99: {  	[tilespmem:s9+$0x1CF00] =	vst v0  }
0x9a: {  	v3 =	vld [tilespmem:s7+$0xFFFFFFE0]  }
0x9b: {  	v4 =	vld [tilespmem:s8+$0x0]  }
0x9c: {  	v1 =	vld [tilespmem:s7+$0xFFFFFFF0]  }
0x9d: {  	v5 =	vld [tilespmem:s8+$0xFFFFFFE0]  }
0x9e: {  	v6 =	vld [tilespmem:s8+$0xFFFFFFF0]  }
0x9f: {  	v2 =	vld [tilespmem:s7+$0x0]  }
0xa0: {  	v7 =	vld [tilespmem:s8+$0x10]  }
0xa1: {  	v0 =	vld [tilespmem:s7+$0x10];
	_ =	sdelay $0x1  }
0xa2: {  	v5 =	vmul.f32 v5, v3;
	v6 =	vmul.f32 v6, v1  }
0xa3: {  	v4 =	vmul.f32 v4, v2  }
0xa4: {  	v5 =	vadd.f32 v6, v5  }
0xa5: {  	v6 =	vmul.f32 v7, v0  }
0xa6: {  	v4 =	vadd.f32 v4, v5;
	_ =	sdelay $0x1  }
0xa7: {  	v4 =	vadd.f32 v6, v4  }
0xa8: {  	s9 =	sshra.s32 s13, $0x2  }
0xa9: {  	[tilespmem:s9+$0x1C700] =	vst v4  }
0xaa: {  	v4 =	vld [tilespmem:s22+$0xFFFFFF60]  }
0xab: {  	v7 =	vld [tilespmem:s22+$0xFFFFFF70]  }
0xac: {  	v5 =	vld [tilespmem:s22+$0xFFFFFFA0];
	_ =	sdelay $0x1  }
0xad: {  	v6 =	vld [tilespmem:s22+$0xFFFFFFE0]  }
0xae: {  	v10 =	vld [tilespmem:s22+$0x30]  }
0xaf: {  	v8 =	vld [tilespmem:s22+$0x20]  }
0xb0: {  	v4 =	vadd.f32 v5, v4;
	v11 =	vld [tilespmem:s22+$0x0]  }
0xb1: {  	v9 =	vld [tilespmem:s22+$0x60]  }
0xb2: {  	v12 =	vld [tilespmem:s22+$0xFFFFFF80];
	v4 =	vadd.f32 v6, v4  }
0xb3: {  	v13 =	vld [tilespmem:s22+$0xFFFFFFB0]  }
0xb4: {  	v14 =	vld [tilespmem:s22+$0xFFFFFFF0];
	v4 =	vadd.f32 v8, v4  }
0xb5: {  	v8 =	vld [tilespmem:s22+$0xFFFFFFC0]  }
0xb6: {  	v5 =	vld [tilespmem:s22+$0xFFFFFFD0];
	v9 =	vadd.f32 v9, v4  }
0xb7: {  	v6 =	vld [tilespmem:s22+$0xFFFFFF90]  }
.Ltmp0:
0xb8: {  	v7 =	vadd.f32 v13, v7;
	v4 =	vld [tilespmem:s22+$0x70];
	v3 =	vmul.f32 v9, v3;
	(pc) =	sbr.rel @p0 .LBB2_2-.Ltmp0, $4  }
0xb9: {  	v9 =	vld [tilespmem:s22+$0x40]  }
0xba: {  	v12 =	vadd.f32 v8, v12;
	v13 =	vadd.f32 v14, v7;
	v7 =	vld [tilespmem:s22+$0x10]  }
0xbb: {  	v8 =	vld [tilespmem:s22+$0x80]  }
0xbc: {  	v12 =	vadd.f32 v11, v12;
	v11 =	vadd.f32 v10, v13;
	v10 =	vld [tilespmem:s22+$0x50]  }
0xbd: {  	v5 =	vadd.f32 v5, v6  }
0xbe: {  	v6 =	vadd.f32 v9, v12;
	v9 =	vld [tilespmem:s25+$0x90]  }
0xbf: {  	v4 =	vadd.f32 v4, v11;
	v5 =	vadd.f32 v7, v5;
	_ =	sdelay $0x1  }
0xc0: {  	v6 =	vadd.f32 v8, v6;
	v1 =	vmul.f32 v4, v1;
	v4 =	vadd.f32 v10, v5;
	_ =	sdelay $0x1  }
0xc1: {  	v1 =	vadd.f32 v1, v3;
	v2 =	vmul.f32 v6, v2;
	v3 =	vadd.f32 v9, v4;
	_ =	sdelay $0x1  }
0xc2: {  	v1 =	vadd.f32 v2, v1;
	v0 =	vmul.f32 v3, v0;
	_ =	sdelay $0x1  }
0xc3: {  	v0 =	vadd.f32 v0, v1;
	_ =	sdelay $0x1  }
0xc4: {  	s8 =	simm.s32 $0x0;
	s7 =	simm.s32 $0x1C700;
	s10 =	rddreg [dreg:$0xa];
	[tilespmem:s9+$0x1CF00] =	vst v0  }
0xc5: {  	[hbm4b:s10+s8] =	stream.linear.scatter [tilespmem:s7], [sflag:$0x3], $0x800, $0x38;
	[tilespmem:$0x1D700] =	vst v63  }
0xc6: {  	_ =	swait.ge [sflag:s26], $0x800  }
0xc7: {  	[sflag:s26] =	ssyncset.done $0x0  }
0xc8: {  	s22 =	simm.s32 $0x1CF00;
	s13 =	rddreg [dreg:$0xb];
	[sflag:s26] =	ssyncadd.s32 $0xFFFFF800  }
0xc9: {  	[hbm4b:s13+s8] =	stream.linear.scatter [tilespmem:s22], [sflag:$0x3], $0x800, $0x38;
	[tilespmem:$0x1D700] =	vst v63  }
0xca: {  	_ =	swait.ge [sflag:s26], $0x800  }
0xcb: {  	[sflag:s26] =	ssyncset.done $0x0  }
0xcc: {  	s25 =	rddreg [dreg:$0xc];
	[sflag:s26] =	ssyncadd.s32 $0xFFFFF800  }
0xcd: {  	[tilespmem:s8], [sflag:$0x3] =	stream.linear.gather [hbm4b:s25+s8], $0x80, $0x38;
	[tilespmem:$0x1D700] =	vst v63  }
0xce: {  	_ =	swait.ge [sflag:s26], $0x80  }
0xcf: {  	[sflag:s26] =	ssyncset.done $0x0  }
0xd0: {  	s10 =	rddreg [dreg:$0xd];
	[sflag:s26] =	ssyncadd.s32 $0xFFFFFF80  }
0xd1: {  	[tilespmem:s28], [sflag:$0x3] =	stream.linear.gather [hbm4b:s10+s8], $0x80, $0x38;
	[tilespmem:$0x1D700] =	vst v63  }
0xd2: {  	_ =	swait.ge [sflag:s26], $0x80  }
0xd3: {  	[sflag:s26] =	ssyncset.done $0x0  }
0xd4: {  	s13 =	rddreg [dreg:$0xe];
	[sflag:s26] =	ssyncadd.s32 $0xFFFFFF80  }
0xd5: {  	[tilespmem:s29], [sflag:$0x3] =	stream.linear.gather [hbm4b:s13+s8], $0x280, $0x38;
	[tilespmem:$0x1D700] =	vst v63  }
0xd6: {  	_ =	swait.ge [sflag:s26], $0x280  }
0xd7: {  	[sflag:s26] =	ssyncset.done $0x0  }
0xd8: {  	s25 =	simm.s32 $0x700;
	[sflag:s26] =	ssyncadd.s32 $0xFFFFFD80  }
0xd9: {  	[tilespmem:s25], [sflag:$0x1] =	stream.indirect.gather [hbm4b:s23+s30], $0x40, s8, s30, $0xb8;
	[tilespmem:$0x1D700] =	vst v63  }
0xda: {  	s9 =	simm.s32 $0x4700  }
0xdb: {  	[tilespmem:s9], [sflag:$0x1] =	stream.indirect.gather [hbm4b:s24+s30], $0x40, s28, s30, $0xb8;
	[tilespmem:$0x1D700] =	vst v63  }
0xdc: {  	s10 =	simm.s32 $0x8700  }
0xdd: {  	[tilespmem:s10], [sflag:$0x1] =	stream.indirect.gather [hbm4b:s24+s30], $0x40, s29, s30, $0xb8;
	[tilespmem:$0x1D700] =	vst v63  }
0xde: {  	s13 =	simm.s32 $0x280;
	s25 =	simm.s32 $0xA700  }
0xdf: {  	[tilespmem:s25], [sflag:$0x1] =	stream.indirect.gather [hbm4b:s24+s30], $0x40, s13, s30, $0xb8;
	[tilespmem:$0x1D700] =	vst v63  }
0xe0: {  	s9 =	simm.s32 $0x300;
	s10 =	simm.s32 $0xC700  }
0xe1: {  	[tilespmem:s10], [sflag:$0x1] =	stream.indirect.gather [hbm4b:s24+s30], $0x40, s9, s30, $0xb8;
	[tilespmem:$0x1D700] =	vst v63  }
0xe2: {  	s13 =	simm.s32 $0x380;
	s25 =	simm.s32 $0xE700  }
0xe3: {  	[tilespmem:s25], [sflag:$0x1] =	stream.indirect.gather [hbm4b:s24+s30], $0x40, s13, s30, $0xb8;
	[tilespmem:$0x1D700] =	vst v63  }
0xe4: {  	s10 =	simm.s32 $0x400;
	s13 =	simm.s32 $0x10700  }
0xe5: {  	[tilespmem:s13], [sflag:$0x1] =	stream.indirect.gather [hbm4b:s24+s30], $0x40, s10, s30, $0xb8;
	[tilespmem:$0x1D700] =	vst v63  }
0xe6: {  	_ =	swait.ge [sflag:s5], $0x2000  }
0xe7: {  	[sflag:s5] =	ssyncset.done $0x0  }
0xe8: {  	[sflag:s5] =	ssyncadd.s32 $0xFFFFE000  }
0xe9: {  	_ =	swait.ge [sflag:s5], $0x2000  }
0xea: {  	[sflag:s5] =	ssyncset.done $0x0  }
0xeb: {  	[sflag:s5] =	ssyncadd.s32 $0xFFFFE000  }
0xec: {  	_ =	swait.ge [sflag:s5], $0x2000  }
0xed: {  	[sflag:s5] =	ssyncset.done $0x0  }
0xee: {  	[sflag:s5] =	ssyncadd.s32 $0xFFFFE000  }
0xef: {  	_ =	swait.ge [sflag:s5], $0x2000  }
0xf0: {  	[sflag:s5] =	ssyncset.done $0x0  }
0xf1: {  	[sflag:s5] =	ssyncadd.s32 $0xFFFFE000  }
0xf2: {  	_ =	swait.ge [sflag:s5], $0x2000  }
0xf3: {  	[sflag:s5] =	ssyncset.done $0x0  }
0xf4: {  	[sflag:s5] =	ssyncadd.s32 $0xFFFFE000  }
0xf5: {  	_ =	swait.ge [sflag:s5], $0x2000  }
0xf6: {  	[sflag:s5] =	ssyncset.done $0x0  }
0xf7: {  	[sflag:s5] =	ssyncadd.s32 $0xFFFFE000  }
0xf8: {  	_ =	swait.ge [sflag:s5], $0x2000  }
0xf9: {  	[sflag:s5] =	ssyncset.done $0x0  }
0xfa: {  	s8 =	simm.s32 $0x2730;
	[sflag:s5] =	ssyncadd.s32 $0xFFFFE000  }
0xfb: {  	v3 =	vld [tilespmem:s8+$0xFFFFFFD0]  }
0xfc: {  	s25 =	simm.s32 $0x6730;
	v1 =	vld [tilespmem:s8+$0xFFFFFFE0]  }
0xfd: {  	v4 =	vld [tilespmem:s25+$0xFFFFFFD0]  }
0xfe: {  	v5 =	vld [tilespmem:s25+$0xFFFFFFE0]  }
0xff: {  	v6 =	vld [tilespmem:s25+$0xFFFFFFF0]  }
0x100: {  	v2 =	vld [tilespmem:s8+$0xFFFFFFF0]  }
0x101: {  	v7 =	vld [tilespmem:s25+$0x0]  }
0x102: {  	v0 =	vld [tilespmem:s8+$0x0]  }
0x103: {  	v4 =	vmul.f32 v4, v3;
	v5 =	vmul.f32 v5, v1;
	_ =	sdelay $0x1  }
0x104: {  	v6 =	vmul.f32 v6, v2;
	v4 =	vadd.f32 v5, v4;
	_ =	sdelay $0x1  }
0x105: {  	v5 =	vmul.f32 v7, v0;
	v4 =	vadd.f32 v6, v4;
	_ =	sdelay $0x1  }
0x106: {  	v4 =	vadd.f32 v5, v4;
	_ =	sdelay $0x1  }
0x107: {  	s13 =	simm.s32 $0x0;
	[tilespmem:s7+$0x0] =	vst v4  }
0x108: {  	v4 =	vld [tilespmem:s13+$0x12700]  }
0x109: {  	v5 =	vld [tilespmem:s13+$0x12710]  }
0x10a: {  	v6 =	vld [tilespmem:s13+$0x12740]  }
0x10b: {  	v7 =	vld [tilespmem:s13+$0x12780]  }
0x10c: {  	v10 =	vld [tilespmem:s13+$0x127D0]  }
0x10d: {  	v8 =	vld [tilespmem:s13+$0x127C0]  }
0x10e: {  	v11 =	vld [tilespmem:s13+$0x127A0]  }
0x10f: {  	v13 =	vld [tilespmem:s13+$0x12750]  }
0x110: {  	v9 =	vld [tilespmem:s13+$0x12800]  }
0x111: {  	v12 =	vld [tilespmem:s13+$0x12720];
	v4 =	vadd.f32 v6, v4  }
0x112: {  	v14 =	vld [tilespmem:s13+$0x12790]  }
0x113: {  	v6 =	vadd.f32 v7, v4;
	v7 =	vld [tilespmem:s13+$0x12760]  }
0x114: {  	v13 =	vadd.f32 v13, v5;
	v5 =	vld [tilespmem:s13+$0x12810]  }
0x115: {  	v4 =	vld [tilespmem:s13+$0x12770];
	v8 =	vadd.f32 v8, v6  }
0x116: {  	v6 =	vld [tilespmem:s13+$0x12730]  }
0x117: {  	v15 =	vadd.f32 v9, v8;
	v9 =	vld [tilespmem:s13+$0x127E0]  }
0x118: {  	v13 =	vadd.f32 v14, v13;
	v12 =	vadd.f32 v7, v12;
	v7 =	vld [tilespmem:s13+$0x127B0]  }
0x119: {  	v8 =	vld [tilespmem:s13+$0x12820]  }
0x11a: {  	s9 =	simm.s32 $0x1CF00;
	s10 =	simm.s32 $0x500;
	s25 =	simm.s32 $0x6770;
	v3 =	vmul.f32 v15, v3;
	v12 =	vadd.f32 v11, v12;
	v11 =	vadd.f32 v10, v13;
	v10 =	vld [tilespmem:s13+$0x127F0]  }
.LBB2_4:
0x11b: {  	v4 =	vadd.f32 v4, v6;
	s7 =	sadd.s32 $0x10, s7;
	s22 =	sadd.s32 $0x10, s22;
	s8 =	sadd.s32 $0x40, s8  }
0x11c: {  	p0 =	sne.s32 s10, $0x27B00;
	v6 =	vadd.f32 v9, v12;
	v5 =	vadd.f32 v5, v11;
	v9 =	vld [tilespmem:s13+$0x12830];
	s13 =	smov.u32 s10;
	s10 =	sadd.s32 $0x500, s10  }
0x11d: {  	v4 =	vadd.f32 v7, v4  }
0x11e: {  	v6 =	vadd.f32 v8, v6;
	v1 =	vmul.f32 v5, v1  }
0x11f: {  	v4 =	vadd.f32 v10, v4  }
0x120: {  	v1 =	vadd.f32 v1, v3;
	v2 =	vmul.f32 v6, v2  }
0x121: {  	v3 =	vadd.f32 v9, v4  }
0x122: {  	v1 =	vadd.f32 v2, v1  }
0x123: {  	v0 =	vmul.f32 v3, v0;
	_ =	sdelay $0x1  }
0x124: {  	v0 =	vadd.f32 v0, v1;
	_ =	sdelay $0x1  }
0x125: {  	[tilespmem:s9+$0x0] =	vst v0;
	s9 =	smov.u32 s22  }
0x126: {  	v3 =	vld [tilespmem:s8+$0xFFFFFFD0]  }
0x127: {  	v4 =	vld [tilespmem:s25+$0xFFFFFFF0]  }
0x128: {  	v1 =	vld [tilespmem:s8+$0xFFFFFFE0]  }
0x129: {  	v5 =	vld [tilespmem:s25+$0xFFFFFFD0]  }
0x12a: {  	v6 =	vld [tilespmem:s25+$0xFFFFFFE0]  }
0x12b: {  	v2 =	vld [tilespmem:s8+$0xFFFFFFF0]  }
0x12c: {  	v7 =	vld [tilespmem:s25+$0x0]  }
0x12d: {  	v0 =	vld [tilespmem:s8+$0x0];
	_ =	sdelay $0x1  }
0x12e: {  	v5 =	vmul.f32 v5, v3;
	v6 =	vmul.f32 v6, v1  }
0x12f: {  	v4 =	vmul.f32 v4, v2  }
0x130: {  	v5 =	vadd.f32 v6, v5  }
0x131: {  	v6 =	vmul.f32 v7, v0  }
0x132: {  	v4 =	vadd.f32 v4, v5;
	_ =	sdelay $0x1  }
0x133: {  	v4 =	vadd.f32 v6, v4;
	_ =	sdelay $0x1  }
0x134: {  	s13 =	sshra.s32 s13, $0x2;
	[tilespmem:s7+$0x0] =	vst v4  }
0x135: {  	v4 =	vld [tilespmem:s13+$0x12700]  }
0x136: {  	v5 =	vld [tilespmem:s13+$0x12710]  }
0x137: {  	v6 =	vld [tilespmem:s13+$0x12740];
	_ =	sdelay $0x1  }
0x138: {  	v7 =	vld [tilespmem:s13+$0x12780]  }
0x139: {  	v10 =	vld [tilespmem:s13+$0x127D0]  }
0x13a: {  	v8 =	vld [tilespmem:s13+$0x127C0]  }
0x13b: {  	v4 =	vadd.f32 v6, v4;
	v11 =	vld [tilespmem:s13+$0x127A0]  }
0x13c: {  	v6 =	vld [tilespmem:s13+$0x12800]  }
0x13d: {  	v12 =	vld [tilespmem:s13+$0x12720];
	v4 =	vadd.f32 v7, v4  }
0x13e: {  	v7 =	vld [tilespmem:s13+$0x12750]  }
0x13f: {  	v13 =	vld [tilespmem:s13+$0x12790];
	v8 =	vadd.f32 v8, v4  }
0x140: {  	v14 =	vld [tilespmem:s13+$0x12760]  }
0x141: {  	v4 =	vld [tilespmem:s13+$0x12770];
	v8 =	vadd.f32 v6, v8  }
0x142: {  	v6 =	vld [tilespmem:s13+$0x12730]  }
.Ltmp1:
0x143: {  	v7 =	vadd.f32 v7, v5;
	v5 =	vld [tilespmem:s13+$0x12810];
	v3 =	vmul.f32 v8, v3;
	(pc) =	sbr.rel @p0 .LBB2_4-.Ltmp1, $4  }
0x144: {  	v9 =	vld [tilespmem:s13+$0x127E0]  }
0x145: {  	v12 =	vadd.f32 v14, v12;
	v13 =	vadd.f32 v13, v7;
	v7 =	vld [tilespmem:s13+$0x127B0]  }
0x146: {  	v8 =	vld [tilespmem:s13+$0x12820]  }
0x147: {  	s25 =	sadd.s32 $0x40, s25;
	v12 =	vadd.f32 v11, v12;
	v11 =	vadd.f32 v10, v13;
	v10 =	vld [tilespmem:s13+$0x127F0]  }
0x148: {  	v4 =	vadd.f32 v4, v6  }
0x149: {  	v6 =	vadd.f32 v9, v12;
	v9 =	vld [tilespmem:s13+$0x12830]  }
0x14a: {  	v5 =	vadd.f32 v5, v11;
	v4 =	vadd.f32 v7, v4;
	_ =	sdelay $0x1  }
0x14b: {  	v6 =	vadd.f32 v8, v6;
	v1 =	vmul.f32 v5, v1;
	v4 =	vadd.f32 v10, v4;
	_ =	sdelay $0x1  }
0x14c: {  	v1 =	vadd.f32 v1, v3;
	v2 =	vmul.f32 v6, v2;
	v3 =	vadd.f32 v9, v4;
	_ =	sdelay $0x1  }
0x14d: {  	v1 =	vadd.f32 v2, v1;
	v0 =	vmul.f32 v3, v0;
	_ =	sdelay $0x1  }
0x14e: {  	v0 =	vadd.f32 v0, v1;
	_ =	sdelay $0x1  }
0x14f: {  	s7 =	simm.s32 $0x0;
	s8 =	rddreg [dreg:$0x11];
	[tilespmem:s9+$0x0] =	vst v0  }
0x150: {  	[hbm4b:s8+s7] =	stream.linear.scatter [tilespmem:s20], [sflag:$0x3], $0x800, $0x38;
	[tilespmem:$0x1D700] =	vst v63  }
0x151: {  	_ =	swait.ge [sflag:s26], $0x800  }
0x152: {  	[sflag:s26] =	ssyncset.done $0x0  }
0x153: {  	s9 =	rddreg [dreg:$0x12];
	[sflag:s26] =	ssyncadd.s32 $0xFFFFF800  }
0x154: {  	[hbm4b:s9+s7] =	stream.linear.scatter [tilespmem:s6], [sflag:$0x3], $0x800, $0x38;
	[tilespmem:$0x1D700] =	vst v63  }
0x155: {  	_ =	swait.ge [sflag:s26], $0x800  }
0x156: {  	[sflag:s26] =	ssyncset.done $0x0  }
0x157: {  	s10 =	rddreg [dreg:$0xf];
	[sflag:s26] =	ssyncadd.s32 $0xFFFFF800  }
0x158: {  	[tilespmem:s30], [sflag:$0x3] =	stream.linear.gather [hbm4b:s10+s7], $0x80, $0x38;
	[tilespmem:$0x1D700] =	vst v63  }
0x159: {  	_ =	swait.ge [sflag:s26], $0x80  }
0x15a: {  	[sflag:s26] =	ssyncset.done $0x0  }
0x15b: {  	s13 =	rddreg [dreg:$0x10];
	[sflag:s26] =	ssyncadd.s32 $0xFFFFFF80  }
0x15c: {  	[tilespmem:s11], [sflag:$0x3] =	stream.linear.gather [hbm4b:s13+s7], $0x80, $0x38;
	[tilespmem:$0x1D700] =	vst v63  }
0x15d: {  	_ =	swait.ge [sflag:s26], $0x80  }
0x15e: {  	[sflag:s26] =	ssyncset.done $0x0  }
0x15f: {  	s22 =	rddreg [dreg:$0x13];
	[sflag:s26] =	ssyncadd.s32 $0xFFFFFF80  }
0x160: {  	[tilespmem:s12], [sflag:$0x3] =	stream.linear.gather [hbm4b:s22+s7], $0x280, $0x38;
	[tilespmem:$0x1D700] =	vst v63  }
0x161: {  	_ =	swait.ge [sflag:s26], $0x280  }
0x162: {  	[sflag:s26] =	ssyncset.done $0x0  }
0x163: {  	s25 =	simm.s32 $0x2700;
	[sflag:s26] =	ssyncadd.s32 $0xFFFFFD80  }
0x164: {  	[tilespmem:s25], [sflag:$0x2] =	stream.indirect.gather [hbm4b:s23+s30], $0x40, s30, s30, $0xb8;
	[tilespmem:$0x1D700] =	vst v63  }
0x165: {  	_ = 	snop  }
0x166: {  	[tilespmem:s14], [sflag:$0x2] =	stream.indirect.gather [hbm4b:s24+s30], $0x40, s11, s30, $0xb8;
	[tilespmem:$0x1D700] =	vst v63  }
0x167: {  	_ = 	snop  }
0x168: {  	[tilespmem:s15], [sflag:$0x2] =	stream.indirect.gather [hbm4b:s24+s30], $0x40, s12, s30, $0xb8;
	[tilespmem:$0x1D700] =	vst v63  }
0x169: {  	_ = 	snop  }
0x16a: {  	[tilespmem:s17], [sflag:$0x2] =	stream.indirect.gather [hbm4b:s24+s30], $0x40, s16, s30, $0xb8;
	[tilespmem:$0x1D700] =	vst v63  }
0x16b: {  	_ = 	snop  }
0x16c: {  	[tilespmem:s0], [sflag:$0x2] =	stream.indirect.gather [hbm4b:s24+s30], $0x40, s31, s30, $0xb8;
	[tilespmem:$0x1D700] =	vst v63  }
0x16d: {  	_ = 	snop  }
0x16e: {  	[tilespmem:s18], [sflag:$0x2] =	stream.indirect.gather [hbm4b:s24+s30], $0x40, s2, s30, $0xb8;
	[tilespmem:$0x1D700] =	vst v63  }
0x16f: {  	_ = 	snop  }
0x170: {  	[tilespmem:s19], [sflag:$0x2] =	stream.indirect.gather [hbm4b:s24+s30], $0x40, s3, s30, $0xb8;
	[tilespmem:$0x1D700] =	vst v63  }
0x171: {  	_ =	swait.ge [sflag:s4], $0x2000  }
0x172: {  	[sflag:s4] =	ssyncset.done $0x0  }
0x173: {  	[sflag:s4] =	ssyncadd.s32 $0xFFFFE000  }
0x174: {  	_ =	swait.ge [sflag:s4], $0x2000  }
0x175: {  	[sflag:s4] =	ssyncset.done $0x0  }
0x176: {  	[sflag:s4] =	ssyncadd.s32 $0xFFFFE000  }
0x177: {  	_ =	swait.ge [sflag:s4], $0x2000  }
0x178: {  	[sflag:s4] =	ssyncset.done $0x0  }
0x179: {  	[sflag:s4] =	ssyncadd.s32 $0xFFFFE000  }
0x17a: {  	_ =	swait.ge [sflag:s4], $0x2000  }
0x17b: {  	[sflag:s4] =	ssyncset.done $0x0  }
0x17c: {  	[sflag:s4] =	ssyncadd.s32 $0xFFFFE000  }
0x17d: {  	_ =	swait.ge [sflag:s4], $0x2000  }
0x17e: {  	[sflag:s4] =	ssyncset.done $0x0  }
0x17f: {  	[sflag:s4] =	ssyncadd.s32 $0xFFFFE000  }
0x180: {  	_ =	swait.ge [sflag:s4], $0x2000  }
0x181: {  	[sflag:s4] =	ssyncset.done $0x0  }
0x182: {  	[sflag:s4] =	ssyncadd.s32 $0xFFFFE000  }
0x183: {  	_ =	swait.ge [sflag:s4], $0x2000  }
0x184: {  	[sflag:s4] =	ssyncset.done $0x0  }
0x185: {  	s7 =	simm.s32 $0x720;
	[sflag:s4] =	ssyncadd.s32 $0xFFFFE000  }
0x186: {  	v3 =	vld [tilespmem:s7+$0xFFFFFFE0]  }
0x187: {  	s8 =	simm.s32 $0x4720;
	v1 =	vld [tilespmem:s7+$0xFFFFFFF0]  }
0x188: {  	v4 =	vld [tilespmem:s8+$0xFFFFFFE0]  }
0x189: {  	v5 =	vld [tilespmem:s8+$0xFFFFFFF0]  }
0x18a: {  	v6 =	vld [tilespmem:s8+$0x0]  }
0x18b: {  	v2 =	vld [tilespmem:s7+$0x0]  }
0x18c: {  	v7 =	vld [tilespmem:s8+$0x10]  }
0x18d: {  	v0 =	vld [tilespmem:s7+$0x10]  }
0x18e: {  	v4 =	vmul.f32 v4, v3;
	v5 =	vmul.f32 v5, v1;
	_ =	sdelay $0x1  }
0x18f: {  	v6 =	vmul.f32 v6, v2;
	v4 =	vadd.f32 v5, v4;
	_ =	sdelay $0x1  }
0x190: {  	v5 =	vmul.f32 v7, v0;
	v4 =	vadd.f32 v6, v4;
	_ =	sdelay $0x1  }
0x191: {  	v4 =	vadd.f32 v5, v4  }
0x192: {  	s9 =	simm.s32 $0x0  }
0x193: {  	s22 =	simm.s32 $0x87A0;
	[tilespmem:s9+$0x1C700] =	vst v4  }
0x194: {  	v4 =	vld [tilespmem:s22+$0xFFFFFF60]  }
0x195: {  	v7 =	vld [tilespmem:s22+$0xFFFFFF70]  }
0x196: {  	v5 =	vld [tilespmem:s22+$0xFFFFFFA0]  }
0x197: {  	v6 =	vld [tilespmem:s22+$0xFFFFFFE0]  }
0x198: {  	v10 =	vld [tilespmem:s22+$0x30]  }
0x199: {  	v8 =	vld [tilespmem:s22+$0x20]  }
0x19a: {  	v11 =	vld [tilespmem:s22+$0x0]  }
0x19b: {  	v13 =	vld [tilespmem:s22+$0xFFFFFFB0]  }
0x19c: {  	v12 =	vld [tilespmem:s22+$0xFFFFFF80]  }
0x19d: {  	v14 =	vld [tilespmem:s22+$0xFFFFFFF0]  }
0x19e: {  	v15 =	vld [tilespmem:s22+$0xFFFFFFC0];
	v4 =	vadd.f32 v5, v4  }
0x19f: {  	v9 =	vld [tilespmem:s22+$0x60]  }
0x1a0: {  	v5 =	vld [tilespmem:s22+$0xFFFFFFD0];
	v7 =	vadd.f32 v13, v7;
	v4 =	vadd.f32 v6, v4  }
0x1a1: {  	v6 =	vld [tilespmem:s22+$0xFFFFFF90]  }
0x1a2: {  	v14 =	vadd.f32 v14, v7;
	v7 =	vld [tilespmem:s22+$0x10];
	v8 =	vadd.f32 v8, v4  }
0x1a3: {  	v12 =	vadd.f32 v15, v12;
	v4 =	vld [tilespmem:s22+$0x70]  }
0x1a4: {  	v13 =	vadd.f32 v9, v8;
	v9 =	vld [tilespmem:s22+$0x40]  }
0x1a5: {  	v12 =	vadd.f32 v11, v12;
	v11 =	vadd.f32 v10, v14;
	v10 =	vld [tilespmem:s22+$0x50]  }
0x1a6: {  	s10 =	simm.s32 $0x40;
	s25 =	simm.s32 $0x87A0;
	v8 =	vld [tilespmem:s22+$0x80];
	v3 =	vmul.f32 v13, v3  }
.LBB2_6:
0x1a7: {  	s22 =	sadd.s32 $0x140, s22  }
0x1a8: {  	v5 =	vadd.f32 v5, v6;
	s8 =	sadd.s32 $0x40, s8;
	s7 =	sadd.s32 $0x40, s7;
	s13 =	smov.u32 s10  }
0x1a9: {  	p0 =	sne.s32 s10, $0x1FC0;
	s10 =	sadd.s32 $0x40, s10;
	v6 =	vadd.f32 v9, v12;
	v4 =	vadd.f32 v4, v11;
	v9 =	vld [tilespmem:s25+$0x90];
	s25 =	smov.u32 s22  }
0x1aa: {  	v5 =	vadd.f32 v7, v5  }
0x1ab: {  	v6 =	vadd.f32 v8, v6;
	v1 =	vmul.f32 v4, v1  }
0x1ac: {  	v4 =	vadd.f32 v10, v5  }
0x1ad: {  	v1 =	vadd.f32 v1, v3;
	v2 =	vmul.f32 v6, v2  }
0x1ae: {  	v3 =	vadd.f32 v9, v4  }
0x1af: {  	v1 =	vadd.f32 v2, v1  }
0x1b0: {  	v0 =	vmul.f32 v3, v0;
	_ =	sdelay $0x1  }
0x1b1: {  	v0 =	vadd.f32 v0, v1;
	_ =	sdelay $0x1  }
0x1b2: {  	[tilespmem:s9+$0x1CF00] =	vst v0  }
0x1b3: {  	v3 =	vld [tilespmem:s7+$0xFFFFFFE0]  }
0x1b4: {  	v4 =	vld [tilespmem:s8+$0x0]  }
0x1b5: {  	v1 =	vld [tilespmem:s7+$0xFFFFFFF0]  }
0x1b6: {  	v5 =	vld [tilespmem:s8+$0xFFFFFFE0]  }
0x1b7: {  	v6 =	vld [tilespmem:s8+$0xFFFFFFF0]  }
0x1b8: {  	v2 =	vld [tilespmem:s7+$0x0]  }
0x1b9: {  	v7 =	vld [tilespmem:s8+$0x10]  }
0x1ba: {  	v0 =	vld [tilespmem:s7+$0x10];
	_ =	sdelay $0x1  }
0x1bb: {  	v5 =	vmul.f32 v5, v3;
	v6 =	vmul.f32 v6, v1  }
0x1bc: {  	v4 =	vmul.f32 v4, v2  }
0x1bd: {  	v5 =	vadd.f32 v6, v5  }
0x1be: {  	v6 =	vmul.f32 v7, v0  }
0x1bf: {  	v4 =	vadd.f32 v4, v5;
	_ =	sdelay $0x1  }
0x1c0: {  	v4 =	vadd.f32 v6, v4  }
0x1c1: {  	s9 =	sshra.s32 s13, $0x2  }
0x1c2: {  	[tilespmem:s9+$0x1C700] =	vst v4  }
0x1c3: {  	v4 =	vld [tilespmem:s22+$0xFFFFFF60]  }
0x1c4: {  	v7 =	vld [tilespmem:s22+$0xFFFFFF70]  }
0x1c5: {  	v5 =	vld [tilespmem:s22+$0xFFFFFFA0];
	_ =	sdelay $0x1  }
0x1c6: {  	v6 =	vld [tilespmem:s22+$0xFFFFFFE0]  }
0x1c7: {  	v10 =	vld [tilespmem:s22+$0x30]  }
0x1c8: {  	v8 =	vld [tilespmem:s22+$0x20]  }
0x1c9: {  	v4 =	vadd.f32 v5, v4;
	v11 =	vld [tilespmem:s22+$0x0]  }
0x1ca: {  	v9 =	vld [tilespmem:s22+$0x60]  }
0x1cb: {  	v12 =	vld [tilespmem:s22+$0xFFFFFF80];
	v4 =	vadd.f32 v6, v4  }
0x1cc: {  	v13 =	vld [tilespmem:s22+$0xFFFFFFB0]  }
0x1cd: {  	v14 =	vld [tilespmem:s22+$0xFFFFFFF0];
	v4 =	vadd.f32 v8, v4  }
0x1ce: {  	v8 =	vld [tilespmem:s22+$0xFFFFFFC0]  }
0x1cf: {  	v5 =	vld [tilespmem:s22+$0xFFFFFFD0];
	v9 =	vadd.f32 v9, v4  }
0x1d0: {  	v6 =	vld [tilespmem:s22+$0xFFFFFF90]  }
.Ltmp2:
0x1d1: {  	v7 =	vadd.f32 v13, v7;
	v4 =	vld [tilespmem:s22+$0x70];
	v3 =	vmul.f32 v9, v3;
	(pc) =	sbr.rel @p0 .LBB2_6-.Ltmp2, $4  }
0x1d2: {  	v9 =	vld [tilespmem:s22+$0x40]  }
0x1d3: {  	v12 =	vadd.f32 v8, v12;
	v13 =	vadd.f32 v14, v7;
	v7 =	vld [tilespmem:s22+$0x10]  }
0x1d4: {  	v8 =	vld [tilespmem:s22+$0x80]  }
0x1d5: {  	v12 =	vadd.f32 v11, v12;
	v11 =	vadd.f32 v10, v13;
	v10 =	vld [tilespmem:s22+$0x50]  }
0x1d6: {  	v5 =	vadd.f32 v5, v6  }
0x1d7: {  	v6 =	vadd.f32 v9, v12;
	v9 =	vld [tilespmem:s25+$0x90]  }
0x1d8: {  	v4 =	vadd.f32 v4, v11;
	v5 =	vadd.f32 v7, v5;
	_ =	sdelay $0x1  }
0x1d9: {  	v6 =	vadd.f32 v8, v6;
	v1 =	vmul.f32 v4, v1;
	v4 =	vadd.f32 v10, v5;
	_ =	sdelay $0x1  }
0x1da: {  	v1 =	vadd.f32 v1, v3;
	v2 =	vmul.f32 v6, v2;
	v3 =	vadd.f32 v9, v4;
	_ =	sdelay $0x1  }
0x1db: {  	v1 =	vadd.f32 v2, v1;
	v0 =	vmul.f32 v3, v0;
	_ =	sdelay $0x1  }
0x1dc: {  	v0 =	vadd.f32 v0, v1;
	_ =	sdelay $0x1  }
0x1dd: {  	s8 =	simm.s32 $0x0;
	s7 =	simm.s32 $0x1C700;
	s10 =	rddreg [dreg:$0x14];
	[tilespmem:s9+$0x1CF00] =	vst v0  }
0x1de: {  	[hbm4b:s10+s8] =	stream.linear.scatter [tilespmem:s7], [sflag:$0x3], $0x800, $0x38;
	[tilespmem:$0x1D700] =	vst v63  }
0x1df: {  	_ =	swait.ge [sflag:s26], $0x800  }
0x1e0: {  	[sflag:s26] =	ssyncset.done $0x0  }
0x1e1: {  	s22 =	simm.s32 $0x1CF00;
	s13 =	rddreg [dreg:$0x15];
	[sflag:s26] =	ssyncadd.s32 $0xFFFFF800  }
0x1e2: {  	[hbm4b:s13+s8] =	stream.linear.scatter [tilespmem:s22], [sflag:$0x3], $0x800, $0x38;
	[tilespmem:$0x1D700] =	vst v63  }
0x1e3: {  	_ =	swait.ge [sflag:s26], $0x800  }
0x1e4: {  	[sflag:s26] =	ssyncset.done $0x0  }
0x1e5: {  	[sflag:s26] =	ssyncadd.s32 $0xFFFFF800  }
0x1e6: {  	_ =	swait.ge [sflag:s5], $0x2000  }
0x1e7: {  	[sflag:s5] =	ssyncset.done $0x0  }
0x1e8: {  	[sflag:s5] =	ssyncadd.s32 $0xFFFFE000  }
0x1e9: {  	_ =	swait.ge [sflag:s5], $0x2000  }
0x1ea: {  	[sflag:s5] =	ssyncset.done $0x0  }
0x1eb: {  	[sflag:s5] =	ssyncadd.s32 $0xFFFFE000  }
0x1ec: {  	_ =	swait.ge [sflag:s5], $0x2000  }
0x1ed: {  	[sflag:s5] =	ssyncset.done $0x0  }
0x1ee: {  	[sflag:s5] =	ssyncadd.s32 $0xFFFFE000  }
0x1ef: {  	_ =	swait.ge [sflag:s5], $0x2000  }
0x1f0: {  	[sflag:s5] =	ssyncset.done $0x0  }
0x1f1: {  	[sflag:s5] =	ssyncadd.s32 $0xFFFFE000  }
0x1f2: {  	_ =	swait.ge [sflag:s5], $0x2000  }
0x1f3: {  	[sflag:s5] =	ssyncset.done $0x0  }
0x1f4: {  	[sflag:s5] =	ssyncadd.s32 $0xFFFFE000  }
0x1f5: {  	_ =	swait.ge [sflag:s5], $0x2000  }
0x1f6: {  	[sflag:s5] =	ssyncset.done $0x0  }
0x1f7: {  	[sflag:s5] =	ssyncadd.s32 $0xFFFFE000  }
0x1f8: {  	_ =	swait.ge [sflag:s5], $0x2000  }
0x1f9: {  	[sflag:s5] =	ssyncset.done $0x0  }
0x1fa: {  	s8 =	simm.s32 $0x2730;
	[sflag:s5] =	ssyncadd.s32 $0xFFFFE000  }
0x1fb: {  	v3 =	vld [tilespmem:s8+$0xFFFFFFD0]  }
0x1fc: {  	s25 =	simm.s32 $0x6730;
	v1 =	vld [tilespmem:s8+$0xFFFFFFE0]  }
0x1fd: {  	v4 =	vld [tilespmem:s25+$0xFFFFFFD0]  }
0x1fe: {  	v5 =	vld [tilespmem:s25+$0xFFFFFFE0]  }
0x1ff: {  	v6 =	vld [tilespmem:s25+$0xFFFFFFF0]  }
0x200: {  	v2 =	vld [tilespmem:s8+$0xFFFFFFF0]  }
0x201: {  	v7 =	vld [tilespmem:s25+$0x0]  }
0x202: {  	v0 =	vld [tilespmem:s8+$0x0]  }
0x203: {  	v4 =	vmul.f32 v4, v3;
	v5 =	vmul.f32 v5, v1;
	_ =	sdelay $0x1  }
0x204: {  	v6 =	vmul.f32 v6, v2;
	v4 =	vadd.f32 v5, v4;
	_ =	sdelay $0x1  }
0x205: {  	v5 =	vmul.f32 v7, v0;
	v4 =	vadd.f32 v6, v4;
	_ =	sdelay $0x1  }
0x206: {  	v4 =	vadd.f32 v5, v4;
	_ =	sdelay $0x1  }
0x207: {  	s13 =	simm.s32 $0x0;
	[tilespmem:s7+$0x0] =	vst v4  }
0x208: {  	v4 =	vld [tilespmem:s13+$0x12700]  }
0x209: {  	v5 =	vld [tilespmem:s13+$0x12710]  }
0x20a: {  	v6 =	vld [tilespmem:s13+$0x12740]  }
0x20b: {  	v7 =	vld [tilespmem:s13+$0x12780]  }
0x20c: {  	v10 =	vld [tilespmem:s13+$0x127D0]  }
0x20d: {  	v8 =	vld [tilespmem:s13+$0x127C0]  }
0x20e: {  	v11 =	vld [tilespmem:s13+$0x127A0]  }
0x20f: {  	v13 =	vld [tilespmem:s13+$0x12750]  }
0x210: {  	v9 =	vld [tilespmem:s13+$0x12800]  }
0x211: {  	v12 =	vld [tilespmem:s13+$0x12720];
	v4 =	vadd.f32 v6, v4  }
0x212: {  	v14 =	vld [tilespmem:s13+$0x12790]  }
0x213: {  	v6 =	vadd.f32 v7, v4;
	v7 =	vld [tilespmem:s13+$0x12760]  }
0x214: {  	v13 =	vadd.f32 v13, v5;
	v5 =	vld [tilespmem:s13+$0x12810]  }
0x215: {  	v4 =	vld [tilespmem:s13+$0x12770];
	v8 =	vadd.f32 v8, v6  }
0x216: {  	v6 =	vld [tilespmem:s13+$0x12730]  }
0x217: {  	v15 =	vadd.f32 v9, v8;
	v9 =	vld [tilespmem:s13+$0x127E0]  }
0x218: {  	v13 =	vadd.f32 v14, v13;
	v12 =	vadd.f32 v7, v12;
	v7 =	vld [tilespmem:s13+$0x127B0]  }
0x219: {  	v8 =	vld [tilespmem:s13+$0x12820]  }
0x21a: {  	s9 =	simm.s32 $0x1CF00;
	s10 =	simm.s32 $0x500;
	s25 =	simm.s32 $0x6770;
	v3 =	vmul.f32 v15, v3;
	v12 =	vadd.f32 v11, v12;
	v11 =	vadd.f32 v10, v13;
	v10 =	vld [tilespmem:s13+$0x127F0]  }
.LBB2_8:
0x21b: {  	v4 =	vadd.f32 v4, v6;
	s7 =	sadd.s32 $0x10, s7;
	s22 =	sadd.s32 $0x10, s22;
	s8 =	sadd.s32 $0x40, s8  }
0x21c: {  	p0 =	sne.s32 s10, $0x27B00;
	v6 =	vadd.f32 v9, v12;
	v5 =	vadd.f32 v5, v11;
	v9 =	vld [tilespmem:s13+$0x12830];
	s13 =	smov.u32 s10;
	s10 =	sadd.s32 $0x500, s10  }
0x21d: {  	v4 =	vadd.f32 v7, v4  }
0x21e: {  	v6 =	vadd.f32 v8, v6;
	v1 =	vmul.f32 v5, v1  }
0x21f: {  	v4 =	vadd.f32 v10, v4  }
0x220: {  	v1 =	vadd.f32 v1, v3;
	v2 =	vmul.f32 v6, v2  }
0x221: {  	v3 =	vadd.f32 v9, v4  }
0x222: {  	v1 =	vadd.f32 v2, v1  }
0x223: {  	v0 =	vmul.f32 v3, v0;
	_ =	sdelay $0x1  }
0x224: {  	v0 =	vadd.f32 v0, v1;
	_ =	sdelay $0x1  }
0x225: {  	[tilespmem:s9+$0x0] =	vst v0;
	s9 =	smov.u32 s22  }
0x226: {  	v3 =	vld [tilespmem:s8+$0xFFFFFFD0]  }
0x227: {  	v4 =	vld [tilespmem:s25+$0xFFFFFFF0]  }
0x228: {  	v1 =	vld [tilespmem:s8+$0xFFFFFFE0]  }
0x229: {  	v5 =	vld [tilespmem:s25+$0xFFFFFFD0]  }
0x22a: {  	v6 =	vld [tilespmem:s25+$0xFFFFFFE0]  }
0x22b: {  	v2 =	vld [tilespmem:s8+$0xFFFFFFF0]  }
0x22c: {  	v7 =	vld [tilespmem:s25+$0x0]  }
0x22d: {  	v0 =	vld [tilespmem:s8+$0x0];
	_ =	sdelay $0x1  }
0x22e: {  	v5 =	vmul.f32 v5, v3;
	v6 =	vmul.f32 v6, v1  }
0x22f: {  	v4 =	vmul.f32 v4, v2  }
0x230: {  	v5 =	vadd.f32 v6, v5  }
0x231: {  	v6 =	vmul.f32 v7, v0  }
0x232: {  	v4 =	vadd.f32 v4, v5;
	_ =	sdelay $0x1  }
0x233: {  	v4 =	vadd.f32 v6, v4;
	_ =	sdelay $0x1  }
0x234: {  	s13 =	sshra.s32 s13, $0x2;
	[tilespmem:s7+$0x0] =	vst v4  }
0x235: {  	v4 =	vld [tilespmem:s13+$0x12700]  }
0x236: {  	v5 =	vld [tilespmem:s13+$0x12710]  }
0x237: {  	v6 =	vld [tilespmem:s13+$0x12740];
	_ =	sdelay $0x1  }
0x238: {  	v7 =	vld [tilespmem:s13+$0x12780]  }
0x239: {  	v10 =	vld [tilespmem:s13+$0x127D0]  }
0x23a: {  	v8 =	vld [tilespmem:s13+$0x127C0]  }
0x23b: {  	v4 =	vadd.f32 v6, v4;
	v11 =	vld [tilespmem:s13+$0x127A0]  }
0x23c: {  	v6 =	vld [tilespmem:s13+$0x12800]  }
0x23d: {  	v12 =	vld [tilespmem:s13+$0x12720];
	v4 =	vadd.f32 v7, v4  }
0x23e: {  	v7 =	vld [tilespmem:s13+$0x12750]  }
0x23f: {  	v13 =	vld [tilespmem:s13+$0x12790];
	v8 =	vadd.f32 v8, v4  }
0x240: {  	v14 =	vld [tilespmem:s13+$0x12760]  }
0x241: {  	v4 =	vld [tilespmem:s13+$0x12770];
	v8 =	vadd.f32 v6, v8  }
0x242: {  	v6 =	vld [tilespmem:s13+$0x12730]  }
.Ltmp3:
0x243: {  	v7 =	vadd.f32 v7, v5;
	v5 =	vld [tilespmem:s13+$0x12810];
	v3 =	vmul.f32 v8, v3;
	(pc) =	sbr.rel @p0 .LBB2_8-.Ltmp3, $4  }
0x244: {  	v9 =	vld [tilespmem:s13+$0x127E0]  }
0x245: {  	v12 =	vadd.f32 v14, v12;
	v13 =	vadd.f32 v13, v7;
	v7 =	vld [tilespmem:s13+$0x127B0]  }
0x246: {  	v8 =	vld [tilespmem:s13+$0x12820]  }
0x247: {  	s25 =	sadd.s32 $0x40, s25;
	v12 =	vadd.f32 v11, v12;
	v11 =	vadd.f32 v10, v13;
	v10 =	vld [tilespmem:s13+$0x127F0]  }
0x248: {  	v4 =	vadd.f32 v4, v6  }
0x249: {  	v62 =	vld [tilespmem:s13+$0x12830];
	v61 =	vadd.f32 v9, v12  }
0x24a: {  	v5 =	vadd.f32 v5, v11;
	v4 =	vadd.f32 v7, v4;
	_ =	sdelay $0x1  }
0x24b: {  	v6 =	vadd.f32 v8, v61;
	v1 =	vmul.f32 v5, v1;
	v4 =	vadd.f32 v10, v4;
	_ =	sdelay $0x1  }
0x24c: {  	v1 =	vadd.f32 v1, v3;
	v2 =	vmul.f32 v6, v2;
	v63 =	vadd.f32 v62, v4;
	_ =	sdelay $0x1  }
0x24d: {  	v1 =	vadd.f32 v2, v1;
	v0 =	vmul.f32 v63, v0;
	_ =	sdelay $0x1  }
0x24e: {  	v0 =	vadd.f32 v0, v1;
	_ =	sdelay $0x1  }
0x24f: {  	s7 =	rddreg [dreg:$0x16];
	[tilespmem:s9+$0x0] =	vst v0  }
0x250: {  	[hbm4b:s7+s1] =	stream.linear.scatter [tilespmem:s20], [sflag:$0x3], $0x800, $0x38;
	[tilespmem:$0x1D700] =	vst v63  }
0x251: {  	_ =	swait.ge [sflag:s26], $0x800  }
0x252: {  	[sflag:s26] =	ssyncset.done $0x0  }
0x253: {  	s22 =	rddreg [dreg:$0x17];
	[sflag:s26] =	ssyncadd.s32 $0xFFFFF800  }
0x254: {  	[hbm4b:s22+s1] =	stream.linear.scatter [tilespmem:s6], [sflag:$0x3], $0x800, $0x38;
	[tilespmem:$0x1D700] =	vst v63  }
0x255: {  	_ =	swait.ge [sflag:s26], $0x800  }
0x256: {  	s21 =	sadd.s32 $0x1, s21;
	s25 =	rddreg [dreg:$0x18]  }
0x257: {  	p0 =	sne.s32 s21, s25  }
.Ltmp4:
0x258: {  	_ = 	snop;
	(pc) =	sbr.rel @p0 .LBB2_1-.Ltmp4, $3  }
0x259: {  	_ =	sdelay $0x1  }
0x25a: {  	[sflag:s26] =	ssyncset.done $0x0  }
0x25b: {  	[sflag:s26] =	ssyncadd.s32 $0xFFFFF800  }
0x25c: {  	_ =	sfence.sel $0x180000  }
0x25d: {  	[bflag:$0x0] =	sbarrier.arrive $0xFFFF  }
0x25e: {  	_ =	strace $0x90000047  }
0x25f: {  	s0 =	stileid.u32;
	[bflag:$0x2] =	sbarrier.arrive $0xFFFF  }
0x260: {  	p0 =	sne.s32 s0, $0x0;
	s0 =	rddreg [dreg:$0x3]  }
0x261: {  	s0 =	sadd.s32 @!p0 $0x100000, s0  }
0x262: {  	[sflag:s0] =	ssyncadd.tile.s32 @!p0 $0x1;
	_ =	shalt  }
.Lfunc_end2:
_tile_overlayer_lowered:
.L_overlay_start_2:
0x263: {  	(tag) =	ssettag $0x2  }
0x264: {  	s0 =	rddreg [dreg:$0x0];
	s2 =	stileid.u32  }
0x265: {  	s1 =	rddreg [dreg:$0x1];
	p0 =	sne.s32 s2, $0x0  }
0x266: {  	s3 =	rddreg [dreg:$0x2];
	[bflag:$0x3] =	sbarrier.arrive $0xFFFF;
	s2 =	simm.s32 @!p0 $0x1C03  }
0x267: {  	[timem:s3], [sflag:s2] =	dma.local @!p0 [hbm:s0], s1  }
0x268: {  	s0 =	simm.s32 @!p0 $0x3  }
0x269: {  	_ =	swait.ge @!p0 [sflag:s0], s1  }
0x26a: {  	s1 =	ssub.s32 @!p0 $0x0, s1;
	[sflag:s0] =	ssyncset.done @!p0 $0x0  }
0x26b: {  	[sflag:s0] =	ssyncadd.s32 @!p0 s1  }
0x26c: {  	[bflag:$0x3] =	sbarrier.arrive $0xFFFF  }
0x26d: {  	_ =	shalt  }

</sc_bundles>
